<compile_context>
chip_gen: v7x
topology: tpu7x:2x2x1
jax: 0.10.2.dev20260603
libtpu: 0.0.44.dev20260713+nightly
codegen_flags: <defaults>
</compile_context>

<pallas_src>
import functools

import jax
import jax.numpy as jnp
from jax import lax
from jax.experimental import pallas as pl
from jax.experimental.pallas import tpu as pltpu
from jax.experimental.pallas import tpu_sc as plsc

F32 = jnp.float32
BF16 = jnp.bfloat16

N_ADDR = 6000
N_TX = 4000
N = N_ADDR + N_TX
E = 320000
H = 128
R = 4
C = 2

NSUB = 16
NCORE = 2
GRP = 128
NGRP = 160
KGRP = 8
NBLK = NGRP // KGRP
E_PAD = NSUB * NGRP * GRP
CGRP = E_PAD // (NSUB * NCORE * GRP)

RN = R * N
T = 40960
TRASH = RN
ROWS_PER_SUB = T // NSUB
OUT_PER_SUB = 2504
RN_PAD = NSUB * OUT_PER_SUB
CHUNK = 64
NCHUNK = H // CHUNK
ZR = 160

BLK = 1000
GRID = N // BLK
ABLK = N_ADDR // BLK


def _proj_body(x_ref, wa_ref, wt_ref, ba_ref, bt_ref, wroot_ref, bconv_ref,
               o0, o1, oroot):
    i = pl.program_id(0)
    use_a = i < ABLK
    w = jnp.where(use_a, wa_ref[...], wt_ref[...])
    b = jnp.where(use_a, ba_ref[...], bt_ref[...])
    h = jnp.dot(x_ref[...], w, preferred_element_type=F32) + b
    hb = h.astype(BF16)
    for c, o in enumerate((o0, o1)):
        o[...] = hb[:, c * CHUNK:(c + 1) * CHUNK]
    oroot[...] = jnp.dot(h, wroot_ref[...], preferred_element_type=F32) \
        + bconv_ref[...]


def _proj(x, wa, wt, ba, bt, wroot0, bconv0):
    return pl.pallas_call(
        _proj_body,
        grid=(GRID,),
        in_specs=[
            pl.BlockSpec((BLK, H), lambda i: (i, 0)),
            pl.BlockSpec((H, H), lambda i: (0, 0)),
            pl.BlockSpec((H, H), lambda i: (0, 0)),
            pl.BlockSpec((1, H), lambda i: (0, 0)),
            pl.BlockSpec((1, H), lambda i: (0, 0)),
            pl.BlockSpec((H, H), lambda i: (0, 0)),
            pl.BlockSpec((1, H), lambda i: (0, 0)),
        ],
        out_specs=[pl.BlockSpec((BLK, CHUNK), lambda i: (i, 0))] * NCHUNK
        + [pl.BlockSpec((BLK, H), lambda i: (i, 0))],
        out_shape=[jax.ShapeDtypeStruct((N, CHUNK), BF16)] * NCHUNK
        + [jax.ShapeDtypeStruct((N, H), F32)],
    )(x, wa, wt, ba, bt, wroot0, bconv0)


def _cnt_body(didx, ones_h, zeros_h, out, cnt_sp, dbuf, ones_v, zbuf):
    c = lax.axis_index("c")
    s = lax.axis_index("s")
    pltpu.sync_copy(ones_h, ones_v)
    pltpu.sync_copy(zeros_h, zbuf)
    pltpu.sync_copy(zbuf, cnt_sp.at[pl.ds(s * ROWS_PER_SUB, ROWS_PER_SUB)])
    plsc.subcore_barrier()
    w = c * NSUB + s

    def body(g, carry):
        off = (w * CGRP + g) * GRP
        pltpu.sync_copy(didx.at[pl.ds(off, GRP)], dbuf)
        pltpu.sync_copy(ones_v, cnt_sp.at[dbuf], add=True)
        return carry

    lax.fori_loop(0, CGRP, body, 0)
    plsc.subcore_barrier()
    pltpu.sync_copy(
        cnt_sp.at[pl.ds(s * OUT_PER_SUB, OUT_PER_SUB)],
        out.at[pl.ds(c * RN_PAD + s * OUT_PER_SUB, OUT_PER_SUB)])


def _counts(didx, ones8, zeros8):
    k = pl.kernel(
        _cnt_body,
        out_type=jax.ShapeDtypeStruct((NCORE * RN_PAD, 8), F32),
        mesh=plsc.VectorSubcoreMesh(core_axis_name="c", subcore_axis_name="s"),
        compiler_params=pltpu.CompilerParams(use_tc_tiling_on_sc=False),
        scratch_types=[
            pltpu.VMEM_SHARED((T, 8), F32),
            pltpu.VMEM((GRP,), jnp.int32),
            pltpu.VMEM((GRP, 8), F32),
            pltpu.VMEM((ROWS_PER_SUB, 8), F32),
        ],
    )
    return k(didx, ones8, zeros8)


def _agg_body(h0, h1, icat, zeros_h, a0, a1,
              agg_sp, ibuf, rows, zbuf, gsem, ssem):
    c = lax.axis_index("c")
    s = lax.axis_index("s")
    pltpu.sync_copy(zeros_h, zbuf)

    def do_pass(table, out):
        for z in range(ROWS_PER_SUB // ZR):
            pltpu.sync_copy(
                zbuf, agg_sp.at[pl.ds(s * ROWS_PER_SUB + z * ZR, ZR)])
        plsc.subcore_barrier()

        def body(g, carry):
            row0 = (s * NBLK + g) * 2 * KGRP
            pltpu.sync_copy(icat.at[pl.ds(row0, 2 * KGRP)], ibuf)
            gd = [pltpu.async_copy(table.at[ibuf.at[j]],
                                   rows.at[pl.ds(j * GRP, GRP)], gsem)
                  for j in range(KGRP)]
            sd = []
            for j in range(KGRP):
                gd[j].wait()
                sd.append(pltpu.async_copy(rows.at[pl.ds(j * GRP, GRP)],
                                           agg_sp.at[ibuf.at[KGRP + j]],
                                           ssem, add=True))
            for d in sd:
                d.wait()
            return carry

        lax.fori_loop(0, NGRP // KGRP, body, 0)
        plsc.subcore_barrier()
        pltpu.sync_copy(
            agg_sp.at[pl.ds(s * OUT_PER_SUB, OUT_PER_SUB)],
            out.at[pl.ds(s * OUT_PER_SUB, OUT_PER_SUB)])

    @pl.when(c == 0)
    def _():
        do_pass(h0, a0)

    @pl.when(c == 1)
    def _():
        do_pass(h1, a1)


def _aggregate(hc, icat, zeros64):
    k = pl.kernel(
        _agg_body,
        out_type=[jax.ShapeDtypeStruct((RN_PAD, CHUNK), BF16)] * NCHUNK,
        mesh=plsc.VectorSubcoreMesh(core_axis_name="c", subcore_axis_name="s"),
        compiler_params=pltpu.CompilerParams(use_tc_tiling_on_sc=False),
        scratch_types=[
            pltpu.VMEM_SHARED((T, CHUNK), BF16),
            pltpu.VMEM((2 * KGRP, GRP), jnp.int32),
            pltpu.VMEM((KGRP * GRP, CHUNK), BF16),
            pltpu.VMEM((ZR, CHUNK), BF16),
            pltpu.SemaphoreType.DMA,
            pltpu.SemaphoreType.DMA,
        ],
    )
    return k(hc[0], hc[1], icat, zeros64)


def _combine_body(is_last, *refs):
    if is_last:
        (root, a00, a01, a02, a03, a10, a11, a12, a13, cnt, wrel,
         maskf, wcls, bcls, o0, o1, olog) = refs
    else:
        (root, a00, a01, a02, a03, a10, a11, a12, a13, cnt, wrel,
         wroot_n, bconv_n, o0, o1, oroot) = refs
    av = ((a00, a01, a02, a03), (a10, a11, a12, a13))
    acc = root[...]
    wr = wrel[...]
    cn = cnt[...]
    for r in range(R):
        ar = jnp.concatenate([av[c][r][...] for c in range(NCHUNK)],
                             axis=1).astype(F32)
        m = jnp.dot(ar, wr[r], preferred_element_type=F32)
        ctot = cn[0, r, :, 0:1] + cn[1, r, :, 0:1]
        acc = acc + m * (1.0 / jnp.maximum(ctot, 1.0))
    hn = jnp.maximum(acc, 0.0)
    hb = hn.astype(BF16)
    for c, o in enumerate((o0, o1)):
        o[...] = hb[:, c * CHUNK:(c + 1) * CHUNK]
    if is_last:
        hm = hn * maskf[:, 0:1]
        olog[...] = jnp.dot(hm, wcls[...], preferred_element_type=F32) + bcls[...]
    else:
        oroot[...] = jnp.dot(hn, wroot_n[...], preferred_element_type=F32) \
            + bconv_n[...]


def _combine(root, aggs_raw, cnt, wrel, is_last,
             maskf=None, wcls=None, bcls=None, wroot_n=None, bconv_n=None):
    agg_specs = [pl.BlockSpec((BLK, CHUNK), lambda i, rr=r: (10 * rr + i, 0))
                 for c in range(NCHUNK) for r in range(R)]
    agg_args = [aggs_raw[c] for c in range(NCHUNK) for r in range(R)]
    in_specs = (
        [pl.BlockSpec((BLK, H), lambda i: (i, 0))]
        + agg_specs
        + [pl.BlockSpec((NCORE, R, BLK, 8), lambda i: (0, 0, i, 0)),
           pl.BlockSpec((R, H, H), lambda i: (0, 0, 0))])
    out_specs = [pl.BlockSpec((BLK, CHUNK), lambda i: (i, 0))] * NCHUNK
    out_shape = [jax.ShapeDtypeStruct((N, CHUNK), BF16)] * NCHUNK
    args = [root] + agg_args + [cnt, wrel]
    if is_last:
        in_specs += [pl.BlockSpec((BLK, 8), lambda i: (i, 0)),
                     pl.BlockSpec((H, H), lambda i: (0, 0)),
                     pl.BlockSpec((1, H), lambda i: (0, 0))]
        out_specs.append(pl.BlockSpec((BLK, H), lambda i: (i, 0)))
        out_shape.append(jax.ShapeDtypeStruct((N, H), F32))
        args += [maskf, wcls, bcls]
    else:
        in_specs += [pl.BlockSpec((H, H), lambda i: (0, 0)),
                     pl.BlockSpec((1, H), lambda i: (0, 0))]
        out_specs.append(pl.BlockSpec((BLK, H), lambda i: (i, 0)))
        out_shape.append(jax.ShapeDtypeStruct((N, H), F32))
        args += [wroot_n, bconv_n]
    return pl.pallas_call(
        functools.partial(_combine_body, is_last),
        grid=(GRID,),
        in_specs=in_specs,
        out_specs=out_specs,
        out_shape=out_shape,
    )(*args)


def kernel(x_address, x_transaction, edge_index, edge_type, train_mask,
           W_in_a, b_in_a, W_in_t, b_in_t, W_rel, W_root, b_conv,
           W_cls, b_cls):
    x = jnp.concatenate([x_address, x_transaction], axis=0)
    src = edge_index[0]
    dst = edge_index[1]
    pad = E_PAD - E
    sidx = jnp.concatenate([src, jnp.zeros((pad,), jnp.int32)])
    didx = jnp.concatenate([edge_type * N + dst,
                            jnp.full((pad,), TRASH, jnp.int32)])

    zeros64 = jnp.zeros((ZR, CHUNK), BF16)
    zeros8 = jnp.zeros((ROWS_PER_SUB, 8), F32)
    ones8 = jnp.ones((GRP, 8), F32)
    maskf = jnp.concatenate(
        [train_mask[:N_ADDR].astype(F32), jnp.zeros((N - N_ADDR,), F32)]
    )[:, None] * jnp.ones((1, 8), F32)
    wcls_pad = jnp.pad(W_cls, ((0, 0), (0, H - C)))
    bcls_pad = jnp.pad(b_cls, (0, H - C))[None, :]

    s4 = sidx.reshape(NSUB, NBLK, KGRP, GRP)
    d4 = didx.reshape(NSUB, NBLK, KGRP, GRP)
    icat = jnp.concatenate([s4, d4], axis=2).reshape(-1, GRP)

    *hc, root = _proj(x, W_in_a, W_in_t, b_in_a[None, :], b_in_t[None, :],
                      W_root[0], b_conv[0][None, :])
    cnt_raw = _counts(didx, ones8, zeros8)
    cnt = jnp.stack([cnt_raw[c * RN_PAD:c * RN_PAD + RN]
                     for c in range(NCORE)]).reshape(NCORE, R, N, 8)

    logits = None
    L = W_root.shape[0]
    for l in range(L):
        is_last = l == L - 1
        aggs_raw = _aggregate(hc, icat, zeros64)
        res = _combine(root, aggs_raw, cnt, W_rel[l], is_last,
                       maskf=maskf if is_last else None,
                       wcls=wcls_pad if is_last else None,
                       bcls=bcls_pad if is_last else None,
                       wroot_n=None if is_last else W_root[l + 1],
                       bconv_n=None if is_last else b_conv[l + 1][None, :])
        if is_last:
            hc, logits = res[:NCHUNK], res[NCHUNK]
        else:
            hc, root = res[:NCHUNK], res[NCHUNK]
    return logits[:N_ADDR, :C]

# --- scband reference (transcript-rebuilt; emitter-appended) ---
"""Pipeline reference for scband-hetero-rgcnclassifier-33569464385686 (READ-ONLY COPY).

The authoritative reference and input builder live on the scoring server;
editing this copy changes nothing except your own understanding.
"""

import jax, jax.numpy as jnp
import numpy as np

N_ADDR = 6000
N_TX = 4000
N = N_ADDR + N_TX
E = 320000
D = 128
H = 128
R = 4
L = 2
C = 2


def setup_inputs(seed: int = 0) -> dict:
    key = jax.random.key(seed)
    ks = jax.random.split(key, 16)
    s_in = 1.0 / np.sqrt(D)
    s_h = 1.0 / np.sqrt(H)
    return {
        "x_address": jax.random.normal(ks[0], (N_ADDR, D), jnp.float32),
        "x_transaction": jax.random.normal(ks[1], (N_TX, D), jnp.float32),
        "edge_index": jax.random.randint(ks[2], (2, E), 0, N, jnp.int32),
        "edge_type": jax.random.randint(ks[3], (E,), 0, R, jnp.int32),
        "train_mask": jnp.ones((N,), dtype=bool),
        "W_in_a": jax.random.normal(ks[4], (D, H), jnp.float32) * s_in,
        "b_in_a": jnp.zeros((H,), jnp.float32),
        "W_in_t": jax.random.normal(ks[5], (D, H), jnp.float32) * s_in,
        "b_in_t": jnp.zeros((H,), jnp.float32),
        "W_rel": jax.random.normal(ks[6], (L, R, H, H), jnp.float32) * s_h,
        "W_root": jax.random.normal(ks[7], (L, H, H), jnp.float32) * s_h,
        "b_conv": jnp.zeros((L, H), jnp.float32),
        "W_cls": jax.random.normal(ks[8], (H, C), jnp.float32) * s_h,
        "b_cls": jnp.zeros((C,), jnp.float32),
    }


def reference(x_address, x_transaction, edge_index, edge_type, train_mask,
              W_in_a, b_in_a, W_in_t, b_in_t, W_rel, W_root, b_conv, W_cls, b_cls):
    node_type = jnp.concatenate([jnp.zeros((N_ADDR,), jnp.int32), jnp.ones((N_TX,), jnp.int32)])
    # per-node-type input projection (in_proj ModuleDict)
    h = jnp.concatenate([x_address @ W_in_a + b_in_a,
                         x_transaction @ W_in_t + b_in_t], axis=0)
    src = edge_index[0]
    dst = edge_index[1]
    # RGCN layers: root transform + per-relation mean-aggregated messages
    for l in range(L):
        out = h @ W_root[l] + b_conv[l]
        for r in range(R):
            m = (edge_type == r)
            h_r = h @ W_rel[l, r]
            msg = jnp.where(m[:, None], jnp.take(h_r, src, axis=0), 0.0)
            s = jax.ops.segment_sum(msg, dst, num_segments=N)
            c = jax.ops.segment_sum(m.astype(jnp.float32), dst, num_segments=N)
            out = out + s / jnp.clip(c, 1.0)[:, None]
        h = jax.nn.relu(out)
        # dropout is identity in eval mode
    mask_train = jnp.logical_and(train_mask, node_type == 0)
    x_address_train = jnp.where(mask_train[:N_ADDR, None], h[:N_ADDR], 0.0)
    return x_address_train @ W_cls + b_cls

if __name__ == "__main__":
    import jax
    _d = setup_inputs()
    print(jax.jit(kernel)(*tuple(_d.values())))

</pallas_src>

<mosaic_0001>
#map = affine_map<(d0, d1) -> (0, 0)>
module attributes {stable_mosaic.version = 14 : i64} {
  func.func @_agg_body(%arg0: i32, %arg1: i32, %arg2: memref<10000x64xbf16, #tpu.memory_space<hbm>>, %arg3: memref<10000x64xbf16, #tpu.memory_space<hbm>>, %arg4: memref<5120x128xi32, #tpu.memory_space<hbm>>, %arg5: memref<160x64xbf16, #tpu.memory_space<hbm>>, %arg6: memref<40064x64xbf16, #tpu.memory_space<hbm>>, %arg7: memref<40064x64xbf16, #tpu.memory_space<hbm>>, %arg8: memref<40960x64xbf16, #tpu.memory_space<vmem_shared>>, %arg9: memref<16x128xi32, #tpu.memory_space<vmem>>, %arg10: memref<1024x64xbf16, #tpu.memory_space<vmem>>, %arg11: memref<160x64xbf16, #tpu.memory_space<vmem>>, %arg12: memref<!tpu.dma_semaphore, #tpu.memory_space<semaphore_mem>>, %arg13: memref<!tpu.dma_semaphore, #tpu.memory_space<semaphore_mem>>) attributes {dimension_semantics = [#tpu.dimension_semantics<core_parallel>, #tpu.dimension_semantics<subcore_parallel>], iteration_bounds = array<i64: 2, 16>, scalar_prefetch = 0 : i64, scratch_operands = 6 : i64, tpu.core_type = #tpu.core_type<sc_vector_subcore>, window_params = [{transform_indices = #map}, {transform_indices = #map}, {transform_indices = #map}, {transform_indices = #map}, {transform_indices = #map}, {transform_indices = #map}]} {
    "tpu.region"() ({
      %run_scoped3A = tpu.sem_alloc : memref<!tpu.dma_semaphore, #tpu.memory_space<semaphore_mem>>
      tpu.enqueue_dma source(%arg5 : memref<160x64xbf16, #tpu.memory_space<hbm>>) target(%arg11 : memref<160x64xbf16, #tpu.memory_space<vmem>>) target_semaphore(%run_scoped3A : memref<!tpu.dma_semaphore, #tpu.memory_space<semaphore_mem>>)
      tpu.wait_dma2 semaphore(%run_scoped3A : memref<!tpu.dma_semaphore, #tpu.memory_space<semaphore_mem>>) src(%arg5 : memref<160x64xbf16, #tpu.memory_space<hbm>>) dst(%arg11 : memref<160x64xbf16, #tpu.memory_space<vmem>>)
      tpu.yield
    }) : () -> ()
    %eq3A = arith.constant 0 : i32
    %eq3A_0 = arith.cmpi eq, %arg0, %eq3A : i32
    %convert_element_type3A = arith.extui %eq3A_0 : i1 to i32
    %cond3A = arith.constant 0 : i32
    %cond3A_1 = arith.cmpi ne, %convert_element_type3A, %cond3A : i32
    scf.if %cond3A_1 {
      %mul3A = arith.constant 2560 : i32
      %mul3A_7 = arith.muli %arg1, %mul3A : i32
      %add3A = arith.constant 0 : i32
      %add3A_8 = arith.addi %mul3A_7, %add3A : i32
      "tpu.region"() ({
        %run_scoped3A = tpu.sem_alloc : memref<!tpu.dma_semaphore, #tpu.memory_space<semaphore_mem>>
        %dma_start3A = arith.constant 0 : i32
        %dma_start3A_79 = tpu.memref_slice %arg8[%add3A_8, %dma_start3A] : memref<40960x64xbf16, #tpu.memory_space<vmem_shared>> -> memref<160x64xbf16, #tpu.memory_space<vmem_shared>>
        %dma_start3A_80 = arith.constant 0 : i32
        %dma_start3A_81 = tpu.memref_slice %arg8[%add3A_8, %dma_start3A_80] : memref<40960x64xbf16, #tpu.memory_space<vmem_shared>> -> memref<160x64xbf16, #tpu.memory_space<vmem_shared>>
        tpu.enqueue_dma source(%arg11 : memref<160x64xbf16, #tpu.memory_space<vmem>>) target(%dma_start3A_81 : memref<160x64xbf16, #tpu.memory_space<vmem_shared>>) target_semaphore(%run_scoped3A : memref<!tpu.dma_semaphore, #tpu.memory_space<semaphore_mem>>)
        %dma_wait3A = arith.constant 0 : i32
        %dma_wait3A_82 = tpu.memref_slice %arg8[%add3A_8, %dma_wait3A] : memref<40960x64xbf16, #tpu.memory_space<vmem_shared>> -> memref<160x64xbf16, #tpu.memory_space<vmem_shared>>
        %dma_wait3A_83 = arith.constant 0 : i32
        %dma_wait3A_84 = tpu.memref_slice %arg8[%add3A_8, %dma_wait3A_83] : memref<40960x64xbf16, #tpu.memory_space<vmem_shared>> -> memref<160x64xbf16, #tpu.memory_space<vmem_shared>>
        tpu.wait_dma2 semaphore(%run_scoped3A : memref<!tpu.dma_semaphore, #tpu.memory_space<semaphore_mem>>) src(%arg11 : memref<160x64xbf16, #tpu.memory_space<vmem>>) dst(%dma_wait3A_84 : memref<160x64xbf16, #tpu.memory_space<vmem_shared>>)
        tpu.yield
      }) : () -> ()
      %mul3A_9 = arith.constant 2560 : i32
      %mul3A_10 = arith.muli %arg1, %mul3A_9 : i32
      %add3A_11 = arith.constant 160 : i32
      %add3A_12 = arith.addi %mul3A_10, %add3A_11 : i32
      "tpu.region"() ({
        %run_scoped3A = tpu.sem_alloc : memref<!tpu.dma_semaphore, #tpu.memory_space<semaphore_mem>>
        %dma_start3A = arith.constant 0 : i32
        %dma_start3A_79 = tpu.memref_slice %arg8[%add3A_12, %dma_start3A] : memref<40960x64xbf16, #tpu.memory_space<vmem_shared>> -> memref<160x64xbf16, #tpu.memory_space<vmem_shared>>
        %dma_start3A_80 = arith.constant 0 : i32
        %dma_start3A_81 = tpu.memref_slice %arg8[%add3A_12, %dma_start3A_80] : memref<40960x64xbf16, #tpu.memory_space<vmem_shared>> -> memref<160x64xbf16, #tpu.memory_space<vmem_shared>>
        tpu.enqueue_dma source(%arg11 : memref<160x64xbf16, #tpu.memory_space<vmem>>) target(%dma_start3A_81 : memref<160x64xbf16, #tpu.memory_space<vmem_shared>>) target_semaphore(%run_scoped3A : memref<!tpu.dma_semaphore, #tpu.memory_space<semaphore_mem>>)
        %dma_wait3A = arith.constant 0 : i32
        %dma_wait3A_82 = tpu.memref_slice %arg8[%add3A_12, %dma_wait3A] : memref<40960x64xbf16, #tpu.memory_space<vmem_shared>> -> memref<160x64xbf16, #tpu.memory_space<vmem_shared>>
        %dma_wait3A_83 = arith.constant 0 : i32
        %dma_wait3A_84 = tpu.memref_slice %arg8[%add3A_12, %dma_wait3A_83] : memref<40960x64xbf16, #tpu.memory_space<vmem_shared>> -> memref<160x64xbf16, #tpu.memory_space<vmem_shared>>
        tpu.wait_dma2 semaphore(%run_scoped3A : memref<!tpu.dma_semaphore, #tpu.memory_space<semaphore_mem>>) src(%arg11 : memref<160x64xbf16, #tpu.memory_space<vmem>>) dst(%dma_wait3A_84 : memref<160x64xbf16, #tpu.memory_space<vmem_shared>>)
        tpu.yield
      }) : () -> ()
      %mul3A_13 = arith.constant 2560 : i32
      %mul3A_14 = arith.muli %arg1, %mul3A_13 : i32
      %add3A_15 = arith.constant 320 : i32
      %add3A_16 = arith.addi %mul3A_14, %add3A_15 : i32
      "tpu.region"() ({
        %run_scoped3A = tpu.sem_alloc : memref<!tpu.dma_semaphore, #tpu.memory_space<semaphore_mem>>
        %dma_start3A = arith.constant 0 : i32
        %dma_start3A_79 = tpu.memref_slice %arg8[%add3A_16, %dma_start3A] : memref<40960x64xbf16, #tpu.memory_space<vmem_shared>> -> memref<160x64xbf16, #tpu.memory_space<vmem_shared>>
        %dma_start3A_80 = arith.constant 0 : i32
        %dma_start3A_81 = tpu.memref_slice %arg8[%add3A_16, %dma_start3A_80] : memref<40960x64xbf16, #tpu.memory_space<vmem_shared>> -> memref<160x64xbf16, #tpu.memory_space<vmem_shared>>
        tpu.enqueue_dma source(%arg11 : memref<160x64xbf16, #tpu.memory_space<vmem>>) target(%dma_start3A_81 : memref<160x64xbf16, #tpu.memory_space<vmem_shared>>) target_semaphore(%run_scoped3A : memref<!tpu.dma_semaphore, #tpu.memory_space<semaphore_mem>>)
        %dma_wait3A = arith.constant 0 : i32
        %dma_wait3A_82 = tpu.memref_slice %arg8[%add3A_16, %dma_wait3A] : memref<40960x64xbf16, #tpu.memory_space<vmem_shared>> -> memref<160x64xbf16, #tpu.memory_space<vmem_shared>>
        %dma_wait3A_83 = arith.constant 0 : i32
        %dma_wait3A_84 = tpu.memref_slice %arg8[%add3A_16, %dma_wait3A_83] : memref<40960x64xbf16, #tpu.memory_space<vmem_shared>> -> memref<160x64xbf16, #tpu.memory_space<vmem_shared>>
        tpu.wait_dma2 semaphore(%run_scoped3A : memref<!tpu.dma_semaphore, #tpu.memory_space<semaphore_mem>>) src(%arg11 : memref<160x64xbf16, #tpu.memory_space<vmem>>) dst(%dma_wait3A_84 : memref<160x64xbf16, #tpu.memory_space<vmem_shared>>)
        tpu.yield
      }) : () -> ()
      %mul3A_17 = arith.constant 2560 : i32
      %mul3A_18 = arith.muli %arg1, %mul3A_17 : i32
      %add3A_19 = arith.constant 480 : i32
      %add3A_20 = arith.addi %mul3A_18, %add3A_19 : i32
      "tpu.region"() ({
        %run_scoped3A = tpu.sem_alloc : memref<!tpu.dma_semaphore, #tpu.memory_space<semaphore_mem>>
        %dma_start3A = arith.constant 0 : i32
        %dma_start3A_79 = tpu.memref_slice %arg8[%add3A_20, %dma_start3A] : memref<40960x64xbf16, #tpu.memory_space<vmem_shared>> -> memref<160x64xbf16, #tpu.memory_space<vmem_shared>>
        %dma_start3A_80 = arith.constant 0 : i32
        %dma_start3A_81 = tpu.memref_slice %arg8[%add3A_20, %dma_start3A_80] : memref<40960x64xbf16, #tpu.memory_space<vmem_shared>> -> memref<160x64xbf16, #tpu.memory_space<vmem_shared>>
        tpu.enqueue_dma source(%arg11 : memref<160x64xbf16, #tpu.memory_space<vmem>>) target(%dma_start3A_81 : memref<160x64xbf16, #tpu.memory_space<vmem_shared>>) target_semaphore(%run_scoped3A : memref<!tpu.dma_semaphore, #tpu.memory_space<semaphore_mem>>)
        %dma_wait3A = arith.constant 0 : i32
        %dma_wait3A_82 = tpu.memref_slice %arg8[%add3A_20, %dma_wait3A] : memref<40960x64xbf16, #tpu.memory_space<vmem_shared>> -> memref<160x64xbf16, #tpu.memory_space<vmem_shared>>
        %dma_wait3A_83 = arith.constant 0 : i32
        %dma_wait3A_84 = tpu.memref_slice %arg8[%add3A_20, %dma_wait3A_83] : memref<40960x64xbf16, #tpu.memory_space<vmem_shared>> -> memref<160x64xbf16, #tpu.memory_space<vmem_shared>>
        tpu.wait_dma2 semaphore(%run_scoped3A : memref<!tpu.dma_semaphore, #tpu.memory_space<semaphore_mem>>) src(%arg11 : memref<160x64xbf16, #tpu.memory_space<vmem>>) dst(%dma_wait3A_84 : memref<160x64xbf16, #tpu.memory_space<vmem_shared>>)
        tpu.yield
      }) : () -> ()
      %mul3A_21 = arith.constant 2560 : i32
      %mul3A_22 = arith.muli %arg1, %mul3A_21 : i32
      %add3A_23 = arith.constant 640 : i32
      %add3A_24 = arith.addi %mul3A_22, %add3A_23 : i32
      "tpu.region"() ({
        %run_scoped3A = tpu.sem_alloc : memref<!tpu.dma_semaphore, #tpu.memory_space<semaphore_mem>>
        %dma_start3A = arith.constant 0 : i32
        %dma_start3A_79 = tpu.memref_slice %arg8[%add3A_24, %dma_start3A] : memref<40960x64xbf16, #tpu.memory_space<vmem_shared>> -> memref<160x64xbf16, #tpu.memory_space<vmem_shared>>
        %dma_start3A_80 = arith.constant 0 : i32
        %dma_start3A_81 = tpu.memref_slice %arg8[%add3A_24, %dma_start3A_80] : memref<40960x64xbf16, #tpu.memory_space<vmem_shared>> -> memref<160x64xbf16, #tpu.memory_space<vmem_shared>>
        tpu.enqueue_dma source(%arg11 : memref<160x64xbf16, #tpu.memory_space<vmem>>) target(%dma_start3A_81 : memref<160x64xbf16, #tpu.memory_space<vmem_shared>>) target_semaphore(%run_scoped3A : memref<!tpu.dma_semaphore, #tpu.memory_space<semaphore_mem>>)
        %dma_wait3A = arith.constant 0 : i32
        %dma_wait3A_82 = tpu.memref_slice %arg8[%add3A_24, %dma_wait3A] : memref<40960x64xbf16, #tpu.memory_space<vmem_shared>> -> memref<160x64xbf16, #tpu.memory_space<vmem_shared>>
        %dma_wait3A_83 = arith.constant 0 : i32
        %dma_wait3A_84 = tpu.memref_slice %arg8[%add3A_24, %dma_wait3A_83] : memref<40960x64xbf16, #tpu.memory_space<vmem_shared>> -> memref<160x64xbf16, #tpu.memory_space<vmem_shared>>
        tpu.wait_dma2 semaphore(%run_scoped3A : memref<!tpu.dma_semaphore, #tpu.memory_space<semaphore_mem>>) src(%arg11 : memref<160x64xbf16, #tpu.memory_space<vmem>>) dst(%dma_wait3A_84 : memref<160x64xbf16, #tpu.memory_space<vmem_shared>>)
        tpu.yield
      }) : () -> ()
      %mul3A_25 = arith.constant 2560 : i32
      %mul3A_26 = arith.muli %arg1, %mul3A_25 : i32
      %add3A_27 = arith.constant 800 : i32
      %add3A_28 = arith.addi %mul3A_26, %add3A_27 : i32
      "tpu.region"() ({
        %run_scoped3A = tpu.sem_alloc : memref<!tpu.dma_semaphore, #tpu.memory_space<semaphore_mem>>
        %dma_start3A = arith.constant 0 : i32
        %dma_start3A_79 = tpu.memref_slice %arg8[%add3A_28, %dma_start3A] : memref<40960x64xbf16, #tpu.memory_space<vmem_shared>> -> memref<160x64xbf16, #tpu.memory_space<vmem_shared>>
        %dma_start3A_80 = arith.constant 0 : i32
        %dma_start3A_81 = tpu.memref_slice %arg8[%add3A_28, %dma_start3A_80] : memref<40960x64xbf16, #tpu.memory_space<vmem_shared>> -> memref<160x64xbf16, #tpu.memory_space<vmem_shared>>
        tpu.enqueue_dma source(%arg11 : memref<160x64xbf16, #tpu.memory_space<vmem>>) target(%dma_start3A_81 : memref<160x64xbf16, #tpu.memory_space<vmem_shared>>) target_semaphore(%run_scoped3A : memref<!tpu.dma_semaphore, #tpu.memory_space<semaphore_mem>>)
        %dma_wait3A = arith.constant 0 : i32
        %dma_wait3A_82 = tpu.memref_slice %arg8[%add3A_28, %dma_wait3A] : memref<40960x64xbf16, #tpu.memory_space<vmem_shared>> -> memref<160x64xbf16, #tpu.memory_space<vmem_shared>>
        %dma_wait3A_83 = arith.constant 0 : i32
        %dma_wait3A_84 = tpu.memref_slice %arg8[%add3A_28, %dma_wait3A_83] : memref<40960x64xbf16, #tpu.memory_space<vmem_shared>> -> memref<160x64xbf16, #tpu.memory_space<vmem_shared>>
        tpu.wait_dma2 semaphore(%run_scoped3A : memref<!tpu.dma_semaphore, #tpu.memory_space<semaphore_mem>>) src(%arg11 : memref<160x64xbf16, #tpu.memory_space<vmem>>) dst(%dma_wait3A_84 : memref<160x64xbf16, #tpu.memory_space<vmem_shared>>)
        tpu.yield
      }) : () -> ()
      %mul3A_29 = arith.constant 2560 : i32
      %mul3A_30 = arith.muli %arg1, %mul3A_29 : i32
      %add3A_31 = arith.constant 960 : i32
      %add3A_32 = arith.addi %mul3A_30, %add3A_31 : i32
      "tpu.region"() ({
        %run_scoped3A = tpu.sem_alloc : memref<!tpu.dma_semaphore, #tpu.memory_space<semaphore_mem>>
        %dma_start3A = arith.constant 0 : i32
        %dma_start3A_79 = tpu.memref_slice %arg8[%add3A_32, %dma_start3A] : memref<40960x64xbf16, #tpu.memory_space<vmem_shared>> -> memref<160x64xbf16, #tpu.memory_space<vmem_shared>>
        %dma_start3A_80 = arith.constant 0 : i32
        %dma_start3A_81 = tpu.memref_slice %arg8[%add3A_32, %dma_start3A_80] : memref<40960x64xbf16, #tpu.memory_space<vmem_shared>> -> memref<160x64xbf16, #tpu.memory_space<vmem_shared>>
        tpu.enqueue_dma source(%arg11 : memref<160x64xbf16, #tpu.memory_space<vmem>>) target(%dma_start3A_81 : memref<160x64xbf16, #tpu.memory_space<vmem_shared>>) target_semaphore(%run_scoped3A : memref<!tpu.dma_semaphore, #tpu.memory_space<semaphore_mem>>)
        %dma_wait3A = arith.constant 0 : i32
        %dma_wait3A_82 = tpu.memref_slice %arg8[%add3A_32, %dma_wait3A] : memref<40960x64xbf16, #tpu.memory_space<vmem_shared>> -> memref<160x64xbf16, #tpu.memory_space<vmem_shared>>
        %dma_wait3A_83 = arith.constant 0 : i32
        %dma_wait3A_84 = tpu.memref_slice %arg8[%add3A_32, %dma_wait3A_83] : memref<40960x64xbf16, #tpu.memory_space<vmem_shared>> -> memref<160x64xbf16, #tpu.memory_space<vmem_shared>>
        tpu.wait_dma2 semaphore(%run_scoped3A : memref<!tpu.dma_semaphore, #tpu.memory_space<semaphore_mem>>) src(%arg11 : memref<160x64xbf16, #tpu.memory_space<vmem>>) dst(%dma_wait3A_84 : memref<160x64xbf16, #tpu.memory_space<vmem_shared>>)
        tpu.yield
      }) : () -> ()
      %mul3A_33 = arith.constant 2560 : i32
      %mul3A_34 = arith.muli %arg1, %mul3A_33 : i32
      %add3A_35 = arith.constant 1120 : i32
      %add3A_36 = arith.addi %mul3A_34, %add3A_35 : i32
      "tpu.region"() ({
        %run_scoped3A = tpu.sem_alloc : memref<!tpu.dma_semaphore, #tpu.memory_space<semaphore_mem>>
        %dma_start3A = arith.constant 0 : i32
        %dma_start3A_79 = tpu.memref_slice %arg8[%add3A_36, %dma_start3A] : memref<40960x64xbf16, #tpu.memory_space<vmem_shared>> -> memref<160x64xbf16, #tpu.memory_space<vmem_shared>>
        %dma_start3A_80 = arith.constant 0 : i32
        %dma_start3A_81 = tpu.memref_slice %arg8[%add3A_36, %dma_start3A_80] : memref<40960x64xbf16, #tpu.memory_space<vmem_shared>> -> memref<160x64xbf16, #tpu.memory_space<vmem_shared>>
        tpu.enqueue_dma source(%arg11 : memref<160x64xbf16, #tpu.memory_space<vmem>>) target(%dma_start3A_81 : memref<160x64xbf16, #tpu.memory_space<vmem_shared>>) target_semaphore(%run_scoped3A : memref<!tpu.dma_semaphore, #tpu.memory_space<semaphore_mem>>)
        %dma_wait3A = arith.constant 0 : i32
        %dma_wait3A_82 = tpu.memref_slice %arg8[%add3A_36, %dma_wait3A] : memref<40960x64xbf16, #tpu.memory_space<vmem_shared>> -> memref<160x64xbf16, #tpu.memory_space<vmem_shared>>
        %dma_wait3A_83 = arith.constant 0 : i32
        %dma_wait3A_84 = tpu.memref_slice %arg8[%add3A_36, %dma_wait3A_83] : memref<40960x64xbf16, #tpu.memory_space<vmem_shared>> -> memref<160x64xbf16, #tpu.memory_space<vmem_shared>>
        tpu.wait_dma2 semaphore(%run_scoped3A : memref<!tpu.dma_semaphore, #tpu.memory_space<semaphore_mem>>) src(%arg11 : memref<160x64xbf16, #tpu.memory_space<vmem>>) dst(%dma_wait3A_84 : memref<160x64xbf16, #tpu.memory_space<vmem_shared>>)
        tpu.yield
      }) : () -> ()
      %mul3A_37 = arith.constant 2560 : i32
      %mul3A_38 = arith.muli %arg1, %mul3A_37 : i32
      %add3A_39 = arith.constant 1280 : i32
      %add3A_40 = arith.addi %mul3A_38, %add3A_39 : i32
      "tpu.region"() ({
        %run_scoped3A = tpu.sem_alloc : memref<!tpu.dma_semaphore, #tpu.memory_space<semaphore_mem>>
        %dma_start3A = arith.constant 0 : i32
        %dma_start3A_79 = tpu.memref_slice %arg8[%add3A_40, %dma_start3A] : memref<40960x64xbf16, #tpu.memory_space<vmem_shared>> -> memref<160x64xbf16, #tpu.memory_space<vmem_shared>>
        %dma_start3A_80 = arith.constant 0 : i32
        %dma_start3A_81 = tpu.memref_slice %arg8[%add3A_40, %dma_start3A_80] : memref<40960x64xbf16, #tpu.memory_space<vmem_shared>> -> memref<160x64xbf16, #tpu.memory_space<vmem_shared>>
        tpu.enqueue_dma source(%arg11 : memref<160x64xbf16, #tpu.memory_space<vmem>>) target(%dma_start3A_81 : memref<160x64xbf16, #tpu.memory_space<vmem_shared>>) target_semaphore(%run_scoped3A : memref<!tpu.dma_semaphore, #tpu.memory_space<semaphore_mem>>)
        %dma_wait3A = arith.constant 0 : i32
        %dma_wait3A_82 = tpu.memref_slice %arg8[%add3A_40, %dma_wait3A] : memref<40960x64xbf16, #tpu.memory_space<vmem_shared>> -> memref<160x64xbf16, #tpu.memory_space<vmem_shared>>
        %dma_wait3A_83 = arith.constant 0 : i32
        %dma_wait3A_84 = tpu.memref_slice %arg8[%add3A_40, %dma_wait3A_83] : memref<40960x64xbf16, #tpu.memory_space<vmem_shared>> -> memref<160x64xbf16, #tpu.memory_space<vmem_shared>>
        tpu.wait_dma2 semaphore(%run_scoped3A : memref<!tpu.dma_semaphore, #tpu.memory_space<semaphore_mem>>) src(%arg11 : memref<160x64xbf16, #tpu.memory_space<vmem>>) dst(%dma_wait3A_84 : memref<160x64xbf16, #tpu.memory_space<vmem_shared>>)
        tpu.yield
      }) : () -> ()
      %mul3A_41 = arith.constant 2560 : i32
      %mul3A_42 = arith.muli %arg1, %mul3A_41 : i32
      %add3A_43 = arith.constant 1440 : i32
      %add3A_44 = arith.addi %mul3A_42, %add3A_43 : i32
      "tpu.region"() ({
        %run_scoped3A = tpu.sem_alloc : memref<!tpu.dma_semaphore, #tpu.memory_space<semaphore_mem>>
        %dma_start3A = arith.constant 0 : i32
        %dma_start3A_79 = tpu.memref_slice %arg8[%add3A_44, %dma_start3A] : memref<40960x64xbf16, #tpu.memory_space<vmem_shared>> -> memref<160x64xbf16, #tpu.memory_space<vmem_shared>>
        %dma_start3A_80 = arith.constant 0 : i32
        %dma_start3A_81 = tpu.memref_slice %arg8[%add3A_44, %dma_start3A_80] : memref<40960x64xbf16, #tpu.memory_space<vmem_shared>> -> memref<160x64xbf16, #tpu.memory_space<vmem_shared>>
        tpu.enqueue_dma source(%arg11 : memref<160x64xbf16, #tpu.memory_space<vmem>>) target(%dma_start3A_81 : memref<160x64xbf16, #tpu.memory_space<vmem_shared>>) target_semaphore(%run_scoped3A : memref<!tpu.dma_semaphore, #tpu.memory_space<semaphore_mem>>)
        %dma_wait3A = arith.constant 0 : i32
        %dma_wait3A_82 = tpu.memref_slice %arg8[%add3A_44, %dma_wait3A] : memref<40960x64xbf16, #tpu.memory_space<vmem_shared>> -> memref<160x64xbf16, #tpu.memory_space<vmem_shared>>
        %dma_wait3A_83 = arith.constant 0 : i32
        %dma_wait3A_84 = tpu.memref_slice %arg8[%add3A_44, %dma_wait3A_83] : memref<40960x64xbf16, #tpu.memory_space<vmem_shared>> -> memref<160x64xbf16, #tpu.memory_space<vmem_shared>>
        tpu.wait_dma2 semaphore(%run_scoped3A : memref<!tpu.dma_semaphore, #tpu.memory_space<semaphore_mem>>) src(%arg11 : memref<160x64xbf16, #tpu.memory_space<vmem>>) dst(%dma_wait3A_84 : memref<160x64xbf16, #tpu.memory_space<vmem_shared>>)
        tpu.yield
      }) : () -> ()
      %mul3A_45 = arith.constant 2560 : i32
      %mul3A_46 = arith.muli %arg1, %mul3A_45 : i32
      %add3A_47 = arith.constant 1600 : i32
      %add3A_48 = arith.addi %mul3A_46, %add3A_47 : i32
      "tpu.region"() ({
        %run_scoped3A = tpu.sem_alloc : memref<!tpu.dma_semaphore, #tpu.memory_space<semaphore_mem>>
        %dma_start3A = arith.constant 0 : i32
        %dma_start3A_79 = tpu.memref_slice %arg8[%add3A_48, %dma_start3A] : memref<40960x64xbf16, #tpu.memory_space<vmem_shared>> -> memref<160x64xbf16, #tpu.memory_space<vmem_shared>>
        %dma_start3A_80 = arith.constant 0 : i32
        %dma_start3A_81 = tpu.memref_slice %arg8[%add3A_48, %dma_start3A_80] : memref<40960x64xbf16, #tpu.memory_space<vmem_shared>> -> memref<160x64xbf16, #tpu.memory_space<vmem_shared>>
        tpu.enqueue_dma source(%arg11 : memref<160x64xbf16, #tpu.memory_space<vmem>>) target(%dma_start3A_81 : memref<160x64xbf16, #tpu.memory_space<vmem_shared>>) target_semaphore(%run_scoped3A : memref<!tpu.dma_semaphore, #tpu.memory_space<semaphore_mem>>)
        %dma_wait3A = arith.constant 0 : i32
        %dma_wait3A_82 = tpu.memref_slice %arg8[%add3A_48, %dma_wait3A] : memref<40960x64xbf16, #tpu.memory_space<vmem_shared>> -> memref<160x64xbf16, #tpu.memory_space<vmem_shared>>
        %dma_wait3A_83 = arith.constant 0 : i32
        %dma_wait3A_84 = tpu.memref_slice %arg8[%add3A_48, %dma_wait3A_83] : memref<40960x64xbf16, #tpu.memory_space<vmem_shared>> -> memref<160x64xbf16, #tpu.memory_space<vmem_shared>>
        tpu.wait_dma2 semaphore(%run_scoped3A : memref<!tpu.dma_semaphore, #tpu.memory_space<semaphore_mem>>) src(%arg11 : memref<160x64xbf16, #tpu.memory_space<vmem>>) dst(%dma_wait3A_84 : memref<160x64xbf16, #tpu.memory_space<vmem_shared>>)
        tpu.yield
      }) : () -> ()
      %mul3A_49 = arith.constant 2560 : i32
      %mul3A_50 = arith.muli %arg1, %mul3A_49 : i32
      %add3A_51 = arith.constant 1760 : i32
      %add3A_52 = arith.addi %mul3A_50, %add3A_51 : i32
      "tpu.region"() ({
        %run_scoped3A = tpu.sem_alloc : memref<!tpu.dma_semaphore, #tpu.memory_space<semaphore_mem>>
        %dma_start3A = arith.constant 0 : i32
        %dma_start3A_79 = tpu.memref_slice %arg8[%add3A_52, %dma_start3A] : memref<40960x64xbf16, #tpu.memory_space<vmem_shared>> -> memref<160x64xbf16, #tpu.memory_space<vmem_shared>>
        %dma_start3A_80 = arith.constant 0 : i32
        %dma_start3A_81 = tpu.memref_slice %arg8[%add3A_52, %dma_start3A_80] : memref<40960x64xbf16, #tpu.memory_space<vmem_shared>> -> memref<160x64xbf16, #tpu.memory_space<vmem_shared>>
        tpu.enqueue_dma source(%arg11 : memref<160x64xbf16, #tpu.memory_space<vmem>>) target(%dma_start3A_81 : memref<160x64xbf16, #tpu.memory_space<vmem_shared>>) target_semaphore(%run_scoped3A : memref<!tpu.dma_semaphore, #tpu.memory_space<semaphore_mem>>)
        %dma_wait3A = arith.constant 0 : i32
        %dma_wait3A_82 = tpu.memref_slice %arg8[%add3A_52, %dma_wait3A] : memref<40960x64xbf16, #tpu.memory_space<vmem_shared>> -> memref<160x64xbf16, #tpu.memory_space<vmem_shared>>
        %dma_wait3A_83 = arith.constant 0 : i32
        %dma_wait3A_84 = tpu.memref_slice %arg8[%add3A_52, %dma_wait3A_83] : memref<40960x64xbf16, #tpu.memory_space<vmem_shared>> -> memref<160x64xbf16, #tpu.memory_space<vmem_shared>>
        tpu.wait_dma2 semaphore(%run_scoped3A : memref<!tpu.dma_semaphore, #tpu.memory_space<semaphore_mem>>) src(%arg11 : memref<160x64xbf16, #tpu.memory_space<vmem>>) dst(%dma_wait3A_84 : memref<160x64xbf16, #tpu.memory_space<vmem_shared>>)
        tpu.yield
      }) : () -> ()
      %mul3A_53 = arith.constant 2560 : i32
      %mul3A_54 = arith.muli %arg1, %mul3A_53 : i32
      %add3A_55 = arith.constant 1920 : i32
      %add3A_56 = arith.addi %mul3A_54, %add3A_55 : i32
      "tpu.region"() ({
        %run_scoped3A = tpu.sem_alloc : memref<!tpu.dma_semaphore, #tpu.memory_space<semaphore_mem>>
        %dma_start3A = arith.constant 0 : i32
        %dma_start3A_79 = tpu.memref_slice %arg8[%add3A_56, %dma_start3A] : memref<40960x64xbf16, #tpu.memory_space<vmem_shared>> -> memref<160x64xbf16, #tpu.memory_space<vmem_shared>>
        %dma_start3A_80 = arith.constant 0 : i32
        %dma_start3A_81 = tpu.memref_slice %arg8[%add3A_56, %dma_start3A_80] : memref<40960x64xbf16, #tpu.memory_space<vmem_shared>> -> memref<160x64xbf16, #tpu.memory_space<vmem_shared>>
        tpu.enqueue_dma source(%arg11 : memref<160x64xbf16, #tpu.memory_space<vmem>>) target(%dma_start3A_81 : memref<160x64xbf16, #tpu.memory_space<vmem_shared>>) target_semaphore(%run_scoped3A : memref<!tpu.dma_semaphore, #tpu.memory_space<semaphore_mem>>)
        %dma_wait3A = arith.constant 0 : i32
        %dma_wait3A_82 = tpu.memref_slice %arg8[%add3A_56, %dma_wait3A] : memref<40960x64xbf16, #tpu.memory_space<vmem_shared>> -> memref<160x64xbf16, #tpu.memory_space<vmem_shared>>
        %dma_wait3A_83 = arith.constant 0 : i32
        %dma_wait3A_84 = tpu.memref_slice %arg8[%add3A_56, %dma_wait3A_83] : memref<40960x64xbf16, #tpu.memory_space<vmem_shared>> -> memref<160x64xbf16, #tpu.memory_space<vmem_shared>>
        tpu.wait_dma2 semaphore(%run_scoped3A : memref<!tpu.dma_semaphore, #tpu.memory_space<semaphore_mem>>) src(%arg11 : memref<160x64xbf16, #tpu.memory_space<vmem>>) dst(%dma_wait3A_84 : memref<160x64xbf16, #tpu.memory_space<vmem_shared>>)
        tpu.yield
      }) : () -> ()
      %mul3A_57 = arith.constant 2560 : i32
      %mul3A_58 = arith.muli %arg1, %mul3A_57 : i32
      %add3A_59 = arith.constant 2080 : i32
      %add3A_60 = arith.addi %mul3A_58, %add3A_59 : i32
      "tpu.region"() ({
        %run_scoped3A = tpu.sem_alloc : memref<!tpu.dma_semaphore, #tpu.memory_space<semaphore_mem>>
        %dma_start3A = arith.constant 0 : i32
        %dma_start3A_79 = tpu.memref_slice %arg8[%add3A_60, %dma_start3A] : memref<40960x64xbf16, #tpu.memory_space<vmem_shared>> -> memref<160x64xbf16, #tpu.memory_space<vmem_shared>>
        %dma_start3A_80 = arith.constant 0 : i32
        %dma_start3A_81 = tpu.memref_slice %arg8[%add3A_60, %dma_start3A_80] : memref<40960x64xbf16, #tpu.memory_space<vmem_shared>> -> memref<160x64xbf16, #tpu.memory_space<vmem_shared>>
        tpu.enqueue_dma source(%arg11 : memref<160x64xbf16, #tpu.memory_space<vmem>>) target(%dma_start3A_81 : memref<160x64xbf16, #tpu.memory_space<vmem_shared>>) target_semaphore(%run_scoped3A : memref<!tpu.dma_semaphore, #tpu.memory_space<semaphore_mem>>)
        %dma_wait3A = arith.constant 0 : i32
        %dma_wait3A_82 = tpu.memref_slice %arg8[%add3A_60, %dma_wait3A] : memref<40960x64xbf16, #tpu.memory_space<vmem_shared>> -> memref<160x64xbf16, #tpu.memory_space<vmem_shared>>
        %dma_wait3A_83 = arith.constant 0 : i32
        %dma_wait3A_84 = tpu.memref_slice %arg8[%add3A_60, %dma_wait3A_83] : memref<40960x64xbf16, #tpu.memory_space<vmem_shared>> -> memref<160x64xbf16, #tpu.memory_space<vmem_shared>>
        tpu.wait_dma2 semaphore(%run_scoped3A : memref<!tpu.dma_semaphore, #tpu.memory_space<semaphore_mem>>) src(%arg11 : memref<160x64xbf16, #tpu.memory_space<vmem>>) dst(%dma_wait3A_84 : memref<160x64xbf16, #tpu.memory_space<vmem_shared>>)
        tpu.yield
      }) : () -> ()
      %mul3A_61 = arith.constant 2560 : i32
      %mul3A_62 = arith.muli %arg1, %mul3A_61 : i32
      %add3A_63 = arith.constant 2240 : i32
      %add3A_64 = arith.addi %mul3A_62, %add3A_63 : i32
      "tpu.region"() ({
        %run_scoped3A = tpu.sem_alloc : memref<!tpu.dma_semaphore, #tpu.memory_space<semaphore_mem>>
        %dma_start3A = arith.constant 0 : i32
        %dma_start3A_79 = tpu.memref_slice %arg8[%add3A_64, %dma_start3A] : memref<40960x64xbf16, #tpu.memory_space<vmem_shared>> -> memref<160x64xbf16, #tpu.memory_space<vmem_shared>>
        %dma_start3A_80 = arith.constant 0 : i32
        %dma_start3A_81 = tpu.memref_slice %arg8[%add3A_64, %dma_start3A_80] : memref<40960x64xbf16, #tpu.memory_space<vmem_shared>> -> memref<160x64xbf16, #tpu.memory_space<vmem_shared>>
        tpu.enqueue_dma source(%arg11 : memref<160x64xbf16, #tpu.memory_space<vmem>>) target(%dma_start3A_81 : memref<160x64xbf16, #tpu.memory_space<vmem_shared>>) target_semaphore(%run_scoped3A : memref<!tpu.dma_semaphore, #tpu.memory_space<semaphore_mem>>)
        %dma_wait3A = arith.constant 0 : i32
        %dma_wait3A_82 = tpu.memref_slice %arg8[%add3A_64, %dma_wait3A] : memref<40960x64xbf16, #tpu.memory_space<vmem_shared>> -> memref<160x64xbf16, #tpu.memory_space<vmem_shared>>
        %dma_wait3A_83 = arith.constant 0 : i32
        %dma_wait3A_84 = tpu.memref_slice %arg8[%add3A_64, %dma_wait3A_83] : memref<40960x64xbf16, #tpu.memory_space<vmem_shared>> -> memref<160x64xbf16, #tpu.memory_space<vmem_shared>>
        tpu.wait_dma2 semaphore(%run_scoped3A : memref<!tpu.dma_semaphore, #tpu.memory_space<semaphore_mem>>) src(%arg11 : memref<160x64xbf16, #tpu.memory_space<vmem>>) dst(%dma_wait3A_84 : memref<160x64xbf16, #tpu.memory_space<vmem_shared>>)
        tpu.yield
      }) : () -> ()
      %mul3A_65 = arith.constant 2560 : i32
      %mul3A_66 = arith.muli %arg1, %mul3A_65 : i32
      %add3A_67 = arith.constant 2400 : i32
      %add3A_68 = arith.addi %mul3A_66, %add3A_67 : i32
      "tpu.region"() ({
        %run_scoped3A = tpu.sem_alloc : memref<!tpu.dma_semaphore, #tpu.memory_space<semaphore_mem>>
        %dma_start3A = arith.constant 0 : i32
        %dma_start3A_79 = tpu.memref_slice %arg8[%add3A_68, %dma_start3A] : memref<40960x64xbf16, #tpu.memory_space<vmem_shared>> -> memref<160x64xbf16, #tpu.memory_space<vmem_shared>>
        %dma_start3A_80 = arith.constant 0 : i32
        %dma_start3A_81 = tpu.memref_slice %arg8[%add3A_68, %dma_start3A_80] : memref<40960x64xbf16, #tpu.memory_space<vmem_shared>> -> memref<160x64xbf16, #tpu.memory_space<vmem_shared>>
        tpu.enqueue_dma source(%arg11 : memref<160x64xbf16, #tpu.memory_space<vmem>>) target(%dma_start3A_81 : memref<160x64xbf16, #tpu.memory_space<vmem_shared>>) target_semaphore(%run_scoped3A : memref<!tpu.dma_semaphore, #tpu.memory_space<semaphore_mem>>)
        %dma_wait3A = arith.constant 0 : i32
        %dma_wait3A_82 = tpu.memref_slice %arg8[%add3A_68, %dma_wait3A] : memref<40960x64xbf16, #tpu.memory_space<vmem_shared>> -> memref<160x64xbf16, #tpu.memory_space<vmem_shared>>
        %dma_wait3A_83 = arith.constant 0 : i32
        %dma_wait3A_84 = tpu.memref_slice %arg8[%add3A_68, %dma_wait3A_83] : memref<40960x64xbf16, #tpu.memory_space<vmem_shared>> -> memref<160x64xbf16, #tpu.memory_space<vmem_shared>>
        tpu.wait_dma2 semaphore(%run_scoped3A : memref<!tpu.dma_semaphore, #tpu.memory_space<semaphore_mem>>) src(%arg11 : memref<160x64xbf16, #tpu.memory_space<vmem>>) dst(%dma_wait3A_84 : memref<160x64xbf16, #tpu.memory_space<vmem_shared>>)
        tpu.yield
      }) : () -> ()
      %barrier3A = arith.constant 0 : index
      tpu.barrier barrier_id(%barrier3A)
      %scan3A = arith.constant 0 : i32
      %scan3A_69 = arith.constant 0 : i32
      %scan3A_70 = arith.constant 20 : i32
      %scan3A_71 = arith.addi %scan3A_69, %scan3A_70 : i32
      %scan3A_72 = arith.constant 1 : i32
      scf.for %scan3A_79 = %scan3A_69 to %scan3A_71 step %scan3A_72  : i32 {
        %mul3A_80 = arith.constant 20 : i32
        %mul3A_81 = arith.muli %arg1, %mul3A_80 : i32
        %add3A_82 = arith.addi %mul3A_81, %scan3A_79 : i32
        %mul3A_83 = arith.constant 2 : i32
        %mul3A_84 = arith.muli %add3A_82, %mul3A_83 : i32
        %mul3A_85 = arith.constant 8 : i32
        %mul3A_86 = arith.muli %mul3A_84, %mul3A_85 : i32
        "tpu.region"() ({
          %run_scoped3A = tpu.sem_alloc : memref<!tpu.dma_semaphore, #tpu.memory_space<semaphore_mem>>
          %dma_start3A_405 = arith.constant 0 : i32
          %dma_start3A_406 = tpu.memref_slice %arg4[%mul3A_86, %dma_start3A_405] : memref<5120x128xi32, #tpu.memory_space<hbm>> -> memref<16x128xi32, #tpu.memory_space<hbm>>
          %dma_start3A_407 = arith.constant 0 : i32
          %dma_start3A_408 = tpu.memref_slice %arg4[%mul3A_86, %dma_start3A_407] : memref<5120x128xi32, #tpu.memory_space<hbm>> -> memref<16x128xi32, #tpu.memory_space<hbm>>
          tpu.enqueue_dma source(%dma_start3A_408 : memref<16x128xi32, #tpu.memory_space<hbm>>) target(%arg9 : memref<16x128xi32, #tpu.memory_space<vmem>>) target_semaphore(%run_scoped3A : memref<!tpu.dma_semaphore, #tpu.memory_space<semaphore_mem>>)
          %dma_wait3A_409 = arith.constant 0 : i32
          %dma_wait3A_410 = tpu.memref_slice %arg4[%mul3A_86, %dma_wait3A_409] : memref<5120x128xi32, #tpu.memory_space<hbm>> -> memref<16x128xi32, #tpu.memory_space<hbm>>
          %dma_wait3A_411 = arith.constant 0 : i32
          %dma_wait3A_412 = tpu.memref_slice %arg4[%mul3A_86, %dma_wait3A_411] : memref<5120x128xi32, #tpu.memory_space<hbm>> -> memref<16x128xi32, #tpu.memory_space<hbm>>
          tpu.wait_dma2 semaphore(%run_scoped3A : memref<!tpu.dma_semaphore, #tpu.memory_space<semaphore_mem>>) src(%dma_wait3A_412 : memref<16x128xi32, #tpu.memory_space<hbm>>) dst(%arg9 : memref<16x128xi32, #tpu.memory_space<vmem>>)
          tpu.yield
        }) : () -> ()
        %dma_start3A = arith.constant 0 : i32
        %dma_start3A_87 = arith.constant 0 : i32
        %dma_start3A_88 = arith.constant 0 : i32
        %dma_start3A_89 = tpu.memref_slice %arg10[%dma_start3A_87, %dma_start3A_88] : memref<1024x64xbf16, #tpu.memory_space<vmem>> -> memref<128x64xbf16, #tpu.memory_space<vmem>>
        %dma_start3A_90 = arith.constant 0 : i32
        %dma_start3A_91 = tpu.memref_slice %arg9[%dma_start3A, %dma_start3A_90] : memref<16x128xi32, #tpu.memory_space<vmem>> -> memref<1x128xi32, #tpu.memory_space<vmem>>
        %dma_start3A_92 = tpu.memref_squeeze %dma_start3A_91 : memref<1x128xi32, #tpu.memory_space<vmem>> -> memref<128xi32, #tpu.memory_space<vmem>>
        %dma_start3A_93 = arith.constant 0 : i32
        %dma_start3A_94 = arith.constant 0 : i32
        %dma_start3A_95 = tpu.memref_slice %arg2[%dma_start3A_93, %dma_start3A_94] : memref<10000x64xbf16, #tpu.memory_space<hbm>> -> memref<10000x64xbf16, #tpu.memory_space<hbm>>
        tpu.enqueue_indirect_dma source(%dma_start3A_95 : memref<10000x64xbf16, #tpu.memory_space<hbm>>) target(%dma_start3A_89 : memref<128x64xbf16, #tpu.memory_space<vmem>>) offsets(%dma_start3A_92 : memref<128xi32, #tpu.memory_space<vmem>>) semaphore(%arg12 : memref<!tpu.dma_semaphore, #tpu.memory_space<semaphore_mem>>)
        %dma_start3A_96 = arith.constant 1 : i32
        %dma_start3A_97 = arith.constant 128 : i32
        %dma_start3A_98 = arith.constant 0 : i32
        %dma_start3A_99 = tpu.memref_slice %arg10[%dma_start3A_97, %dma_start3A_98] : memref<1024x64xbf16, #tpu.memory_space<vmem>> -> memref<128x64xbf16, #tpu.memory_space<vmem>>
        %dma_start3A_100 = arith.constant 0 : i32
        %dma_start3A_101 = tpu.memref_slice %arg9[%dma_start3A_96, %dma_start3A_100] : memref<16x128xi32, #tpu.memory_space<vmem>> -> memref<1x128xi32, #tpu.memory_space<vmem>>
        %dma_start3A_102 = tpu.memref_squeeze %dma_start3A_101 : memref<1x128xi32, #tpu.memory_space<vmem>> -> memref<128xi32, #tpu.memory_space<vmem>>
        %dma_start3A_103 = arith.constant 0 : i32
        %dma_start3A_104 = arith.constant 0 : i32
        %dma_start3A_105 = tpu.memref_slice %arg2[%dma_start3A_103, %dma_start3A_104] : memref<10000x64xbf16, #tpu.memory_space<hbm>> -> memref<10000x64xbf16, #tpu.memory_space<hbm>>
        tpu.enqueue_indirect_dma source(%dma_start3A_105 : memref<10000x64xbf16, #tpu.memory_space<hbm>>) target(%dma_start3A_99 : memref<128x64xbf16, #tpu.memory_space<vmem>>) offsets(%dma_start3A_102 : memref<128xi32, #tpu.memory_space<vmem>>) semaphore(%arg12 : memref<!tpu.dma_semaphore, #tpu.memory_space<semaphore_mem>>)
        %dma_start3A_106 = arith.constant 2 : i32
        %dma_start3A_107 = arith.constant 256 : i32
        %dma_start3A_108 = arith.constant 0 : i32
        %dma_start3A_109 = tpu.memref_slice %arg10[%dma_start3A_107, %dma_start3A_108] : memref<1024x64xbf16, #tpu.memory_space<vmem>> -> memref<128x64xbf16, #tpu.memory_space<vmem>>
        %dma_start3A_110 = arith.constant 0 : i32
        %dma_start3A_111 = tpu.memref_slice %arg9[%dma_start3A_106, %dma_start3A_110] : memref<16x128xi32, #tpu.memory_space<vmem>> -> memref<1x128xi32, #tpu.memory_space<vmem>>
        %dma_start3A_112 = tpu.memref_squeeze %dma_start3A_111 : memref<1x128xi32, #tpu.memory_space<vmem>> -> memref<128xi32, #tpu.memory_space<vmem>>
        %dma_start3A_113 = arith.constant 0 : i32
        %dma_start3A_114 = arith.constant 0 : i32
        %dma_start3A_115 = tpu.memref_slice %arg2[%dma_start3A_113, %dma_start3A_114] : memref<10000x64xbf16, #tpu.memory_space<hbm>> -> memref<10000x64xbf16, #tpu.memory_space<hbm>>
        tpu.enqueue_indirect_dma source(%dma_start3A_115 : memref<10000x64xbf16, #tpu.memory_space<hbm>>) target(%dma_start3A_109 : memref<128x64xbf16, #tpu.memory_space<vmem>>) offsets(%dma_start3A_112 : memref<128xi32, #tpu.memory_space<vmem>>) semaphore(%arg12 : memref<!tpu.dma_semaphore, #tpu.memory_space<semaphore_mem>>)
        %dma_start3A_116 = arith.constant 3 : i32
        %dma_start3A_117 = arith.constant 384 : i32
        %dma_start3A_118 = arith.constant 0 : i32
        %dma_start3A_119 = tpu.memref_slice %arg10[%dma_start3A_117, %dma_start3A_118] : memref<1024x64xbf16, #tpu.memory_space<vmem>> -> memref<128x64xbf16, #tpu.memory_space<vmem>>
        %dma_start3A_120 = arith.constant 0 : i32
        %dma_start3A_121 = tpu.memref_slice %arg9[%dma_start3A_116, %dma_start3A_120] : memref<16x128xi32, #tpu.memory_space<vmem>> -> memref<1x128xi32, #tpu.memory_space<vmem>>
        %dma_start3A_122 = tpu.memref_squeeze %dma_start3A_121 : memref<1x128xi32, #tpu.memory_space<vmem>> -> memref<128xi32, #tpu.memory_space<vmem>>
        %dma_start3A_123 = arith.constant 0 : i32
        %dma_start3A_124 = arith.constant 0 : i32
        %dma_start3A_125 = tpu.memref_slice %arg2[%dma_start3A_123, %dma_start3A_124] : memref<10000x64xbf16, #tpu.memory_space<hbm>> -> memref<10000x64xbf16, #tpu.memory_space<hbm>>
        tpu.enqueue_indirect_dma source(%dma_start3A_125 : memref<10000x64xbf16, #tpu.memory_space<hbm>>) target(%dma_start3A_119 : memref<128x64xbf16, #tpu.memory_space<vmem>>) offsets(%dma_start3A_122 : memref<128xi32, #tpu.memory_space<vmem>>) semaphore(%arg12 : memref<!tpu.dma_semaphore, #tpu.memory_space<semaphore_mem>>)
        %dma_start3A_126 = arith.constant 4 : i32
        %dma_start3A_127 = arith.constant 512 : i32
        %dma_start3A_128 = arith.constant 0 : i32
        %dma_start3A_129 = tpu.memref_slice %arg10[%dma_start3A_127, %dma_start3A_128] : memref<1024x64xbf16, #tpu.memory_space<vmem>> -> memref<128x64xbf16, #tpu.memory_space<vmem>>
        %dma_start3A_130 = arith.constant 0 : i32
        %dma_start3A_131 = tpu.memref_slice %arg9[%dma_start3A_126, %dma_start3A_130] : memref<16x128xi32, #tpu.memory_space<vmem>> -> memref<1x128xi32, #tpu.memory_space<vmem>>
        %dma_start3A_132 = tpu.memref_squeeze %dma_start3A_131 : memref<1x128xi32, #tpu.memory_space<vmem>> -> memref<128xi32, #tpu.memory_space<vmem>>
        %dma_start3A_133 = arith.constant 0 : i32
        %dma_start3A_134 = arith.constant 0 : i32
        %dma_start3A_135 = tpu.memref_slice %arg2[%dma_start3A_133, %dma_start3A_134] : memref<10000x64xbf16, #tpu.memory_space<hbm>> -> memref<10000x64xbf16, #tpu.memory_space<hbm>>
        tpu.enqueue_indirect_dma source(%dma_start3A_135 : memref<10000x64xbf16, #tpu.memory_space<hbm>>) target(%dma_start3A_129 : memref<128x64xbf16, #tpu.memory_space<vmem>>) offsets(%dma_start3A_132 : memref<128xi32, #tpu.memory_space<vmem>>) semaphore(%arg12 : memref<!tpu.dma_semaphore, #tpu.memory_space<semaphore_mem>>)
        %dma_start3A_136 = arith.constant 5 : i32
        %dma_start3A_137 = arith.constant 640 : i32
        %dma_start3A_138 = arith.constant 0 : i32
        %dma_start3A_139 = tpu.memref_slice %arg10[%dma_start3A_137, %dma_start3A_138] : memref<1024x64xbf16, #tpu.memory_space<vmem>> -> memref<128x64xbf16, #tpu.memory_space<vmem>>
        %dma_start3A_140 = arith.constant 0 : i32
        %dma_start3A_141 = tpu.memref_slice %arg9[%dma_start3A_136, %dma_start3A_140] : memref<16x128xi32, #tpu.memory_space<vmem>> -> memref<1x128xi32, #tpu.memory_space<vmem>>
        %dma_start3A_142 = tpu.memref_squeeze %dma_start3A_141 : memref<1x128xi32, #tpu.memory_space<vmem>> -> memref<128xi32, #tpu.memory_space<vmem>>
        %dma_start3A_143 = arith.constant 0 : i32
        %dma_start3A_144 = arith.constant 0 : i32
        %dma_start3A_145 = tpu.memref_slice %arg2[%dma_start3A_143, %dma_start3A_144] : memref<10000x64xbf16, #tpu.memory_space<hbm>> -> memref<10000x64xbf16, #tpu.memory_space<hbm>>
        tpu.enqueue_indirect_dma source(%dma_start3A_145 : memref<10000x64xbf16, #tpu.memory_space<hbm>>) target(%dma_start3A_139 : memref<128x64xbf16, #tpu.memory_space<vmem>>) offsets(%dma_start3A_142 : memref<128xi32, #tpu.memory_space<vmem>>) semaphore(%arg12 : memref<!tpu.dma_semaphore, #tpu.memory_space<semaphore_mem>>)
        %dma_start3A_146 = arith.constant 6 : i32
        %dma_start3A_147 = arith.constant 768 : i32
        %dma_start3A_148 = arith.constant 0 : i32
        %dma_start3A_149 = tpu.memref_slice %arg10[%dma_start3A_147, %dma_start3A_148] : memref<1024x64xbf16, #tpu.memory_space<vmem>> -> memref<128x64xbf16, #tpu.memory_space<vmem>>
        %dma_start3A_150 = arith.constant 0 : i32
        %dma_start3A_151 = tpu.memref_slice %arg9[%dma_start3A_146, %dma_start3A_150] : memref<16x128xi32, #tpu.memory_space<vmem>> -> memref<1x128xi32, #tpu.memory_space<vmem>>
        %dma_start3A_152 = tpu.memref_squeeze %dma_start3A_151 : memref<1x128xi32, #tpu.memory_space<vmem>> -> memref<128xi32, #tpu.memory_space<vmem>>
        %dma_start3A_153 = arith.constant 0 : i32
        %dma_start3A_154 = arith.constant 0 : i32
        %dma_start3A_155 = tpu.memref_slice %arg2[%dma_start3A_153, %dma_start3A_154] : memref<10000x64xbf16, #tpu.memory_space<hbm>> -> memref<10000x64xbf16, #tpu.memory_space<hbm>>
        tpu.enqueue_indirect_dma source(%dma_start3A_155 : memref<10000x64xbf16, #tpu.memory_space<hbm>>) target(%dma_start3A_149 : memref<128x64xbf16, #tpu.memory_space<vmem>>) offsets(%dma_start3A_152 : memref<128xi32, #tpu.memory_space<vmem>>) semaphore(%arg12 : memref<!tpu.dma_semaphore, #tpu.memory_space<semaphore_mem>>)
        %dma_start3A_156 = arith.constant 7 : i32
        %dma_start3A_157 = arith.constant 896 : i32
        %dma_start3A_158 = arith.constant 0 : i32
        %dma_start3A_159 = tpu.memref_slice %arg10[%dma_start3A_157, %dma_start3A_158] : memref<1024x64xbf16, #tpu.memory_space<vmem>> -> memref<128x64xbf16, #tpu.memory_space<vmem>>
        %dma_start3A_160 = arith.constant 0 : i32
        %dma_start3A_161 = tpu.memref_slice %arg9[%dma_start3A_156, %dma_start3A_160] : memref<16x128xi32, #tpu.memory_space<vmem>> -> memref<1x128xi32, #tpu.memory_space<vmem>>
        %dma_start3A_162 = tpu.memref_squeeze %dma_start3A_161 : memref<1x128xi32, #tpu.memory_space<vmem>> -> memref<128xi32, #tpu.memory_space<vmem>>
        %dma_start3A_163 = arith.constant 0 : i32
        %dma_start3A_164 = arith.constant 0 : i32
        %dma_start3A_165 = tpu.memref_slice %arg2[%dma_start3A_163, %dma_start3A_164] : memref<10000x64xbf16, #tpu.memory_space<hbm>> -> memref<10000x64xbf16, #tpu.memory_space<hbm>>
        tpu.enqueue_indirect_dma source(%dma_start3A_165 : memref<10000x64xbf16, #tpu.memory_space<hbm>>) target(%dma_start3A_159 : memref<128x64xbf16, #tpu.memory_space<vmem>>) offsets(%dma_start3A_162 : memref<128xi32, #tpu.memory_space<vmem>>) semaphore(%arg12 : memref<!tpu.dma_semaphore, #tpu.memory_space<semaphore_mem>>)
        %dma_wait3A = arith.constant 0 : i32
        %dma_wait3A_166 = arith.constant 0 : i32
        %dma_wait3A_167 = arith.constant 0 : i32
        %dma_wait3A_168 = tpu.memref_slice %arg10[%dma_wait3A_166, %dma_wait3A_167] : memref<1024x64xbf16, #tpu.memory_space<vmem>> -> memref<128x64xbf16, #tpu.memory_space<vmem>>
        %dma_wait3A_169 = arith.constant 0 : i32
        %dma_wait3A_170 = tpu.memref_slice %arg9[%dma_wait3A, %dma_wait3A_169] : memref<16x128xi32, #tpu.memory_space<vmem>> -> memref<1x128xi32, #tpu.memory_space<vmem>>
        %dma_wait3A_171 = tpu.memref_squeeze %dma_wait3A_170 : memref<1x128xi32, #tpu.memory_space<vmem>> -> memref<128xi32, #tpu.memory_space<vmem>>
        %dma_wait3A_172 = arith.constant 0 : i32
        %dma_wait3A_173 = arith.constant 0 : i32
        %dma_wait3A_174 = tpu.memref_slice %arg2[%dma_wait3A_172, %dma_wait3A_173] : memref<10000x64xbf16, #tpu.memory_space<hbm>> -> memref<10000x64xbf16, #tpu.memory_space<hbm>>
        tpu.wait_indirect_dma semaphore(%arg12 : memref<!tpu.dma_semaphore, #tpu.memory_space<semaphore_mem>>) src(%dma_wait3A_174 : memref<10000x64xbf16, #tpu.memory_space<hbm>>) dst(%dma_wait3A_168 : memref<128x64xbf16, #tpu.memory_space<vmem>>)
        %dma_start3A_175 = arith.constant 8 : i32
        %dma_start3A_176 = arith.constant 0 : i32
        %dma_start3A_177 = arith.constant 0 : i32
        %dma_start3A_178 = tpu.memref_slice %arg10[%dma_start3A_176, %dma_start3A_177] : memref<1024x64xbf16, #tpu.memory_space<vmem>> -> memref<128x64xbf16, #tpu.memory_space<vmem>>
        %dma_start3A_179 = arith.constant 0 : i32
        %dma_start3A_180 = tpu.memref_slice %arg9[%dma_start3A_175, %dma_start3A_179] : memref<16x128xi32, #tpu.memory_space<vmem>> -> memref<1x128xi32, #tpu.memory_space<vmem>>
        %dma_start3A_181 = tpu.memref_squeeze %dma_start3A_180 : memref<1x128xi32, #tpu.memory_space<vmem>> -> memref<128xi32, #tpu.memory_space<vmem>>
        %dma_start3A_182 = arith.constant 0 : i32
        %dma_start3A_183 = arith.constant 0 : i32
        %dma_start3A_184 = tpu.memref_slice %arg8[%dma_start3A_182, %dma_start3A_183] : memref<40960x64xbf16, #tpu.memory_space<vmem_shared>> -> memref<40960x64xbf16, #tpu.memory_space<vmem_shared>>
        tpu.enqueue_indirect_dma source(%dma_start3A_178 : memref<128x64xbf16, #tpu.memory_space<vmem>>) target(%dma_start3A_184 : memref<40960x64xbf16, #tpu.memory_space<vmem_shared>>) offsets(%dma_start3A_181 : memref<128xi32, #tpu.memory_space<vmem>>) semaphore(%arg13 : memref<!tpu.dma_semaphore, #tpu.memory_space<semaphore_mem>>) {add = true}
        %dma_wait3A_185 = arith.constant 1 : i32
        %dma_wait3A_186 = arith.constant 128 : i32
        %dma_wait3A_187 = arith.constant 0 : i32
        %dma_wait3A_188 = tpu.memref_slice %arg10[%dma_wait3A_186, %dma_wait3A_187] : memref<1024x64xbf16, #tpu.memory_space<vmem>> -> memref<128x64xbf16, #tpu.memory_space<vmem>>
        %dma_wait3A_189 = arith.constant 0 : i32
        %dma_wait3A_190 = tpu.memref_slice %arg9[%dma_wait3A_185, %dma_wait3A_189] : memref<16x128xi32, #tpu.memory_space<vmem>> -> memref<1x128xi32, #tpu.memory_space<vmem>>
        %dma_wait3A_191 = tpu.memref_squeeze %dma_wait3A_190 : memref<1x128xi32, #tpu.memory_space<vmem>> -> memref<128xi32, #tpu.memory_space<vmem>>
        %dma_wait3A_192 = arith.constant 0 : i32
        %dma_wait3A_193 = arith.constant 0 : i32
        %dma_wait3A_194 = tpu.memref_slice %arg2[%dma_wait3A_192, %dma_wait3A_193] : memref<10000x64xbf16, #tpu.memory_space<hbm>> -> memref<10000x64xbf16, #tpu.memory_space<hbm>>
        tpu.wait_indirect_dma semaphore(%arg12 : memref<!tpu.dma_semaphore, #tpu.memory_space<semaphore_mem>>) src(%dma_wait3A_194 : memref<10000x64xbf16, #tpu.memory_space<hbm>>) dst(%dma_wait3A_188 : memref<128x64xbf16, #tpu.memory_space<vmem>>)
        %dma_start3A_195 = arith.constant 9 : i32
        %dma_start3A_196 = arith.constant 128 : i32
        %dma_start3A_197 = arith.constant 0 : i32
        %dma_start3A_198 = tpu.memref_slice %arg10[%dma_start3A_196, %dma_start3A_197] : memref<1024x64xbf16, #tpu.memory_space<vmem>> -> memref<128x64xbf16, #tpu.memory_space<vmem>>
        %dma_start3A_199 = arith.constant 0 : i32
        %dma_start3A_200 = tpu.memref_slice %arg9[%dma_start3A_195, %dma_start3A_199] : memref<16x128xi32, #tpu.memory_space<vmem>> -> memref<1x128xi32, #tpu.memory_space<vmem>>
        %dma_start3A_201 = tpu.memref_squeeze %dma_start3A_200 : memref<1x128xi32, #tpu.memory_space<vmem>> -> memref<128xi32, #tpu.memory_space<vmem>>
        %dma_start3A_202 = arith.constant 0 : i32
        %dma_start3A_203 = arith.constant 0 : i32
        %dma_start3A_204 = tpu.memref_slice %arg8[%dma_start3A_202, %dma_start3A_203] : memref<40960x64xbf16, #tpu.memory_space<vmem_shared>> -> memref<40960x64xbf16, #tpu.memory_space<vmem_shared>>
        tpu.enqueue_indirect_dma source(%dma_start3A_198 : memref<128x64xbf16, #tpu.memory_space<vmem>>) target(%dma_start3A_204 : memref<40960x64xbf16, #tpu.memory_space<vmem_shared>>) offsets(%dma_start3A_201 : memref<128xi32, #tpu.memory_space<vmem>>) semaphore(%arg13 : memref<!tpu.dma_semaphore, #tpu.memory_space<semaphore_mem>>) {add = true}
        %dma_wait3A_205 = arith.constant 2 : i32
        %dma_wait3A_206 = arith.constant 256 : i32
        %dma_wait3A_207 = arith.constant 0 : i32
        %dma_wait3A_208 = tpu.memref_slice %arg10[%dma_wait3A_206, %dma_wait3A_207] : memref<1024x64xbf16, #tpu.memory_space<vmem>> -> memref<128x64xbf16, #tpu.memory_space<vmem>>
        %dma_wait3A_209 = arith.constant 0 : i32
        %dma_wait3A_210 = tpu.memref_slice %arg9[%dma_wait3A_205, %dma_wait3A_209] : memref<16x128xi32, #tpu.memory_space<vmem>> -> memref<1x128xi32, #tpu.memory_space<vmem>>
        %dma_wait3A_211 = tpu.memref_squeeze %dma_wait3A_210 : memref<1x128xi32, #tpu.memory_space<vmem>> -> memref<128xi32, #tpu.memory_space<vmem>>
        %dma_wait3A_212 = arith.constant 0 : i32
        %dma_wait3A_213 = arith.constant 0 : i32
        %dma_wait3A_214 = tpu.memref_slice %arg2[%dma_wait3A_212, %dma_wait3A_213] : memref<10000x64xbf16, #tpu.memory_space<hbm>> -> memref<10000x64xbf16, #tpu.memory_space<hbm>>
        tpu.wait_indirect_dma semaphore(%arg12 : memref<!tpu.dma_semaphore, #tpu.memory_space<semaphore_mem>>) src(%dma_wait3A_214 : memref<10000x64xbf16, #tpu.memory_space<hbm>>) dst(%dma_wait3A_208 : memref<128x64xbf16, #tpu.memory_space<vmem>>)
        %dma_start3A_215 = arith.constant 10 : i32
        %dma_start3A_216 = arith.constant 256 : i32
        %dma_start3A_217 = arith.constant 0 : i32
        %dma_start3A_218 = tpu.memref_slice %arg10[%dma_start3A_216, %dma_start3A_217] : memref<1024x64xbf16, #tpu.memory_space<vmem>> -> memref<128x64xbf16, #tpu.memory_space<vmem>>
        %dma_start3A_219 = arith.constant 0 : i32
        %dma_start3A_220 = tpu.memref_slice %arg9[%dma_start3A_215, %dma_start3A_219] : memref<16x128xi32, #tpu.memory_space<vmem>> -> memref<1x128xi32, #tpu.memory_space<vmem>>
        %dma_start3A_221 = tpu.memref_squeeze %dma_start3A_220 : memref<1x128xi32, #tpu.memory_space<vmem>> -> memref<128xi32, #tpu.memory_space<vmem>>
        %dma_start3A_222 = arith.constant 0 : i32
        %dma_start3A_223 = arith.constant 0 : i32
        %dma_start3A_224 = tpu.memref_slice %arg8[%dma_start3A_222, %dma_start3A_223] : memref<40960x64xbf16, #tpu.memory_space<vmem_shared>> -> memref<40960x64xbf16, #tpu.memory_space<vmem_shared>>
        tpu.enqueue_indirect_dma source(%dma_start3A_218 : memref<128x64xbf16, #tpu.memory_space<vmem>>) target(%dma_start3A_224 : memref<40960x64xbf16, #tpu.memory_space<vmem_shared>>) offsets(%dma_start3A_221 : memref<128xi32, #tpu.memory_space<vmem>>) semaphore(%arg13 : memref<!tpu.dma_semaphore, #tpu.memory_space<semaphore_mem>>) {add = true}
        %dma_wait3A_225 = arith.constant 3 : i32
        %dma_wait3A_226 = arith.constant 384 : i32
        %dma_wait3A_227 = arith.constant 0 : i32
        %dma_wait3A_228 = tpu.memref_slice %arg10[%dma_wait3A_226, %dma_wait3A_227] : memref<1024x64xbf16, #tpu.memory_space<vmem>> -> memref<128x64xbf16, #tpu.memory_space<vmem>>
        %dma_wait3A_229 = arith.constant 0 : i32
        %dma_wait3A_230 = tpu.memref_slice %arg9[%dma_wait3A_225, %dma_wait3A_229] : memref<16x128xi32, #tpu.memory_space<vmem>> -> memref<1x128xi32, #tpu.memory_space<vmem>>
        %dma_wait3A_231 = tpu.memref_squeeze %dma_wait3A_230 : memref<1x128xi32, #tpu.memory_space<vmem>> -> memref<128xi32, #tpu.memory_space<vmem>>
        %dma_wait3A_232 = arith.constant 0 : i32
        %dma_wait3A_233 = arith.constant 0 : i32
        %dma_wait3A_234 = tpu.memref_slice %arg2[%dma_wait3A_232, %dma_wait3A_233] : memref<10000x64xbf16, #tpu.memory_space<hbm>> -> memref<10000x64xbf16, #tpu.memory_space<hbm>>
        tpu.wait_indirect_dma semaphore(%arg12 : memref<!tpu.dma_semaphore, #tpu.memory_space<semaphore_mem>>) src(%dma_wait3A_234 : memref<10000x64xbf16, #tpu.memory_space<hbm>>) dst(%dma_wait3A_228 : memref<128x64xbf16, #tpu.memory_space<vmem>>)
        %dma_start3A_235 = arith.constant 11 : i32
        %dma_start3A_236 = arith.constant 384 : i32
        %dma_start3A_237 = arith.constant 0 : i32
        %dma_start3A_238 = tpu.memref_slice %arg10[%dma_start3A_236, %dma_start3A_237] : memref<1024x64xbf16, #tpu.memory_space<vmem>> -> memref<128x64xbf16, #tpu.memory_space<vmem>>
        %dma_start3A_239 = arith.constant 0 : i32
        %dma_start3A_240 = tpu.memref_slice %arg9[%dma_start3A_235, %dma_start3A_239] : memref<16x128xi32, #tpu.memory_space<vmem>> -> memref<1x128xi32, #tpu.memory_space<vmem>>
        %dma_start3A_241 = tpu.memref_squeeze %dma_start3A_240 : memref<1x128xi32, #tpu.memory_space<vmem>> -> memref<128xi32, #tpu.memory_space<vmem>>
        %dma_start3A_242 = arith.constant 0 : i32
        %dma_start3A_243 = arith.constant 0 : i32
        %dma_start3A_244 = tpu.memref_slice %arg8[%dma_start3A_242, %dma_start3A_243] : memref<40960x64xbf16, #tpu.memory_space<vmem_shared>> -> memref<40960x64xbf16, #tpu.memory_space<vmem_shared>>
        tpu.enqueue_indirect_dma source(%dma_start3A_238 : memref<128x64xbf16, #tpu.memory_space<vmem>>) target(%dma_start3A_244 : memref<40960x64xbf16, #tpu.memory_space<vmem_shared>>) offsets(%dma_start3A_241 : memref<128xi32, #tpu.memory_space<vmem>>) semaphore(%arg13 : memref<!tpu.dma_semaphore, #tpu.memory_space<semaphore_mem>>) {add = true}
        %dma_wait3A_245 = arith.constant 4 : i32
        %dma_wait3A_246 = arith.constant 512 : i32
        %dma_wait3A_247 = arith.constant 0 : i32
        %dma_wait3A_248 = tpu.memref_slice %arg10[%dma_wait3A_246, %dma_wait3A_247] : memref<1024x64xbf16, #tpu.memory_space<vmem>> -> memref<128x64xbf16, #tpu.memory_space<vmem>>
        %dma_wait3A_249 = arith.constant 0 : i32
        %dma_wait3A_250 = tpu.memref_slice %arg9[%dma_wait3A_245, %dma_wait3A_249] : memref<16x128xi32, #tpu.memory_space<vmem>> -> memref<1x128xi32, #tpu.memory_space<vmem>>
        %dma_wait3A_251 = tpu.memref_squeeze %dma_wait3A_250 : memref<1x128xi32, #tpu.memory_space<vmem>> -> memref<128xi32, #tpu.memory_space<vmem>>
        %dma_wait3A_252 = arith.constant 0 : i32
        %dma_wait3A_253 = arith.constant 0 : i32
        %dma_wait3A_254 = tpu.memref_slice %arg2[%dma_wait3A_252, %dma_wait3A_253] : memref<10000x64xbf16, #tpu.memory_space<hbm>> -> memref<10000x64xbf16, #tpu.memory_space<hbm>>
        tpu.wait_indirect_dma semaphore(%arg12 : memref<!tpu.dma_semaphore, #tpu.memory_space<semaphore_mem>>) src(%dma_wait3A_254 : memref<10000x64xbf16, #tpu.memory_space<hbm>>) dst(%dma_wait3A_248 : memref<128x64xbf16, #tpu.memory_space<vmem>>)
        %dma_start3A_255 = arith.constant 12 : i32
        %dma_start3A_256 = arith.constant 512 : i32
        %dma_start3A_257 = arith.constant 0 : i32
        %dma_start3A_258 = tpu.memref_slice %arg10[%dma_start3A_256, %dma_start3A_257] : memref<1024x64xbf16, #tpu.memory_space<vmem>> -> memref<128x64xbf16, #tpu.memory_space<vmem>>
        %dma_start3A_259 = arith.constant 0 : i32
        %dma_start3A_260 = tpu.memref_slice %arg9[%dma_start3A_255, %dma_start3A_259] : memref<16x128xi32, #tpu.memory_space<vmem>> -> memref<1x128xi32, #tpu.memory_space<vmem>>
        %dma_start3A_261 = tpu.memref_squeeze %dma_start3A_260 : memref<1x128xi32, #tpu.memory_space<vmem>> -> memref<128xi32, #tpu.memory_space<vmem>>
        %dma_start3A_262 = arith.constant 0 : i32
        %dma_start3A_263 = arith.constant 0 : i32
        %dma_start3A_264 = tpu.memref_slice %arg8[%dma_start3A_262, %dma_start3A_263] : memref<40960x64xbf16, #tpu.memory_space<vmem_shared>> -> memref<40960x64xbf16, #tpu.memory_space<vmem_shared>>
        tpu.enqueue_indirect_dma source(%dma_start3A_258 : memref<128x64xbf16, #tpu.memory_space<vmem>>) target(%dma_start3A_264 : memref<40960x64xbf16, #tpu.memory_space<vmem_shared>>) offsets(%dma_start3A_261 : memref<128xi32, #tpu.memory_space<vmem>>) semaphore(%arg13 : memref<!tpu.dma_semaphore, #tpu.memory_space<semaphore_mem>>) {add = true}
        %dma_wait3A_265 = arith.constant 5 : i32
        %dma_wait3A_266 = arith.constant 640 : i32
        %dma_wait3A_267 = arith.constant 0 : i32
        %dma_wait3A_268 = tpu.memref_slice %arg10[%dma_wait3A_266, %dma_wait3A_267] : memref<1024x64xbf16, #tpu.memory_space<vmem>> -> memref<128x64xbf16, #tpu.memory_space<vmem>>
        %dma_wait3A_269 = arith.constant 0 : i32
        %dma_wait3A_270 = tpu.memref_slice %arg9[%dma_wait3A_265, %dma_wait3A_269] : memref<16x128xi32, #tpu.memory_space<vmem>> -> memref<1x128xi32, #tpu.memory_space<vmem>>
        %dma_wait3A_271 = tpu.memref_squeeze %dma_wait3A_270 : memref<1x128xi32, #tpu.memory_space<vmem>> -> memref<128xi32, #tpu.memory_space<vmem>>
        %dma_wait3A_272 = arith.constant 0 : i32
        %dma_wait3A_273 = arith.constant 0 : i32
        %dma_wait3A_274 = tpu.memref_slice %arg2[%dma_wait3A_272, %dma_wait3A_273] : memref<10000x64xbf16, #tpu.memory_space<hbm>> -> memref<10000x64xbf16, #tpu.memory_space<hbm>>
        tpu.wait_indirect_dma semaphore(%arg12 : memref<!tpu.dma_semaphore, #tpu.memory_space<semaphore_mem>>) src(%dma_wait3A_274 : memref<10000x64xbf16, #tpu.memory_space<hbm>>) dst(%dma_wait3A_268 : memref<128x64xbf16, #tpu.memory_space<vmem>>)
        %dma_start3A_275 = arith.constant 13 : i32
        %dma_start3A_276 = arith.constant 640 : i32
        %dma_start3A_277 = arith.constant 0 : i32
        %dma_start3A_278 = tpu.memref_slice %arg10[%dma_start3A_276, %dma_start3A_277] : memref<1024x64xbf16, #tpu.memory_space<vmem>> -> memref<128x64xbf16, #tpu.memory_space<vmem>>
        %dma_start3A_279 = arith.constant 0 : i32
        %dma_start3A_280 = tpu.memref_slice %arg9[%dma_start3A_275, %dma_start3A_279] : memref<16x128xi32, #tpu.memory_space<vmem>> -> memref<1x128xi32, #tpu.memory_space<vmem>>
        %dma_start3A_281 = tpu.memref_squeeze %dma_start3A_280 : memref<1x128xi32, #tpu.memory_space<vmem>> -> memref<128xi32, #tpu.memory_space<vmem>>
        %dma_start3A_282 = arith.constant 0 : i32
        %dma_start3A_283 = arith.constant 0 : i32
        %dma_start3A_284 = tpu.memref_slice %arg8[%dma_start3A_282, %dma_start3A_283] : memref<40960x64xbf16, #tpu.memory_space<vmem_shared>> -> memref<40960x64xbf16, #tpu.memory_space<vmem_shared>>
        tpu.enqueue_indirect_dma source(%dma_start3A_278 : memref<128x64xbf16, #tpu.memory_space<vmem>>) target(%dma_start3A_284 : memref<40960x64xbf16, #tpu.memory_space<vmem_shared>>) offsets(%dma_start3A_281 : memref<128xi32, #tpu.memory_space<vmem>>) semaphore(%arg13 : memref<!tpu.dma_semaphore, #tpu.memory_space<semaphore_mem>>) {add = true}
        %dma_wait3A_285 = arith.constant 6 : i32
        %dma_wait3A_286 = arith.constant 768 : i32
        %dma_wait3A_287 = arith.constant 0 : i32
        %dma_wait3A_288 = tpu.memref_slice %arg10[%dma_wait3A_286, %dma_wait3A_287] : memref<1024x64xbf16, #tpu.memory_space<vmem>> -> memref<128x64xbf16, #tpu.memory_space<vmem>>
        %dma_wait3A_289 = arith.constant 0 : i32
        %dma_wait3A_290 = tpu.memref_slice %arg9[%dma_wait3A_285, %dma_wait3A_289] : memref<16x128xi32, #tpu.memory_space<vmem>> -> memref<1x128xi32, #tpu.memory_space<vmem>>
        %dma_wait3A_291 = tpu.memref_squeeze %dma_wait3A_290 : memref<1x128xi32, #tpu.memory_space<vmem>> -> memref<128xi32, #tpu.memory_space<vmem>>
        %dma_wait3A_292 = arith.constant 0 : i32
        %dma_wait3A_293 = arith.constant 0 : i32
        %dma_wait3A_294 = tpu.memref_slice %arg2[%dma_wait3A_292, %dma_wait3A_293] : memref<10000x64xbf16, #tpu.memory_space<hbm>> -> memref<10000x64xbf16, #tpu.memory_space<hbm>>
        tpu.wait_indirect_dma semaphore(%arg12 : memref<!tpu.dma_semaphore, #tpu.memory_space<semaphore_mem>>) src(%dma_wait3A_294 : memref<10000x64xbf16, #tpu.memory_space<hbm>>) dst(%dma_wait3A_288 : memref<128x64xbf16, #tpu.memory_space<vmem>>)
        %dma_start3A_295 = arith.constant 14 : i32
        %dma_start3A_296 = arith.constant 768 : i32
        %dma_start3A_297 = arith.constant 0 : i32
        %dma_start3A_298 = tpu.memref_slice %arg10[%dma_start3A_296, %dma_start3A_297] : memref<1024x64xbf16, #tpu.memory_space<vmem>> -> memref<128x64xbf16, #tpu.memory_space<vmem>>
        %dma_start3A_299 = arith.constant 0 : i32
        %dma_start3A_300 = tpu.memref_slice %arg9[%dma_start3A_295, %dma_start3A_299] : memref<16x128xi32, #tpu.memory_space<vmem>> -> memref<1x128xi32, #tpu.memory_space<vmem>>
        %dma_start3A_301 = tpu.memref_squeeze %dma_start3A_300 : memref<1x128xi32, #tpu.memory_space<vmem>> -> memref<128xi32, #tpu.memory_space<vmem>>
        %dma_start3A_302 = arith.constant 0 : i32
        %dma_start3A_303 = arith.constant 0 : i32
        %dma_start3A_304 = tpu.memref_slice %arg8[%dma_start3A_302, %dma_start3A_303] : memref<40960x64xbf16, #tpu.memory_space<vmem_shared>> -> memref<40960x64xbf16, #tpu.memory_space<vmem_shared>>
        tpu.enqueue_indirect_dma source(%dma_start3A_298 : memref<128x64xbf16, #tpu.memory_space<vmem>>) target(%dma_start3A_304 : memref<40960x64xbf16, #tpu.memory_space<vmem_shared>>) offsets(%dma_start3A_301 : memref<128xi32, #tpu.memory_space<vmem>>) semaphore(%arg13 : memref<!tpu.dma_semaphore, #tpu.memory_space<semaphore_mem>>) {add = true}
        %dma_wait3A_305 = arith.constant 7 : i32
        %dma_wait3A_306 = arith.constant 896 : i32
        %dma_wait3A_307 = arith.constant 0 : i32
        %dma_wait3A_308 = tpu.memref_slice %arg10[%dma_wait3A_306, %dma_wait3A_307] : memref<1024x64xbf16, #tpu.memory_space<vmem>> -> memref<128x64xbf16, #tpu.memory_space<vmem>>
        %dma_wait3A_309 = arith.constant 0 : i32
        %dma_wait3A_310 = tpu.memref_slice %arg9[%dma_wait3A_305, %dma_wait3A_309] : memref<16x128xi32, #tpu.memory_space<vmem>> -> memref<1x128xi32, #tpu.memory_space<vmem>>
        %dma_wait3A_311 = tpu.memref_squeeze %dma_wait3A_310 : memref<1x128xi32, #tpu.memory_space<vmem>> -> memref<128xi32, #tpu.memory_space<vmem>>
        %dma_wait3A_312 = arith.constant 0 : i32
        %dma_wait3A_313 = arith.constant 0 : i32
        %dma_wait3A_314 = tpu.memref_slice %arg2[%dma_wait3A_312, %dma_wait3A_313] : memref<10000x64xbf16, #tpu.memory_space<hbm>> -> memref<10000x64xbf16, #tpu.memory_space<hbm>>
        tpu.wait_indirect_dma semaphore(%arg12 : memref<!tpu.dma_semaphore, #tpu.memory_space<semaphore_mem>>) src(%dma_wait3A_314 : memref<10000x64xbf16, #tpu.memory_space<hbm>>) dst(%dma_wait3A_308 : memref<128x64xbf16, #tpu.memory_space<vmem>>)
        %dma_start3A_315 = arith.constant 15 : i32
        %dma_start3A_316 = arith.constant 896 : i32
        %dma_start3A_317 = arith.constant 0 : i32
        %dma_start3A_318 = tpu.memref_slice %arg10[%dma_start3A_316, %dma_start3A_317] : memref<1024x64xbf16, #tpu.memory_space<vmem>> -> memref<128x64xbf16, #tpu.memory_space<vmem>>
        %dma_start3A_319 = arith.constant 0 : i32
        %dma_start3A_320 = tpu.memref_slice %arg9[%dma_start3A_315, %dma_start3A_319] : memref<16x128xi32, #tpu.memory_space<vmem>> -> memref<1x128xi32, #tpu.memory_space<vmem>>
        %dma_start3A_321 = tpu.memref_squeeze %dma_start3A_320 : memref<1x128xi32, #tpu.memory_space<vmem>> -> memref<128xi32, #tpu.memory_space<vmem>>
        %dma_start3A_322 = arith.constant 0 : i32
        %dma_start3A_323 = arith.constant 0 : i32
        %dma_start3A_324 = tpu.memref_slice %arg8[%dma_start3A_322, %dma_start3A_323] : memref<40960x64xbf16, #tpu.memory_space<vmem_shared>> -> memref<40960x64xbf16, #tpu.memory_space<vmem_shared>>
        tpu.enqueue_indirect_dma source(%dma_start3A_318 : memref<128x64xbf16, #tpu.memory_space<vmem>>) target(%dma_start3A_324 : memref<40960x64xbf16, #tpu.memory_space<vmem_shared>>) offsets(%dma_start3A_321 : memref<128xi32, #tpu.memory_space<vmem>>) semaphore(%arg13 : memref<!tpu.dma_semaphore, #tpu.memory_space<semaphore_mem>>) {add = true}
        %dma_wait3A_325 = arith.constant 8 : i32
        %dma_wait3A_326 = arith.constant 0 : i32
        %dma_wait3A_327 = arith.constant 0 : i32
        %dma_wait3A_328 = tpu.memref_slice %arg10[%dma_wait3A_326, %dma_wait3A_327] : memref<1024x64xbf16, #tpu.memory_space<vmem>> -> memref<128x64xbf16, #tpu.memory_space<vmem>>
        %dma_wait3A_329 = arith.constant 0 : i32
        %dma_wait3A_330 = tpu.memref_slice %arg9[%dma_wait3A_325, %dma_wait3A_329] : memref<16x128xi32, #tpu.memory_space<vmem>> -> memref<1x128xi32, #tpu.memory_space<vmem>>
        %dma_wait3A_331 = tpu.memref_squeeze %dma_wait3A_330 : memref<1x128xi32, #tpu.memory_space<vmem>> -> memref<128xi32, #tpu.memory_space<vmem>>
        %dma_wait3A_332 = arith.constant 0 : i32
        %dma_wait3A_333 = arith.constant 0 : i32
        %dma_wait3A_334 = tpu.memref_slice %arg8[%dma_wait3A_332, %dma_wait3A_333] : memref<40960x64xbf16, #tpu.memory_space<vmem_shared>> -> memref<40960x64xbf16, #tpu.memory_space<vmem_shared>>
        tpu.wait_indirect_dma semaphore(%arg13 : memref<!tpu.dma_semaphore, #tpu.memory_space<semaphore_mem>>) src(%dma_wait3A_328 : memref<128x64xbf16, #tpu.memory_space<vmem>>) dst(%dma_wait3A_334 : memref<40960x64xbf16, #tpu.memory_space<vmem_shared>>)
        %dma_wait3A_335 = arith.constant 9 : i32
        %dma_wait3A_336 = arith.constant 128 : i32
        %dma_wait3A_337 = arith.constant 0 : i32
        %dma_wait3A_338 = tpu.memref_slice %arg10[%dma_wait3A_336, %dma_wait3A_337] : memref<1024x64xbf16, #tpu.memory_space<vmem>> -> memref<128x64xbf16, #tpu.memory_space<vmem>>
        %dma_wait3A_339 = arith.constant 0 : i32
        %dma_wait3A_340 = tpu.memref_slice %arg9[%dma_wait3A_335, %dma_wait3A_339] : memref<16x128xi32, #tpu.memory_space<vmem>> -> memref<1x128xi32, #tpu.memory_space<vmem>>
        %dma_wait3A_341 = tpu.memref_squeeze %dma_wait3A_340 : memref<1x128xi32, #tpu.memory_space<vmem>> -> memref<128xi32, #tpu.memory_space<vmem>>
        %dma_wait3A_342 = arith.constant 0 : i32
        %dma_wait3A_343 = arith.constant 0 : i32
        %dma_wait3A_344 = tpu.memref_slice %arg8[%dma_wait3A_342, %dma_wait3A_343] : memref<40960x64xbf16, #tpu.memory_space<vmem_shared>> -> memref<40960x64xbf16, #tpu.memory_space<vmem_shared>>
        tpu.wait_indirect_dma semaphore(%arg13 : memref<!tpu.dma_semaphore, #tpu.memory_space<semaphore_mem>>) src(%dma_wait3A_338 : memref<128x64xbf16, #tpu.memory_space<vmem>>) dst(%dma_wait3A_344 : memref<40960x64xbf16, #tpu.memory_space<vmem_shared>>)
        %dma_wait3A_345 = arith.constant 10 : i32
        %dma_wait3A_346 = arith.constant 256 : i32
        %dma_wait3A_347 = arith.constant 0 : i32
        %dma_wait3A_348 = tpu.memref_slice %arg10[%dma_wait3A_346, %dma_wait3A_347] : memref<1024x64xbf16, #tpu.memory_space<vmem>> -> memref<128x64xbf16, #tpu.memory_space<vmem>>
        %dma_wait3A_349 = arith.constant 0 : i32
        %dma_wait3A_350 = tpu.memref_slice %arg9[%dma_wait3A_345, %dma_wait3A_349] : memref<16x128xi32, #tpu.memory_space<vmem>> -> memref<1x128xi32, #tpu.memory_space<vmem>>
        %dma_wait3A_351 = tpu.memref_squeeze %dma_wait3A_350 : memref<1x128xi32, #tpu.memory_space<vmem>> -> memref<128xi32, #tpu.memory_space<vmem>>
        %dma_wait3A_352 = arith.constant 0 : i32
        %dma_wait3A_353 = arith.constant 0 : i32
        %dma_wait3A_354 = tpu.memref_slice %arg8[%dma_wait3A_352, %dma_wait3A_353] : memref<40960x64xbf16, #tpu.memory_space<vmem_shared>> -> memref<40960x64xbf16, #tpu.memory_space<vmem_shared>>
        tpu.wait_indirect_dma semaphore(%arg13 : memref<!tpu.dma_semaphore, #tpu.memory_space<semaphore_mem>>) src(%dma_wait3A_348 : memref<128x64xbf16, #tpu.memory_space<vmem>>) dst(%dma_wait3A_354 : memref<40960x64xbf16, #tpu.memory_space<vmem_shared>>)
        %dma_wait3A_355 = arith.constant 11 : i32
        %dma_wait3A_356 = arith.constant 384 : i32
        %dma_wait3A_357 = arith.constant 0 : i32
        %dma_wait3A_358 = tpu.memref_slice %arg10[%dma_wait3A_356, %dma_wait3A_357] : memref<1024x64xbf16, #tpu.memory_space<vmem>> -> memref<128x64xbf16, #tpu.memory_space<vmem>>
        %dma_wait3A_359 = arith.constant 0 : i32
        %dma_wait3A_360 = tpu.memref_slice %arg9[%dma_wait3A_355, %dma_wait3A_359] : memref<16x128xi32, #tpu.memory_space<vmem>> -> memref<1x128xi32, #tpu.memory_space<vmem>>
        %dma_wait3A_361 = tpu.memref_squeeze %dma_wait3A_360 : memref<1x128xi32, #tpu.memory_space<vmem>> -> memref<128xi32, #tpu.memory_space<vmem>>
        %dma_wait3A_362 = arith.constant 0 : i32
        %dma_wait3A_363 = arith.constant 0 : i32
        %dma_wait3A_364 = tpu.memref_slice %arg8[%dma_wait3A_362, %dma_wait3A_363] : memref<40960x64xbf16, #tpu.memory_space<vmem_shared>> -> memref<40960x64xbf16, #tpu.memory_space<vmem_shared>>
        tpu.wait_indirect_dma semaphore(%arg13 : memref<!tpu.dma_semaphore, #tpu.memory_space<semaphore_mem>>) src(%dma_wait3A_358 : memref<128x64xbf16, #tpu.memory_space<vmem>>) dst(%dma_wait3A_364 : memref<40960x64xbf16, #tpu.memory_space<vmem_shared>>)
        %dma_wait3A_365 = arith.constant 12 : i32
        %dma_wait3A_366 = arith.constant 512 : i32
        %dma_wait3A_367 = arith.constant 0 : i32
        %dma_wait3A_368 = tpu.memref_slice %arg10[%dma_wait3A_366, %dma_wait3A_367] : memref<1024x64xbf16, #tpu.memory_space<vmem>> -> memref<128x64xbf16, #tpu.memory_space<vmem>>
        %dma_wait3A_369 = arith.constant 0 : i32
        %dma_wait3A_370 = tpu.memref_slice %arg9[%dma_wait3A_365, %dma_wait3A_369] : memref<16x128xi32, #tpu.memory_space<vmem>> -> memref<1x128xi32, #tpu.memory_space<vmem>>
        %dma_wait3A_371 = tpu.memref_squeeze %dma_wait3A_370 : memref<1x128xi32, #tpu.memory_space<vmem>> -> memref<128xi32, #tpu.memory_space<vmem>>
        %dma_wait3A_372 = arith.constant 0 : i32
        %dma_wait3A_373 = arith.constant 0 : i32
        %dma_wait3A_374 = tpu.memref_slice %arg8[%dma_wait3A_372, %dma_wait3A_373] : memref<40960x64xbf16, #tpu.memory_space<vmem_shared>> -> memref<40960x64xbf16, #tpu.memory_space<vmem_shared>>
        tpu.wait_indirect_dma semaphore(%arg13 : memref<!tpu.dma_semaphore, #tpu.memory_space<semaphore_mem>>) src(%dma_wait3A_368 : memref<128x64xbf16, #tpu.memory_space<vmem>>) dst(%dma_wait3A_374 : memref<40960x64xbf16, #tpu.memory_space<vmem_shared>>)
        %dma_wait3A_375 = arith.constant 13 : i32
        %dma_wait3A_376 = arith.constant 640 : i32
        %dma_wait3A_377 = arith.constant 0 : i32
        %dma_wait3A_378 = tpu.memref_slice %arg10[%dma_wait3A_376, %dma_wait3A_377] : memref<1024x64xbf16, #tpu.memory_space<vmem>> -> memref<128x64xbf16, #tpu.memory_space<vmem>>
        %dma_wait3A_379 = arith.constant 0 : i32
        %dma_wait3A_380 = tpu.memref_slice %arg9[%dma_wait3A_375, %dma_wait3A_379] : memref<16x128xi32, #tpu.memory_space<vmem>> -> memref<1x128xi32, #tpu.memory_space<vmem>>
        %dma_wait3A_381 = tpu.memref_squeeze %dma_wait3A_380 : memref<1x128xi32, #tpu.memory_space<vmem>> -> memref<128xi32, #tpu.memory_space<vmem>>
        %dma_wait3A_382 = arith.constant 0 : i32
        %dma_wait3A_383 = arith.constant 0 : i32
        %dma_wait3A_384 = tpu.memref_slice %arg8[%dma_wait3A_382, %dma_wait3A_383] : memref<40960x64xbf16, #tpu.memory_space<vmem_shared>> -> memref<40960x64xbf16, #tpu.memory_space<vmem_shared>>
        tpu.wait_indirect_dma semaphore(%arg13 : memref<!tpu.dma_semaphore, #tpu.memory_space<semaphore_mem>>) src(%dma_wait3A_378 : memref<128x64xbf16, #tpu.memory_space<vmem>>) dst(%dma_wait3A_384 : memref<40960x64xbf16, #tpu.memory_space<vmem_shared>>)
        %dma_wait3A_385 = arith.constant 14 : i32
        %dma_wait3A_386 = arith.constant 768 : i32
        %dma_wait3A_387 = arith.constant 0 : i32
        %dma_wait3A_388 = tpu.memref_slice %arg10[%dma_wait3A_386, %dma_wait3A_387] : memref<1024x64xbf16, #tpu.memory_space<vmem>> -> memref<128x64xbf16, #tpu.memory_space<vmem>>
        %dma_wait3A_389 = arith.constant 0 : i32
        %dma_wait3A_390 = tpu.memref_slice %arg9[%dma_wait3A_385, %dma_wait3A_389] : memref<16x128xi32, #tpu.memory_space<vmem>> -> memref<1x128xi32, #tpu.memory_space<vmem>>
        %dma_wait3A_391 = tpu.memref_squeeze %dma_wait3A_390 : memref<1x128xi32, #tpu.memory_space<vmem>> -> memref<128xi32, #tpu.memory_space<vmem>>
        %dma_wait3A_392 = arith.constant 0 : i32
        %dma_wait3A_393 = arith.constant 0 : i32
        %dma_wait3A_394 = tpu.memref_slice %arg8[%dma_wait3A_392, %dma_wait3A_393] : memref<40960x64xbf16, #tpu.memory_space<vmem_shared>> -> memref<40960x64xbf16, #tpu.memory_space<vmem_shared>>
        tpu.wait_indirect_dma semaphore(%arg13 : memref<!tpu.dma_semaphore, #tpu.memory_space<semaphore_mem>>) src(%dma_wait3A_388 : memref<128x64xbf16, #tpu.memory_space<vmem>>) dst(%dma_wait3A_394 : memref<40960x64xbf16, #tpu.memory_space<vmem_shared>>)
        %dma_wait3A_395 = arith.constant 15 : i32
        %dma_wait3A_396 = arith.constant 896 : i32
        %dma_wait3A_397 = arith.constant 0 : i32
        %dma_wait3A_398 = tpu.memref_slice %arg10[%dma_wait3A_396, %dma_wait3A_397] : memref<1024x64xbf16, #tpu.memory_space<vmem>> -> memref<128x64xbf16, #tpu.memory_space<vmem>>
        %dma_wait3A_399 = arith.constant 0 : i32
        %dma_wait3A_400 = tpu.memref_slice %arg9[%dma_wait3A_395, %dma_wait3A_399] : memref<16x128xi32, #tpu.memory_space<vmem>> -> memref<1x128xi32, #tpu.memory_space<vmem>>
        %dma_wait3A_401 = tpu.memref_squeeze %dma_wait3A_400 : memref<1x128xi32, #tpu.memory_space<vmem>> -> memref<128xi32, #tpu.memory_space<vmem>>
        %dma_wait3A_402 = arith.constant 0 : i32
        %dma_wait3A_403 = arith.constant 0 : i32
        %dma_wait3A_404 = tpu.memref_slice %arg8[%dma_wait3A_402, %dma_wait3A_403] : memref<40960x64xbf16, #tpu.memory_space<vmem_shared>> -> memref<40960x64xbf16, #tpu.memory_space<vmem_shared>>
        tpu.wait_indirect_dma semaphore(%arg13 : memref<!tpu.dma_semaphore, #tpu.memory_space<semaphore_mem>>) src(%dma_wait3A_398 : memref<128x64xbf16, #tpu.memory_space<vmem>>) dst(%dma_wait3A_404 : memref<40960x64xbf16, #tpu.memory_space<vmem_shared>>)
      }
      %scan3A_73 = arith.constant 20 : i32
      %barrier3A_74 = arith.constant 0 : index
      tpu.barrier barrier_id(%barrier3A_74)
      %mul3A_75 = arith.constant 2504 : i32
      %mul3A_76 = arith.muli %arg1, %mul3A_75 : i32
      %mul3A_77 = arith.constant 2504 : i32
      %mul3A_78 = arith.muli %arg1, %mul3A_77 : i32
      "tpu.region"() ({
        %run_scoped3A = tpu.sem_alloc : memref<!tpu.dma_semaphore, #tpu.memory_space<semaphore_mem>>
        %dma_start3A = arith.constant 0 : i32
        %dma_start3A_79 = tpu.memref_slice %arg6[%mul3A_78, %dma_start3A] : memref<40064x64xbf16, #tpu.memory_space<hbm>> -> memref<2504x64xbf16, #tpu.memory_space<hbm>>
        %dma_start3A_80 = arith.constant 0 : i32
        %dma_start3A_81 = tpu.memref_slice %arg8[%mul3A_76, %dma_start3A_80] : memref<40960x64xbf16, #tpu.memory_space<vmem_shared>> -> memref<2504x64xbf16, #tpu.memory_space<vmem_shared>>
        tpu.enqueue_dma source(%dma_start3A_81 : memref<2504x64xbf16, #tpu.memory_space<vmem_shared>>) target(%dma_start3A_79 : memref<2504x64xbf16, #tpu.memory_space<hbm>>) target_semaphore(%run_scoped3A : memref<!tpu.dma_semaphore, #tpu.memory_space<semaphore_mem>>)
        %dma_wait3A = arith.constant 0 : i32
        %dma_wait3A_82 = tpu.memref_slice %arg6[%mul3A_78, %dma_wait3A] : memref<40064x64xbf16, #tpu.memory_space<hbm>> -> memref<2504x64xbf16, #tpu.memory_space<hbm>>
        %dma_wait3A_83 = arith.constant 0 : i32
        %dma_wait3A_84 = tpu.memref_slice %arg8[%mul3A_76, %dma_wait3A_83] : memref<40960x64xbf16, #tpu.memory_space<vmem_shared>> -> memref<2504x64xbf16, #tpu.memory_space<vmem_shared>>
        tpu.wait_dma2 semaphore(%run_scoped3A : memref<!tpu.dma_semaphore, #tpu.memory_space<semaphore_mem>>) src(%dma_wait3A_84 : memref<2504x64xbf16, #tpu.memory_space<vmem_shared>>) dst(%dma_wait3A_82 : memref<2504x64xbf16, #tpu.memory_space<hbm>>)
        tpu.yield
      }) : () -> ()
    } else {
    }
    %eq3A_2 = arith.constant 1 : i32
    %eq3A_3 = arith.cmpi eq, %arg0, %eq3A_2 : i32
    %convert_element_type3A_4 = arith.extui %eq3A_3 : i1 to i32
    %cond3A_5 = arith.constant 0 : i32
    %cond3A_6 = arith.cmpi ne, %convert_element_type3A_4, %cond3A_5 : i32
    scf.if %cond3A_6 {
      %mul3A = arith.constant 2560 : i32
      %mul3A_7 = arith.muli %arg1, %mul3A : i32
      %add3A = arith.constant 0 : i32
      %add3A_8 = arith.addi %mul3A_7, %add3A : i32
      "tpu.region"() ({
        %run_scoped3A = tpu.sem_alloc : memref<!tpu.dma_semaphore, #tpu.memory_space<semaphore_mem>>
        %dma_start3A = arith.constant 0 : i32
        %dma_start3A_79 = tpu.memref_slice %arg8[%add3A_8, %dma_start3A] : memref<40960x64xbf16, #tpu.memory_space<vmem_shared>> -> memref<160x64xbf16, #tpu.memory_space<vmem_shared>>
        %dma_start3A_80 = arith.constant 0 : i32
        %dma_start3A_81 = tpu.memref_slice %arg8[%add3A_8, %dma_start3A_80] : memref<40960x64xbf16, #tpu.memory_space<vmem_shared>> -> memref<160x64xbf16, #tpu.memory_space<vmem_shared>>
        tpu.enqueue_dma source(%arg11 : memref<160x64xbf16, #tpu.memory_space<vmem>>) target(%dma_start3A_81 : memref<160x64xbf16, #tpu.memory_space<vmem_shared>>) target_semaphore(%run_scoped3A : memref<!tpu.dma_semaphore, #tpu.memory_space<semaphore_mem>>)
        %dma_wait3A = arith.constant 0 : i32
        %dma_wait3A_82 = tpu.memref_slice %arg8[%add3A_8, %dma_wait3A] : memref<40960x64xbf16, #tpu.memory_space<vmem_shared>> -> memref<160x64xbf16, #tpu.memory_space<vmem_shared>>
        %dma_wait3A_83 = arith.constant 0 : i32
        %dma_wait3A_84 = tpu.memref_slice %arg8[%add3A_8, %dma_wait3A_83] : memref<40960x64xbf16, #tpu.memory_space<vmem_shared>> -> memref<160x64xbf16, #tpu.memory_space<vmem_shared>>
        tpu.wait_dma2 semaphore(%run_scoped3A : memref<!tpu.dma_semaphore, #tpu.memory_space<semaphore_mem>>) src(%arg11 : memref<160x64xbf16, #tpu.memory_space<vmem>>) dst(%dma_wait3A_84 : memref<160x64xbf16, #tpu.memory_space<vmem_shared>>)
        tpu.yield
      }) : () -> ()
      %mul3A_9 = arith.constant 2560 : i32
      %mul3A_10 = arith.muli %arg1, %mul3A_9 : i32
      %add3A_11 = arith.constant 160 : i32
      %add3A_12 = arith.addi %mul3A_10, %add3A_11 : i32
      "tpu.region"() ({
        %run_scoped3A = tpu.sem_alloc : memref<!tpu.dma_semaphore, #tpu.memory_space<semaphore_mem>>
        %dma_start3A = arith.constant 0 : i32
        %dma_start3A_79 = tpu.memref_slice %arg8[%add3A_12, %dma_start3A] : memref<40960x64xbf16, #tpu.memory_space<vmem_shared>> -> memref<160x64xbf16, #tpu.memory_space<vmem_shared>>
        %dma_start3A_80 = arith.constant 0 : i32
        %dma_start3A_81 = tpu.memref_slice %arg8[%add3A_12, %dma_start3A_80] : memref<40960x64xbf16, #tpu.memory_space<vmem_shared>> -> memref<160x64xbf16, #tpu.memory_space<vmem_shared>>
        tpu.enqueue_dma source(%arg11 : memref<160x64xbf16, #tpu.memory_space<vmem>>) target(%dma_start3A_81 : memref<160x64xbf16, #tpu.memory_space<vmem_shared>>) target_semaphore(%run_scoped3A : memref<!tpu.dma_semaphore, #tpu.memory_space<semaphore_mem>>)
        %dma_wait3A = arith.constant 0 : i32
        %dma_wait3A_82 = tpu.memref_slice %arg8[%add3A_12, %dma_wait3A] : memref<40960x64xbf16, #tpu.memory_space<vmem_shared>> -> memref<160x64xbf16, #tpu.memory_space<vmem_shared>>
        %dma_wait3A_83 = arith.constant 0 : i32
        %dma_wait3A_84 = tpu.memref_slice %arg8[%add3A_12, %dma_wait3A_83] : memref<40960x64xbf16, #tpu.memory_space<vmem_shared>> -> memref<160x64xbf16, #tpu.memory_space<vmem_shared>>
        tpu.wait_dma2 semaphore(%run_scoped3A : memref<!tpu.dma_semaphore, #tpu.memory_space<semaphore_mem>>) src(%arg11 : memref<160x64xbf16, #tpu.memory_space<vmem>>) dst(%dma_wait3A_84 : memref<160x64xbf16, #tpu.memory_space<vmem_shared>>)
        tpu.yield
      }) : () -> ()
      %mul3A_13 = arith.constant 2560 : i32
      %mul3A_14 = arith.muli %arg1, %mul3A_13 : i32
      %add3A_15 = arith.constant 320 : i32
      %add3A_16 = arith.addi %mul3A_14, %add3A_15 : i32
      "tpu.region"() ({
        %run_scoped3A = tpu.sem_alloc : memref<!tpu.dma_semaphore, #tpu.memory_space<semaphore_mem>>
        %dma_start3A = arith.constant 0 : i32
        %dma_start3A_79 = tpu.memref_slice %arg8[%add3A_16, %dma_start3A] : memref<40960x64xbf16, #tpu.memory_space<vmem_shared>> -> memref<160x64xbf16, #tpu.memory_space<vmem_shared>>
        %dma_start3A_80 = arith.constant 0 : i32
        %dma_start3A_81 = tpu.memref_slice %arg8[%add3A_16, %dma_start3A_80] : memref<40960x64xbf16, #tpu.memory_space<vmem_shared>> -> memref<160x64xbf16, #tpu.memory_space<vmem_shared>>
        tpu.enqueue_dma source(%arg11 : memref<160x64xbf16, #tpu.memory_space<vmem>>) target(%dma_start3A_81 : memref<160x64xbf16, #tpu.memory_space<vmem_shared>>) target_semaphore(%run_scoped3A : memref<!tpu.dma_semaphore, #tpu.memory_space<semaphore_mem>>)
        %dma_wait3A = arith.constant 0 : i32
        %dma_wait3A_82 = tpu.memref_slice %arg8[%add3A_16, %dma_wait3A] : memref<40960x64xbf16, #tpu.memory_space<vmem_shared>> -> memref<160x64xbf16, #tpu.memory_space<vmem_shared>>
        %dma_wait3A_83 = arith.constant 0 : i32
        %dma_wait3A_84 = tpu.memref_slice %arg8[%add3A_16, %dma_wait3A_83] : memref<40960x64xbf16, #tpu.memory_space<vmem_shared>> -> memref<160x64xbf16, #tpu.memory_space<vmem_shared>>
        tpu.wait_dma2 semaphore(%run_scoped3A : memref<!tpu.dma_semaphore, #tpu.memory_space<semaphore_mem>>) src(%arg11 : memref<160x64xbf16, #tpu.memory_space<vmem>>) dst(%dma_wait3A_84 : memref<160x64xbf16, #tpu.memory_space<vmem_shared>>)
        tpu.yield
      }) : () -> ()
      %mul3A_17 = arith.constant 2560 : i32
      %mul3A_18 = arith.muli %arg1, %mul3A_17 : i32
      %add3A_19 = arith.constant 480 : i32
      %add3A_20 = arith.addi %mul3A_18, %add3A_19 : i32
      "tpu.region"() ({
        %run_scoped3A = tpu.sem_alloc : memref<!tpu.dma_semaphore, #tpu.memory_space<semaphore_mem>>
        %dma_start3A = arith.constant 0 : i32
        %dma_start3A_79 = tpu.memref_slice %arg8[%add3A_20, %dma_start3A] : memref<40960x64xbf16, #tpu.memory_space<vmem_shared>> -> memref<160x64xbf16, #tpu.memory_space<vmem_shared>>
        %dma_start3A_80 = arith.constant 0 : i32
        %dma_start3A_81 = tpu.memref_slice %arg8[%add3A_20, %dma_start3A_80] : memref<40960x64xbf16, #tpu.memory_space<vmem_shared>> -> memref<160x64xbf16, #tpu.memory_space<vmem_shared>>
        tpu.enqueue_dma source(%arg11 : memref<160x64xbf16, #tpu.memory_space<vmem>>) target(%dma_start3A_81 : memref<160x64xbf16, #tpu.memory_space<vmem_shared>>) target_semaphore(%run_scoped3A : memref<!tpu.dma_semaphore, #tpu.memory_space<semaphore_mem>>)
        %dma_wait3A = arith.constant 0 : i32
        %dma_wait3A_82 = tpu.memref_slice %arg8[%add3A_20, %dma_wait3A] : memref<40960x64xbf16, #tpu.memory_space<vmem_shared>> -> memref<160x64xbf16, #tpu.memory_space<vmem_shared>>
        %dma_wait3A_83 = arith.constant 0 : i32
        %dma_wait3A_84 = tpu.memref_slice %arg8[%add3A_20, %dma_wait3A_83] : memref<40960x64xbf16, #tpu.memory_space<vmem_shared>> -> memref<160x64xbf16, #tpu.memory_space<vmem_shared>>
        tpu.wait_dma2 semaphore(%run_scoped3A : memref<!tpu.dma_semaphore, #tpu.memory_space<semaphore_mem>>) src(%arg11 : memref<160x64xbf16, #tpu.memory_space<vmem>>) dst(%dma_wait3A_84 : memref<160x64xbf16, #tpu.memory_space<vmem_shared>>)
        tpu.yield
      }) : () -> ()
      %mul3A_21 = arith.constant 2560 : i32
      %mul3A_22 = arith.muli %arg1, %mul3A_21 : i32
      %add3A_23 = arith.constant 640 : i32
      %add3A_24 = arith.addi %mul3A_22, %add3A_23 : i32
      "tpu.region"() ({
        %run_scoped3A = tpu.sem_alloc : memref<!tpu.dma_semaphore, #tpu.memory_space<semaphore_mem>>
        %dma_start3A = arith.constant 0 : i32
        %dma_start3A_79 = tpu.memref_slice %arg8[%add3A_24, %dma_start3A] : memref<40960x64xbf16, #tpu.memory_space<vmem_shared>> -> memref<160x64xbf16, #tpu.memory_space<vmem_shared>>
        %dma_start3A_80 = arith.constant 0 : i32
        %dma_start3A_81 = tpu.memref_slice %arg8[%add3A_24, %dma_start3A_80] : memref<40960x64xbf16, #tpu.memory_space<vmem_shared>> -> memref<160x64xbf16, #tpu.memory_space<vmem_shared>>
        tpu.enqueue_dma source(%arg11 : memref<160x64xbf16, #tpu.memory_space<vmem>>) target(%dma_start3A_81 : memref<160x64xbf16, #tpu.memory_space<vmem_shared>>) target_semaphore(%run_scoped3A : memref<!tpu.dma_semaphore, #tpu.memory_space<semaphore_mem>>)
        %dma_wait3A = arith.constant 0 : i32
        %dma_wait3A_82 = tpu.memref_slice %arg8[%add3A_24, %dma_wait3A] : memref<40960x64xbf16, #tpu.memory_space<vmem_shared>> -> memref<160x64xbf16, #tpu.memory_space<vmem_shared>>
        %dma_wait3A_83 = arith.constant 0 : i32
        %dma_wait3A_84 = tpu.memref_slice %arg8[%add3A_24, %dma_wait3A_83] : memref<40960x64xbf16, #tpu.memory_space<vmem_shared>> -> memref<160x64xbf16, #tpu.memory_space<vmem_shared>>
        tpu.wait_dma2 semaphore(%run_scoped3A : memref<!tpu.dma_semaphore, #tpu.memory_space<semaphore_mem>>) src(%arg11 : memref<160x64xbf16, #tpu.memory_space<vmem>>) dst(%dma_wait3A_84 : memref<160x64xbf16, #tpu.memory_space<vmem_shared>>)
        tpu.yield
      }) : () -> ()
      %mul3A_25 = arith.constant 2560 : i32
      %mul3A_26 = arith.muli %arg1, %mul3A_25 : i32
      %add3A_27 = arith.constant 800 : i32
      %add3A_28 = arith.addi %mul3A_26, %add3A_27 : i32
      "tpu.region"() ({
        %run_scoped3A = tpu.sem_alloc : memref<!tpu.dma_semaphore, #tpu.memory_space<semaphore_mem>>
        %dma_start3A = arith.constant 0 : i32
        %dma_start3A_79 = tpu.memref_slice %arg8[%add3A_28, %dma_start3A] : memref<40960x64xbf16, #tpu.memory_space<vmem_shared>> -> memref<160x64xbf16, #tpu.memory_space<vmem_shared>>
        %dma_start3A_80 = arith.constant 0 : i32
        %dma_start3A_81 = tpu.memref_slice %arg8[%add3A_28, %dma_start3A_80] : memref<40960x64xbf16, #tpu.memory_space<vmem_shared>> -> memref<160x64xbf16, #tpu.memory_space<vmem_shared>>
        tpu.enqueue_dma source(%arg11 : memref<160x64xbf16, #tpu.memory_space<vmem>>) target(%dma_start3A_81 : memref<160x64xbf16, #tpu.memory_space<vmem_shared>>) target_semaphore(%run_scoped3A : memref<!tpu.dma_semaphore, #tpu.memory_space<semaphore_mem>>)
        %dma_wait3A = arith.constant 0 : i32
        %dma_wait3A_82 = tpu.memref_slice %arg8[%add3A_28, %dma_wait3A] : memref<40960x64xbf16, #tpu.memory_space<vmem_shared>> -> memref<160x64xbf16, #tpu.memory_space<vmem_shared>>
        %dma_wait3A_83 = arith.constant 0 : i32
        %dma_wait3A_84 = tpu.memref_slice %arg8[%add3A_28, %dma_wait3A_83] : memref<40960x64xbf16, #tpu.memory_space<vmem_shared>> -> memref<160x64xbf16, #tpu.memory_space<vmem_shared>>
        tpu.wait_dma2 semaphore(%run_scoped3A : memref<!tpu.dma_semaphore, #tpu.memory_space<semaphore_mem>>) src(%arg11 : memref<160x64xbf16, #tpu.memory_space<vmem>>) dst(%dma_wait3A_84 : memref<160x64xbf16, #tpu.memory_space<vmem_shared>>)
        tpu.yield
      }) : () -> ()
      %mul3A_29 = arith.constant 2560 : i32
      %mul3A_30 = arith.muli %arg1, %mul3A_29 : i32
      %add3A_31 = arith.constant 960 : i32
      %add3A_32 = arith.addi %mul3A_30, %add3A_31 : i32
      "tpu.region"() ({
        %run_scoped3A = tpu.sem_alloc : memref<!tpu.dma_semaphore, #tpu.memory_space<semaphore_mem>>
        %dma_start3A = arith.constant 0 : i32
        %dma_start3A_79 = tpu.memref_slice %arg8[%add3A_32, %dma_start3A] : memref<40960x64xbf16, #tpu.memory_space<vmem_shared>> -> memref<160x64xbf16, #tpu.memory_space<vmem_shared>>
        %dma_start3A_80 = arith.constant 0 : i32
        %dma_start3A_81 = tpu.memref_slice %arg8[%add3A_32, %dma_start3A_80] : memref<40960x64xbf16, #tpu.memory_space<vmem_shared>> -> memref<160x64xbf16, #tpu.memory_space<vmem_shared>>
        tpu.enqueue_dma source(%arg11 : memref<160x64xbf16, #tpu.memory_space<vmem>>) target(%dma_start3A_81 : memref<160x64xbf16, #tpu.memory_space<vmem_shared>>) target_semaphore(%run_scoped3A : memref<!tpu.dma_semaphore, #tpu.memory_space<semaphore_mem>>)
        %dma_wait3A = arith.constant 0 : i32
        %dma_wait3A_82 = tpu.memref_slice %arg8[%add3A_32, %dma_wait3A] : memref<40960x64xbf16, #tpu.memory_space<vmem_shared>> -> memref<160x64xbf16, #tpu.memory_space<vmem_shared>>
        %dma_wait3A_83 = arith.constant 0 : i32
        %dma_wait3A_84 = tpu.memref_slice %arg8[%add3A_32, %dma_wait3A_83] : memref<40960x64xbf16, #tpu.memory_space<vmem_shared>> -> memref<160x64xbf16, #tpu.memory_space<vmem_shared>>
        tpu.wait_dma2 semaphore(%run_scoped3A : memref<!tpu.dma_semaphore, #tpu.memory_space<semaphore_mem>>) src(%arg11 : memref<160x64xbf16, #tpu.memory_space<vmem>>) dst(%dma_wait3A_84 : memref<160x64xbf16, #tpu.memory_space<vmem_shared>>)
        tpu.yield
      }) : () -> ()
      %mul3A_33 = arith.constant 2560 : i32
      %mul3A_34 = arith.muli %arg1, %mul3A_33 : i32
      %add3A_35 = arith.constant 1120 : i32
      %add3A_36 = arith.addi %mul3A_34, %add3A_35 : i32
      "tpu.region"() ({
        %run_scoped3A = tpu.sem_alloc : memref<!tpu.dma_semaphore, #tpu.memory_space<semaphore_mem>>
        %dma_start3A = arith.constant 0 : i32
        %dma_start3A_79 = tpu.memref_slice %arg8[%add3A_36, %dma_start3A] : memref<40960x64xbf16, #tpu.memory_space<vmem_shared>> -> memref<160x64xbf16, #tpu.memory_space<vmem_shared>>
        %dma_start3A_80 = arith.constant 0 : i32
        %dma_start3A_81 = tpu.memref_slice %arg8[%add3A_36, %dma_start3A_80] : memref<40960x64xbf16, #tpu.memory_space<vmem_shared>> -> memref<160x64xbf16, #tpu.memory_space<vmem_shared>>
        tpu.enqueue_dma source(%arg11 : memref<160x64xbf16, #tpu.memory_space<vmem>>) target(%dma_start3A_81 : memref<160x64xbf16, #tpu.memory_space<vmem_shared>>) target_semaphore(%run_scoped3A : memref<!tpu.dma_semaphore, #tpu.memory_space<semaphore_mem>>)
        %dma_wait3A = arith.constant 0 : i32
        %dma_wait3A_82 = tpu.memref_slice %arg8[%add3A_36, %dma_wait3A] : memref<40960x64xbf16, #tpu.memory_space<vmem_shared>> -> memref<160x64xbf16, #tpu.memory_space<vmem_shared>>
        %dma_wait3A_83 = arith.constant 0 : i32
        %dma_wait3A_84 = tpu.memref_slice %arg8[%add3A_36, %dma_wait3A_83] : memref<40960x64xbf16, #tpu.memory_space<vmem_shared>> -> memref<160x64xbf16, #tpu.memory_space<vmem_shared>>
        tpu.wait_dma2 semaphore(%run_scoped3A : memref<!tpu.dma_semaphore, #tpu.memory_space<semaphore_mem>>) src(%arg11 : memref<160x64xbf16, #tpu.memory_space<vmem>>) dst(%dma_wait3A_84 : memref<160x64xbf16, #tpu.memory_space<vmem_shared>>)
        tpu.yield
      }) : () -> ()
      %mul3A_37 = arith.constant 2560 : i32
      %mul3A_38 = arith.muli %arg1, %mul3A_37 : i32
      %add3A_39 = arith.constant 1280 : i32
      %add3A_40 = arith.addi %mul3A_38, %add3A_39 : i32
      "tpu.region"() ({
        %run_scoped3A = tpu.sem_alloc : memref<!tpu.dma_semaphore, #tpu.memory_space<semaphore_mem>>
        %dma_start3A = arith.constant 0 : i32
        %dma_start3A_79 = tpu.memref_slice %arg8[%add3A_40, %dma_start3A] : memref<40960x64xbf16, #tpu.memory_space<vmem_shared>> -> memref<160x64xbf16, #tpu.memory_space<vmem_shared>>
        %dma_start3A_80 = arith.constant 0 : i32
        %dma_start3A_81 = tpu.memref_slice %arg8[%add3A_40, %dma_start3A_80] : memref<40960x64xbf16, #tpu.memory_space<vmem_shared>> -> memref<160x64xbf16, #tpu.memory_space<vmem_shared>>
        tpu.enqueue_dma source(%arg11 : memref<160x64xbf16, #tpu.memory_space<vmem>>) target(%dma_start3A_81 : memref<160x64xbf16, #tpu.memory_space<vmem_shared>>) target_semaphore(%run_scoped3A : memref<!tpu.dma_semaphore, #tpu.memory_space<semaphore_mem>>)
        %dma_wait3A = arith.constant 0 : i32
        %dma_wait3A_82 = tpu.memref_slice %arg8[%add3A_40, %dma_wait3A] : memref<40960x64xbf16, #tpu.memory_space<vmem_shared>> -> memref<160x64xbf16, #tpu.memory_space<vmem_shared>>
        %dma_wait3A_83 = arith.constant 0 : i32
        %dma_wait3A_84 = tpu.memref_slice %arg8[%add3A_40, %dma_wait3A_83] : memref<40960x64xbf16, #tpu.memory_space<vmem_shared>> -> memref<160x64xbf16, #tpu.memory_space<vmem_shared>>
        tpu.wait_dma2 semaphore(%run_scoped3A : memref<!tpu.dma_semaphore, #tpu.memory_space<semaphore_mem>>) src(%arg11 : memref<160x64xbf16, #tpu.memory_space<vmem>>) dst(%dma_wait3A_84 : memref<160x64xbf16, #tpu.memory_space<vmem_shared>>)
        tpu.yield
      }) : () -> ()
      %mul3A_41 = arith.constant 2560 : i32
      %mul3A_42 = arith.muli %arg1, %mul3A_41 : i32
      %add3A_43 = arith.constant 1440 : i32
      %add3A_44 = arith.addi %mul3A_42, %add3A_43 : i32
      "tpu.region"() ({
        %run_scoped3A = tpu.sem_alloc : memref<!tpu.dma_semaphore, #tpu.memory_space<semaphore_mem>>
        %dma_start3A = arith.constant 0 : i32
        %dma_start3A_79 = tpu.memref_slice %arg8[%add3A_44, %dma_start3A] : memref<40960x64xbf16, #tpu.memory_space<vmem_shared>> -> memref<160x64xbf16, #tpu.memory_space<vmem_shared>>
        %dma_start3A_80 = arith.constant 0 : i32
        %dma_start3A_81 = tpu.memref_slice %arg8[%add3A_44, %dma_start3A_80] : memref<40960x64xbf16, #tpu.memory_space<vmem_shared>> -> memref<160x64xbf16, #tpu.memory_space<vmem_shared>>
        tpu.enqueue_dma source(%arg11 : memref<160x64xbf16, #tpu.memory_space<vmem>>) target(%dma_start3A_81 : memref<160x64xbf16, #tpu.memory_space<vmem_shared>>) target_semaphore(%run_scoped3A : memref<!tpu.dma_semaphore, #tpu.memory_space<semaphore_mem>>)
        %dma_wait3A = arith.constant 0 : i32
        %dma_wait3A_82 = tpu.memref_slice %arg8[%add3A_44, %dma_wait3A] : memref<40960x64xbf16, #tpu.memory_space<vmem_shared>> -> memref<160x64xbf16, #tpu.memory_space<vmem_shared>>
        %dma_wait3A_83 = arith.constant 0 : i32
        %dma_wait3A_84 = tpu.memref_slice %arg8[%add3A_44, %dma_wait3A_83] : memref<40960x64xbf16, #tpu.memory_space<vmem_shared>> -> memref<160x64xbf16, #tpu.memory_space<vmem_shared>>
        tpu.wait_dma2 semaphore(%run_scoped3A : memref<!tpu.dma_semaphore, #tpu.memory_space<semaphore_mem>>) src(%arg11 : memref<160x64xbf16, #tpu.memory_space<vmem>>) dst(%dma_wait3A_84 : memref<160x64xbf16, #tpu.memory_space<vmem_shared>>)
        tpu.yield
      }) : () -> ()
      %mul3A_45 = arith.constant 2560 : i32
      %mul3A_46 = arith.muli %arg1, %mul3A_45 : i32
      %add3A_47 = arith.constant 1600 : i32
      %add3A_48 = arith.addi %mul3A_46, %add3A_47 : i32
      "tpu.region"() ({
        %run_scoped3A = tpu.sem_alloc : memref<!tpu.dma_semaphore, #tpu.memory_space<semaphore_mem>>
        %dma_start3A = arith.constant 0 : i32
        %dma_start3A_79 = tpu.memref_slice %arg8[%add3A_48, %dma_start3A] : memref<40960x64xbf16, #tpu.memory_space<vmem_shared>> -> memref<160x64xbf16, #tpu.memory_space<vmem_shared>>
        %dma_start3A_80 = arith.constant 0 : i32
        %dma_start3A_81 = tpu.memref_slice %arg8[%add3A_48, %dma_start3A_80] : memref<40960x64xbf16, #tpu.memory_space<vmem_shared>> -> memref<160x64xbf16, #tpu.memory_space<vmem_shared>>
        tpu.enqueue_dma source(%arg11 : memref<160x64xbf16, #tpu.memory_space<vmem>>) target(%dma_start3A_81 : memref<160x64xbf16, #tpu.memory_space<vmem_shared>>) target_semaphore(%run_scoped3A : memref<!tpu.dma_semaphore, #tpu.memory_space<semaphore_mem>>)
        %dma_wait3A = arith.constant 0 : i32
        %dma_wait3A_82 = tpu.memref_slice %arg8[%add3A_48, %dma_wait3A] : memref<40960x64xbf16, #tpu.memory_space<vmem_shared>> -> memref<160x64xbf16, #tpu.memory_space<vmem_shared>>
        %dma_wait3A_83 = arith.constant 0 : i32
        %dma_wait3A_84 = tpu.memref_slice %arg8[%add3A_48, %dma_wait3A_83] : memref<40960x64xbf16, #tpu.memory_space<vmem_shared>> -> memref<160x64xbf16, #tpu.memory_space<vmem_shared>>
        tpu.wait_dma2 semaphore(%run_scoped3A : memref<!tpu.dma_semaphore, #tpu.memory_space<semaphore_mem>>) src(%arg11 : memref<160x64xbf16, #tpu.memory_space<vmem>>) dst(%dma_wait3A_84 : memref<160x64xbf16, #tpu.memory_space<vmem_shared>>)
        tpu.yield
      }) : () -> ()
      %mul3A_49 = arith.constant 2560 : i32
      %mul3A_50 = arith.muli %arg1, %mul3A_49 : i32
      %add3A_51 = arith.constant 1760 : i32
      %add3A_52 = arith.addi %mul3A_50, %add3A_51 : i32
      "tpu.region"() ({
        %run_scoped3A = tpu.sem_alloc : memref<!tpu.dma_semaphore, #tpu.memory_space<semaphore_mem>>
        %dma_start3A = arith.constant 0 : i32
        %dma_start3A_79 = tpu.memref_slice %arg8[%add3A_52, %dma_start3A] : memref<40960x64xbf16, #tpu.memory_space<vmem_shared>> -> memref<160x64xbf16, #tpu.memory_space<vmem_shared>>
        %dma_start3A_80 = arith.constant 0 : i32
        %dma_start3A_81 = tpu.memref_slice %arg8[%add3A_52, %dma_start3A_80] : memref<40960x64xbf16, #tpu.memory_space<vmem_shared>> -> memref<160x64xbf16, #tpu.memory_space<vmem_shared>>
        tpu.enqueue_dma source(%arg11 : memref<160x64xbf16, #tpu.memory_space<vmem>>) target(%dma_start3A_81 : memref<160x64xbf16, #tpu.memory_space<vmem_shared>>) target_semaphore(%run_scoped3A : memref<!tpu.dma_semaphore, #tpu.memory_space<semaphore_mem>>)
        %dma_wait3A = arith.constant 0 : i32
        %dma_wait3A_82 = tpu.memref_slice %arg8[%add3A_52, %dma_wait3A] : memref<40960x64xbf16, #tpu.memory_space<vmem_shared>> -> memref<160x64xbf16, #tpu.memory_space<vmem_shared>>
        %dma_wait3A_83 = arith.constant 0 : i32
        %dma_wait3A_84 = tpu.memref_slice %arg8[%add3A_52, %dma_wait3A_83] : memref<40960x64xbf16, #tpu.memory_space<vmem_shared>> -> memref<160x64xbf16, #tpu.memory_space<vmem_shared>>
        tpu.wait_dma2 semaphore(%run_scoped3A : memref<!tpu.dma_semaphore, #tpu.memory_space<semaphore_mem>>) src(%arg11 : memref<160x64xbf16, #tpu.memory_space<vmem>>) dst(%dma_wait3A_84 : memref<160x64xbf16, #tpu.memory_space<vmem_shared>>)
        tpu.yield
      }) : () -> ()
      %mul3A_53 = arith.constant 2560 : i32
      %mul3A_54 = arith.muli %arg1, %mul3A_53 : i32
      %add3A_55 = arith.constant 1920 : i32
      %add3A_56 = arith.addi %mul3A_54, %add3A_55 : i32
      "tpu.region"() ({
        %run_scoped3A = tpu.sem_alloc : memref<!tpu.dma_semaphore, #tpu.memory_space<semaphore_mem>>
        %dma_start3A = arith.constant 0 : i32
        %dma_start3A_79 = tpu.memref_slice %arg8[%add3A_56, %dma_start3A] : memref<40960x64xbf16, #tpu.memory_space<vmem_shared>> -> memref<160x64xbf16, #tpu.memory_space<vmem_shared>>
        %dma_start3A_80 = arith.constant 0 : i32
        %dma_start3A_81 = tpu.memref_slice %arg8[%add3A_56, %dma_start3A_80] : memref<40960x64xbf16, #tpu.memory_space<vmem_shared>> -> memref<160x64xbf16, #tpu.memory_space<vmem_shared>>
        tpu.enqueue_dma source(%arg11 : memref<160x64xbf16, #tpu.memory_space<vmem>>) target(%dma_start3A_81 : memref<160x64xbf16, #tpu.memory_space<vmem_shared>>) target_semaphore(%run_scoped3A : memref<!tpu.dma_semaphore, #tpu.memory_space<semaphore_mem>>)
        %dma_wait3A = arith.constant 0 : i32
        %dma_wait3A_82 = tpu.memref_slice %arg8[%add3A_56, %dma_wait3A] : memref<40960x64xbf16, #tpu.memory_space<vmem_shared>> -> memref<160x64xbf16, #tpu.memory_space<vmem_shared>>
        %dma_wait3A_83 = arith.constant 0 : i32
        %dma_wait3A_84 = tpu.memref_slice %arg8[%add3A_56, %dma_wait3A_83] : memref<40960x64xbf16, #tpu.memory_space<vmem_shared>> -> memref<160x64xbf16, #tpu.memory_space<vmem_shared>>
        tpu.wait_dma2 semaphore(%run_scoped3A : memref<!tpu.dma_semaphore, #tpu.memory_space<semaphore_mem>>) src(%arg11 : memref<160x64xbf16, #tpu.memory_space<vmem>>) dst(%dma_wait3A_84 : memref<160x64xbf16, #tpu.memory_space<vmem_shared>>)
        tpu.yield
      }) : () -> ()
      %mul3A_57 = arith.constant 2560 : i32
      %mul3A_58 = arith.muli %arg1, %mul3A_57 : i32
      %add3A_59 = arith.constant 2080 : i32
      %add3A_60 = arith.addi %mul3A_58, %add3A_59 : i32
      "tpu.region"() ({
        %run_scoped3A = tpu.sem_alloc : memref<!tpu.dma_semaphore, #tpu.memory_space<semaphore_mem>>
        %dma_start3A = arith.constant 0 : i32
        %dma_start3A_79 = tpu.memref_slice %arg8[%add3A_60, %dma_start3A] : memref<40960x64xbf16, #tpu.memory_space<vmem_shared>> -> memref<160x64xbf16, #tpu.memory_space<vmem_shared>>
        %dma_start3A_80 = arith.constant 0 : i32
        %dma_start3A_81 = tpu.memref_slice %arg8[%add3A_60, %dma_start3A_80] : memref<40960x64xbf16, #tpu.memory_space<vmem_shared>> -> memref<160x64xbf16, #tpu.memory_space<vmem_shared>>
        tpu.enqueue_dma source(%arg11 : memref<160x64xbf16, #tpu.memory_space<vmem>>) target(%dma_start3A_81 : memref<160x64xbf16, #tpu.memory_space<vmem_shared>>) target_semaphore(%run_scoped3A : memref<!tpu.dma_semaphore, #tpu.memory_space<semaphore_mem>>)
        %dma_wait3A = arith.constant 0 : i32
        %dma_wait3A_82 = tpu.memref_slice %arg8[%add3A_60, %dma_wait3A] : memref<40960x64xbf16, #tpu.memory_space<vmem_shared>> -> memref<160x64xbf16, #tpu.memory_space<vmem_shared>>
        %dma_wait3A_83 = arith.constant 0 : i32
        %dma_wait3A_84 = tpu.memref_slice %arg8[%add3A_60, %dma_wait3A_83] : memref<40960x64xbf16, #tpu.memory_space<vmem_shared>> -> memref<160x64xbf16, #tpu.memory_space<vmem_shared>>
        tpu.wait_dma2 semaphore(%run_scoped3A : memref<!tpu.dma_semaphore, #tpu.memory_space<semaphore_mem>>) src(%arg11 : memref<160x64xbf16, #tpu.memory_space<vmem>>) dst(%dma_wait3A_84 : memref<160x64xbf16, #tpu.memory_space<vmem_shared>>)
        tpu.yield
      }) : () -> ()
      %mul3A_61 = arith.constant 2560 : i32
      %mul3A_62 = arith.muli %arg1, %mul3A_61 : i32
      %add3A_63 = arith.constant 2240 : i32
      %add3A_64 = arith.addi %mul3A_62, %add3A_63 : i32
      "tpu.region"() ({
        %run_scoped3A = tpu.sem_alloc : memref<!tpu.dma_semaphore, #tpu.memory_space<semaphore_mem>>
        %dma_start3A = arith.constant 0 : i32
        %dma_start3A_79 = tpu.memref_slice %arg8[%add3A_64, %dma_start3A] : memref<40960x64xbf16, #tpu.memory_space<vmem_shared>> -> memref<160x64xbf16, #tpu.memory_space<vmem_shared>>
        %dma_start3A_80 = arith.constant 0 : i32
        %dma_start3A_81 = tpu.memref_slice %arg8[%add3A_64, %dma_start3A_80] : memref<40960x64xbf16, #tpu.memory_space<vmem_shared>> -> memref<160x64xbf16, #tpu.memory_space<vmem_shared>>
        tpu.enqueue_dma source(%arg11 : memref<160x64xbf16, #tpu.memory_space<vmem>>) target(%dma_start3A_81 : memref<160x64xbf16, #tpu.memory_space<vmem_shared>>) target_semaphore(%run_scoped3A : memref<!tpu.dma_semaphore, #tpu.memory_space<semaphore_mem>>)
        %dma_wait3A = arith.constant 0 : i32
        %dma_wait3A_82 = tpu.memref_slice %arg8[%add3A_64, %dma_wait3A] : memref<40960x64xbf16, #tpu.memory_space<vmem_shared>> -> memref<160x64xbf16, #tpu.memory_space<vmem_shared>>
        %dma_wait3A_83 = arith.constant 0 : i32
        %dma_wait3A_84 = tpu.memref_slice %arg8[%add3A_64, %dma_wait3A_83] : memref<40960x64xbf16, #tpu.memory_space<vmem_shared>> -> memref<160x64xbf16, #tpu.memory_space<vmem_shared>>
        tpu.wait_dma2 semaphore(%run_scoped3A : memref<!tpu.dma_semaphore, #tpu.memory_space<semaphore_mem>>) src(%arg11 : memref<160x64xbf16, #tpu.memory_space<vmem>>) dst(%dma_wait3A_84 : memref<160x64xbf16, #tpu.memory_space<vmem_shared>>)
        tpu.yield
      }) : () -> ()
      %mul3A_65 = arith.constant 2560 : i32
      %mul3A_66 = arith.muli %arg1, %mul3A_65 : i32
      %add3A_67 = arith.constant 2400 : i32
      %add3A_68 = arith.addi %mul3A_66, %add3A_67 : i32
      "tpu.region"() ({
        %run_scoped3A = tpu.sem_alloc : memref<!tpu.dma_semaphore, #tpu.memory_space<semaphore_mem>>
        %dma_start3A = arith.constant 0 : i32
        %dma_start3A_79 = tpu.memref_slice %arg8[%add3A_68, %dma_start3A] : memref<40960x64xbf16, #tpu.memory_space<vmem_shared>> -> memref<160x64xbf16, #tpu.memory_space<vmem_shared>>
        %dma_start3A_80 = arith.constant 0 : i32
        %dma_start3A_81 = tpu.memref_slice %arg8[%add3A_68, %dma_start3A_80] : memref<40960x64xbf16, #tpu.memory_space<vmem_shared>> -> memref<160x64xbf16, #tpu.memory_space<vmem_shared>>
        tpu.enqueue_dma source(%arg11 : memref<160x64xbf16, #tpu.memory_space<vmem>>) target(%dma_start3A_81 : memref<160x64xbf16, #tpu.memory_space<vmem_shared>>) target_semaphore(%run_scoped3A : memref<!tpu.dma_semaphore, #tpu.memory_space<semaphore_mem>>)
        %dma_wait3A = arith.constant 0 : i32
        %dma_wait3A_82 = tpu.memref_slice %arg8[%add3A_68, %dma_wait3A] : memref<40960x64xbf16, #tpu.memory_space<vmem_shared>> -> memref<160x64xbf16, #tpu.memory_space<vmem_shared>>
        %dma_wait3A_83 = arith.constant 0 : i32
        %dma_wait3A_84 = tpu.memref_slice %arg8[%add3A_68, %dma_wait3A_83] : memref<40960x64xbf16, #tpu.memory_space<vmem_shared>> -> memref<160x64xbf16, #tpu.memory_space<vmem_shared>>
        tpu.wait_dma2 semaphore(%run_scoped3A : memref<!tpu.dma_semaphore, #tpu.memory_space<semaphore_mem>>) src(%arg11 : memref<160x64xbf16, #tpu.memory_space<vmem>>) dst(%dma_wait3A_84 : memref<160x64xbf16, #tpu.memory_space<vmem_shared>>)
        tpu.yield
      }) : () -> ()
      %barrier3A = arith.constant 0 : index
      tpu.barrier barrier_id(%barrier3A)
      %scan3A = arith.constant 0 : i32
      %scan3A_69 = arith.constant 0 : i32
      %scan3A_70 = arith.constant 20 : i32
      %scan3A_71 = arith.addi %scan3A_69, %scan3A_70 : i32
      %scan3A_72 = arith.constant 1 : i32
      scf.for %scan3A_79 = %scan3A_69 to %scan3A_71 step %scan3A_72  : i32 {
        %mul3A_80 = arith.constant 20 : i32
        %mul3A_81 = arith.muli %arg1, %mul3A_80 : i32
        %add3A_82 = arith.addi %mul3A_81, %scan3A_79 : i32
        %mul3A_83 = arith.constant 2 : i32
        %mul3A_84 = arith.muli %add3A_82, %mul3A_83 : i32
        %mul3A_85 = arith.constant 8 : i32
        %mul3A_86 = arith.muli %mul3A_84, %mul3A_85 : i32
        "tpu.region"() ({
          %run_scoped3A = tpu.sem_alloc : memref<!tpu.dma_semaphore, #tpu.memory_space<semaphore_mem>>
          %dma_start3A_405 = arith.constant 0 : i32
          %dma_start3A_406 = tpu.memref_slice %arg4[%mul3A_86, %dma_start3A_405] : memref<5120x128xi32, #tpu.memory_space<hbm>> -> memref<16x128xi32, #tpu.memory_space<hbm>>
          %dma_start3A_407 = arith.constant 0 : i32
          %dma_start3A_408 = tpu.memref_slice %arg4[%mul3A_86, %dma_start3A_407] : memref<5120x128xi32, #tpu.memory_space<hbm>> -> memref<16x128xi32, #tpu.memory_space<hbm>>
          tpu.enqueue_dma source(%dma_start3A_408 : memref<16x128xi32, #tpu.memory_space<hbm>>) target(%arg9 : memref<16x128xi32, #tpu.memory_space<vmem>>) target_semaphore(%run_scoped3A : memref<!tpu.dma_semaphore, #tpu.memory_space<semaphore_mem>>)
          %dma_wait3A_409 = arith.constant 0 : i32
          %dma_wait3A_410 = tpu.memref_slice %arg4[%mul3A_86, %dma_wait3A_409] : memref<5120x128xi32, #tpu.memory_space<hbm>> -> memref<16x128xi32, #tpu.memory_space<hbm>>
          %dma_wait3A_411 = arith.constant 0 : i32
          %dma_wait3A_412 = tpu.memref_slice %arg4[%mul3A_86, %dma_wait3A_411] : memref<5120x128xi32, #tpu.memory_space<hbm>> -> memref<16x128xi32, #tpu.memory_space<hbm>>
          tpu.wait_dma2 semaphore(%run_scoped3A : memref<!tpu.dma_semaphore, #tpu.memory_space<semaphore_mem>>) src(%dma_wait3A_412 : memref<16x128xi32, #tpu.memory_space<hbm>>) dst(%arg9 : memref<16x128xi32, #tpu.memory_space<vmem>>)
          tpu.yield
        }) : () -> ()
        %dma_start3A = arith.constant 0 : i32
        %dma_start3A_87 = arith.constant 0 : i32
        %dma_start3A_88 = arith.constant 0 : i32
        %dma_start3A_89 = tpu.memref_slice %arg10[%dma_start3A_87, %dma_start3A_88] : memref<1024x64xbf16, #tpu.memory_space<vmem>> -> memref<128x64xbf16, #tpu.memory_space<vmem>>
        %dma_start3A_90 = arith.constant 0 : i32
        %dma_start3A_91 = tpu.memref_slice %arg9[%dma_start3A, %dma_start3A_90] : memref<16x128xi32, #tpu.memory_space<vmem>> -> memref<1x128xi32, #tpu.memory_space<vmem>>
        %dma_start3A_92 = tpu.memref_squeeze %dma_start3A_91 : memref<1x128xi32, #tpu.memory_space<vmem>> -> memref<128xi32, #tpu.memory_space<vmem>>
        %dma_start3A_93 = arith.constant 0 : i32
        %dma_start3A_94 = arith.constant 0 : i32
        %dma_start3A_95 = tpu.memref_slice %arg3[%dma_start3A_93, %dma_start3A_94] : memref<10000x64xbf16, #tpu.memory_space<hbm>> -> memref<10000x64xbf16, #tpu.memory_space<hbm>>
        tpu.enqueue_indirect_dma source(%dma_start3A_95 : memref<10000x64xbf16, #tpu.memory_space<hbm>>) target(%dma_start3A_89 : memref<128x64xbf16, #tpu.memory_space<vmem>>) offsets(%dma_start3A_92 : memref<128xi32, #tpu.memory_space<vmem>>) semaphore(%arg12 : memref<!tpu.dma_semaphore, #tpu.memory_space<semaphore_mem>>)
        %dma_start3A_96 = arith.constant 1 : i32
        %dma_start3A_97 = arith.constant 128 : i32
        %dma_start3A_98 = arith.constant 0 : i32
        %dma_start3A_99 = tpu.memref_slice %arg10[%dma_start3A_97, %dma_start3A_98] : memref<1024x64xbf16, #tpu.memory_space<vmem>> -> memref<128x64xbf16, #tpu.memory_space<vmem>>
        %dma_start3A_100 = arith.constant 0 : i32
        %dma_start3A_101 = tpu.memref_slice %arg9[%dma_start3A_96, %dma_start3A_100] : memref<16x128xi32, #tpu.memory_space<vmem>> -> memref<1x128xi32, #tpu.memory_space<vmem>>
        %dma_start3A_102 = tpu.memref_squeeze %dma_start3A_101 : memref<1x128xi32, #tpu.memory_space<vmem>> -> memref<128xi32, #tpu.memory_space<vmem>>
        %dma_start3A_103 = arith.constant 0 : i32
        %dma_start3A_104 = arith.constant 0 : i32
        %dma_start3A_105 = tpu.memref_slice %arg3[%dma_start3A_103, %dma_start3A_104] : memref<10000x64xbf16, #tpu.memory_space<hbm>> -> memref<10000x64xbf16, #tpu.memory_space<hbm>>
        tpu.enqueue_indirect_dma source(%dma_start3A_105 : memref<10000x64xbf16, #tpu.memory_space<hbm>>) target(%dma_start3A_99 : memref<128x64xbf16, #tpu.memory_space<vmem>>) offsets(%dma_start3A_102 : memref<128xi32, #tpu.memory_space<vmem>>) semaphore(%arg12 : memref<!tpu.dma_semaphore, #tpu.memory_space<semaphore_mem>>)
        %dma_start3A_106 = arith.constant 2 : i32
        %dma_start3A_107 = arith.constant 256 : i32
        %dma_start3A_108 = arith.constant 0 : i32
        %dma_start3A_109 = tpu.memref_slice %arg10[%dma_start3A_107, %dma_start3A_108] : memref<1024x64xbf16, #tpu.memory_space<vmem>> -> memref<128x64xbf16, #tpu.memory_space<vmem>>
        %dma_start3A_110 = arith.constant 0 : i32
        %dma_start3A_111 = tpu.memref_slice %arg9[%dma_start3A_106, %dma_start3A_110] : memref<16x128xi32, #tpu.memory_space<vmem>> -> memref<1x128xi32, #tpu.memory_space<vmem>>
        %dma_start3A_112 = tpu.memref_squeeze %dma_start3A_111 : memref<1x128xi32, #tpu.memory_space<vmem>> -> memref<128xi32, #tpu.memory_space<vmem>>
        %dma_start3A_113 = arith.constant 0 : i32
        %dma_start3A_114 = arith.constant 0 : i32
        %dma_start3A_115 = tpu.memref_slice %arg3[%dma_start3A_113, %dma_start3A_114] : memref<10000x64xbf16, #tpu.memory_space<hbm>> -> memref<10000x64xbf16, #tpu.memory_space<hbm>>
        tpu.enqueue_indirect_dma source(%dma_start3A_115 : memref<10000x64xbf16, #tpu.memory_space<hbm>>) target(%dma_start3A_109 : memref<128x64xbf16, #tpu.memory_space<vmem>>) offsets(%dma_start3A_112 : memref<128xi32, #tpu.memory_space<vmem>>) semaphore(%arg12 : memref<!tpu.dma_semaphore, #tpu.memory_space<semaphore_mem>>)
        %dma_start3A_116 = arith.constant 3 : i32
        %dma_start3A_117 = arith.constant 384 : i32
        %dma_start3A_118 = arith.constant 0 : i32
        %dma_start3A_119 = tpu.memref_slice %arg10[%dma_start3A_117, %dma_start3A_118] : memref<1024x64xbf16, #tpu.memory_space<vmem>> -> memref<128x64xbf16, #tpu.memory_space<vmem>>
        %dma_start3A_120 = arith.constant 0 : i32
        %dma_start3A_121 = tpu.memref_slice %arg9[%dma_start3A_116, %dma_start3A_120] : memref<16x128xi32, #tpu.memory_space<vmem>> -> memref<1x128xi32, #tpu.memory_space<vmem>>
        %dma_start3A_122 = tpu.memref_squeeze %dma_start3A_121 : memref<1x128xi32, #tpu.memory_space<vmem>> -> memref<128xi32, #tpu.memory_space<vmem>>
        %dma_start3A_123 = arith.constant 0 : i32
        %dma_start3A_124 = arith.constant 0 : i32
        %dma_start3A_125 = tpu.memref_slice %arg3[%dma_start3A_123, %dma_start3A_124] : memref<10000x64xbf16, #tpu.memory_space<hbm>> -> memref<10000x64xbf16, #tpu.memory_space<hbm>>
        tpu.enqueue_indirect_dma source(%dma_start3A_125 : memref<10000x64xbf16, #tpu.memory_space<hbm>>) target(%dma_start3A_119 : memref<128x64xbf16, #tpu.memory_space<vmem>>) offsets(%dma_start3A_122 : memref<128xi32, #tpu.memory_space<vmem>>) semaphore(%arg12 : memref<!tpu.dma_semaphore, #tpu.memory_space<semaphore_mem>>)
        %dma_start3A_126 = arith.constant 4 : i32
        %dma_start3A_127 = arith.constant 512 : i32
        %dma_start3A_128 = arith.constant 0 : i32
        %dma_start3A_129 = tpu.memref_slice %arg10[%dma_start3A_127, %dma_start3A_128] : memref<1024x64xbf16, #tpu.memory_space<vmem>> -> memref<128x64xbf16, #tpu.memory_space<vmem>>
        %dma_start3A_130 = arith.constant 0 : i32
        %dma_start3A_131 = tpu.memref_slice %arg9[%dma_start3A_126, %dma_start3A_130] : memref<16x128xi32, #tpu.memory_space<vmem>> -> memref<1x128xi32, #tpu.memory_space<vmem>>
        %dma_start3A_132 = tpu.memref_squeeze %dma_start3A_131 : memref<1x128xi32, #tpu.memory_space<vmem>> -> memref<128xi32, #tpu.memory_space<vmem>>
        %dma_start3A_133 = arith.constant 0 : i32
        %dma_start3A_134 = arith.constant 0 : i32
        %dma_start3A_135 = tpu.memref_slice %arg3[%dma_start3A_133, %dma_start3A_134] : memref<10000x64xbf16, #tpu.memory_space<hbm>> -> memref<10000x64xbf16, #tpu.memory_space<hbm>>
        tpu.enqueue_indirect_dma source(%dma_start3A_135 : memref<10000x64xbf16, #tpu.memory_space<hbm>>) target(%dma_start3A_129 : memref<128x64xbf16, #tpu.memory_space<vmem>>) offsets(%dma_start3A_132 : memref<128xi32, #tpu.memory_space<vmem>>) semaphore(%arg12 : memref<!tpu.dma_semaphore, #tpu.memory_space<semaphore_mem>>)
        %dma_start3A_136 = arith.constant 5 : i32
        %dma_start3A_137 = arith.constant 640 : i32
        %dma_start3A_138 = arith.constant 0 : i32
        %dma_start3A_139 = tpu.memref_slice %arg10[%dma_start3A_137, %dma_start3A_138] : memref<1024x64xbf16, #tpu.memory_space<vmem>> -> memref<128x64xbf16, #tpu.memory_space<vmem>>
        %dma_start3A_140 = arith.constant 0 : i32
        %dma_start3A_141 = tpu.memref_slice %arg9[%dma_start3A_136, %dma_start3A_140] : memref<16x128xi32, #tpu.memory_space<vmem>> -> memref<1x128xi32, #tpu.memory_space<vmem>>
        %dma_start3A_142 = tpu.memref_squeeze %dma_start3A_141 : memref<1x128xi32, #tpu.memory_space<vmem>> -> memref<128xi32, #tpu.memory_space<vmem>>
        %dma_start3A_143 = arith.constant 0 : i32
        %dma_start3A_144 = arith.constant 0 : i32
        %dma_start3A_145 = tpu.memref_slice %arg3[%dma_start3A_143, %dma_start3A_144] : memref<10000x64xbf16, #tpu.memory_space<hbm>> -> memref<10000x64xbf16, #tpu.memory_space<hbm>>
        tpu.enqueue_indirect_dma source(%dma_start3A_145 : memref<10000x64xbf16, #tpu.memory_space<hbm>>) target(%dma_start3A_139 : memref<128x64xbf16, #tpu.memory_space<vmem>>) offsets(%dma_start3A_142 : memref<128xi32, #tpu.memory_space<vmem>>) semaphore(%arg12 : memref<!tpu.dma_semaphore, #tpu.memory_space<semaphore_mem>>)
        %dma_start3A_146 = arith.constant 6 : i32
        %dma_start3A_147 = arith.constant 768 : i32
        %dma_start3A_148 = arith.constant 0 : i32
        %dma_start3A_149 = tpu.memref_slice %arg10[%dma_start3A_147, %dma_start3A_148] : memref<1024x64xbf16, #tpu.memory_space<vmem>> -> memref<128x64xbf16, #tpu.memory_space<vmem>>
        %dma_start3A_150 = arith.constant 0 : i32
        %dma_start3A_151 = tpu.memref_slice %arg9[%dma_start3A_146, %dma_start3A_150] : memref<16x128xi32, #tpu.memory_space<vmem>> -> memref<1x128xi32, #tpu.memory_space<vmem>>
        %dma_start3A_152 = tpu.memref_squeeze %dma_start3A_151 : memref<1x128xi32, #tpu.memory_space<vmem>> -> memref<128xi32, #tpu.memory_space<vmem>>
        %dma_start3A_153 = arith.constant 0 : i32
        %dma_start3A_154 = arith.constant 0 : i32
        %dma_start3A_155 = tpu.memref_slice %arg3[%dma_start3A_153, %dma_start3A_154] : memref<10000x64xbf16, #tpu.memory_space<hbm>> -> memref<10000x64xbf16, #tpu.memory_space<hbm>>
        tpu.enqueue_indirect_dma source(%dma_start3A_155 : memref<10000x64xbf16, #tpu.memory_space<hbm>>) target(%dma_start3A_149 : memref<128x64xbf16, #tpu.memory_space<vmem>>) offsets(%dma_start3A_152 : memref<128xi32, #tpu.memory_space<vmem>>) semaphore(%arg12 : memref<!tpu.dma_semaphore, #tpu.memory_space<semaphore_mem>>)
        %dma_start3A_156 = arith.constant 7 : i32
        %dma_start3A_157 = arith.constant 896 : i32
        %dma_start3A_158 = arith.constant 0 : i32
        %dma_start3A_159 = tpu.memref_slice %arg10[%dma_start3A_157, %dma_start3A_158] : memref<1024x64xbf16, #tpu.memory_space<vmem>> -> memref<128x64xbf16, #tpu.memory_space<vmem>>
        %dma_start3A_160 = arith.constant 0 : i32
        %dma_start3A_161 = tpu.memref_slice %arg9[%dma_start3A_156, %dma_start3A_160] : memref<16x128xi32, #tpu.memory_space<vmem>> -> memref<1x128xi32, #tpu.memory_space<vmem>>
        %dma_start3A_162 = tpu.memref_squeeze %dma_start3A_161 : memref<1x128xi32, #tpu.memory_space<vmem>> -> memref<128xi32, #tpu.memory_space<vmem>>
        %dma_start3A_163 = arith.constant 0 : i32
        %dma_start3A_164 = arith.constant 0 : i32
        %dma_start3A_165 = tpu.memref_slice %arg3[%dma_start3A_163, %dma_start3A_164] : memref<10000x64xbf16, #tpu.memory_space<hbm>> -> memref<10000x64xbf16, #tpu.memory_space<hbm>>
        tpu.enqueue_indirect_dma source(%dma_start3A_165 : memref<10000x64xbf16, #tpu.memory_space<hbm>>) target(%dma_start3A_159 : memref<128x64xbf16, #tpu.memory_space<vmem>>) offsets(%dma_start3A_162 : memref<128xi32, #tpu.memory_space<vmem>>) semaphore(%arg12 : memref<!tpu.dma_semaphore, #tpu.memory_space<semaphore_mem>>)
        %dma_wait3A = arith.constant 0 : i32
        %dma_wait3A_166 = arith.constant 0 : i32
        %dma_wait3A_167 = arith.constant 0 : i32
        %dma_wait3A_168 = tpu.memref_slice %arg10[%dma_wait3A_166, %dma_wait3A_167] : memref<1024x64xbf16, #tpu.memory_space<vmem>> -> memref<128x64xbf16, #tpu.memory_space<vmem>>
        %dma_wait3A_169 = arith.constant 0 : i32
        %dma_wait3A_170 = tpu.memref_slice %arg9[%dma_wait3A, %dma_wait3A_169] : memref<16x128xi32, #tpu.memory_space<vmem>> -> memref<1x128xi32, #tpu.memory_space<vmem>>
        %dma_wait3A_171 = tpu.memref_squeeze %dma_wait3A_170 : memref<1x128xi32, #tpu.memory_space<vmem>> -> memref<128xi32, #tpu.memory_space<vmem>>
        %dma_wait3A_172 = arith.constant 0 : i32
        %dma_wait3A_173 = arith.constant 0 : i32
        %dma_wait3A_174 = tpu.memref_slice %arg3[%dma_wait3A_172, %dma_wait3A_173] : memref<10000x64xbf16, #tpu.memory_space<hbm>> -> memref<10000x64xbf16, #tpu.memory_space<hbm>>
        tpu.wait_indirect_dma semaphore(%arg12 : memref<!tpu.dma_semaphore, #tpu.memory_space<semaphore_mem>>) src(%dma_wait3A_174 : memref<10000x64xbf16, #tpu.memory_space<hbm>>) dst(%dma_wait3A_168 : memref<128x64xbf16, #tpu.memory_space<vmem>>)
        %dma_start3A_175 = arith.constant 8 : i32
        %dma_start3A_176 = arith.constant 0 : i32
        %dma_start3A_177 = arith.constant 0 : i32
        %dma_start3A_178 = tpu.memref_slice %arg10[%dma_start3A_176, %dma_start3A_177] : memref<1024x64xbf16, #tpu.memory_space<vmem>> -> memref<128x64xbf16, #tpu.memory_space<vmem>>
        %dma_start3A_179 = arith.constant 0 : i32
        %dma_start3A_180 = tpu.memref_slice %arg9[%dma_start3A_175, %dma_start3A_179] : memref<16x128xi32, #tpu.memory_space<vmem>> -> memref<1x128xi32, #tpu.memory_space<vmem>>
        %dma_start3A_181 = tpu.memref_squeeze %dma_start3A_180 : memref<1x128xi32, #tpu.memory_space<vmem>> -> memref<128xi32, #tpu.memory_space<vmem>>
        %dma_start3A_182 = arith.constant 0 : i32
        %dma_start3A_183 = arith.constant 0 : i32
        %dma_start3A_184 = tpu.memref_slice %arg8[%dma_start3A_182, %dma_start3A_183] : memref<40960x64xbf16, #tpu.memory_space<vmem_shared>> -> memref<40960x64xbf16, #tpu.memory_space<vmem_shared>>
        tpu.enqueue_indirect_dma source(%dma_start3A_178 : memref<128x64xbf16, #tpu.memory_space<vmem>>) target(%dma_start3A_184 : memref<40960x64xbf16, #tpu.memory_space<vmem_shared>>) offsets(%dma_start3A_181 : memref<128xi32, #tpu.memory_space<vmem>>) semaphore(%arg13 : memref<!tpu.dma_semaphore, #tpu.memory_space<semaphore_mem>>) {add = true}
        %dma_wait3A_185 = arith.constant 1 : i32
        %dma_wait3A_186 = arith.constant 128 : i32
        %dma_wait3A_187 = arith.constant 0 : i32
        %dma_wait3A_188 = tpu.memref_slice %arg10[%dma_wait3A_186, %dma_wait3A_187] : memref<1024x64xbf16, #tpu.memory_space<vmem>> -> memref<128x64xbf16, #tpu.memory_space<vmem>>
        %dma_wait3A_189 = arith.constant 0 : i32
        %dma_wait3A_190 = tpu.memref_slice %arg9[%dma_wait3A_185, %dma_wait3A_189] : memref<16x128xi32, #tpu.memory_space<vmem>> -> memref<1x128xi32, #tpu.memory_space<vmem>>
        %dma_wait3A_191 = tpu.memref_squeeze %dma_wait3A_190 : memref<1x128xi32, #tpu.memory_space<vmem>> -> memref<128xi32, #tpu.memory_space<vmem>>
        %dma_wait3A_192 = arith.constant 0 : i32
        %dma_wait3A_193 = arith.constant 0 : i32
        %dma_wait3A_194 = tpu.memref_slice %arg3[%dma_wait3A_192, %dma_wait3A_193] : memref<10000x64xbf16, #tpu.memory_space<hbm>> -> memref<10000x64xbf16, #tpu.memory_space<hbm>>
        tpu.wait_indirect_dma semaphore(%arg12 : memref<!tpu.dma_semaphore, #tpu.memory_space<semaphore_mem>>) src(%dma_wait3A_194 : memref<10000x64xbf16, #tpu.memory_space<hbm>>) dst(%dma_wait3A_188 : memref<128x64xbf16, #tpu.memory_space<vmem>>)
        %dma_start3A_195 = arith.constant 9 : i32
        %dma_start3A_196 = arith.constant 128 : i32
        %dma_start3A_197 = arith.constant 0 : i32
        %dma_start3A_198 = tpu.memref_slice %arg10[%dma_start3A_196, %dma_start3A_197] : memref<1024x64xbf16, #tpu.memory_space<vmem>> -> memref<128x64xbf16, #tpu.memory_space<vmem>>
        %dma_start3A_199 = arith.constant 0 : i32
        %dma_start3A_200 = tpu.memref_slice %arg9[%dma_start3A_195, %dma_start3A_199] : memref<16x128xi32, #tpu.memory_space<vmem>> -> memref<1x128xi32, #tpu.memory_space<vmem>>
        %dma_start3A_201 = tpu.memref_squeeze %dma_start3A_200 : memref<1x128xi32, #tpu.memory_space<vmem>> -> memref<128xi32, #tpu.memory_space<vmem>>
        %dma_start3A_202 = arith.constant 0 : i32
        %dma_start3A_203 = arith.constant 0 : i32
        %dma_start3A_204 = tpu.memref_slice %arg8[%dma_start3A_202, %dma_start3A_203] : memref<40960x64xbf16, #tpu.memory_space<vmem_shared>> -> memref<40960x64xbf16, #tpu.memory_space<vmem_shared>>
        tpu.enqueue_indirect_dma source(%dma_start3A_198 : memref<128x64xbf16, #tpu.memory_space<vmem>>) target(%dma_start3A_204 : memref<40960x64xbf16, #tpu.memory_space<vmem_shared>>) offsets(%dma_start3A_201 : memref<128xi32, #tpu.memory_space<vmem>>) semaphore(%arg13 : memref<!tpu.dma_semaphore, #tpu.memory_space<semaphore_mem>>) {add = true}
        %dma_wait3A_205 = arith.constant 2 : i32
        %dma_wait3A_206 = arith.constant 256 : i32
        %dma_wait3A_207 = arith.constant 0 : i32
        %dma_wait3A_208 = tpu.memref_slice %arg10[%dma_wait3A_206, %dma_wait3A_207] : memref<1024x64xbf16, #tpu.memory_space<vmem>> -> memref<128x64xbf16, #tpu.memory_space<vmem>>
        %dma_wait3A_209 = arith.constant 0 : i32
        %dma_wait3A_210 = tpu.memref_slice %arg9[%dma_wait3A_205, %dma_wait3A_209] : memref<16x128xi32, #tpu.memory_space<vmem>> -> memref<1x128xi32, #tpu.memory_space<vmem>>
        %dma_wait3A_211 = tpu.memref_squeeze %dma_wait3A_210 : memref<1x128xi32, #tpu.memory_space<vmem>> -> memref<128xi32, #tpu.memory_space<vmem>>
        %dma_wait3A_212 = arith.constant 0 : i32
        %dma_wait3A_213 = arith.constant 0 : i32
        %dma_wait3A_214 = tpu.memref_slice %arg3[%dma_wait3A_212, %dma_wait3A_213] : memref<10000x64xbf16, #tpu.memory_space<hbm>> -> memref<10000x64xbf16, #tpu.memory_space<hbm>>
        tpu.wait_indirect_dma semaphore(%arg12 : memref<!tpu.dma_semaphore, #tpu.memory_space<semaphore_mem>>) src(%dma_wait3A_214 : memref<10000x64xbf16, #tpu.memory_space<hbm>>) dst(%dma_wait3A_208 : memref<128x64xbf16, #tpu.memory_space<vmem>>)
        %dma_start3A_215 = arith.constant 10 : i32
        %dma_start3A_216 = arith.constant 256 : i32
        %dma_start3A_217 = arith.constant 0 : i32
        %dma_start3A_218 = tpu.memref_slice %arg10[%dma_start3A_216, %dma_start3A_217] : memref<1024x64xbf16, #tpu.memory_space<vmem>> -> memref<128x64xbf16, #tpu.memory_space<vmem>>
        %dma_start3A_219 = arith.constant 0 : i32
        %dma_start3A_220 = tpu.memref_slice %arg9[%dma_start3A_215, %dma_start3A_219] : memref<16x128xi32, #tpu.memory_space<vmem>> -> memref<1x128xi32, #tpu.memory_space<vmem>>
        %dma_start3A_221 = tpu.memref_squeeze %dma_start3A_220 : memref<1x128xi32, #tpu.memory_space<vmem>> -> memref<128xi32, #tpu.memory_space<vmem>>
        %dma_start3A_222 = arith.constant 0 : i32
        %dma_start3A_223 = arith.constant 0 : i32
        %dma_start3A_224 = tpu.memref_slice %arg8[%dma_start3A_222, %dma_start3A_223] : memref<40960x64xbf16, #tpu.memory_space<vmem_shared>> -> memref<40960x64xbf16, #tpu.memory_space<vmem_shared>>
        tpu.enqueue_indirect_dma source(%dma_start3A_218 : memref<128x64xbf16, #tpu.memory_space<vmem>>) target(%dma_start3A_224 : memref<40960x64xbf16, #tpu.memory_space<vmem_shared>>) offsets(%dma_start3A_221 : memref<128xi32, #tpu.memory_space<vmem>>) semaphore(%arg13 : memref<!tpu.dma_semaphore, #tpu.memory_space<semaphore_mem>>) {add = true}
        %dma_wait3A_225 = arith.constant 3 : i32
        %dma_wait3A_226 = arith.constant 384 : i32
        %dma_wait3A_227 = arith.constant 0 : i32
        %dma_wait3A_228 = tpu.memref_slice %arg10[%dma_wait3A_226, %dma_wait3A_227] : memref<1024x64xbf16, #tpu.memory_space<vmem>> -> memref<128x64xbf16, #tpu.memory_space<vmem>>
        %dma_wait3A_229 = arith.constant 0 : i32
        %dma_wait3A_230 = tpu.memref_slice %arg9[%dma_wait3A_225, %dma_wait3A_229] : memref<16x128xi32, #tpu.memory_space<vmem>> -> memref<1x128xi32, #tpu.memory_space<vmem>>
        %dma_wait3A_231 = tpu.memref_squeeze %dma_wait3A_230 : memref<1x128xi32, #tpu.memory_space<vmem>> -> memref<128xi32, #tpu.memory_space<vmem>>
        %dma_wait3A_232 = arith.constant 0 : i32
        %dma_wait3A_233 = arith.constant 0 : i32
        %dma_wait3A_234 = tpu.memref_slice %arg3[%dma_wait3A_232, %dma_wait3A_233] : memref<10000x64xbf16, #tpu.memory_space<hbm>> -> memref<10000x64xbf16, #tpu.memory_space<hbm>>
        tpu.wait_indirect_dma semaphore(%arg12 : memref<!tpu.dma_semaphore, #tpu.memory_space<semaphore_mem>>) src(%dma_wait3A_234 : memref<10000x64xbf16, #tpu.memory_space<hbm>>) dst(%dma_wait3A_228 : memref<128x64xbf16, #tpu.memory_space<vmem>>)
        %dma_start3A_235 = arith.constant 11 : i32
        %dma_start3A_236 = arith.constant 384 : i32
        %dma_start3A_237 = arith.constant 0 : i32
        %dma_start3A_238 = tpu.memref_slice %arg10[%dma_start3A_236, %dma_start3A_237] : memref<1024x64xbf16, #tpu.memory_space<vmem>> -> memref<128x64xbf16, #tpu.memory_space<vmem>>
        %dma_start3A_239 = arith.constant 0 : i32
        %dma_start3A_240 = tpu.memref_slice %arg9[%dma_start3A_235, %dma_start3A_239] : memref<16x128xi32, #tpu.memory_space<vmem>> -> memref<1x128xi32, #tpu.memory_space<vmem>>
        %dma_start3A_241 = tpu.memref_squeeze %dma_start3A_240 : memref<1x128xi32, #tpu.memory_space<vmem>> -> memref<128xi32, #tpu.memory_space<vmem>>
        %dma_start3A_242 = arith.constant 0 : i32
        %dma_start3A_243 = arith.constant 0 : i32
        %dma_start3A_244 = tpu.memref_slice %arg8[%dma_start3A_242, %dma_start3A_243] : memref<40960x64xbf16, #tpu.memory_space<vmem_shared>> -> memref<40960x64xbf16, #tpu.memory_space<vmem_shared>>
        tpu.enqueue_indirect_dma source(%dma_start3A_238 : memref<128x64xbf16, #tpu.memory_space<vmem>>) target(%dma_start3A_244 : memref<40960x64xbf16, #tpu.memory_space<vmem_shared>>) offsets(%dma_start3A_241 : memref<128xi32, #tpu.memory_space<vmem>>) semaphore(%arg13 : memref<!tpu.dma_semaphore, #tpu.memory_space<semaphore_mem>>) {add = true}
        %dma_wait3A_245 = arith.constant 4 : i32
        %dma_wait3A_246 = arith.constant 512 : i32
        %dma_wait3A_247 = arith.constant 0 : i32
        %dma_wait3A_248 = tpu.memref_slice %arg10[%dma_wait3A_246, %dma_wait3A_247] : memref<1024x64xbf16, #tpu.memory_space<vmem>> -> memref<128x64xbf16, #tpu.memory_space<vmem>>
        %dma_wait3A_249 = arith.constant 0 : i32
        %dma_wait3A_250 = tpu.memref_slice %arg9[%dma_wait3A_245, %dma_wait3A_249] : memref<16x128xi32, #tpu.memory_space<vmem>> -> memref<1x128xi32, #tpu.memory_space<vmem>>
        %dma_wait3A_251 = tpu.memref_squeeze %dma_wait3A_250 : memref<1x128xi32, #tpu.memory_space<vmem>> -> memref<128xi32, #tpu.memory_space<vmem>>
        %dma_wait3A_252 = arith.constant 0 : i32
        %dma_wait3A_253 = arith.constant 0 : i32
        %dma_wait3A_254 = tpu.memref_slice %arg3[%dma_wait3A_252, %dma_wait3A_253] : memref<10000x64xbf16, #tpu.memory_space<hbm>> -> memref<10000x64xbf16, #tpu.memory_space<hbm>>
        tpu.wait_indirect_dma semaphore(%arg12 : memref<!tpu.dma_semaphore, #tpu.memory_space<semaphore_mem>>) src(%dma_wait3A_254 : memref<10000x64xbf16, #tpu.memory_space<hbm>>) dst(%dma_wait3A_248 : memref<128x64xbf16, #tpu.memory_space<vmem>>)
        %dma_start3A_255 = arith.constant 12 : i32
        %dma_start3A_256 = arith.constant 512 : i32
        %dma_start3A_257 = arith.constant 0 : i32
        %dma_start3A_258 = tpu.memref_slice %arg10[%dma_start3A_256, %dma_start3A_257] : memref<1024x64xbf16, #tpu.memory_space<vmem>> -> memref<128x64xbf16, #tpu.memory_space<vmem>>
        %dma_start3A_259 = arith.constant 0 : i32
        %dma_start3A_260 = tpu.memref_slice %arg9[%dma_start3A_255, %dma_start3A_259] : memref<16x128xi32, #tpu.memory_space<vmem>> -> memref<1x128xi32, #tpu.memory_space<vmem>>
        %dma_start3A_261 = tpu.memref_squeeze %dma_start3A_260 : memref<1x128xi32, #tpu.memory_space<vmem>> -> memref<128xi32, #tpu.memory_space<vmem>>
        %dma_start3A_262 = arith.constant 0 : i32
        %dma_start3A_263 = arith.constant 0 : i32
        %dma_start3A_264 = tpu.memref_slice %arg8[%dma_start3A_262, %dma_start3A_263] : memref<40960x64xbf16, #tpu.memory_space<vmem_shared>> -> memref<40960x64xbf16, #tpu.memory_space<vmem_shared>>
        tpu.enqueue_indirect_dma source(%dma_start3A_258 : memref<128x64xbf16, #tpu.memory_space<vmem>>) target(%dma_start3A_264 : memref<40960x64xbf16, #tpu.memory_space<vmem_shared>>) offsets(%dma_start3A_261 : memref<128xi32, #tpu.memory_space<vmem>>) semaphore(%arg13 : memref<!tpu.dma_semaphore, #tpu.memory_space<semaphore_mem>>) {add = true}
        %dma_wait3A_265 = arith.constant 5 : i32
        %dma_wait3A_266 = arith.constant 640 : i32
        %dma_wait3A_267 = arith.constant 0 : i32
        %dma_wait3A_268 = tpu.memref_slice %arg10[%dma_wait3A_266, %dma_wait3A_267] : memref<1024x64xbf16, #tpu.memory_space<vmem>> -> memref<128x64xbf16, #tpu.memory_space<vmem>>
        %dma_wait3A_269 = arith.constant 0 : i32
        %dma_wait3A_270 = tpu.memref_slice %arg9[%dma_wait3A_265, %dma_wait3A_269] : memref<16x128xi32, #tpu.memory_space<vmem>> -> memref<1x128xi32, #tpu.memory_space<vmem>>
        %dma_wait3A_271 = tpu.memref_squeeze %dma_wait3A_270 : memref<1x128xi32, #tpu.memory_space<vmem>> -> memref<128xi32, #tpu.memory_space<vmem>>
        %dma_wait3A_272 = arith.constant 0 : i32
        %dma_wait3A_273 = arith.constant 0 : i32
        %dma_wait3A_274 = tpu.memref_slice %arg3[%dma_wait3A_272, %dma_wait3A_273] : memref<10000x64xbf16, #tpu.memory_space<hbm>> -> memref<10000x64xbf16, #tpu.memory_space<hbm>>
        tpu.wait_indirect_dma semaphore(%arg12 : memref<!tpu.dma_semaphore, #tpu.memory_space<semaphore_mem>>) src(%dma_wait3A_274 : memref<10000x64xbf16, #tpu.memory_space<hbm>>) dst(%dma_wait3A_268 : memref<128x64xbf16, #tpu.memory_space<vmem>>)
        %dma_start3A_275 = arith.constant 13 : i32
        %dma_start3A_276 = arith.constant 640 : i32
        %dma_start3A_277 = arith.constant 0 : i32
        %dma_start3A_278 = tpu.memref_slice %arg10[%dma_start3A_276, %dma_start3A_277] : memref<1024x64xbf16, #tpu.memory_space<vmem>> -> memref<128x64xbf16, #tpu.memory_space<vmem>>
        %dma_start3A_279 = arith.constant 0 : i32
        %dma_start3A_280 = tpu.memref_slice %arg9[%dma_start3A_275, %dma_start3A_279] : memref<16x128xi32, #tpu.memory_space<vmem>> -> memref<1x128xi32, #tpu.memory_space<vmem>>
        %dma_start3A_281 = tpu.memref_squeeze %dma_start3A_280 : memref<1x128xi32, #tpu.memory_space<vmem>> -> memref<128xi32, #tpu.memory_space<vmem>>
        %dma_start3A_282 = arith.constant 0 : i32
        %dma_start3A_283 = arith.constant 0 : i32
        %dma_start3A_284 = tpu.memref_slice %arg8[%dma_start3A_282, %dma_start3A_283] : memref<40960x64xbf16, #tpu.memory_space<vmem_shared>> -> memref<40960x64xbf16, #tpu.memory_space<vmem_shared>>
        tpu.enqueue_indirect_dma source(%dma_start3A_278 : memref<128x64xbf16, #tpu.memory_space<vmem>>) target(%dma_start3A_284 : memref<40960x64xbf16, #tpu.memory_space<vmem_shared>>) offsets(%dma_start3A_281 : memref<128xi32, #tpu.memory_space<vmem>>) semaphore(%arg13 : memref<!tpu.dma_semaphore, #tpu.memory_space<semaphore_mem>>) {add = true}
        %dma_wait3A_285 = arith.constant 6 : i32
        %dma_wait3A_286 = arith.constant 768 : i32
        %dma_wait3A_287 = arith.constant 0 : i32
        %dma_wait3A_288 = tpu.memref_slice %arg10[%dma_wait3A_286, %dma_wait3A_287] : memref<1024x64xbf16, #tpu.memory_space<vmem>> -> memref<128x64xbf16, #tpu.memory_space<vmem>>
        %dma_wait3A_289 = arith.constant 0 : i32
        %dma_wait3A_290 = tpu.memref_slice %arg9[%dma_wait3A_285, %dma_wait3A_289] : memref<16x128xi32, #tpu.memory_space<vmem>> -> memref<1x128xi32, #tpu.memory_space<vmem>>
        %dma_wait3A_291 = tpu.memref_squeeze %dma_wait3A_290 : memref<1x128xi32, #tpu.memory_space<vmem>> -> memref<128xi32, #tpu.memory_space<vmem>>
        %dma_wait3A_292 = arith.constant 0 : i32
        %dma_wait3A_293 = arith.constant 0 : i32
        %dma_wait3A_294 = tpu.memref_slice %arg3[%dma_wait3A_292, %dma_wait3A_293] : memref<10000x64xbf16, #tpu.memory_space<hbm>> -> memref<10000x64xbf16, #tpu.memory_space<hbm>>
        tpu.wait_indirect_dma semaphore(%arg12 : memref<!tpu.dma_semaphore, #tpu.memory_space<semaphore_mem>>) src(%dma_wait3A_294 : memref<10000x64xbf16, #tpu.memory_space<hbm>>) dst(%dma_wait3A_288 : memref<128x64xbf16, #tpu.memory_space<vmem>>)
        %dma_start3A_295 = arith.constant 14 : i32
        %dma_start3A_296 = arith.constant 768 : i32
        %dma_start3A_297 = arith.constant 0 : i32
        %dma_start3A_298 = tpu.memref_slice %arg10[%dma_start3A_296, %dma_start3A_297] : memref<1024x64xbf16, #tpu.memory_space<vmem>> -> memref<128x64xbf16, #tpu.memory_space<vmem>>
        %dma_start3A_299 = arith.constant 0 : i32
        %dma_start3A_300 = tpu.memref_slice %arg9[%dma_start3A_295, %dma_start3A_299] : memref<16x128xi32, #tpu.memory_space<vmem>> -> memref<1x128xi32, #tpu.memory_space<vmem>>
        %dma_start3A_301 = tpu.memref_squeeze %dma_start3A_300 : memref<1x128xi32, #tpu.memory_space<vmem>> -> memref<128xi32, #tpu.memory_space<vmem>>
        %dma_start3A_302 = arith.constant 0 : i32
        %dma_start3A_303 = arith.constant 0 : i32
        %dma_start3A_304 = tpu.memref_slice %arg8[%dma_start3A_302, %dma_start3A_303] : memref<40960x64xbf16, #tpu.memory_space<vmem_shared>> -> memref<40960x64xbf16, #tpu.memory_space<vmem_shared>>
        tpu.enqueue_indirect_dma source(%dma_start3A_298 : memref<128x64xbf16, #tpu.memory_space<vmem>>) target(%dma_start3A_304 : memref<40960x64xbf16, #tpu.memory_space<vmem_shared>>) offsets(%dma_start3A_301 : memref<128xi32, #tpu.memory_space<vmem>>) semaphore(%arg13 : memref<!tpu.dma_semaphore, #tpu.memory_space<semaphore_mem>>) {add = true}
        %dma_wait3A_305 = arith.constant 7 : i32
        %dma_wait3A_306 = arith.constant 896 : i32
        %dma_wait3A_307 = arith.constant 0 : i32
        %dma_wait3A_308 = tpu.memref_slice %arg10[%dma_wait3A_306, %dma_wait3A_307] : memref<1024x64xbf16, #tpu.memory_space<vmem>> -> memref<128x64xbf16, #tpu.memory_space<vmem>>
        %dma_wait3A_309 = arith.constant 0 : i32
        %dma_wait3A_310 = tpu.memref_slice %arg9[%dma_wait3A_305, %dma_wait3A_309] : memref<16x128xi32, #tpu.memory_space<vmem>> -> memref<1x128xi32, #tpu.memory_space<vmem>>
        %dma_wait3A_311 = tpu.memref_squeeze %dma_wait3A_310 : memref<1x128xi32, #tpu.memory_space<vmem>> -> memref<128xi32, #tpu.memory_space<vmem>>
        %dma_wait3A_312 = arith.constant 0 : i32
        %dma_wait3A_313 = arith.constant 0 : i32
        %dma_wait3A_314 = tpu.memref_slice %arg3[%dma_wait3A_312, %dma_wait3A_313] : memref<10000x64xbf16, #tpu.memory_space<hbm>> -> memref<10000x64xbf16, #tpu.memory_space<hbm>>
        tpu.wait_indirect_dma semaphore(%arg12 : memref<!tpu.dma_semaphore, #tpu.memory_space<semaphore_mem>>) src(%dma_wait3A_314 : memref<10000x64xbf16, #tpu.memory_space<hbm>>) dst(%dma_wait3A_308 : memref<128x64xbf16, #tpu.memory_space<vmem>>)
        %dma_start3A_315 = arith.constant 15 : i32
        %dma_start3A_316 = arith.constant 896 : i32
        %dma_start3A_317 = arith.constant 0 : i32
        %dma_start3A_318 = tpu.memref_slice %arg10[%dma_start3A_316, %dma_start3A_317] : memref<1024x64xbf16, #tpu.memory_space<vmem>> -> memref<128x64xbf16, #tpu.memory_space<vmem>>
        %dma_start3A_319 = arith.constant 0 : i32
        %dma_start3A_320 = tpu.memref_slice %arg9[%dma_start3A_315, %dma_start3A_319] : memref<16x128xi32, #tpu.memory_space<vmem>> -> memref<1x128xi32, #tpu.memory_space<vmem>>
        %dma_start3A_321 = tpu.memref_squeeze %dma_start3A_320 : memref<1x128xi32, #tpu.memory_space<vmem>> -> memref<128xi32, #tpu.memory_space<vmem>>
        %dma_start3A_322 = arith.constant 0 : i32
        %dma_start3A_323 = arith.constant 0 : i32
        %dma_start3A_324 = tpu.memref_slice %arg8[%dma_start3A_322, %dma_start3A_323] : memref<40960x64xbf16, #tpu.memory_space<vmem_shared>> -> memref<40960x64xbf16, #tpu.memory_space<vmem_shared>>
        tpu.enqueue_indirect_dma source(%dma_start3A_318 : memref<128x64xbf16, #tpu.memory_space<vmem>>) target(%dma_start3A_324 : memref<40960x64xbf16, #tpu.memory_space<vmem_shared>>) offsets(%dma_start3A_321 : memref<128xi32, #tpu.memory_space<vmem>>) semaphore(%arg13 : memref<!tpu.dma_semaphore, #tpu.memory_space<semaphore_mem>>) {add = true}
        %dma_wait3A_325 = arith.constant 8 : i32
        %dma_wait3A_326 = arith.constant 0 : i32
        %dma_wait3A_327 = arith.constant 0 : i32
        %dma_wait3A_328 = tpu.memref_slice %arg10[%dma_wait3A_326, %dma_wait3A_327] : memref<1024x64xbf16, #tpu.memory_space<vmem>> -> memref<128x64xbf16, #tpu.memory_space<vmem>>
        %dma_wait3A_329 = arith.constant 0 : i32
        %dma_wait3A_330 = tpu.memref_slice %arg9[%dma_wait3A_325, %dma_wait3A_329] : memref<16x128xi32, #tpu.memory_space<vmem>> -> memref<1x128xi32, #tpu.memory_space<vmem>>
        %dma_wait3A_331 = tpu.memref_squeeze %dma_wait3A_330 : memref<1x128xi32, #tpu.memory_space<vmem>> -> memref<128xi32, #tpu.memory_space<vmem>>
        %dma_wait3A_332 = arith.constant 0 : i32
        %dma_wait3A_333 = arith.constant 0 : i32
        %dma_wait3A_334 = tpu.memref_slice %arg8[%dma_wait3A_332, %dma_wait3A_333] : memref<40960x64xbf16, #tpu.memory_space<vmem_shared>> -> memref<40960x64xbf16, #tpu.memory_space<vmem_shared>>
        tpu.wait_indirect_dma semaphore(%arg13 : memref<!tpu.dma_semaphore, #tpu.memory_space<semaphore_mem>>) src(%dma_wait3A_328 : memref<128x64xbf16, #tpu.memory_space<vmem>>) dst(%dma_wait3A_334 : memref<40960x64xbf16, #tpu.memory_space<vmem_shared>>)
        %dma_wait3A_335 = arith.constant 9 : i32
        %dma_wait3A_336 = arith.constant 128 : i32
        %dma_wait3A_337 = arith.constant 0 : i32
        %dma_wait3A_338 = tpu.memref_slice %arg10[%dma_wait3A_336, %dma_wait3A_337] : memref<1024x64xbf16, #tpu.memory_space<vmem>> -> memref<128x64xbf16, #tpu.memory_space<vmem>>
        %dma_wait3A_339 = arith.constant 0 : i32
        %dma_wait3A_340 = tpu.memref_slice %arg9[%dma_wait3A_335, %dma_wait3A_339] : memref<16x128xi32, #tpu.memory_space<vmem>> -> memref<1x128xi32, #tpu.memory_space<vmem>>
        %dma_wait3A_341 = tpu.memref_squeeze %dma_wait3A_340 : memref<1x128xi32, #tpu.memory_space<vmem>> -> memref<128xi32, #tpu.memory_space<vmem>>
        %dma_wait3A_342 = arith.constant 0 : i32
        %dma_wait3A_343 = arith.constant 0 : i32
        %dma_wait3A_344 = tpu.memref_slice %arg8[%dma_wait3A_342, %dma_wait3A_343] : memref<40960x64xbf16, #tpu.memory_space<vmem_shared>> -> memref<40960x64xbf16, #tpu.memory_space<vmem_shared>>
        tpu.wait_indirect_dma semaphore(%arg13 : memref<!tpu.dma_semaphore, #tpu.memory_space<semaphore_mem>>) src(%dma_wait3A_338 : memref<128x64xbf16, #tpu.memory_space<vmem>>) dst(%dma_wait3A_344 : memref<40960x64xbf16, #tpu.memory_space<vmem_shared>>)
        %dma_wait3A_345 = arith.constant 10 : i32
        %dma_wait3A_346 = arith.constant 256 : i32
        %dma_wait3A_347 = arith.constant 0 : i32
        %dma_wait3A_348 = tpu.memref_slice %arg10[%dma_wait3A_346, %dma_wait3A_347] : memref<1024x64xbf16, #tpu.memory_space<vmem>> -> memref<128x64xbf16, #tpu.memory_space<vmem>>
        %dma_wait3A_349 = arith.constant 0 : i32
        %dma_wait3A_350 = tpu.memref_slice %arg9[%dma_wait3A_345, %dma_wait3A_349] : memref<16x128xi32, #tpu.memory_space<vmem>> -> memref<1x128xi32, #tpu.memory_space<vmem>>
        %dma_wait3A_351 = tpu.memref_squeeze %dma_wait3A_350 : memref<1x128xi32, #tpu.memory_space<vmem>> -> memref<128xi32, #tpu.memory_space<vmem>>
        %dma_wait3A_352 = arith.constant 0 : i32
        %dma_wait3A_353 = arith.constant 0 : i32
        %dma_wait3A_354 = tpu.memref_slice %arg8[%dma_wait3A_352, %dma_wait3A_353] : memref<40960x64xbf16, #tpu.memory_space<vmem_shared>> -> memref<40960x64xbf16, #tpu.memory_space<vmem_shared>>
        tpu.wait_indirect_dma semaphore(%arg13 : memref<!tpu.dma_semaphore, #tpu.memory_space<semaphore_mem>>) src(%dma_wait3A_348 : memref<128x64xbf16, #tpu.memory_space<vmem>>) dst(%dma_wait3A_354 : memref<40960x64xbf16, #tpu.memory_space<vmem_shared>>)
        %dma_wait3A_355 = arith.constant 11 : i32
        %dma_wait3A_356 = arith.constant 384 : i32
        %dma_wait3A_357 = arith.constant 0 : i32
        %dma_wait3A_358 = tpu.memref_slice %arg10[%dma_wait3A_356, %dma_wait3A_357] : memref<1024x64xbf16, #tpu.memory_space<vmem>> -> memref<128x64xbf16, #tpu.memory_space<vmem>>
        %dma_wait3A_359 = arith.constant 0 : i32
        %dma_wait3A_360 = tpu.memref_slice %arg9[%dma_wait3A_355, %dma_wait3A_359] : memref<16x128xi32, #tpu.memory_space<vmem>> -> memref<1x128xi32, #tpu.memory_space<vmem>>
        %dma_wait3A_361 = tpu.memref_squeeze %dma_wait3A_360 : memref<1x128xi32, #tpu.memory_space<vmem>> -> memref<128xi32, #tpu.memory_space<vmem>>
        %dma_wait3A_362 = arith.constant 0 : i32
        %dma_wait3A_363 = arith.constant 0 : i32
        %dma_wait3A_364 = tpu.memref_slice %arg8[%dma_wait3A_362, %dma_wait3A_363] : memref<40960x64xbf16, #tpu.memory_space<vmem_shared>> -> memref<40960x64xbf16, #tpu.memory_space<vmem_shared>>
        tpu.wait_indirect_dma semaphore(%arg13 : memref<!tpu.dma_semaphore, #tpu.memory_space<semaphore_mem>>) src(%dma_wait3A_358 : memref<128x64xbf16, #tpu.memory_space<vmem>>) dst(%dma_wait3A_364 : memref<40960x64xbf16, #tpu.memory_space<vmem_shared>>)
        %dma_wait3A_365 = arith.constant 12 : i32
        %dma_wait3A_366 = arith.constant 512 : i32
        %dma_wait3A_367 = arith.constant 0 : i32
        %dma_wait3A_368 = tpu.memref_slice %arg10[%dma_wait3A_366, %dma_wait3A_367] : memref<1024x64xbf16, #tpu.memory_space<vmem>> -> memref<128x64xbf16, #tpu.memory_space<vmem>>
        %dma_wait3A_369 = arith.constant 0 : i32
        %dma_wait3A_370 = tpu.memref_slice %arg9[%dma_wait3A_365, %dma_wait3A_369] : memref<16x128xi32, #tpu.memory_space<vmem>> -> memref<1x128xi32, #tpu.memory_space<vmem>>
        %dma_wait3A_371 = tpu.memref_squeeze %dma_wait3A_370 : memref<1x128xi32, #tpu.memory_space<vmem>> -> memref<128xi32, #tpu.memory_space<vmem>>
        %dma_wait3A_372 = arith.constant 0 : i32
        %dma_wait3A_373 = arith.constant 0 : i32
        %dma_wait3A_374 = tpu.memref_slice %arg8[%dma_wait3A_372, %dma_wait3A_373] : memref<40960x64xbf16, #tpu.memory_space<vmem_shared>> -> memref<40960x64xbf16, #tpu.memory_space<vmem_shared>>
        tpu.wait_indirect_dma semaphore(%arg13 : memref<!tpu.dma_semaphore, #tpu.memory_space<semaphore_mem>>) src(%dma_wait3A_368 : memref<128x64xbf16, #tpu.memory_space<vmem>>) dst(%dma_wait3A_374 : memref<40960x64xbf16, #tpu.memory_space<vmem_shared>>)
        %dma_wait3A_375 = arith.constant 13 : i32
        %dma_wait3A_376 = arith.constant 640 : i32
        %dma_wait3A_377 = arith.constant 0 : i32
        %dma_wait3A_378 = tpu.memref_slice %arg10[%dma_wait3A_376, %dma_wait3A_377] : memref<1024x64xbf16, #tpu.memory_space<vmem>> -> memref<128x64xbf16, #tpu.memory_space<vmem>>
        %dma_wait3A_379 = arith.constant 0 : i32
        %dma_wait3A_380 = tpu.memref_slice %arg9[%dma_wait3A_375, %dma_wait3A_379] : memref<16x128xi32, #tpu.memory_space<vmem>> -> memref<1x128xi32, #tpu.memory_space<vmem>>
        %dma_wait3A_381 = tpu.memref_squeeze %dma_wait3A_380 : memref<1x128xi32, #tpu.memory_space<vmem>> -> memref<128xi32, #tpu.memory_space<vmem>>
        %dma_wait3A_382 = arith.constant 0 : i32
        %dma_wait3A_383 = arith.constant 0 : i32
        %dma_wait3A_384 = tpu.memref_slice %arg8[%dma_wait3A_382, %dma_wait3A_383] : memref<40960x64xbf16, #tpu.memory_space<vmem_shared>> -> memref<40960x64xbf16, #tpu.memory_space<vmem_shared>>
        tpu.wait_indirect_dma semaphore(%arg13 : memref<!tpu.dma_semaphore, #tpu.memory_space<semaphore_mem>>) src(%dma_wait3A_378 : memref<128x64xbf16, #tpu.memory_space<vmem>>) dst(%dma_wait3A_384 : memref<40960x64xbf16, #tpu.memory_space<vmem_shared>>)
        %dma_wait3A_385 = arith.constant 14 : i32
        %dma_wait3A_386 = arith.constant 768 : i32
        %dma_wait3A_387 = arith.constant 0 : i32
        %dma_wait3A_388 = tpu.memref_slice %arg10[%dma_wait3A_386, %dma_wait3A_387] : memref<1024x64xbf16, #tpu.memory_space<vmem>> -> memref<128x64xbf16, #tpu.memory_space<vmem>>
        %dma_wait3A_389 = arith.constant 0 : i32
        %dma_wait3A_390 = tpu.memref_slice %arg9[%dma_wait3A_385, %dma_wait3A_389] : memref<16x128xi32, #tpu.memory_space<vmem>> -> memref<1x128xi32, #tpu.memory_space<vmem>>
        %dma_wait3A_391 = tpu.memref_squeeze %dma_wait3A_390 : memref<1x128xi32, #tpu.memory_space<vmem>> -> memref<128xi32, #tpu.memory_space<vmem>>
        %dma_wait3A_392 = arith.constant 0 : i32
        %dma_wait3A_393 = arith.constant 0 : i32
        %dma_wait3A_394 = tpu.memref_slice %arg8[%dma_wait3A_392, %dma_wait3A_393] : memref<40960x64xbf16, #tpu.memory_space<vmem_shared>> -> memref<40960x64xbf16, #tpu.memory_space<vmem_shared>>
        tpu.wait_indirect_dma semaphore(%arg13 : memref<!tpu.dma_semaphore, #tpu.memory_space<semaphore_mem>>) src(%dma_wait3A_388 : memref<128x64xbf16, #tpu.memory_space<vmem>>) dst(%dma_wait3A_394 : memref<40960x64xbf16, #tpu.memory_space<vmem_shared>>)
        %dma_wait3A_395 = arith.constant 15 : i32
        %dma_wait3A_396 = arith.constant 896 : i32
        %dma_wait3A_397 = arith.constant 0 : i32
        %dma_wait3A_398 = tpu.memref_slice %arg10[%dma_wait3A_396, %dma_wait3A_397] : memref<1024x64xbf16, #tpu.memory_space<vmem>> -> memref<128x64xbf16, #tpu.memory_space<vmem>>
        %dma_wait3A_399 = arith.constant 0 : i32
        %dma_wait3A_400 = tpu.memref_slice %arg9[%dma_wait3A_395, %dma_wait3A_399] : memref<16x128xi32, #tpu.memory_space<vmem>> -> memref<1x128xi32, #tpu.memory_space<vmem>>
        %dma_wait3A_401 = tpu.memref_squeeze %dma_wait3A_400 : memref<1x128xi32, #tpu.memory_space<vmem>> -> memref<128xi32, #tpu.memory_space<vmem>>
        %dma_wait3A_402 = arith.constant 0 : i32
        %dma_wait3A_403 = arith.constant 0 : i32
        %dma_wait3A_404 = tpu.memref_slice %arg8[%dma_wait3A_402, %dma_wait3A_403] : memref<40960x64xbf16, #tpu.memory_space<vmem_shared>> -> memref<40960x64xbf16, #tpu.memory_space<vmem_shared>>
        tpu.wait_indirect_dma semaphore(%arg13 : memref<!tpu.dma_semaphore, #tpu.memory_space<semaphore_mem>>) src(%dma_wait3A_398 : memref<128x64xbf16, #tpu.memory_space<vmem>>) dst(%dma_wait3A_404 : memref<40960x64xbf16, #tpu.memory_space<vmem_shared>>)
      }
      %scan3A_73 = arith.constant 20 : i32
      %barrier3A_74 = arith.constant 0 : index
      tpu.barrier barrier_id(%barrier3A_74)
      %mul3A_75 = arith.constant 2504 : i32
      %mul3A_76 = arith.muli %arg1, %mul3A_75 : i32
      %mul3A_77 = arith.constant 2504 : i32
      %mul3A_78 = arith.muli %arg1, %mul3A_77 : i32
      "tpu.region"() ({
        %run_scoped3A = tpu.sem_alloc : memref<!tpu.dma_semaphore, #tpu.memory_space<semaphore_mem>>
        %dma_start3A = arith.constant 0 : i32
        %dma_start3A_79 = tpu.memref_slice %arg7[%mul3A_78, %dma_start3A] : memref<40064x64xbf16, #tpu.memory_space<hbm>> -> memref<2504x64xbf16, #tpu.memory_space<hbm>>
        %dma_start3A_80 = arith.constant 0 : i32
        %dma_start3A_81 = tpu.memref_slice %arg8[%mul3A_76, %dma_start3A_80] : memref<40960x64xbf16, #tpu.memory_space<vmem_shared>> -> memref<2504x64xbf16, #tpu.memory_space<vmem_shared>>
        tpu.enqueue_dma source(%dma_start3A_81 : memref<2504x64xbf16, #tpu.memory_space<vmem_shared>>) target(%dma_start3A_79 : memref<2504x64xbf16, #tpu.memory_space<hbm>>) target_semaphore(%run_scoped3A : memref<!tpu.dma_semaphore, #tpu.memory_space<semaphore_mem>>)
        %dma_wait3A = arith.constant 0 : i32
        %dma_wait3A_82 = tpu.memref_slice %arg7[%mul3A_78, %dma_wait3A] : memref<40064x64xbf16, #tpu.memory_space<hbm>> -> memref<2504x64xbf16, #tpu.memory_space<hbm>>
        %dma_wait3A_83 = arith.constant 0 : i32
        %dma_wait3A_84 = tpu.memref_slice %arg8[%mul3A_76, %dma_wait3A_83] : memref<40960x64xbf16, #tpu.memory_space<vmem_shared>> -> memref<2504x64xbf16, #tpu.memory_space<vmem_shared>>
        tpu.wait_dma2 semaphore(%run_scoped3A : memref<!tpu.dma_semaphore, #tpu.memory_space<semaphore_mem>>) src(%dma_wait3A_84 : memref<2504x64xbf16, #tpu.memory_space<vmem_shared>>) dst(%dma_wait3A_82 : memref<2504x64xbf16, #tpu.memory_space<hbm>>)
        tpu.yield
      }) : () -> ()
    } else {
    }
    return
  }
}

#map = affine_map<(d0, d1) -> (0)>
#map1 = affine_map<(d0, d1) -> (0, 0)>
module attributes {stable_mosaic.version = 14 : i64} {
  func.func @_cnt_body(%arg0: i32, %arg1: i32, %arg2: memref<327680xi32, #tpu.memory_space<hbm>>, %arg3: memref<128x8xf32, #tpu.memory_space<hbm>>, %arg4: memref<2560x8xf32, #tpu.memory_space<hbm>>, %arg5: memref<80128x8xf32, #tpu.memory_space<hbm>>, %arg6: memref<40960x8xf32, #tpu.memory_space<vmem_shared>>, %arg7: memref<128xi32, #tpu.memory_space<vmem>>, %arg8: memref<128x8xf32, #tpu.memory_space<vmem>>, %arg9: memref<2560x8xf32, #tpu.memory_space<vmem>>) attributes {dimension_semantics = [#tpu.dimension_semantics<core_parallel>, #tpu.dimension_semantics<subcore_parallel>], iteration_bounds = array<i64: 2, 16>, scalar_prefetch = 0 : i64, scratch_operands = 4 : i64, tpu.core_type = #tpu.core_type<sc_vector_subcore>, window_params = [{transform_indices = #map}, {transform_indices = #map1}, {transform_indices = #map1}, {transform_indices = #map1}]} {
    "tpu.region"() ({
      %run_scoped3A = tpu.sem_alloc : memref<!tpu.dma_semaphore, #tpu.memory_space<semaphore_mem>>
      tpu.enqueue_dma source(%arg3 : memref<128x8xf32, #tpu.memory_space<hbm>>) target(%arg8 : memref<128x8xf32, #tpu.memory_space<vmem>>) target_semaphore(%run_scoped3A : memref<!tpu.dma_semaphore, #tpu.memory_space<semaphore_mem>>)
      tpu.wait_dma2 semaphore(%run_scoped3A : memref<!tpu.dma_semaphore, #tpu.memory_space<semaphore_mem>>) src(%arg3 : memref<128x8xf32, #tpu.memory_space<hbm>>) dst(%arg8 : memref<128x8xf32, #tpu.memory_space<vmem>>)
      tpu.yield
    }) : () -> ()
    "tpu.region"() ({
      %run_scoped3A = tpu.sem_alloc : memref<!tpu.dma_semaphore, #tpu.memory_space<semaphore_mem>>
      tpu.enqueue_dma source(%arg4 : memref<2560x8xf32, #tpu.memory_space<hbm>>) target(%arg9 : memref<2560x8xf32, #tpu.memory_space<vmem>>) target_semaphore(%run_scoped3A : memref<!tpu.dma_semaphore, #tpu.memory_space<semaphore_mem>>)
      tpu.wait_dma2 semaphore(%run_scoped3A : memref<!tpu.dma_semaphore, #tpu.memory_space<semaphore_mem>>) src(%arg4 : memref<2560x8xf32, #tpu.memory_space<hbm>>) dst(%arg9 : memref<2560x8xf32, #tpu.memory_space<vmem>>)
      tpu.yield
    }) : () -> ()
    %mul3A = arith.constant 2560 : i32
    %mul3A_0 = arith.muli %arg1, %mul3A : i32
    "tpu.region"() ({
      %run_scoped3A = tpu.sem_alloc : memref<!tpu.dma_semaphore, #tpu.memory_space<semaphore_mem>>
      %dma_start3A = arith.constant 0 : i32
      %dma_start3A_16 = tpu.memref_slice %arg6[%mul3A_0, %dma_start3A] : memref<40960x8xf32, #tpu.memory_space<vmem_shared>> -> memref<2560x8xf32, #tpu.memory_space<vmem_shared>>
      %dma_start3A_17 = arith.constant 0 : i32
      %dma_start3A_18 = tpu.memref_slice %arg6[%mul3A_0, %dma_start3A_17] : memref<40960x8xf32, #tpu.memory_space<vmem_shared>> -> memref<2560x8xf32, #tpu.memory_space<vmem_shared>>
      tpu.enqueue_dma source(%arg9 : memref<2560x8xf32, #tpu.memory_space<vmem>>) target(%dma_start3A_18 : memref<2560x8xf32, #tpu.memory_space<vmem_shared>>) target_semaphore(%run_scoped3A : memref<!tpu.dma_semaphore, #tpu.memory_space<semaphore_mem>>)
      %dma_wait3A = arith.constant 0 : i32
      %dma_wait3A_19 = tpu.memref_slice %arg6[%mul3A_0, %dma_wait3A] : memref<40960x8xf32, #tpu.memory_space<vmem_shared>> -> memref<2560x8xf32, #tpu.memory_space<vmem_shared>>
      %dma_wait3A_20 = arith.constant 0 : i32
      %dma_wait3A_21 = tpu.memref_slice %arg6[%mul3A_0, %dma_wait3A_20] : memref<40960x8xf32, #tpu.memory_space<vmem_shared>> -> memref<2560x8xf32, #tpu.memory_space<vmem_shared>>
      tpu.wait_dma2 semaphore(%run_scoped3A : memref<!tpu.dma_semaphore, #tpu.memory_space<semaphore_mem>>) src(%arg9 : memref<2560x8xf32, #tpu.memory_space<vmem>>) dst(%dma_wait3A_21 : memref<2560x8xf32, #tpu.memory_space<vmem_shared>>)
      tpu.yield
    }) : () -> ()
    %barrier3A = arith.constant 0 : index
    tpu.barrier barrier_id(%barrier3A)
    %mul3A_1 = arith.constant 16 : i32
    %mul3A_2 = arith.muli %arg0, %mul3A_1 : i32
    %add3A = arith.addi %mul3A_2, %arg1 : i32
    %scan3A = arith.constant 0 : i32
    %scan3A_3 = arith.constant 0 : i32
    %scan3A_4 = arith.constant 80 : i32
    %scan3A_5 = arith.addi %scan3A_3, %scan3A_4 : i32
    %scan3A_6 = arith.constant 1 : i32
    scf.for %scan3A_16 = %scan3A_3 to %scan3A_5 step %scan3A_6  : i32 {
      %mul3A_17 = arith.constant 80 : i32
      %mul3A_18 = arith.muli %add3A, %mul3A_17 : i32
      %add3A_19 = arith.addi %mul3A_18, %scan3A_16 : i32
      %mul3A_20 = arith.constant 128 : i32
      %mul3A_21 = arith.muli %add3A_19, %mul3A_20 : i32
      "tpu.region"() ({
        %run_scoped3A = tpu.sem_alloc : memref<!tpu.dma_semaphore, #tpu.memory_space<semaphore_mem>>
        %dma_start3A = tpu.memref_slice %arg2[%mul3A_21] : memref<327680xi32, #tpu.memory_space<hbm>> -> memref<128xi32, #tpu.memory_space<hbm>>
        %dma_start3A_22 = tpu.memref_slice %arg2[%mul3A_21] : memref<327680xi32, #tpu.memory_space<hbm>> -> memref<128xi32, #tpu.memory_space<hbm>>
        tpu.enqueue_dma source(%dma_start3A_22 : memref<128xi32, #tpu.memory_space<hbm>>) target(%arg7 : memref<128xi32, #tpu.memory_space<vmem>>) target_semaphore(%run_scoped3A : memref<!tpu.dma_semaphore, #tpu.memory_space<semaphore_mem>>)
        %dma_wait3A = tpu.memref_slice %arg2[%mul3A_21] : memref<327680xi32, #tpu.memory_space<hbm>> -> memref<128xi32, #tpu.memory_space<hbm>>
        %dma_wait3A_23 = tpu.memref_slice %arg2[%mul3A_21] : memref<327680xi32, #tpu.memory_space<hbm>> -> memref<128xi32, #tpu.memory_space<hbm>>
        tpu.wait_dma2 semaphore(%run_scoped3A : memref<!tpu.dma_semaphore, #tpu.memory_space<semaphore_mem>>) src(%dma_wait3A_23 : memref<128xi32, #tpu.memory_space<hbm>>) dst(%arg7 : memref<128xi32, #tpu.memory_space<vmem>>)
        tpu.yield
      }) : () -> ()
      "tpu.region"() ({
        %run_scoped3A = tpu.sem_alloc : memref<!tpu.dma_semaphore, #tpu.memory_space<semaphore_mem>>
        %dma_start3A = arith.constant 0 : i32
        %dma_start3A_22 = arith.constant 0 : i32
        %dma_start3A_23 = tpu.memref_slice %arg6[%dma_start3A, %dma_start3A_22] : memref<40960x8xf32, #tpu.memory_space<vmem_shared>> -> memref<40960x8xf32, #tpu.memory_space<vmem_shared>>
        tpu.enqueue_indirect_dma source(%arg8 : memref<128x8xf32, #tpu.memory_space<vmem>>) target(%dma_start3A_23 : memref<40960x8xf32, #tpu.memory_space<vmem_shared>>) offsets(%arg7 : memref<128xi32, #tpu.memory_space<vmem>>) semaphore(%run_scoped3A : memref<!tpu.dma_semaphore, #tpu.memory_space<semaphore_mem>>) {add = true}
        %dma_wait3A = arith.constant 0 : i32
        %dma_wait3A_24 = arith.constant 0 : i32
        %dma_wait3A_25 = tpu.memref_slice %arg6[%dma_wait3A, %dma_wait3A_24] : memref<40960x8xf32, #tpu.memory_space<vmem_shared>> -> memref<40960x8xf32, #tpu.memory_space<vmem_shared>>
        tpu.wait_indirect_dma semaphore(%run_scoped3A : memref<!tpu.dma_semaphore, #tpu.memory_space<semaphore_mem>>) src(%arg8 : memref<128x8xf32, #tpu.memory_space<vmem>>) dst(%dma_wait3A_25 : memref<40960x8xf32, #tpu.memory_space<vmem_shared>>)
        tpu.yield
      }) : () -> ()
    }
    %scan3A_7 = arith.constant 80 : i32
    %barrier3A_8 = arith.constant 0 : index
    tpu.barrier barrier_id(%barrier3A_8)
    %mul3A_9 = arith.constant 2504 : i32
    %mul3A_10 = arith.muli %arg1, %mul3A_9 : i32
    %mul3A_11 = arith.constant 40064 : i32
    %mul3A_12 = arith.muli %arg0, %mul3A_11 : i32
    %mul3A_13 = arith.constant 2504 : i32
    %mul3A_14 = arith.muli %arg1, %mul3A_13 : i32
    %add3A_15 = arith.addi %mul3A_12, %mul3A_14 : i32
    "tpu.region"() ({
      %run_scoped3A = tpu.sem_alloc : memref<!tpu.dma_semaphore, #tpu.memory_space<semaphore_mem>>
      %dma_start3A = arith.constant 0 : i32
      %dma_start3A_16 = tpu.memref_slice %arg5[%add3A_15, %dma_start3A] : memref<80128x8xf32, #tpu.memory_space<hbm>> -> memref<2504x8xf32, #tpu.memory_space<hbm>>
      %dma_start3A_17 = arith.constant 0 : i32
      %dma_start3A_18 = tpu.memref_slice %arg6[%mul3A_10, %dma_start3A_17] : memref<40960x8xf32, #tpu.memory_space<vmem_shared>> -> memref<2504x8xf32, #tpu.memory_space<vmem_shared>>
      tpu.enqueue_dma source(%dma_start3A_18 : memref<2504x8xf32, #tpu.memory_space<vmem_shared>>) target(%dma_start3A_16 : memref<2504x8xf32, #tpu.memory_space<hbm>>) target_semaphore(%run_scoped3A : memref<!tpu.dma_semaphore, #tpu.memory_space<semaphore_mem>>)
      %dma_wait3A = arith.constant 0 : i32
      %dma_wait3A_19 = tpu.memref_slice %arg5[%add3A_15, %dma_wait3A] : memref<80128x8xf32, #tpu.memory_space<hbm>> -> memref<2504x8xf32, #tpu.memory_space<hbm>>
      %dma_wait3A_20 = arith.constant 0 : i32
      %dma_wait3A_21 = tpu.memref_slice %arg6[%mul3A_10, %dma_wait3A_20] : memref<40960x8xf32, #tpu.memory_space<vmem_shared>> -> memref<2504x8xf32, #tpu.memory_space<vmem_shared>>
      tpu.wait_dma2 semaphore(%run_scoped3A : memref<!tpu.dma_semaphore, #tpu.memory_space<semaphore_mem>>) src(%dma_wait3A_21 : memref<2504x8xf32, #tpu.memory_space<vmem_shared>>) dst(%dma_wait3A_19 : memref<2504x8xf32, #tpu.memory_space<hbm>>)
      tpu.yield
    }) : () -> ()
    return
  }
}

#map = affine_map<(d0, d1) -> (0, 0)>
module attributes {stable_mosaic.version = 14 : i64} {
  func.func @_agg_body(%arg0: i32, %arg1: i32, %arg2: memref<10000x64xbf16, #tpu.memory_space<hbm>>, %arg3: memref<10000x64xbf16, #tpu.memory_space<hbm>>, %arg4: memref<5120x128xi32, #tpu.memory_space<hbm>>, %arg5: memref<160x64xbf16, #tpu.memory_space<hbm>>, %arg6: memref<40064x64xbf16, #tpu.memory_space<hbm>>, %arg7: memref<40064x64xbf16, #tpu.memory_space<hbm>>, %arg8: memref<40960x64xbf16, #tpu.memory_space<vmem_shared>>, %arg9: memref<16x128xi32, #tpu.memory_space<vmem>>, %arg10: memref<1024x64xbf16, #tpu.memory_space<vmem>>, %arg11: memref<160x64xbf16, #tpu.memory_space<vmem>>, %arg12: memref<!tpu.dma_semaphore, #tpu.memory_space<semaphore_mem>>, %arg13: memref<!tpu.dma_semaphore, #tpu.memory_space<semaphore_mem>>) attributes {dimension_semantics = [#tpu.dimension_semantics<core_parallel>, #tpu.dimension_semantics<subcore_parallel>], iteration_bounds = array<i64: 2, 16>, scalar_prefetch = 0 : i64, scratch_operands = 6 : i64, tpu.core_type = #tpu.core_type<sc_vector_subcore>, window_params = [{transform_indices = #map}, {transform_indices = #map}, {transform_indices = #map}, {transform_indices = #map}, {transform_indices = #map}, {transform_indices = #map}]} {
    "tpu.region"() ({
      %run_scoped3A = tpu.sem_alloc : memref<!tpu.dma_semaphore, #tpu.memory_space<semaphore_mem>>
      tpu.enqueue_dma source(%arg5 : memref<160x64xbf16, #tpu.memory_space<hbm>>) target(%arg11 : memref<160x64xbf16, #tpu.memory_space<vmem>>) target_semaphore(%run_scoped3A : memref<!tpu.dma_semaphore, #tpu.memory_space<semaphore_mem>>)
      tpu.wait_dma2 semaphore(%run_scoped3A : memref<!tpu.dma_semaphore, #tpu.memory_space<semaphore_mem>>) src(%arg5 : memref<160x64xbf16, #tpu.memory_space<hbm>>) dst(%arg11 : memref<160x64xbf16, #tpu.memory_space<vmem>>)
      tpu.yield
    }) : () -> ()
    %eq3A = arith.constant 0 : i32
    %eq3A_0 = arith.cmpi eq, %arg0, %eq3A : i32
    %convert_element_type3A = arith.extui %eq3A_0 : i1 to i32
    %cond3A = arith.constant 0 : i32
    %cond3A_1 = arith.cmpi ne, %convert_element_type3A, %cond3A : i32
    scf.if %cond3A_1 {
      %mul3A = arith.constant 2560 : i32
      %mul3A_7 = arith.muli %arg1, %mul3A : i32
      %add3A = arith.constant 0 : i32
      %add3A_8 = arith.addi %mul3A_7, %add3A : i32
      "tpu.region"() ({
        %run_scoped3A = tpu.sem_alloc : memref<!tpu.dma_semaphore, #tpu.memory_space<semaphore_mem>>
        %dma_start3A = arith.constant 0 : i32
        %dma_start3A_79 = tpu.memref_slice %arg8[%add3A_8, %dma_start3A] : memref<40960x64xbf16, #tpu.memory_space<vmem_shared>> -> memref<160x64xbf16, #tpu.memory_space<vmem_shared>>
        %dma_start3A_80 = arith.constant 0 : i32
        %dma_start3A_81 = tpu.memref_slice %arg8[%add3A_8, %dma_start3A_80] : memref<40960x64xbf16, #tpu.memory_space<vmem_shared>> -> memref<160x64xbf16, #tpu.memory_space<vmem_shared>>
        tpu.enqueue_dma source(%arg11 : memref<160x64xbf16, #tpu.memory_space<vmem>>) target(%dma_start3A_81 : memref<160x64xbf16, #tpu.memory_space<vmem_shared>>) target_semaphore(%run_scoped3A : memref<!tpu.dma_semaphore, #tpu.memory_space<semaphore_mem>>)
        %dma_wait3A = arith.constant 0 : i32
        %dma_wait3A_82 = tpu.memref_slice %arg8[%add3A_8, %dma_wait3A] : memref<40960x64xbf16, #tpu.memory_space<vmem_shared>> -> memref<160x64xbf16, #tpu.memory_space<vmem_shared>>
        %dma_wait3A_83 = arith.constant 0 : i32
        %dma_wait3A_84 = tpu.memref_slice %arg8[%add3A_8, %dma_wait3A_83] : memref<40960x64xbf16, #tpu.memory_space<vmem_shared>> -> memref<160x64xbf16, #tpu.memory_space<vmem_shared>>
        tpu.wait_dma2 semaphore(%run_scoped3A : memref<!tpu.dma_semaphore, #tpu.memory_space<semaphore_mem>>) src(%arg11 : memref<160x64xbf16, #tpu.memory_space<vmem>>) dst(%dma_wait3A_84 : memref<160x64xbf16, #tpu.memory_space<vmem_shared>>)
        tpu.yield
      }) : () -> ()
      %mul3A_9 = arith.constant 2560 : i32
      %mul3A_10 = arith.muli %arg1, %mul3A_9 : i32
      %add3A_11 = arith.constant 160 : i32
      %add3A_12 = arith.addi %mul3A_10, %add3A_11 : i32
      "tpu.region"() ({
        %run_scoped3A = tpu.sem_alloc : memref<!tpu.dma_semaphore, #tpu.memory_space<semaphore_mem>>
        %dma_start3A = arith.constant 0 : i32
        %dma_start3A_79 = tpu.memref_slice %arg8[%add3A_12, %dma_start3A] : memref<40960x64xbf16, #tpu.memory_space<vmem_shared>> -> memref<160x64xbf16, #tpu.memory_space<vmem_shared>>
        %dma_start3A_80 = arith.constant 0 : i32
        %dma_start3A_81 = tpu.memref_slice %arg8[%add3A_12, %dma_start3A_80] : memref<40960x64xbf16, #tpu.memory_space<vmem_shared>> -> memref<160x64xbf16, #tpu.memory_space<vmem_shared>>
        tpu.enqueue_dma source(%arg11 : memref<160x64xbf16, #tpu.memory_space<vmem>>) target(%dma_start3A_81 : memref<160x64xbf16, #tpu.memory_space<vmem_shared>>) target_semaphore(%run_scoped3A : memref<!tpu.dma_semaphore, #tpu.memory_space<semaphore_mem>>)
        %dma_wait3A = arith.constant 0 : i32
        %dma_wait3A_82 = tpu.memref_slice %arg8[%add3A_12, %dma_wait3A] : memref<40960x64xbf16, #tpu.memory_space<vmem_shared>> -> memref<160x64xbf16, #tpu.memory_space<vmem_shared>>
        %dma_wait3A_83 = arith.constant 0 : i32
        %dma_wait3A_84 = tpu.memref_slice %arg8[%add3A_12, %dma_wait3A_83] : memref<40960x64xbf16, #tpu.memory_space<vmem_shared>> -> memref<160x64xbf16, #tpu.memory_space<vmem_shared>>
        tpu.wait_dma2 semaphore(%run_scoped3A : memref<!tpu.dma_semaphore, #tpu.memory_space<semaphore_mem>>) src(%arg11 : memref<160x64xbf16, #tpu.memory_space<vmem>>) dst(%dma_wait3A_84 : memref<160x64xbf16, #tpu.memory_space<vmem_shared>>)
        tpu.yield
      }) : () -> ()
      %mul3A_13 = arith.constant 2560 : i32
      %mul3A_14 = arith.muli %arg1, %mul3A_13 : i32
      %add3A_15 = arith.constant 320 : i32
      %add3A_16 = arith.addi %mul3A_14, %add3A_15 : i32
      "tpu.region"() ({
        %run_scoped3A = tpu.sem_alloc : memref<!tpu.dma_semaphore, #tpu.memory_space<semaphore_mem>>
        %dma_start3A = arith.constant 0 : i32
        %dma_start3A_79 = tpu.memref_slice %arg8[%add3A_16, %dma_start3A] : memref<40960x64xbf16, #tpu.memory_space<vmem_shared>> -> memref<160x64xbf16, #tpu.memory_space<vmem_shared>>
        %dma_start3A_80 = arith.constant 0 : i32
        %dma_start3A_81 = tpu.memref_slice %arg8[%add3A_16, %dma_start3A_80] : memref<40960x64xbf16, #tpu.memory_space<vmem_shared>> -> memref<160x64xbf16, #tpu.memory_space<vmem_shared>>
        tpu.enqueue_dma source(%arg11 : memref<160x64xbf16, #tpu.memory_space<vmem>>) target(%dma_start3A_81 : memref<160x64xbf16, #tpu.memory_space<vmem_shared>>) target_semaphore(%run_scoped3A : memref<!tpu.dma_semaphore, #tpu.memory_space<semaphore_mem>>)
        %dma_wait3A = arith.constant 0 : i32
        %dma_wait3A_82 = tpu.memref_slice %arg8[%add3A_16, %dma_wait3A] : memref<40960x64xbf16, #tpu.memory_space<vmem_shared>> -> memref<160x64xbf16, #tpu.memory_space<vmem_shared>>
        %dma_wait3A_83 = arith.constant 0 : i32
        %dma_wait3A_84 = tpu.memref_slice %arg8[%add3A_16, %dma_wait3A_83] : memref<40960x64xbf16, #tpu.memory_space<vmem_shared>> -> memref<160x64xbf16, #tpu.memory_space<vmem_shared>>
        tpu.wait_dma2 semaphore(%run_scoped3A : memref<!tpu.dma_semaphore, #tpu.memory_space<semaphore_mem>>) src(%arg11 : memref<160x64xbf16, #tpu.memory_space<vmem>>) dst(%dma_wait3A_84 : memref<160x64xbf16, #tpu.memory_space<vmem_shared>>)
        tpu.yield
      }) : () -> ()
      %mul3A_17 = arith.constant 2560 : i32
      %mul3A_18 = arith.muli %arg1, %mul3A_17 : i32
      %add3A_19 = arith.constant 480 : i32
      %add3A_20 = arith.addi %mul3A_18, %add3A_19 : i32
      "tpu.region"() ({
        %run_scoped3A = tpu.sem_alloc : memref<!tpu.dma_semaphore, #tpu.memory_space<semaphore_mem>>
        %dma_start3A = arith.constant 0 : i32
        %dma_start3A_79 = tpu.memref_slice %arg8[%add3A_20, %dma_start3A] : memref<40960x64xbf16, #tpu.memory_space<vmem_shared>> -> memref<160x64xbf16, #tpu.memory_space<vmem_shared>>
        %dma_start3A_80 = arith.constant 0 : i32
        %dma_start3A_81 = tpu.memref_slice %arg8[%add3A_20, %dma_start3A_80] : memref<40960x64xbf16, #tpu.memory_space<vmem_shared>> -> memref<160x64xbf16, #tpu.memory_space<vmem_shared>>
        tpu.enqueue_dma source(%arg11 : memref<160x64xbf16, #tpu.memory_space<vmem>>) target(%dma_start3A_81 : memref<160x64xbf16, #tpu.memory_space<vmem_shared>>) target_semaphore(%run_scoped3A : memref<!tpu.dma_semaphore, #tpu.memory_space<semaphore_mem>>)
        %dma_wait3A = arith.constant 0 : i32
        %dma_wait3A_82 = tpu.memref_slice %arg8[%add3A_20, %dma_wait3A] : memref<40960x64xbf16, #tpu.memory_space<vmem_shared>> -> memref<160x64xbf16, #tpu.memory_space<vmem_shared>>
        %dma_wait3A_83 = arith.constant 0 : i32
        %dma_wait3A_84 = tpu.memref_slice %arg8[%add3A_20, %dma_wait3A_83] : memref<40960x64xbf16, #tpu.memory_space<vmem_shared>> -> memref<160x64xbf16, #tpu.memory_space<vmem_shared>>
        tpu.wait_dma2 semaphore(%run_scoped3A : memref<!tpu.dma_semaphore, #tpu.memory_space<semaphore_mem>>) src(%arg11 : memref<160x64xbf16, #tpu.memory_space<vmem>>) dst(%dma_wait3A_84 : memref<160x64xbf16, #tpu.memory_space<vmem_shared>>)
        tpu.yield
      }) : () -> ()
      %mul3A_21 = arith.constant 2560 : i32
      %mul3A_22 = arith.muli %arg1, %mul3A_21 : i32
      %add3A_23 = arith.constant 640 : i32
      %add3A_24 = arith.addi %mul3A_22, %add3A_23 : i32
      "tpu.region"() ({
        %run_scoped3A = tpu.sem_alloc : memref<!tpu.dma_semaphore, #tpu.memory_space<semaphore_mem>>
        %dma_start3A = arith.constant 0 : i32
        %dma_start3A_79 = tpu.memref_slice %arg8[%add3A_24, %dma_start3A] : memref<40960x64xbf16, #tpu.memory_space<vmem_shared>> -> memref<160x64xbf16, #tpu.memory_space<vmem_shared>>
        %dma_start3A_80 = arith.constant 0 : i32
        %dma_start3A_81 = tpu.memref_slice %arg8[%add3A_24, %dma_start3A_80] : memref<40960x64xbf16, #tpu.memory_space<vmem_shared>> -> memref<160x64xbf16, #tpu.memory_space<vmem_shared>>
        tpu.enqueue_dma source(%arg11 : memref<160x64xbf16, #tpu.memory_space<vmem>>) target(%dma_start3A_81 : memref<160x64xbf16, #tpu.memory_space<vmem_shared>>) target_semaphore(%run_scoped3A : memref<!tpu.dma_semaphore, #tpu.memory_space<semaphore_mem>>)
        %dma_wait3A = arith.constant 0 : i32
        %dma_wait3A_82 = tpu.memref_slice %arg8[%add3A_24, %dma_wait3A] : memref<40960x64xbf16, #tpu.memory_space<vmem_shared>> -> memref<160x64xbf16, #tpu.memory_space<vmem_shared>>
        %dma_wait3A_83 = arith.constant 0 : i32
        %dma_wait3A_84 = tpu.memref_slice %arg8[%add3A_24, %dma_wait3A_83] : memref<40960x64xbf16, #tpu.memory_space<vmem_shared>> -> memref<160x64xbf16, #tpu.memory_space<vmem_shared>>
        tpu.wait_dma2 semaphore(%run_scoped3A : memref<!tpu.dma_semaphore, #tpu.memory_space<semaphore_mem>>) src(%arg11 : memref<160x64xbf16, #tpu.memory_space<vmem>>) dst(%dma_wait3A_84 : memref<160x64xbf16, #tpu.memory_space<vmem_shared>>)
        tpu.yield
      }) : () -> ()
      %mul3A_25 = arith.constant 2560 : i32
      %mul3A_26 = arith.muli %arg1, %mul3A_25 : i32
      %add3A_27 = arith.constant 800 : i32
      %add3A_28 = arith.addi %mul3A_26, %add3A_27 : i32
      "tpu.region"() ({
        %run_scoped3A = tpu.sem_alloc : memref<!tpu.dma_semaphore, #tpu.memory_space<semaphore_mem>>
        %dma_start3A = arith.constant 0 : i32
        %dma_start3A_79 = tpu.memref_slice %arg8[%add3A_28, %dma_start3A] : memref<40960x64xbf16, #tpu.memory_space<vmem_shared>> -> memref<160x64xbf16, #tpu.memory_space<vmem_shared>>
        %dma_start3A_80 = arith.constant 0 : i32
        %dma_start3A_81 = tpu.memref_slice %arg8[%add3A_28, %dma_start3A_80] : memref<40960x64xbf16, #tpu.memory_space<vmem_shared>> -> memref<160x64xbf16, #tpu.memory_space<vmem_shared>>
        tpu.enqueue_dma source(%arg11 : memref<160x64xbf16, #tpu.memory_space<vmem>>) target(%dma_start3A_81 : memref<160x64xbf16, #tpu.memory_space<vmem_shared>>) target_semaphore(%run_scoped3A : memref<!tpu.dma_semaphore, #tpu.memory_space<semaphore_mem>>)
        %dma_wait3A = arith.constant 0 : i32
        %dma_wait3A_82 = tpu.memref_slice %arg8[%add3A_28, %dma_wait3A] : memref<40960x64xbf16, #tpu.memory_space<vmem_shared>> -> memref<160x64xbf16, #tpu.memory_space<vmem_shared>>
        %dma_wait3A_83 = arith.constant 0 : i32
        %dma_wait3A_84 = tpu.memref_slice %arg8[%add3A_28, %dma_wait3A_83] : memref<40960x64xbf16, #tpu.memory_space<vmem_shared>> -> memref<160x64xbf16, #tpu.memory_space<vmem_shared>>
        tpu.wait_dma2 semaphore(%run_scoped3A : memref<!tpu.dma_semaphore, #tpu.memory_space<semaphore_mem>>) src(%arg11 : memref<160x64xbf16, #tpu.memory_space<vmem>>) dst(%dma_wait3A_84 : memref<160x64xbf16, #tpu.memory_space<vmem_shared>>)
        tpu.yield
      }) : () -> ()
      %mul3A_29 = arith.constant 2560 : i32
      %mul3A_30 = arith.muli %arg1, %mul3A_29 : i32
      %add3A_31 = arith.constant 960 : i32
      %add3A_32 = arith.addi %mul3A_30, %add3A_31 : i32
      "tpu.region"() ({
        %run_scoped3A = tpu.sem_alloc : memref<!tpu.dma_semaphore, #tpu.memory_space<semaphore_mem>>
        %dma_start3A = arith.constant 0 : i32
        %dma_start3A_79 = tpu.memref_slice %arg8[%add3A_32, %dma_start3A] : memref<40960x64xbf16, #tpu.memory_space<vmem_shared>> -> memref<160x64xbf16, #tpu.memory_space<vmem_shared>>
        %dma_start3A_80 = arith.constant 0 : i32
        %dma_start3A_81 = tpu.memref_slice %arg8[%add3A_32, %dma_start3A_80] : memref<40960x64xbf16, #tpu.memory_space<vmem_shared>> -> memref<160x64xbf16, #tpu.memory_space<vmem_shared>>
        tpu.enqueue_dma source(%arg11 : memref<160x64xbf16, #tpu.memory_space<vmem>>) target(%dma_start3A_81 : memref<160x64xbf16, #tpu.memory_space<vmem_shared>>) target_semaphore(%run_scoped3A : memref<!tpu.dma_semaphore, #tpu.memory_space<semaphore_mem>>)
        %dma_wait3A = arith.constant 0 : i32
        %dma_wait3A_82 = tpu.memref_slice %arg8[%add3A_32, %dma_wait3A] : memref<40960x64xbf16, #tpu.memory_space<vmem_shared>> -> memref<160x64xbf16, #tpu.memory_space<vmem_shared>>
        %dma_wait3A_83 = arith.constant 0 : i32
        %dma_wait3A_84 = tpu.memref_slice %arg8[%add3A_32, %dma_wait3A_83] : memref<40960x64xbf16, #tpu.memory_space<vmem_shared>> -> memref<160x64xbf16, #tpu.memory_space<vmem_shared>>
        tpu.wait_dma2 semaphore(%run_scoped3A : memref<!tpu.dma_semaphore, #tpu.memory_space<semaphore_mem>>) src(%arg11 : memref<160x64xbf16, #tpu.memory_space<vmem>>) dst(%dma_wait3A_84 : memref<160x64xbf16, #tpu.memory_space<vmem_shared>>)
        tpu.yield
      }) : () -> ()
      %mul3A_33 = arith.constant 2560 : i32
      %mul3A_34 = arith.muli %arg1, %mul3A_33 : i32
      %add3A_35 = arith.constant 1120 : i32
      %add3A_36 = arith.addi %mul3A_34, %add3A_35 : i32
      "tpu.region"() ({
        %run_scoped3A = tpu.sem_alloc : memref<!tpu.dma_semaphore, #tpu.memory_space<semaphore_mem>>
        %dma_start3A = arith.constant 0 : i32
        %dma_start3A_79 = tpu.memref_slice %arg8[%add3A_36, %dma_start3A] : memref<40960x64xbf16, #tpu.memory_space<vmem_shared>> -> memref<160x64xbf16, #tpu.memory_space<vmem_shared>>
        %dma_start3A_80 = arith.constant 0 : i32
        %dma_start3A_81 = tpu.memref_slice %arg8[%add3A_36, %dma_start3A_80] : memref<40960x64xbf16, #tpu.memory_space<vmem_shared>> -> memref<160x64xbf16, #tpu.memory_space<vmem_shared>>
        tpu.enqueue_dma source(%arg11 : memref<160x64xbf16, #tpu.memory_space<vmem>>) target(%dma_start3A_81 : memref<160x64xbf16, #tpu.memory_space<vmem_shared>>) target_semaphore(%run_scoped3A : memref<!tpu.dma_semaphore, #tpu.memory_space<semaphore_mem>>)
        %dma_wait3A = arith.constant 0 : i32
        %dma_wait3A_82 = tpu.memref_slice %arg8[%add3A_36, %dma_wait3A] : memref<40960x64xbf16, #tpu.memory_space<vmem_shared>> -> memref<160x64xbf16, #tpu.memory_space<vmem_shared>>
        %dma_wait3A_83 = arith.constant 0 : i32
        %dma_wait3A_84 = tpu.memref_slice %arg8[%add3A_36, %dma_wait3A_83] : memref<40960x64xbf16, #tpu.memory_space<vmem_shared>> -> memref<160x64xbf16, #tpu.memory_space<vmem_shared>>
        tpu.wait_dma2 semaphore(%run_scoped3A : memref<!tpu.dma_semaphore, #tpu.memory_space<semaphore_mem>>) src(%arg11 : memref<160x64xbf16, #tpu.memory_space<vmem>>) dst(%dma_wait3A_84 : memref<160x64xbf16, #tpu.memory_space<vmem_shared>>)
        tpu.yield
      }) : () -> ()
      %mul3A_37 = arith.constant 2560 : i32
      %mul3A_38 = arith.muli %arg1, %mul3A_37 : i32
      %add3A_39 = arith.constant 1280 : i32
      %add3A_40 = arith.addi %mul3A_38, %add3A_39 : i32
      "tpu.region"() ({
        %run_scoped3A = tpu.sem_alloc : memref<!tpu.dma_semaphore, #tpu.memory_space<semaphore_mem>>
        %dma_start3A = arith.constant 0 : i32
        %dma_start3A_79 = tpu.memref_slice %arg8[%add3A_40, %dma_start3A] : memref<40960x64xbf16, #tpu.memory_space<vmem_shared>> -> memref<160x64xbf16, #tpu.memory_space<vmem_shared>>
        %dma_start3A_80 = arith.constant 0 : i32
        %dma_start3A_81 = tpu.memref_slice %arg8[%add3A_40, %dma_start3A_80] : memref<40960x64xbf16, #tpu.memory_space<vmem_shared>> -> memref<160x64xbf16, #tpu.memory_space<vmem_shared>>
        tpu.enqueue_dma source(%arg11 : memref<160x64xbf16, #tpu.memory_space<vmem>>) target(%dma_start3A_81 : memref<160x64xbf16, #tpu.memory_space<vmem_shared>>) target_semaphore(%run_scoped3A : memref<!tpu.dma_semaphore, #tpu.memory_space<semaphore_mem>>)
        %dma_wait3A = arith.constant 0 : i32
        %dma_wait3A_82 = tpu.memref_slice %arg8[%add3A_40, %dma_wait3A] : memref<40960x64xbf16, #tpu.memory_space<vmem_shared>> -> memref<160x64xbf16, #tpu.memory_space<vmem_shared>>
        %dma_wait3A_83 = arith.constant 0 : i32
        %dma_wait3A_84 = tpu.memref_slice %arg8[%add3A_40, %dma_wait3A_83] : memref<40960x64xbf16, #tpu.memory_space<vmem_shared>> -> memref<160x64xbf16, #tpu.memory_space<vmem_shared>>
        tpu.wait_dma2 semaphore(%run_scoped3A : memref<!tpu.dma_semaphore, #tpu.memory_space<semaphore_mem>>) src(%arg11 : memref<160x64xbf16, #tpu.memory_space<vmem>>) dst(%dma_wait3A_84 : memref<160x64xbf16, #tpu.memory_space<vmem_shared>>)
        tpu.yield
      }) : () -> ()
      %mul3A_41 = arith.constant 2560 : i32
      %mul3A_42 = arith.muli %arg1, %mul3A_41 : i32
      %add3A_43 = arith.constant 1440 : i32
      %add3A_44 = arith.addi %mul3A_42, %add3A_43 : i32
      "tpu.region"() ({
        %run_scoped3A = tpu.sem_alloc : memref<!tpu.dma_semaphore, #tpu.memory_space<semaphore_mem>>
        %dma_start3A = arith.constant 0 : i32
        %dma_start3A_79 = tpu.memref_slice %arg8[%add3A_44, %dma_start3A] : memref<40960x64xbf16, #tpu.memory_space<vmem_shared>> -> memref<160x64xbf16, #tpu.memory_space<vmem_shared>>
        %dma_start3A_80 = arith.constant 0 : i32
        %dma_start3A_81 = tpu.memref_slice %arg8[%add3A_44, %dma_start3A_80] : memref<40960x64xbf16, #tpu.memory_space<vmem_shared>> -> memref<160x64xbf16, #tpu.memory_space<vmem_shared>>
        tpu.enqueue_dma source(%arg11 : memref<160x64xbf16, #tpu.memory_space<vmem>>) target(%dma_start3A_81 : memref<160x64xbf16, #tpu.memory_space<vmem_shared>>) target_semaphore(%run_scoped3A : memref<!tpu.dma_semaphore, #tpu.memory_space<semaphore_mem>>)
        %dma_wait3A = arith.constant 0 : i32
        %dma_wait3A_82 = tpu.memref_slice %arg8[%add3A_44, %dma_wait3A] : memref<40960x64xbf16, #tpu.memory_space<vmem_shared>> -> memref<160x64xbf16, #tpu.memory_space<vmem_shared>>
        %dma_wait3A_83 = arith.constant 0 : i32
        %dma_wait3A_84 = tpu.memref_slice %arg8[%add3A_44, %dma_wait3A_83] : memref<40960x64xbf16, #tpu.memory_space<vmem_shared>> -> memref<160x64xbf16, #tpu.memory_space<vmem_shared>>
        tpu.wait_dma2 semaphore(%run_scoped3A : memref<!tpu.dma_semaphore, #tpu.memory_space<semaphore_mem>>) src(%arg11 : memref<160x64xbf16, #tpu.memory_space<vmem>>) dst(%dma_wait3A_84 : memref<160x64xbf16, #tpu.memory_space<vmem_shared>>)
        tpu.yield
      }) : () -> ()
      %mul3A_45 = arith.constant 2560 : i32
      %mul3A_46 = arith.muli %arg1, %mul3A_45 : i32
      %add3A_47 = arith.constant 1600 : i32
      %add3A_48 = arith.addi %mul3A_46, %add3A_47 : i32
      "tpu.region"() ({
        %run_scoped3A = tpu.sem_alloc : memref<!tpu.dma_semaphore, #tpu.memory_space<semaphore_mem>>
        %dma_start3A = arith.constant 0 : i32
        %dma_start3A_79 = tpu.memref_slice %arg8[%add3A_48, %dma_start3A] : memref<40960x64xbf16, #tpu.memory_space<vmem_shared>> -> memref<160x64xbf16, #tpu.memory_space<vmem_shared>>
        %dma_start3A_80 = arith.constant 0 : i32
        %dma_start3A_81 = tpu.memref_slice %arg8[%add3A_48, %dma_start3A_80] : memref<40960x64xbf16, #tpu.memory_space<vmem_shared>> -> memref<160x64xbf16, #tpu.memory_space<vmem_shared>>
        tpu.enqueue_dma source(%arg11 : memref<160x64xbf16, #tpu.memory_space<vmem>>) target(%dma_start3A_81 : memref<160x64xbf16, #tpu.memory_space<vmem_shared>>) target_semaphore(%run_scoped3A : memref<!tpu.dma_semaphore, #tpu.memory_space<semaphore_mem>>)
        %dma_wait3A = arith.constant 0 : i32
        %dma_wait3A_82 = tpu.memref_slice %arg8[%add3A_48, %dma_wait3A] : memref<40960x64xbf16, #tpu.memory_space<vmem_shared>> -> memref<160x64xbf16, #tpu.memory_space<vmem_shared>>
        %dma_wait3A_83 = arith.constant 0 : i32
        %dma_wait3A_84 = tpu.memref_slice %arg8[%add3A_48, %dma_wait3A_83] : memref<40960x64xbf16, #tpu.memory_space<vmem_shared>> -> memref<160x64xbf16, #tpu.memory_space<vmem_shared>>
        tpu.wait_dma2 semaphore(%run_scoped3A : memref<!tpu.dma_semaphore, #tpu.memory_space<semaphore_mem>>) src(%arg11 : memref<160x64xbf16, #tpu.memory_space<vmem>>) dst(%dma_wait3A_84 : memref<160x64xbf16, #tpu.memory_space<vmem_shared>>)
        tpu.yield
      }) : () -> ()
      %mul3A_49 = arith.constant 2560 : i32
      %mul3A_50 = arith.muli %arg1, %mul3A_49 : i32
      %add3A_51 = arith.constant 1760 : i32
      %add3A_52 = arith.addi %mul3A_50, %add3A_51 : i32
      "tpu.region"() ({
        %run_scoped3A = tpu.sem_alloc : memref<!tpu.dma_semaphore, #tpu.memory_space<semaphore_mem>>
        %dma_start3A = arith.constant 0 : i32
        %dma_start3A_79 = tpu.memref_slice %arg8[%add3A_52, %dma_start3A] : memref<40960x64xbf16, #tpu.memory_space<vmem_shared>> -> memref<160x64xbf16, #tpu.memory_space<vmem_shared>>
        %dma_start3A_80 = arith.constant 0 : i32
        %dma_start3A_81 = tpu.memref_slice %arg8[%add3A_52, %dma_start3A_80] : memref<40960x64xbf16, #tpu.memory_space<vmem_shared>> -> memref<160x64xbf16, #tpu.memory_space<vmem_shared>>
        tpu.enqueue_dma source(%arg11 : memref<160x64xbf16, #tpu.memory_space<vmem>>) target(%dma_start3A_81 : memref<160x64xbf16, #tpu.memory_space<vmem_shared>>) target_semaphore(%run_scoped3A : memref<!tpu.dma_semaphore, #tpu.memory_space<semaphore_mem>>)
        %dma_wait3A = arith.constant 0 : i32
        %dma_wait3A_82 = tpu.memref_slice %arg8[%add3A_52, %dma_wait3A] : memref<40960x64xbf16, #tpu.memory_space<vmem_shared>> -> memref<160x64xbf16, #tpu.memory_space<vmem_shared>>
        %dma_wait3A_83 = arith.constant 0 : i32
        %dma_wait3A_84 = tpu.memref_slice %arg8[%add3A_52, %dma_wait3A_83] : memref<40960x64xbf16, #tpu.memory_space<vmem_shared>> -> memref<160x64xbf16, #tpu.memory_space<vmem_shared>>
        tpu.wait_dma2 semaphore(%run_scoped3A : memref<!tpu.dma_semaphore, #tpu.memory_space<semaphore_mem>>) src(%arg11 : memref<160x64xbf16, #tpu.memory_space<vmem>>) dst(%dma_wait3A_84 : memref<160x64xbf16, #tpu.memory_space<vmem_shared>>)
        tpu.yield
      }) : () -> ()
      %mul3A_53 = arith.constant 2560 : i32
      %mul3A_54 = arith.muli %arg1, %mul3A_53 : i32
      %add3A_55 = arith.constant 1920 : i32
      %add3A_56 = arith.addi %mul3A_54, %add3A_55 : i32
      "tpu.region"() ({
        %run_scoped3A = tpu.sem_alloc : memref<!tpu.dma_semaphore, #tpu.memory_space<semaphore_mem>>
        %dma_start3A = arith.constant 0 : i32
        %dma_start3A_79 = tpu.memref_slice %arg8[%add3A_56, %dma_start3A] : memref<40960x64xbf16, #tpu.memory_space<vmem_shared>> -> memref<160x64xbf16, #tpu.memory_space<vmem_shared>>
        %dma_start3A_80 = arith.constant 0 : i32
        %dma_start3A_81 = tpu.memref_slice %arg8[%add3A_56, %dma_start3A_80] : memref<40960x64xbf16, #tpu.memory_space<vmem_shared>> -> memref<160x64xbf16, #tpu.memory_space<vmem_shared>>
        tpu.enqueue_dma source(%arg11 : memref<160x64xbf16, #tpu.memory_space<vmem>>) target(%dma_start3A_81 : memref<160x64xbf16, #tpu.memory_space<vmem_shared>>) target_semaphore(%run_scoped3A : memref<!tpu.dma_semaphore, #tpu.memory_space<semaphore_mem>>)
        %dma_wait3A = arith.constant 0 : i32
        %dma_wait3A_82 = tpu.memref_slice %arg8[%add3A_56, %dma_wait3A] : memref<40960x64xbf16, #tpu.memory_space<vmem_shared>> -> memref<160x64xbf16, #tpu.memory_space<vmem_shared>>
        %dma_wait3A_83 = arith.constant 0 : i32
        %dma_wait3A_84 = tpu.memref_slice %arg8[%add3A_56, %dma_wait3A_83] : memref<40960x64xbf16, #tpu.memory_space<vmem_shared>> -> memref<160x64xbf16, #tpu.memory_space<vmem_shared>>
        tpu.wait_dma2 semaphore(%run_scoped3A : memref<!tpu.dma_semaphore, #tpu.memory_space<semaphore_mem>>) src(%arg11 : memref<160x64xbf16, #tpu.memory_space<vmem>>) dst(%dma_wait3A_84 : memref<160x64xbf16, #tpu.memory_space<vmem_shared>>)
        tpu.yield
      }) : () -> ()
      %mul3A_57 = arith.constant 2560 : i32
      %mul3A_58 = arith.muli %arg1, %mul3A_57 : i32
      %add3A_59 = arith.constant 2080 : i32
      %add3A_60 = arith.addi %mul3A_58, %add3A_59 : i32
      "tpu.region"() ({
        %run_scoped3A = tpu.sem_alloc : memref<!tpu.dma_semaphore, #tpu.memory_space<semaphore_mem>>
        %dma_start3A = arith.constant 0 : i32
        %dma_start3A_79 = tpu.memref_slice %arg8[%add3A_60, %dma_start3A] : memref<40960x64xbf16, #tpu.memory_space<vmem_shared>> -> memref<160x64xbf16, #tpu.memory_space<vmem_shared>>
        %dma_start3A_80 = arith.constant 0 : i32
        %dma_start3A_81 = tpu.memref_slice %arg8[%add3A_60, %dma_start3A_80] : memref<40960x64xbf16, #tpu.memory_space<vmem_shared>> -> memref<160x64xbf16, #tpu.memory_space<vmem_shared>>
        tpu.enqueue_dma source(%arg11 : memref<160x64xbf16, #tpu.memory_space<vmem>>) target(%dma_start3A_81 : memref<160x64xbf16, #tpu.memory_space<vmem_shared>>) target_semaphore(%run_scoped3A : memref<!tpu.dma_semaphore, #tpu.memory_space<semaphore_mem>>)
        %dma_wait3A = arith.constant 0 : i32
        %dma_wait3A_82 = tpu.memref_slice %arg8[%add3A_60, %dma_wait3A] : memref<40960x64xbf16, #tpu.memory_space<vmem_shared>> -> memref<160x64xbf16, #tpu.memory_space<vmem_shared>>
        %dma_wait3A_83 = arith.constant 0 : i32
        %dma_wait3A_84 = tpu.memref_slice %arg8[%add3A_60, %dma_wait3A_83] : memref<40960x64xbf16, #tpu.memory_space<vmem_shared>> -> memref<160x64xbf16, #tpu.memory_space<vmem_shared>>
        tpu.wait_dma2 semaphore(%run_scoped3A : memref<!tpu.dma_semaphore, #tpu.memory_space<semaphore_mem>>) src(%arg11 : memref<160x64xbf16, #tpu.memory_space<vmem>>) dst(%dma_wait3A_84 : memref<160x64xbf16, #tpu.memory_space<vmem_shared>>)
        tpu.yield
      }) : () -> ()
      %mul3A_61 = arith.constant 2560 : i32
      %mul3A_62 = arith.muli %arg1, %mul3A_61 : i32
      %add3A_63 = arith.constant 2240 : i32
      %add3A_64 = arith.addi %mul3A_62, %add3A_63 : i32
      "tpu.region"() ({
        %run_scoped3A = tpu.sem_alloc : memref<!tpu.dma_semaphore, #tpu.memory_space<semaphore_mem>>
        %dma_start3A = arith.constant 0 : i32
        %dma_start3A_79 = tpu.memref_slice %arg8[%add3A_64, %dma_start3A] : memref<40960x64xbf16, #tpu.memory_space<vmem_shared>> -> memref<160x64xbf16, #tpu.memory_space<vmem_shared>>
        %dma_start3A_80 = arith.constant 0 : i32
        %dma_start3A_81 = tpu.memref_slice %arg8[%add3A_64, %dma_start3A_80] : memref<40960x64xbf16, #tpu.memory_space<vmem_shared>> -> memref<160x64xbf16, #tpu.memory_space<vmem_shared>>
        tpu.enqueue_dma source(%arg11 : memref<160x64xbf16, #tpu.memory_space<vmem>>) target(%dma_start3A_81 : memref<160x64xbf16, #tpu.memory_space<vmem_shared>>) target_semaphore(%run_scoped3A : memref<!tpu.dma_semaphore, #tpu.memory_space<semaphore_mem>>)
        %dma_wait3A = arith.constant 0 : i32
        %dma_wait3A_82 = tpu.memref_slice %arg8[%add3A_64, %dma_wait3A] : memref<40960x64xbf16, #tpu.memory_space<vmem_shared>> -> memref<160x64xbf16, #tpu.memory_space<vmem_shared>>
        %dma_wait3A_83 = arith.constant 0 : i32
        %dma_wait3A_84 = tpu.memref_slice %arg8[%add3A_64, %dma_wait3A_83] : memref<40960x64xbf16, #tpu.memory_space<vmem_shared>> -> memref<160x64xbf16, #tpu.memory_space<vmem_shared>>
        tpu.wait_dma2 semaphore(%run_scoped3A : memref<!tpu.dma_semaphore, #tpu.memory_space<semaphore_mem>>) src(%arg11 : memref<160x64xbf16, #tpu.memory_space<vmem>>) dst(%dma_wait3A_84 : memref<160x64xbf16, #tpu.memory_space<vmem_shared>>)
        tpu.yield
      }) : () -> ()
      %mul3A_65 = arith.constant 2560 : i32
      %mul3A_66 = arith.muli %arg1, %mul3A_65 : i32
      %add3A_67 = arith.constant 2400 : i32
      %add3A_68 = arith.addi %mul3A_66, %add3A_67 : i32
      "tpu.region"() ({
        %run_scoped3A = tpu.sem_alloc : memref<!tpu.dma_semaphore, #tpu.memory_space<semaphore_mem>>
        %dma_start3A = arith.constant 0 : i32
        %dma_start3A_79 = tpu.memref_slice %arg8[%add3A_68, %dma_start3A] : memref<40960x64xbf16, #tpu.memory_space<vmem_shared>> -> memref<160x64xbf16, #tpu.memory_space<vmem_shared>>
        %dma_start3A_80 = arith.constant 0 : i32
        %dma_start3A_81 = tpu.memref_slice %arg8[%add3A_68, %dma_start3A_80] : memref<40960x64xbf16, #tpu.memory_space<vmem_shared>> -> memref<160x64xbf16, #tpu.memory_space<vmem_shared>>
        tpu.enqueue_dma source(%arg11 : memref<160x64xbf16, #tpu.memory_space<vmem>>) target(%dma_start3A_81 : memref<160x64xbf16, #tpu.memory_space<vmem_shared>>) target_semaphore(%run_scoped3A : memref<!tpu.dma_semaphore, #tpu.memory_space<semaphore_mem>>)
        %dma_wait3A = arith.constant 0 : i32
        %dma_wait3A_82 = tpu.memref_slice %arg8[%add3A_68, %dma_wait3A] : memref<40960x64xbf16, #tpu.memory_space<vmem_shared>> -> memref<160x64xbf16, #tpu.memory_space<vmem_shared>>
        %dma_wait3A_83 = arith.constant 0 : i32
        %dma_wait3A_84 = tpu.memref_slice %arg8[%add3A_68, %dma_wait3A_83] : memref<40960x64xbf16, #tpu.memory_space<vmem_shared>> -> memref<160x64xbf16, #tpu.memory_space<vmem_shared>>
        tpu.wait_dma2 semaphore(%run_scoped3A : memref<!tpu.dma_semaphore, #tpu.memory_space<semaphore_mem>>) src(%arg11 : memref<160x64xbf16, #tpu.memory_space<vmem>>) dst(%dma_wait3A_84 : memref<160x64xbf16, #tpu.memory_space<vmem_shared>>)
        tpu.yield
      }) : () -> ()
      %barrier3A = arith.constant 0 : index
      tpu.barrier barrier_id(%barrier3A)
      %scan3A = arith.constant 0 : i32
      %scan3A_69 = arith.constant 0 : i32
      %scan3A_70 = arith.constant 20 : i32
      %scan3A_71 = arith.addi %scan3A_69, %scan3A_70 : i32
      %scan3A_72 = arith.constant 1 : i32
      scf.for %scan3A_79 = %scan3A_69 to %scan3A_71 step %scan3A_72  : i32 {
        %mul3A_80 = arith.constant 20 : i32
        %mul3A_81 = arith.muli %arg1, %mul3A_80 : i32
        %add3A_82 = arith.addi %mul3A_81, %scan3A_79 : i32
        %mul3A_83 = arith.constant 2 : i32
        %mul3A_84 = arith.muli %add3A_82, %mul3A_83 : i32
        %mul3A_85 = arith.constant 8 : i32
        %mul3A_86 = arith.muli %mul3A_84, %mul3A_85 : i32
        "tpu.region"() ({
          %run_scoped3A = tpu.sem_alloc : memref<!tpu.dma_semaphore, #tpu.memory_space<semaphore_mem>>
          %dma_start3A_405 = arith.constant 0 : i32
          %dma_start3A_406 = tpu.memref_slice %arg4[%mul3A_86, %dma_start3A_405] : memref<5120x128xi32, #tpu.memory_space<hbm>> -> memref<16x128xi32, #tpu.memory_space<hbm>>
          %dma_start3A_407 = arith.constant 0 : i32
          %dma_start3A_408 = tpu.memref_slice %arg4[%mul3A_86, %dma_start3A_407] : memref<5120x128xi32, #tpu.memory_space<hbm>> -> memref<16x128xi32, #tpu.memory_space<hbm>>
          tpu.enqueue_dma source(%dma_start3A_408 : memref<16x128xi32, #tpu.memory_space<hbm>>) target(%arg9 : memref<16x128xi32, #tpu.memory_space<vmem>>) target_semaphore(%run_scoped3A : memref<!tpu.dma_semaphore, #tpu.memory_space<semaphore_mem>>)
          %dma_wait3A_409 = arith.constant 0 : i32
          %dma_wait3A_410 = tpu.memref_slice %arg4[%mul3A_86, %dma_wait3A_409] : memref<5120x128xi32, #tpu.memory_space<hbm>> -> memref<16x128xi32, #tpu.memory_space<hbm>>
          %dma_wait3A_411 = arith.constant 0 : i32
          %dma_wait3A_412 = tpu.memref_slice %arg4[%mul3A_86, %dma_wait3A_411] : memref<5120x128xi32, #tpu.memory_space<hbm>> -> memref<16x128xi32, #tpu.memory_space<hbm>>
          tpu.wait_dma2 semaphore(%run_scoped3A : memref<!tpu.dma_semaphore, #tpu.memory_space<semaphore_mem>>) src(%dma_wait3A_412 : memref<16x128xi32, #tpu.memory_space<hbm>>) dst(%arg9 : memref<16x128xi32, #tpu.memory_space<vmem>>)
          tpu.yield
        }) : () -> ()
        %dma_start3A = arith.constant 0 : i32
        %dma_start3A_87 = arith.constant 0 : i32
        %dma_start3A_88 = arith.constant 0 : i32
        %dma_start3A_89 = tpu.memref_slice %arg10[%dma_start3A_87, %dma_start3A_88] : memref<1024x64xbf16, #tpu.memory_space<vmem>> -> memref<128x64xbf16, #tpu.memory_space<vmem>>
        %dma_start3A_90 = arith.constant 0 : i32
        %dma_start3A_91 = tpu.memref_slice %arg9[%dma_start3A, %dma_start3A_90] : memref<16x128xi32, #tpu.memory_space<vmem>> -> memref<1x128xi32, #tpu.memory_space<vmem>>
        %dma_start3A_92 = tpu.memref_squeeze %dma_start3A_91 : memref<1x128xi32, #tpu.memory_space<vmem>> -> memref<128xi32, #tpu.memory_space<vmem>>
        %dma_start3A_93 = arith.constant 0 : i32
        %dma_start3A_94 = arith.constant 0 : i32
        %dma_start3A_95 = tpu.memref_slice %arg2[%dma_start3A_93, %dma_start3A_94] : memref<10000x64xbf16, #tpu.memory_space<hbm>> -> memref<10000x64xbf16, #tpu.memory_space<hbm>>
        tpu.enqueue_indirect_dma source(%dma_start3A_95 : memref<10000x64xbf16, #tpu.memory_space<hbm>>) target(%dma_start3A_89 : memref<128x64xbf16, #tpu.memory_space<vmem>>) offsets(%dma_start3A_92 : memref<128xi32, #tpu.memory_space<vmem>>) semaphore(%arg12 : memref<!tpu.dma_semaphore, #tpu.memory_space<semaphore_mem>>)
        %dma_start3A_96 = arith.constant 1 : i32
        %dma_start3A_97 = arith.constant 128 : i32
        %dma_start3A_98 = arith.constant 0 : i32
        %dma_start3A_99 = tpu.memref_slice %arg10[%dma_start3A_97, %dma_start3A_98] : memref<1024x64xbf16, #tpu.memory_space<vmem>> -> memref<128x64xbf16, #tpu.memory_space<vmem>>
        %dma_start3A_100 = arith.constant 0 : i32
        %dma_start3A_101 = tpu.memref_slice %arg9[%dma_start3A_96, %dma_start3A_100] : memref<16x128xi32, #tpu.memory_space<vmem>> -> memref<1x128xi32, #tpu.memory_space<vmem>>
        %dma_start3A_102 = tpu.memref_squeeze %dma_start3A_101 : memref<1x128xi32, #tpu.memory_space<vmem>> -> memref<128xi32, #tpu.memory_space<vmem>>
        %dma_start3A_103 = arith.constant 0 : i32
        %dma_start3A_104 = arith.constant 0 : i32
        %dma_start3A_105 = tpu.memref_slice %arg2[%dma_start3A_103, %dma_start3A_104] : memref<10000x64xbf16, #tpu.memory_space<hbm>> -> memref<10000x64xbf16, #tpu.memory_space<hbm>>
        tpu.enqueue_indirect_dma source(%dma_start3A_105 : memref<10000x64xbf16, #tpu.memory_space<hbm>>) target(%dma_start3A_99 : memref<128x64xbf16, #tpu.memory_space<vmem>>) offsets(%dma_start3A_102 : memref<128xi32, #tpu.memory_space<vmem>>) semaphore(%arg12 : memref<!tpu.dma_semaphore, #tpu.memory_space<semaphore_mem>>)
        %dma_start3A_106 = arith.constant 2 : i32
        %dma_start3A_107 = arith.constant 256 : i32
        %dma_start3A_108 = arith.constant 0 : i32
        %dma_start3A_109 = tpu.memref_slice %arg10[%dma_start3A_107, %dma_start3A_108] : memref<1024x64xbf16, #tpu.memory_space<vmem>> -> memref<128x64xbf16, #tpu.memory_space<vmem>>
        %dma_start3A_110 = arith.constant 0 : i32
        %dma_start3A_111 = tpu.memref_slice %arg9[%dma_start3A_106, %dma_start3A_110] : memref<16x128xi32, #tpu.memory_space<vmem>> -> memref<1x128xi32, #tpu.memory_space<vmem>>
        %dma_start3A_112 = tpu.memref_squeeze %dma_start3A_111 : memref<1x128xi32, #tpu.memory_space<vmem>> -> memref<128xi32, #tpu.memory_space<vmem>>
        %dma_start3A_113 = arith.constant 0 : i32
        %dma_start3A_114 = arith.constant 0 : i32
        %dma_start3A_115 = tpu.memref_slice %arg2[%dma_start3A_113, %dma_start3A_114] : memref<10000x64xbf16, #tpu.memory_space<hbm>> -> memref<10000x64xbf16, #tpu.memory_space<hbm>>
        tpu.enqueue_indirect_dma source(%dma_start3A_115 : memref<10000x64xbf16, #tpu.memory_space<hbm>>) target(%dma_start3A_109 : memref<128x64xbf16, #tpu.memory_space<vmem>>) offsets(%dma_start3A_112 : memref<128xi32, #tpu.memory_space<vmem>>) semaphore(%arg12 : memref<!tpu.dma_semaphore, #tpu.memory_space<semaphore_mem>>)
        %dma_start3A_116 = arith.constant 3 : i32
        %dma_start3A_117 = arith.constant 384 : i32
        %dma_start3A_118 = arith.constant 0 : i32
        %dma_start3A_119 = tpu.memref_slice %arg10[%dma_start3A_117, %dma_start3A_118] : memref<1024x64xbf16, #tpu.memory_space<vmem>> -> memref<128x64xbf16, #tpu.memory_space<vmem>>
        %dma_start3A_120 = arith.constant 0 : i32
        %dma_start3A_121 = tpu.memref_slice %arg9[%dma_start3A_116, %dma_start3A_120] : memref<16x128xi32, #tpu.memory_space<vmem>> -> memref<1x128xi32, #tpu.memory_space<vmem>>
        %dma_start3A_122 = tpu.memref_squeeze %dma_start3A_121 : memref<1x128xi32, #tpu.memory_space<vmem>> -> memref<128xi32, #tpu.memory_space<vmem>>
        %dma_start3A_123 = arith.constant 0 : i32
        %dma_start3A_124 = arith.constant 0 : i32
        %dma_start3A_125 = tpu.memref_slice %arg2[%dma_start3A_123, %dma_start3A_124] : memref<10000x64xbf16, #tpu.memory_space<hbm>> -> memref<10000x64xbf16, #tpu.memory_space<hbm>>
        tpu.enqueue_indirect_dma source(%dma_start3A_125 : memref<10000x64xbf16, #tpu.memory_space<hbm>>) target(%dma_start3A_119 : memref<128x64xbf16, #tpu.memory_space<vmem>>) offsets(%dma_start3A_122 : memref<128xi32, #tpu.memory_space<vmem>>) semaphore(%arg12 : memref<!tpu.dma_semaphore, #tpu.memory_space<semaphore_mem>>)
        %dma_start3A_126 = arith.constant 4 : i32
        %dma_start3A_127 = arith.constant 512 : i32
        %dma_start3A_128 = arith.constant 0 : i32
        %dma_start3A_129 = tpu.memref_slice %arg10[%dma_start3A_127, %dma_start3A_128] : memref<1024x64xbf16, #tpu.memory_space<vmem>> -> memref<128x64xbf16, #tpu.memory_space<vmem>>
        %dma_start3A_130 = arith.constant 0 : i32
        %dma_start3A_131 = tpu.memref_slice %arg9[%dma_start3A_126, %dma_start3A_130] : memref<16x128xi32, #tpu.memory_space<vmem>> -> memref<1x128xi32, #tpu.memory_space<vmem>>
        %dma_start3A_132 = tpu.memref_squeeze %dma_start3A_131 : memref<1x128xi32, #tpu.memory_space<vmem>> -> memref<128xi32, #tpu.memory_space<vmem>>
        %dma_start3A_133 = arith.constant 0 : i32
        %dma_start3A_134 = arith.constant 0 : i32
        %dma_start3A_135 = tpu.memref_slice %arg2[%dma_start3A_133, %dma_start3A_134] : memref<10000x64xbf16, #tpu.memory_space<hbm>> -> memref<10000x64xbf16, #tpu.memory_space<hbm>>
        tpu.enqueue_indirect_dma source(%dma_start3A_135 : memref<10000x64xbf16, #tpu.memory_space<hbm>>) target(%dma_start3A_129 : memref<128x64xbf16, #tpu.memory_space<vmem>>) offsets(%dma_start3A_132 : memref<128xi32, #tpu.memory_space<vmem>>) semaphore(%arg12 : memref<!tpu.dma_semaphore, #tpu.memory_space<semaphore_mem>>)
        %dma_start3A_136 = arith.constant 5 : i32
        %dma_start3A_137 = arith.constant 640 : i32
        %dma_start3A_138 = arith.constant 0 : i32
        %dma_start3A_139 = tpu.memref_slice %arg10[%dma_start3A_137, %dma_start3A_138] : memref<1024x64xbf16, #tpu.memory_space<vmem>> -> memref<128x64xbf16, #tpu.memory_space<vmem>>
        %dma_start3A_140 = arith.constant 0 : i32
        %dma_start3A_141 = tpu.memref_slice %arg9[%dma_start3A_136, %dma_start3A_140] : memref<16x128xi32, #tpu.memory_space<vmem>> -> memref<1x128xi32, #tpu.memory_space<vmem>>
        %dma_start3A_142 = tpu.memref_squeeze %dma_start3A_141 : memref<1x128xi32, #tpu.memory_space<vmem>> -> memref<128xi32, #tpu.memory_space<vmem>>
        %dma_start3A_143 = arith.constant 0 : i32
        %dma_start3A_144 = arith.constant 0 : i32
        %dma_start3A_145 = tpu.memref_slice %arg2[%dma_start3A_143, %dma_start3A_144] : memref<10000x64xbf16, #tpu.memory_space<hbm>> -> memref<10000x64xbf16, #tpu.memory_space<hbm>>
        tpu.enqueue_indirect_dma source(%dma_start3A_145 : memref<10000x64xbf16, #tpu.memory_space<hbm>>) target(%dma_start3A_139 : memref<128x64xbf16, #tpu.memory_space<vmem>>) offsets(%dma_start3A_142 : memref<128xi32, #tpu.memory_space<vmem>>) semaphore(%arg12 : memref<!tpu.dma_semaphore, #tpu.memory_space<semaphore_mem>>)
        %dma_start3A_146 = arith.constant 6 : i32
        %dma_start3A_147 = arith.constant 768 : i32
        %dma_start3A_148 = arith.constant 0 : i32
        %dma_start3A_149 = tpu.memref_slice %arg10[%dma_start3A_147, %dma_start3A_148] : memref<1024x64xbf16, #tpu.memory_space<vmem>> -> memref<128x64xbf16, #tpu.memory_space<vmem>>
        %dma_start3A_150 = arith.constant 0 : i32
        %dma_start3A_151 = tpu.memref_slice %arg9[%dma_start3A_146, %dma_start3A_150] : memref<16x128xi32, #tpu.memory_space<vmem>> -> memref<1x128xi32, #tpu.memory_space<vmem>>
        %dma_start3A_152 = tpu.memref_squeeze %dma_start3A_151 : memref<1x128xi32, #tpu.memory_space<vmem>> -> memref<128xi32, #tpu.memory_space<vmem>>
        %dma_start3A_153 = arith.constant 0 : i32
        %dma_start3A_154 = arith.constant 0 : i32
        %dma_start3A_155 = tpu.memref_slice %arg2[%dma_start3A_153, %dma_start3A_154] : memref<10000x64xbf16, #tpu.memory_space<hbm>> -> memref<10000x64xbf16, #tpu.memory_space<hbm>>
        tpu.enqueue_indirect_dma source(%dma_start3A_155 : memref<10000x64xbf16, #tpu.memory_space<hbm>>) target(%dma_start3A_149 : memref<128x64xbf16, #tpu.memory_space<vmem>>) offsets(%dma_start3A_152 : memref<128xi32, #tpu.memory_space<vmem>>) semaphore(%arg12 : memref<!tpu.dma_semaphore, #tpu.memory_space<semaphore_mem>>)
        %dma_start3A_156 = arith.constant 7 : i32
        %dma_start3A_157 = arith.constant 896 : i32
        %dma_start3A_158 = arith.constant 0 : i32
        %dma_start3A_159 = tpu.memref_slice %arg10[%dma_start3A_157, %dma_start3A_158] : memref<1024x64xbf16, #tpu.memory_space<vmem>> -> memref<128x64xbf16, #tpu.memory_space<vmem>>
        %dma_start3A_160 = arith.constant 0 : i32
        %dma_start3A_161 = tpu.memref_slice %arg9[%dma_start3A_156, %dma_start3A_160] : memref<16x128xi32, #tpu.memory_space<vmem>> -> memref<1x128xi32, #tpu.memory_space<vmem>>
        %dma_start3A_162 = tpu.memref_squeeze %dma_start3A_161 : memref<1x128xi32, #tpu.memory_space<vmem>> -> memref<128xi32, #tpu.memory_space<vmem>>
        %dma_start3A_163 = arith.constant 0 : i32
        %dma_start3A_164 = arith.constant 0 : i32
        %dma_start3A_165 = tpu.memref_slice %arg2[%dma_start3A_163, %dma_start3A_164] : memref<10000x64xbf16, #tpu.memory_space<hbm>> -> memref<10000x64xbf16, #tpu.memory_space<hbm>>
        tpu.enqueue_indirect_dma source(%dma_start3A_165 : memref<10000x64xbf16, #tpu.memory_space<hbm>>) target(%dma_start3A_159 : memref<128x64xbf16, #tpu.memory_space<vmem>>) offsets(%dma_start3A_162 : memref<128xi32, #tpu.memory_space<vmem>>) semaphore(%arg12 : memref<!tpu.dma_semaphore, #tpu.memory_space<semaphore_mem>>)
        %dma_wait3A = arith.constant 0 : i32
        %dma_wait3A_166 = arith.constant 0 : i32
        %dma_wait3A_167 = arith.constant 0 : i32
        %dma_wait3A_168 = tpu.memref_slice %arg10[%dma_wait3A_166, %dma_wait3A_167] : memref<1024x64xbf16, #tpu.memory_space<vmem>> -> memref<128x64xbf16, #tpu.memory_space<vmem>>
        %dma_wait3A_169 = arith.constant 0 : i32
        %dma_wait3A_170 = tpu.memref_slice %arg9[%dma_wait3A, %dma_wait3A_169] : memref<16x128xi32, #tpu.memory_space<vmem>> -> memref<1x128xi32, #tpu.memory_space<vmem>>
        %dma_wait3A_171 = tpu.memref_squeeze %dma_wait3A_170 : memref<1x128xi32, #tpu.memory_space<vmem>> -> memref<128xi32, #tpu.memory_space<vmem>>
        %dma_wait3A_172 = arith.constant 0 : i32
        %dma_wait3A_173 = arith.constant 0 : i32
        %dma_wait3A_174 = tpu.memref_slice %arg2[%dma_wait3A_172, %dma_wait3A_173] : memref<10000x64xbf16, #tpu.memory_space<hbm>> -> memref<10000x64xbf16, #tpu.memory_space<hbm>>
        tpu.wait_indirect_dma semaphore(%arg12 : memref<!tpu.dma_semaphore, #tpu.memory_space<semaphore_mem>>) src(%dma_wait3A_174 : memref<10000x64xbf16, #tpu.memory_space<hbm>>) dst(%dma_wait3A_168 : memref<128x64xbf16, #tpu.memory_space<vmem>>)
        %dma_start3A_175 = arith.constant 8 : i32
        %dma_start3A_176 = arith.constant 0 : i32
        %dma_start3A_177 = arith.constant 0 : i32
        %dma_start3A_178 = tpu.memref_slice %arg10[%dma_start3A_176, %dma_start3A_177] : memref<1024x64xbf16, #tpu.memory_space<vmem>> -> memref<128x64xbf16, #tpu.memory_space<vmem>>
        %dma_start3A_179 = arith.constant 0 : i32
        %dma_start3A_180 = tpu.memref_slice %arg9[%dma_start3A_175, %dma_start3A_179] : memref<16x128xi32, #tpu.memory_space<vmem>> -> memref<1x128xi32, #tpu.memory_space<vmem>>
        %dma_start3A_181 = tpu.memref_squeeze %dma_start3A_180 : memref<1x128xi32, #tpu.memory_space<vmem>> -> memref<128xi32, #tpu.memory_space<vmem>>
        %dma_start3A_182 = arith.constant 0 : i32
        %dma_start3A_183 = arith.constant 0 : i32
        %dma_start3A_184 = tpu.memref_slice %arg8[%dma_start3A_182, %dma_start3A_183] : memref<40960x64xbf16, #tpu.memory_space<vmem_shared>> -> memref<40960x64xbf16, #tpu.memory_space<vmem_shared>>
        tpu.enqueue_indirect_dma source(%dma_start3A_178 : memref<128x64xbf16, #tpu.memory_space<vmem>>) target(%dma_start3A_184 : memref<40960x64xbf16, #tpu.memory_space<vmem_shared>>) offsets(%dma_start3A_181 : memref<128xi32, #tpu.memory_space<vmem>>) semaphore(%arg13 : memref<!tpu.dma_semaphore, #tpu.memory_space<semaphore_mem>>) {add = true}
        %dma_wait3A_185 = arith.constant 1 : i32
        %dma_wait3A_186 = arith.constant 128 : i32
        %dma_wait3A_187 = arith.constant 0 : i32
        %dma_wait3A_188 = tpu.memref_slice %arg10[%dma_wait3A_186, %dma_wait3A_187] : memref<1024x64xbf16, #tpu.memory_space<vmem>> -> memref<128x64xbf16, #tpu.memory_space<vmem>>
        %dma_wait3A_189 = arith.constant 0 : i32
        %dma_wait3A_190 = tpu.memref_slice %arg9[%dma_wait3A_185, %dma_wait3A_189] : memref<16x128xi32, #tpu.memory_space<vmem>> -> memref<1x128xi32, #tpu.memory_space<vmem>>
        %dma_wait3A_191 = tpu.memref_squeeze %dma_wait3A_190 : memref<1x128xi32, #tpu.memory_space<vmem>> -> memref<128xi32, #tpu.memory_space<vmem>>
        %dma_wait3A_192 = arith.constant 0 : i32
        %dma_wait3A_193 = arith.constant 0 : i32
        %dma_wait3A_194 = tpu.memref_slice %arg2[%dma_wait3A_192, %dma_wait3A_193] : memref<10000x64xbf16, #tpu.memory_space<hbm>> -> memref<10000x64xbf16, #tpu.memory_space<hbm>>
        tpu.wait_indirect_dma semaphore(%arg12 : memref<!tpu.dma_semaphore, #tpu.memory_space<semaphore_mem>>) src(%dma_wait3A_194 : memref<10000x64xbf16, #tpu.memory_space<hbm>>) dst(%dma_wait3A_188 : memref<128x64xbf16, #tpu.memory_space<vmem>>)
        %dma_start3A_195 = arith.constant 9 : i32
        %dma_start3A_196 = arith.constant 128 : i32
        %dma_start3A_197 = arith.constant 0 : i32
        %dma_start3A_198 = tpu.memref_slice %arg10[%dma_start3A_196, %dma_start3A_197] : memref<1024x64xbf16, #tpu.memory_space<vmem>> -> memref<128x64xbf16, #tpu.memory_space<vmem>>
        %dma_start3A_199 = arith.constant 0 : i32
        %dma_start3A_200 = tpu.memref_slice %arg9[%dma_start3A_195, %dma_start3A_199] : memref<16x128xi32, #tpu.memory_space<vmem>> -> memref<1x128xi32, #tpu.memory_space<vmem>>
        %dma_start3A_201 = tpu.memref_squeeze %dma_start3A_200 : memref<1x128xi32, #tpu.memory_space<vmem>> -> memref<128xi32, #tpu.memory_space<vmem>>
        %dma_start3A_202 = arith.constant 0 : i32
        %dma_start3A_203 = arith.constant 0 : i32
        %dma_start3A_204 = tpu.memref_slice %arg8[%dma_start3A_202, %dma_start3A_203] : memref<40960x64xbf16, #tpu.memory_space<vmem_shared>> -> memref<40960x64xbf16, #tpu.memory_space<vmem_shared>>
        tpu.enqueue_indirect_dma source(%dma_start3A_198 : memref<128x64xbf16, #tpu.memory_space<vmem>>) target(%dma_start3A_204 : memref<40960x64xbf16, #tpu.memory_space<vmem_shared>>) offsets(%dma_start3A_201 : memref<128xi32, #tpu.memory_space<vmem>>) semaphore(%arg13 : memref<!tpu.dma_semaphore, #tpu.memory_space<semaphore_mem>>) {add = true}
        %dma_wait3A_205 = arith.constant 2 : i32
        %dma_wait3A_206 = arith.constant 256 : i32
        %dma_wait3A_207 = arith.constant 0 : i32
        %dma_wait3A_208 = tpu.memref_slice %arg10[%dma_wait3A_206, %dma_wait3A_207] : memref<1024x64xbf16, #tpu.memory_space<vmem>> -> memref<128x64xbf16, #tpu.memory_space<vmem>>
        %dma_wait3A_209 = arith.constant 0 : i32
        %dma_wait3A_210 = tpu.memref_slice %arg9[%dma_wait3A_205, %dma_wait3A_209] : memref<16x128xi32, #tpu.memory_space<vmem>> -> memref<1x128xi32, #tpu.memory_space<vmem>>
        %dma_wait3A_211 = tpu.memref_squeeze %dma_wait3A_210 : memref<1x128xi32, #tpu.memory_space<vmem>> -> memref<128xi32, #tpu.memory_space<vmem>>
        %dma_wait3A_212 = arith.constant 0 : i32
        %dma_wait3A_213 = arith.constant 0 : i32
        %dma_wait3A_214 = tpu.memref_slice %arg2[%dma_wait3A_212, %dma_wait3A_213] : memref<10000x64xbf16, #tpu.memory_space<hbm>> -> memref<10000x64xbf16, #tpu.memory_space<hbm>>
        tpu.wait_indirect_dma semaphore(%arg12 : memref<!tpu.dma_semaphore, #tpu.memory_space<semaphore_mem>>) src(%dma_wait3A_214 : memref<10000x64xbf16, #tpu.memory_space<hbm>>) dst(%dma_wait3A_208 : memref<128x64xbf16, #tpu.memory_space<vmem>>)
        %dma_start3A_215 = arith.constant 10 : i32
        %dma_start3A_216 = arith.constant 256 : i32
        %dma_start3A_217 = arith.constant 0 : i32
        %dma_start3A_218 = tpu.memref_slice %arg10[%dma_start3A_216, %dma_start3A_217] : memref<1024x64xbf16, #tpu.memory_space<vmem>> -> memref<128x64xbf16, #tpu.memory_space<vmem>>
        %dma_start3A_219 = arith.constant 0 : i32
        %dma_start3A_220 = tpu.memref_slice %arg9[%dma_start3A_215, %dma_start3A_219] : memref<16x128xi32, #tpu.memory_space<vmem>> -> memref<1x128xi32, #tpu.memory_space<vmem>>
        %dma_start3A_221 = tpu.memref_squeeze %dma_start3A_220 : memref<1x128xi32, #tpu.memory_space<vmem>> -> memref<128xi32, #tpu.memory_space<vmem>>
        %dma_start3A_222 = arith.constant 0 : i32
        %dma_start3A_223 = arith.constant 0 : i32
        %dma_start3A_224 = tpu.memref_slice %arg8[%dma_start3A_222, %dma_start3A_223] : memref<40960x64xbf16, #tpu.memory_space<vmem_shared>> -> memref<40960x64xbf16, #tpu.memory_space<vmem_shared>>
        tpu.enqueue_indirect_dma source(%dma_start3A_218 : memref<128x64xbf16, #tpu.memory_space<vmem>>) target(%dma_start3A_224 : memref<40960x64xbf16, #tpu.memory_space<vmem_shared>>) offsets(%dma_start3A_221 : memref<128xi32, #tpu.memory_space<vmem>>) semaphore(%arg13 : memref<!tpu.dma_semaphore, #tpu.memory_space<semaphore_mem>>) {add = true}
        %dma_wait3A_225 = arith.constant 3 : i32
        %dma_wait3A_226 = arith.constant 384 : i32
        %dma_wait3A_227 = arith.constant 0 : i32
        %dma_wait3A_228 = tpu.memref_slice %arg10[%dma_wait3A_226, %dma_wait3A_227] : memref<1024x64xbf16, #tpu.memory_space<vmem>> -> memref<128x64xbf16, #tpu.memory_space<vmem>>
        %dma_wait3A_229 = arith.constant 0 : i32
        %dma_wait3A_230 = tpu.memref_slice %arg9[%dma_wait3A_225, %dma_wait3A_229] : memref<16x128xi32, #tpu.memory_space<vmem>> -> memref<1x128xi32, #tpu.memory_space<vmem>>
        %dma_wait3A_231 = tpu.memref_squeeze %dma_wait3A_230 : memref<1x128xi32, #tpu.memory_space<vmem>> -> memref<128xi32, #tpu.memory_space<vmem>>
        %dma_wait3A_232 = arith.constant 0 : i32
        %dma_wait3A_233 = arith.constant 0 : i32
        %dma_wait3A_234 = tpu.memref_slice %arg2[%dma_wait3A_232, %dma_wait3A_233] : memref<10000x64xbf16, #tpu.memory_space<hbm>> -> memref<10000x64xbf16, #tpu.memory_space<hbm>>
        tpu.wait_indirect_dma semaphore(%arg12 : memref<!tpu.dma_semaphore, #tpu.memory_space<semaphore_mem>>) src(%dma_wait3A_234 : memref<10000x64xbf16, #tpu.memory_space<hbm>>) dst(%dma_wait3A_228 : memref<128x64xbf16, #tpu.memory_space<vmem>>)
        %dma_start3A_235 = arith.constant 11 : i32
        %dma_start3A_236 = arith.constant 384 : i32
        %dma_start3A_237 = arith.constant 0 : i32
        %dma_start3A_238 = tpu.memref_slice %arg10[%dma_start3A_236, %dma_start3A_237] : memref<1024x64xbf16, #tpu.memory_space<vmem>> -> memref<128x64xbf16, #tpu.memory_space<vmem>>
        %dma_start3A_239 = arith.constant 0 : i32
        %dma_start3A_240 = tpu.memref_slice %arg9[%dma_start3A_235, %dma_start3A_239] : memref<16x128xi32, #tpu.memory_space<vmem>> -> memref<1x128xi32, #tpu.memory_space<vmem>>
        %dma_start3A_241 = tpu.memref_squeeze %dma_start3A_240 : memref<1x128xi32, #tpu.memory_space<vmem>> -> memref<128xi32, #tpu.memory_space<vmem>>
        %dma_start3A_242 = arith.constant 0 : i32
        %dma_start3A_243 = arith.constant 0 : i32
        %dma_start3A_244 = tpu.memref_slice %arg8[%dma_start3A_242, %dma_start3A_243] : memref<40960x64xbf16, #tpu.memory_space<vmem_shared>> -> memref<40960x64xbf16, #tpu.memory_space<vmem_shared>>
        tpu.enqueue_indirect_dma source(%dma_start3A_238 : memref<128x64xbf16, #tpu.memory_space<vmem>>) target(%dma_start3A_244 : memref<40960x64xbf16, #tpu.memory_space<vmem_shared>>) offsets(%dma_start3A_241 : memref<128xi32, #tpu.memory_space<vmem>>) semaphore(%arg13 : memref<!tpu.dma_semaphore, #tpu.memory_space<semaphore_mem>>) {add = true}
        %dma_wait3A_245 = arith.constant 4 : i32
        %dma_wait3A_246 = arith.constant 512 : i32
        %dma_wait3A_247 = arith.constant 0 : i32
        %dma_wait3A_248 = tpu.memref_slice %arg10[%dma_wait3A_246, %dma_wait3A_247] : memref<1024x64xbf16, #tpu.memory_space<vmem>> -> memref<128x64xbf16, #tpu.memory_space<vmem>>
        %dma_wait3A_249 = arith.constant 0 : i32
        %dma_wait3A_250 = tpu.memref_slice %arg9[%dma_wait3A_245, %dma_wait3A_249] : memref<16x128xi32, #tpu.memory_space<vmem>> -> memref<1x128xi32, #tpu.memory_space<vmem>>
        %dma_wait3A_251 = tpu.memref_squeeze %dma_wait3A_250 : memref<1x128xi32, #tpu.memory_space<vmem>> -> memref<128xi32, #tpu.memory_space<vmem>>
        %dma_wait3A_252 = arith.constant 0 : i32
        %dma_wait3A_253 = arith.constant 0 : i32
        %dma_wait3A_254 = tpu.memref_slice %arg2[%dma_wait3A_252, %dma_wait3A_253] : memref<10000x64xbf16, #tpu.memory_space<hbm>> -> memref<10000x64xbf16, #tpu.memory_space<hbm>>
        tpu.wait_indirect_dma semaphore(%arg12 : memref<!tpu.dma_semaphore, #tpu.memory_space<semaphore_mem>>) src(%dma_wait3A_254 : memref<10000x64xbf16, #tpu.memory_space<hbm>>) dst(%dma_wait3A_248 : memref<128x64xbf16, #tpu.memory_space<vmem>>)
        %dma_start3A_255 = arith.constant 12 : i32
        %dma_start3A_256 = arith.constant 512 : i32
        %dma_start3A_257 = arith.constant 0 : i32
        %dma_start3A_258 = tpu.memref_slice %arg10[%dma_start3A_256, %dma_start3A_257] : memref<1024x64xbf16, #tpu.memory_space<vmem>> -> memref<128x64xbf16, #tpu.memory_space<vmem>>
        %dma_start3A_259 = arith.constant 0 : i32
        %dma_start3A_260 = tpu.memref_slice %arg9[%dma_start3A_255, %dma_start3A_259] : memref<16x128xi32, #tpu.memory_space<vmem>> -> memref<1x128xi32, #tpu.memory_space<vmem>>
        %dma_start3A_261 = tpu.memref_squeeze %dma_start3A_260 : memref<1x128xi32, #tpu.memory_space<vmem>> -> memref<128xi32, #tpu.memory_space<vmem>>
        %dma_start3A_262 = arith.constant 0 : i32
        %dma_start3A_263 = arith.constant 0 : i32
        %dma_start3A_264 = tpu.memref_slice %arg8[%dma_start3A_262, %dma_start3A_263] : memref<40960x64xbf16, #tpu.memory_space<vmem_shared>> -> memref<40960x64xbf16, #tpu.memory_space<vmem_shared>>
        tpu.enqueue_indirect_dma source(%dma_start3A_258 : memref<128x64xbf16, #tpu.memory_space<vmem>>) target(%dma_start3A_264 : memref<40960x64xbf16, #tpu.memory_space<vmem_shared>>) offsets(%dma_start3A_261 : memref<128xi32, #tpu.memory_space<vmem>>) semaphore(%arg13 : memref<!tpu.dma_semaphore, #tpu.memory_space<semaphore_mem>>) {add = true}
        %dma_wait3A_265 = arith.constant 5 : i32
        %dma_wait3A_266 = arith.constant 640 : i32
        %dma_wait3A_267 = arith.constant 0 : i32
        %dma_wait3A_268 = tpu.memref_slice %arg10[%dma_wait3A_266, %dma_wait3A_267] : memref<1024x64xbf16, #tpu.memory_space<vmem>> -> memref<128x64xbf16, #tpu.memory_space<vmem>>
        %dma_wait3A_269 = arith.constant 0 : i32
        %dma_wait3A_270 = tpu.memref_slice %arg9[%dma_wait3A_265, %dma_wait3A_269] : memref<16x128xi32, #tpu.memory_space<vmem>> -> memref<1x128xi32, #tpu.memory_space<vmem>>
        %dma_wait3A_271 = tpu.memref_squeeze %dma_wait3A_270 : memref<1x128xi32, #tpu.memory_space<vmem>> -> memref<128xi32, #tpu.memory_space<vmem>>
        %dma_wait3A_272 = arith.constant 0 : i32
        %dma_wait3A_273 = arith.constant 0 : i32
        %dma_wait3A_274 = tpu.memref_slice %arg2[%dma_wait3A_272, %dma_wait3A_273] : memref<10000x64xbf16, #tpu.memory_space<hbm>> -> memref<10000x64xbf16, #tpu.memory_space<hbm>>
        tpu.wait_indirect_dma semaphore(%arg12 : memref<!tpu.dma_semaphore, #tpu.memory_space<semaphore_mem>>) src(%dma_wait3A_274 : memref<10000x64xbf16, #tpu.memory_space<hbm>>) dst(%dma_wait3A_268 : memref<128x64xbf16, #tpu.memory_space<vmem>>)
        %dma_start3A_275 = arith.constant 13 : i32
        %dma_start3A_276 = arith.constant 640 : i32
        %dma_start3A_277 = arith.constant 0 : i32
        %dma_start3A_278 = tpu.memref_slice %arg10[%dma_start3A_276, %dma_start3A_277] : memref<1024x64xbf16, #tpu.memory_space<vmem>> -> memref<128x64xbf16, #tpu.memory_space<vmem>>
        %dma_start3A_279 = arith.constant 0 : i32
        %dma_start3A_280 = tpu.memref_slice %arg9[%dma_start3A_275, %dma_start3A_279] : memref<16x128xi32, #tpu.memory_space<vmem>> -> memref<1x128xi32, #tpu.memory_space<vmem>>
        %dma_start3A_281 = tpu.memref_squeeze %dma_start3A_280 : memref<1x128xi32, #tpu.memory_space<vmem>> -> memref<128xi32, #tpu.memory_space<vmem>>
        %dma_start3A_282 = arith.constant 0 : i32
        %dma_start3A_283 = arith.constant 0 : i32
        %dma_start3A_284 = tpu.memref_slice %arg8[%dma_start3A_282, %dma_start3A_283] : memref<40960x64xbf16, #tpu.memory_space<vmem_shared>> -> memref<40960x64xbf16, #tpu.memory_space<vmem_shared>>
        tpu.enqueue_indirect_dma source(%dma_start3A_278 : memref<128x64xbf16, #tpu.memory_space<vmem>>) target(%dma_start3A_284 : memref<40960x64xbf16, #tpu.memory_space<vmem_shared>>) offsets(%dma_start3A_281 : memref<128xi32, #tpu.memory_space<vmem>>) semaphore(%arg13 : memref<!tpu.dma_semaphore, #tpu.memory_space<semaphore_mem>>) {add = true}
        %dma_wait3A_285 = arith.constant 6 : i32
        %dma_wait3A_286 = arith.constant 768 : i32
        %dma_wait3A_287 = arith.constant 0 : i32
        %dma_wait3A_288 = tpu.memref_slice %arg10[%dma_wait3A_286, %dma_wait3A_287] : memref<1024x64xbf16, #tpu.memory_space<vmem>> -> memref<128x64xbf16, #tpu.memory_space<vmem>>
        %dma_wait3A_289 = arith.constant 0 : i32
        %dma_wait3A_290 = tpu.memref_slice %arg9[%dma_wait3A_285, %dma_wait3A_289] : memref<16x128xi32, #tpu.memory_space<vmem>> -> memref<1x128xi32, #tpu.memory_space<vmem>>
        %dma_wait3A_291 = tpu.memref_squeeze %dma_wait3A_290 : memref<1x128xi32, #tpu.memory_space<vmem>> -> memref<128xi32, #tpu.memory_space<vmem>>
        %dma_wait3A_292 = arith.constant 0 : i32
        %dma_wait3A_293 = arith.constant 0 : i32
        %dma_wait3A_294 = tpu.memref_slice %arg2[%dma_wait3A_292, %dma_wait3A_293] : memref<10000x64xbf16, #tpu.memory_space<hbm>> -> memref<10000x64xbf16, #tpu.memory_space<hbm>>
        tpu.wait_indirect_dma semaphore(%arg12 : memref<!tpu.dma_semaphore, #tpu.memory_space<semaphore_mem>>) src(%dma_wait3A_294 : memref<10000x64xbf16, #tpu.memory_space<hbm>>) dst(%dma_wait3A_288 : memref<128x64xbf16, #tpu.memory_space<vmem>>)
        %dma_start3A_295 = arith.constant 14 : i32
        %dma_start3A_296 = arith.constant 768 : i32
        %dma_start3A_297 = arith.constant 0 : i32
        %dma_start3A_298 = tpu.memref_slice %arg10[%dma_start3A_296, %dma_start3A_297] : memref<1024x64xbf16, #tpu.memory_space<vmem>> -> memref<128x64xbf16, #tpu.memory_space<vmem>>
        %dma_start3A_299 = arith.constant 0 : i32
        %dma_start3A_300 = tpu.memref_slice %arg9[%dma_start3A_295, %dma_start3A_299] : memref<16x128xi32, #tpu.memory_space<vmem>> -> memref<1x128xi32, #tpu.memory_space<vmem>>
        %dma_start3A_301 = tpu.memref_squeeze %dma_start3A_300 : memref<1x128xi32, #tpu.memory_space<vmem>> -> memref<128xi32, #tpu.memory_space<vmem>>
        %dma_start3A_302 = arith.constant 0 : i32
        %dma_start3A_303 = arith.constant 0 : i32
        %dma_start3A_304 = tpu.memref_slice %arg8[%dma_start3A_302, %dma_start3A_303] : memref<40960x64xbf16, #tpu.memory_space<vmem_shared>> -> memref<40960x64xbf16, #tpu.memory_space<vmem_shared>>
        tpu.enqueue_indirect_dma source(%dma_start3A_298 : memref<128x64xbf16, #tpu.memory_space<vmem>>) target(%dma_start3A_304 : memref<40960x64xbf16, #tpu.memory_space<vmem_shared>>) offsets(%dma_start3A_301 : memref<128xi32, #tpu.memory_space<vmem>>) semaphore(%arg13 : memref<!tpu.dma_semaphore, #tpu.memory_space<semaphore_mem>>) {add = true}
        %dma_wait3A_305 = arith.constant 7 : i32
        %dma_wait3A_306 = arith.constant 896 : i32
        %dma_wait3A_307 = arith.constant 0 : i32
        %dma_wait3A_308 = tpu.memref_slice %arg10[%dma_wait3A_306, %dma_wait3A_307] : memref<1024x64xbf16, #tpu.memory_space<vmem>> -> memref<128x64xbf16, #tpu.memory_space<vmem>>
        %dma_wait3A_309 = arith.constant 0 : i32
        %dma_wait3A_310 = tpu.memref_slice %arg9[%dma_wait3A_305, %dma_wait3A_309] : memref<16x128xi32, #tpu.memory_space<vmem>> -> memref<1x128xi32, #tpu.memory_space<vmem>>
        %dma_wait3A_311 = tpu.memref_squeeze %dma_wait3A_310 : memref<1x128xi32, #tpu.memory_space<vmem>> -> memref<128xi32, #tpu.memory_space<vmem>>
        %dma_wait3A_312 = arith.constant 0 : i32
        %dma_wait3A_313 = arith.constant 0 : i32
        %dma_wait3A_314 = tpu.memref_slice %arg2[%dma_wait3A_312, %dma_wait3A_313] : memref<10000x64xbf16, #tpu.memory_space<hbm>> -> memref<10000x64xbf16, #tpu.memory_space<hbm>>
        tpu.wait_indirect_dma semaphore(%arg12 : memref<!tpu.dma_semaphore, #tpu.memory_space<semaphore_mem>>) src(%dma_wait3A_314 : memref<10000x64xbf16, #tpu.memory_space<hbm>>) dst(%dma_wait3A_308 : memref<128x64xbf16, #tpu.memory_space<vmem>>)
        %dma_start3A_315 = arith.constant 15 : i32
        %dma_start3A_316 = arith.constant 896 : i32
        %dma_start3A_317 = arith.constant 0 : i32
        %dma_start3A_318 = tpu.memref_slice %arg10[%dma_start3A_316, %dma_start3A_317] : memref<1024x64xbf16, #tpu.memory_space<vmem>> -> memref<128x64xbf16, #tpu.memory_space<vmem>>
        %dma_start3A_319 = arith.constant 0 : i32
        %dma_start3A_320 = tpu.memref_slice %arg9[%dma_start3A_315, %dma_start3A_319] : memref<16x128xi32, #tpu.memory_space<vmem>> -> memref<1x128xi32, #tpu.memory_space<vmem>>
        %dma_start3A_321 = tpu.memref_squeeze %dma_start3A_320 : memref<1x128xi32, #tpu.memory_space<vmem>> -> memref<128xi32, #tpu.memory_space<vmem>>
        %dma_start3A_322 = arith.constant 0 : i32
        %dma_start3A_323 = arith.constant 0 : i32
        %dma_start3A_324 = tpu.memref_slice %arg8[%dma_start3A_322, %dma_start3A_323] : memref<40960x64xbf16, #tpu.memory_space<vmem_shared>> -> memref<40960x64xbf16, #tpu.memory_space<vmem_shared>>
        tpu.enqueue_indirect_dma source(%dma_start3A_318 : memref<128x64xbf16, #tpu.memory_space<vmem>>) target(%dma_start3A_324 : memref<40960x64xbf16, #tpu.memory_space<vmem_shared>>) offsets(%dma_start3A_321 : memref<128xi32, #tpu.memory_space<vmem>>) semaphore(%arg13 : memref<!tpu.dma_semaphore, #tpu.memory_space<semaphore_mem>>) {add = true}
        %dma_wait3A_325 = arith.constant 8 : i32
        %dma_wait3A_326 = arith.constant 0 : i32
        %dma_wait3A_327 = arith.constant 0 : i32
        %dma_wait3A_328 = tpu.memref_slice %arg10[%dma_wait3A_326, %dma_wait3A_327] : memref<1024x64xbf16, #tpu.memory_space<vmem>> -> memref<128x64xbf16, #tpu.memory_space<vmem>>
        %dma_wait3A_329 = arith.constant 0 : i32
        %dma_wait3A_330 = tpu.memref_slice %arg9[%dma_wait3A_325, %dma_wait3A_329] : memref<16x128xi32, #tpu.memory_space<vmem>> -> memref<1x128xi32, #tpu.memory_space<vmem>>
        %dma_wait3A_331 = tpu.memref_squeeze %dma_wait3A_330 : memref<1x128xi32, #tpu.memory_space<vmem>> -> memref<128xi32, #tpu.memory_space<vmem>>
        %dma_wait3A_332 = arith.constant 0 : i32
        %dma_wait3A_333 = arith.constant 0 : i32
        %dma_wait3A_334 = tpu.memref_slice %arg8[%dma_wait3A_332, %dma_wait3A_333] : memref<40960x64xbf16, #tpu.memory_space<vmem_shared>> -> memref<40960x64xbf16, #tpu.memory_space<vmem_shared>>
        tpu.wait_indirect_dma semaphore(%arg13 : memref<!tpu.dma_semaphore, #tpu.memory_space<semaphore_mem>>) src(%dma_wait3A_328 : memref<128x64xbf16, #tpu.memory_space<vmem>>) dst(%dma_wait3A_334 : memref<40960x64xbf16, #tpu.memory_space<vmem_shared>>)
        %dma_wait3A_335 = arith.constant 9 : i32
        %dma_wait3A_336 = arith.constant 128 : i32
        %dma_wait3A_337 = arith.constant 0 : i32
        %dma_wait3A_338 = tpu.memref_slice %arg10[%dma_wait3A_336, %dma_wait3A_337] : memref<1024x64xbf16, #tpu.memory_space<vmem>> -> memref<128x64xbf16, #tpu.memory_space<vmem>>
        %dma_wait3A_339 = arith.constant 0 : i32
        %dma_wait3A_340 = tpu.memref_slice %arg9[%dma_wait3A_335, %dma_wait3A_339] : memref<16x128xi32, #tpu.memory_space<vmem>> -> memref<1x128xi32, #tpu.memory_space<vmem>>
        %dma_wait3A_341 = tpu.memref_squeeze %dma_wait3A_340 : memref<1x128xi32, #tpu.memory_space<vmem>> -> memref<128xi32, #tpu.memory_space<vmem>>
        %dma_wait3A_342 = arith.constant 0 : i32
        %dma_wait3A_343 = arith.constant 0 : i32
        %dma_wait3A_344 = tpu.memref_slice %arg8[%dma_wait3A_342, %dma_wait3A_343] : memref<40960x64xbf16, #tpu.memory_space<vmem_shared>> -> memref<40960x64xbf16, #tpu.memory_space<vmem_shared>>
        tpu.wait_indirect_dma semaphore(%arg13 : memref<!tpu.dma_semaphore, #tpu.memory_space<semaphore_mem>>) src(%dma_wait3A_338 : memref<128x64xbf16, #tpu.memory_space<vmem>>) dst(%dma_wait3A_344 : memref<40960x64xbf16, #tpu.memory_space<vmem_shared>>)
        %dma_wait3A_345 = arith.constant 10 : i32
        %dma_wait3A_346 = arith.constant 256 : i32
        %dma_wait3A_347 = arith.constant 0 : i32
        %dma_wait3A_348 = tpu.memref_slice %arg10[%dma_wait3A_346, %dma_wait3A_347] : memref<1024x64xbf16, #tpu.memory_space<vmem>> -> memref<128x64xbf16, #tpu.memory_space<vmem>>
        %dma_wait3A_349 = arith.constant 0 : i32
        %dma_wait3A_350 = tpu.memref_slice %arg9[%dma_wait3A_345, %dma_wait3A_349] : memref<16x128xi32, #tpu.memory_space<vmem>> -> memref<1x128xi32, #tpu.memory_space<vmem>>
        %dma_wait3A_351 = tpu.memref_squeeze %dma_wait3A_350 : memref<1x128xi32, #tpu.memory_space<vmem>> -> memref<128xi32, #tpu.memory_space<vmem>>
        %dma_wait3A_352 = arith.constant 0 : i32
        %dma_wait3A_353 = arith.constant 0 : i32
        %dma_wait3A_354 = tpu.memref_slice %arg8[%dma_wait3A_352, %dma_wait3A_353] : memref<40960x64xbf16, #tpu.memory_space<vmem_shared>> -> memref<40960x64xbf16, #tpu.memory_space<vmem_shared>>
        tpu.wait_indirect_dma semaphore(%arg13 : memref<!tpu.dma_semaphore, #tpu.memory_space<semaphore_mem>>) src(%dma_wait3A_348 : memref<128x64xbf16, #tpu.memory_space<vmem>>) dst(%dma_wait3A_354 : memref<40960x64xbf16, #tpu.memory_space<vmem_shared>>)
        %dma_wait3A_355 = arith.constant 11 : i32
        %dma_wait3A_356 = arith.constant 384 : i32
        %dma_wait3A_357 = arith.constant 0 : i32
        %dma_wait3A_358 = tpu.memref_slice %arg10[%dma_wait3A_356, %dma_wait3A_357] : memref<1024x64xbf16, #tpu.memory_space<vmem>> -> memref<128x64xbf16, #tpu.memory_space<vmem>>
        %dma_wait3A_359 = arith.constant 0 : i32
        %dma_wait3A_360 = tpu.memref_slice %arg9[%dma_wait3A_355, %dma_wait3A_359] : memref<16x128xi32, #tpu.memory_space<vmem>> -> memref<1x128xi32, #tpu.memory_space<vmem>>
        %dma_wait3A_361 = tpu.memref_squeeze %dma_wait3A_360 : memref<1x128xi32, #tpu.memory_space<vmem>> -> memref<128xi32, #tpu.memory_space<vmem>>
        %dma_wait3A_362 = arith.constant 0 : i32
        %dma_wait3A_363 = arith.constant 0 : i32
        %dma_wait3A_364 = tpu.memref_slice %arg8[%dma_wait3A_362, %dma_wait3A_363] : memref<40960x64xbf16, #tpu.memory_space<vmem_shared>> -> memref<40960x64xbf16, #tpu.memory_space<vmem_shared>>
        tpu.wait_indirect_dma semaphore(%arg13 : memref<!tpu.dma_semaphore, #tpu.memory_space<semaphore_mem>>) src(%dma_wait3A_358 : memref<128x64xbf16, #tpu.memory_space<vmem>>) dst(%dma_wait3A_364 : memref<40960x64xbf16, #tpu.memory_space<vmem_shared>>)
        %dma_wait3A_365 = arith.constant 12 : i32
        %dma_wait3A_366 = arith.constant 512 : i32
        %dma_wait3A_367 = arith.constant 0 : i32
        %dma_wait3A_368 = tpu.memref_slice %arg10[%dma_wait3A_366, %dma_wait3A_367] : memref<1024x64xbf16, #tpu.memory_space<vmem>> -> memref<128x64xbf16, #tpu.memory_space<vmem>>
        %dma_wait3A_369 = arith.constant 0 : i32
        %dma_wait3A_370 = tpu.memref_slice %arg9[%dma_wait3A_365, %dma_wait3A_369] : memref<16x128xi32, #tpu.memory_space<vmem>> -> memref<1x128xi32, #tpu.memory_space<vmem>>
        %dma_wait3A_371 = tpu.memref_squeeze %dma_wait3A_370 : memref<1x128xi32, #tpu.memory_space<vmem>> -> memref<128xi32, #tpu.memory_space<vmem>>
        %dma_wait3A_372 = arith.constant 0 : i32
        %dma_wait3A_373 = arith.constant 0 : i32
        %dma_wait3A_374 = tpu.memref_slice %arg8[%dma_wait3A_372, %dma_wait3A_373] : memref<40960x64xbf16, #tpu.memory_space<vmem_shared>> -> memref<40960x64xbf16, #tpu.memory_space<vmem_shared>>
        tpu.wait_indirect_dma semaphore(%arg13 : memref<!tpu.dma_semaphore, #tpu.memory_space<semaphore_mem>>) src(%dma_wait3A_368 : memref<128x64xbf16, #tpu.memory_space<vmem>>) dst(%dma_wait3A_374 : memref<40960x64xbf16, #tpu.memory_space<vmem_shared>>)
        %dma_wait3A_375 = arith.constant 13 : i32
        %dma_wait3A_376 = arith.constant 640 : i32
        %dma_wait3A_377 = arith.constant 0 : i32
        %dma_wait3A_378 = tpu.memref_slice %arg10[%dma_wait3A_376, %dma_wait3A_377] : memref<1024x64xbf16, #tpu.memory_space<vmem>> -> memref<128x64xbf16, #tpu.memory_space<vmem>>
        %dma_wait3A_379 = arith.constant 0 : i32
        %dma_wait3A_380 = tpu.memref_slice %arg9[%dma_wait3A_375, %dma_wait3A_379] : memref<16x128xi32, #tpu.memory_space<vmem>> -> memref<1x128xi32, #tpu.memory_space<vmem>>
        %dma_wait3A_381 = tpu.memref_squeeze %dma_wait3A_380 : memref<1x128xi32, #tpu.memory_space<vmem>> -> memref<128xi32, #tpu.memory_space<vmem>>
        %dma_wait3A_382 = arith.constant 0 : i32
        %dma_wait3A_383 = arith.constant 0 : i32
        %dma_wait3A_384 = tpu.memref_slice %arg8[%dma_wait3A_382, %dma_wait3A_383] : memref<40960x64xbf16, #tpu.memory_space<vmem_shared>> -> memref<40960x64xbf16, #tpu.memory_space<vmem_shared>>
        tpu.wait_indirect_dma semaphore(%arg13 : memref<!tpu.dma_semaphore, #tpu.memory_space<semaphore_mem>>) src(%dma_wait3A_378 : memref<128x64xbf16, #tpu.memory_space<vmem>>) dst(%dma_wait3A_384 : memref<40960x64xbf16, #tpu.memory_space<vmem_shared>>)
        %dma_wait3A_385 = arith.constant 14 : i32
        %dma_wait3A_386 = arith.constant 768 : i32
        %dma_wait3A_387 = arith.constant 0 : i32
        %dma_wait3A_388 = tpu.memref_slice %arg10[%dma_wait3A_386, %dma_wait3A_387] : memref<1024x64xbf16, #tpu.memory_space<vmem>> -> memref<128x64xbf16, #tpu.memory_space<vmem>>
        %dma_wait3A_389 = arith.constant 0 : i32
        %dma_wait3A_390 = tpu.memref_slice %arg9[%dma_wait3A_385, %dma_wait3A_389] : memref<16x128xi32, #tpu.memory_space<vmem>> -> memref<1x128xi32, #tpu.memory_space<vmem>>
        %dma_wait3A_391 = tpu.memref_squeeze %dma_wait3A_390 : memref<1x128xi32, #tpu.memory_space<vmem>> -> memref<128xi32, #tpu.memory_space<vmem>>
        %dma_wait3A_392 = arith.constant 0 : i32
        %dma_wait3A_393 = arith.constant 0 : i32
        %dma_wait3A_394 = tpu.memref_slice %arg8[%dma_wait3A_392, %dma_wait3A_393] : memref<40960x64xbf16, #tpu.memory_space<vmem_shared>> -> memref<40960x64xbf16, #tpu.memory_space<vmem_shared>>
        tpu.wait_indirect_dma semaphore(%arg13 : memref<!tpu.dma_semaphore, #tpu.memory_space<semaphore_mem>>) src(%dma_wait3A_388 : memref<128x64xbf16, #tpu.memory_space<vmem>>) dst(%dma_wait3A_394 : memref<40960x64xbf16, #tpu.memory_space<vmem_shared>>)
        %dma_wait3A_395 = arith.constant 15 : i32
        %dma_wait3A_396 = arith.constant 896 : i32
        %dma_wait3A_397 = arith.constant 0 : i32
        %dma_wait3A_398 = tpu.memref_slice %arg10[%dma_wait3A_396, %dma_wait3A_397] : memref<1024x64xbf16, #tpu.memory_space<vmem>> -> memref<128x64xbf16, #tpu.memory_space<vmem>>
        %dma_wait3A_399 = arith.constant 0 : i32
        %dma_wait3A_400 = tpu.memref_slice %arg9[%dma_wait3A_395, %dma_wait3A_399] : memref<16x128xi32, #tpu.memory_space<vmem>> -> memref<1x128xi32, #tpu.memory_space<vmem>>
        %dma_wait3A_401 = tpu.memref_squeeze %dma_wait3A_400 : memref<1x128xi32, #tpu.memory_space<vmem>> -> memref<128xi32, #tpu.memory_space<vmem>>
        %dma_wait3A_402 = arith.constant 0 : i32
        %dma_wait3A_403 = arith.constant 0 : i32
        %dma_wait3A_404 = tpu.memref_slice %arg8[%dma_wait3A_402, %dma_wait3A_403] : memref<40960x64xbf16, #tpu.memory_space<vmem_shared>> -> memref<40960x64xbf16, #tpu.memory_space<vmem_shared>>
        tpu.wait_indirect_dma semaphore(%arg13 : memref<!tpu.dma_semaphore, #tpu.memory_space<semaphore_mem>>) src(%dma_wait3A_398 : memref<128x64xbf16, #tpu.memory_space<vmem>>) dst(%dma_wait3A_404 : memref<40960x64xbf16, #tpu.memory_space<vmem_shared>>)
      }
      %scan3A_73 = arith.constant 20 : i32
      %barrier3A_74 = arith.constant 0 : index
      tpu.barrier barrier_id(%barrier3A_74)
      %mul3A_75 = arith.constant 2504 : i32
      %mul3A_76 = arith.muli %arg1, %mul3A_75 : i32
      %mul3A_77 = arith.constant 2504 : i32
      %mul3A_78 = arith.muli %arg1, %mul3A_77 : i32
      "tpu.region"() ({
        %run_scoped3A = tpu.sem_alloc : memref<!tpu.dma_semaphore, #tpu.memory_space<semaphore_mem>>
        %dma_start3A = arith.constant 0 : i32
        %dma_start3A_79 = tpu.memref_slice %arg6[%mul3A_78, %dma_start3A] : memref<40064x64xbf16, #tpu.memory_space<hbm>> -> memref<2504x64xbf16, #tpu.memory_space<hbm>>
        %dma_start3A_80 = arith.constant 0 : i32
        %dma_start3A_81 = tpu.memref_slice %arg8[%mul3A_76, %dma_start3A_80] : memref<40960x64xbf16, #tpu.memory_space<vmem_shared>> -> memref<2504x64xbf16, #tpu.memory_space<vmem_shared>>
        tpu.enqueue_dma source(%dma_start3A_81 : memref<2504x64xbf16, #tpu.memory_space<vmem_shared>>) target(%dma_start3A_79 : memref<2504x64xbf16, #tpu.memory_space<hbm>>) target_semaphore(%run_scoped3A : memref<!tpu.dma_semaphore, #tpu.memory_space<semaphore_mem>>)
        %dma_wait3A = arith.constant 0 : i32
        %dma_wait3A_82 = tpu.memref_slice %arg6[%mul3A_78, %dma_wait3A] : memref<40064x64xbf16, #tpu.memory_space<hbm>> -> memref<2504x64xbf16, #tpu.memory_space<hbm>>
        %dma_wait3A_83 = arith.constant 0 : i32
        %dma_wait3A_84 = tpu.memref_slice %arg8[%mul3A_76, %dma_wait3A_83] : memref<40960x64xbf16, #tpu.memory_space<vmem_shared>> -> memref<2504x64xbf16, #tpu.memory_space<vmem_shared>>
        tpu.wait_dma2 semaphore(%run_scoped3A : memref<!tpu.dma_semaphore, #tpu.memory_space<semaphore_mem>>) src(%dma_wait3A_84 : memref<2504x64xbf16, #tpu.memory_space<vmem_shared>>) dst(%dma_wait3A_82 : memref<2504x64xbf16, #tpu.memory_space<hbm>>)
        tpu.yield
      }) : () -> ()
    } else {
    }
    %eq3A_2 = arith.constant 1 : i32
    %eq3A_3 = arith.cmpi eq, %arg0, %eq3A_2 : i32
    %convert_element_type3A_4 = arith.extui %eq3A_3 : i1 to i32
    %cond3A_5 = arith.constant 0 : i32
    %cond3A_6 = arith.cmpi ne, %convert_element_type3A_4, %cond3A_5 : i32
    scf.if %cond3A_6 {
      %mul3A = arith.constant 2560 : i32
      %mul3A_7 = arith.muli %arg1, %mul3A : i32
      %add3A = arith.constant 0 : i32
      %add3A_8 = arith.addi %mul3A_7, %add3A : i32
      "tpu.region"() ({
        %run_scoped3A = tpu.sem_alloc : memref<!tpu.dma_semaphore, #tpu.memory_space<semaphore_mem>>
        %dma_start3A = arith.constant 0 : i32
        %dma_start3A_79 = tpu.memref_slice %arg8[%add3A_8, %dma_start3A] : memref<40960x64xbf16, #tpu.memory_space<vmem_shared>> -> memref<160x64xbf16, #tpu.memory_space<vmem_shared>>
        %dma_start3A_80 = arith.constant 0 : i32
        %dma_start3A_81 = tpu.memref_slice %arg8[%add3A_8, %dma_start3A_80] : memref<40960x64xbf16, #tpu.memory_space<vmem_shared>> -> memref<160x64xbf16, #tpu.memory_space<vmem_shared>>
        tpu.enqueue_dma source(%arg11 : memref<160x64xbf16, #tpu.memory_space<vmem>>) target(%dma_start3A_81 : memref<160x64xbf16, #tpu.memory_space<vmem_shared>>) target_semaphore(%run_scoped3A : memref<!tpu.dma_semaphore, #tpu.memory_space<semaphore_mem>>)
        %dma_wait3A = arith.constant 0 : i32
        %dma_wait3A_82 = tpu.memref_slice %arg8[%add3A_8, %dma_wait3A] : memref<40960x64xbf16, #tpu.memory_space<vmem_shared>> -> memref<160x64xbf16, #tpu.memory_space<vmem_shared>>
        %dma_wait3A_83 = arith.constant 0 : i32
        %dma_wait3A_84 = tpu.memref_slice %arg8[%add3A_8, %dma_wait3A_83] : memref<40960x64xbf16, #tpu.memory_space<vmem_shared>> -> memref<160x64xbf16, #tpu.memory_space<vmem_shared>>
        tpu.wait_dma2 semaphore(%run_scoped3A : memref<!tpu.dma_semaphore, #tpu.memory_space<semaphore_mem>>) src(%arg11 : memref<160x64xbf16, #tpu.memory_space<vmem>>) dst(%dma_wait3A_84 : memref<160x64xbf16, #tpu.memory_space<vmem_shared>>)
        tpu.yield
      }) : () -> ()
      %mul3A_9 = arith.constant 2560 : i32
      %mul3A_10 = arith.muli %arg1, %mul3A_9 : i32
      %add3A_11 = arith.constant 160 : i32
      %add3A_12 = arith.addi %mul3A_10, %add3A_11 : i32
      "tpu.region"() ({
        %run_scoped3A = tpu.sem_alloc : memref<!tpu.dma_semaphore, #tpu.memory_space<semaphore_mem>>
        %dma_start3A = arith.constant 0 : i32
        %dma_start3A_79 = tpu.memref_slice %arg8[%add3A_12, %dma_start3A] : memref<40960x64xbf16, #tpu.memory_space<vmem_shared>> -> memref<160x64xbf16, #tpu.memory_space<vmem_shared>>
        %dma_start3A_80 = arith.constant 0 : i32
        %dma_start3A_81 = tpu.memref_slice %arg8[%add3A_12, %dma_start3A_80] : memref<40960x64xbf16, #tpu.memory_space<vmem_shared>> -> memref<160x64xbf16, #tpu.memory_space<vmem_shared>>
        tpu.enqueue_dma source(%arg11 : memref<160x64xbf16, #tpu.memory_space<vmem>>) target(%dma_start3A_81 : memref<160x64xbf16, #tpu.memory_space<vmem_shared>>) target_semaphore(%run_scoped3A : memref<!tpu.dma_semaphore, #tpu.memory_space<semaphore_mem>>)
        %dma_wait3A = arith.constant 0 : i32
        %dma_wait3A_82 = tpu.memref_slice %arg8[%add3A_12, %dma_wait3A] : memref<40960x64xbf16, #tpu.memory_space<vmem_shared>> -> memref<160x64xbf16, #tpu.memory_space<vmem_shared>>
        %dma_wait3A_83 = arith.constant 0 : i32
        %dma_wait3A_84 = tpu.memref_slice %arg8[%add3A_12, %dma_wait3A_83] : memref<40960x64xbf16, #tpu.memory_space<vmem_shared>> -> memref<160x64xbf16, #tpu.memory_space<vmem_shared>>
        tpu.wait_dma2 semaphore(%run_scoped3A : memref<!tpu.dma_semaphore, #tpu.memory_space<semaphore_mem>>) src(%arg11 : memref<160x64xbf16, #tpu.memory_space<vmem>>) dst(%dma_wait3A_84 : memref<160x64xbf16, #tpu.memory_space<vmem_shared>>)
        tpu.yield
      }) : () -> ()
      %mul3A_13 = arith.constant 2560 : i32
      %mul3A_14 = arith.muli %arg1, %mul3A_13 : i32
      %add3A_15 = arith.constant 320 : i32
      %add3A_16 = arith.addi %mul3A_14, %add3A_15 : i32
      "tpu.region"() ({
        %run_scoped3A = tpu.sem_alloc : memref<!tpu.dma_semaphore, #tpu.memory_space<semaphore_mem>>
        %dma_start3A = arith.constant 0 : i32
        %dma_start3A_79 = tpu.memref_slice %arg8[%add3A_16, %dma_start3A] : memref<40960x64xbf16, #tpu.memory_space<vmem_shared>> -> memref<160x64xbf16, #tpu.memory_space<vmem_shared>>
        %dma_start3A_80 = arith.constant 0 : i32
        %dma_start3A_81 = tpu.memref_slice %arg8[%add3A_16, %dma_start3A_80] : memref<40960x64xbf16, #tpu.memory_space<vmem_shared>> -> memref<160x64xbf16, #tpu.memory_space<vmem_shared>>
        tpu.enqueue_dma source(%arg11 : memref<160x64xbf16, #tpu.memory_space<vmem>>) target(%dma_start3A_81 : memref<160x64xbf16, #tpu.memory_space<vmem_shared>>) target_semaphore(%run_scoped3A : memref<!tpu.dma_semaphore, #tpu.memory_space<semaphore_mem>>)
        %dma_wait3A = arith.constant 0 : i32
        %dma_wait3A_82 = tpu.memref_slice %arg8[%add3A_16, %dma_wait3A] : memref<40960x64xbf16, #tpu.memory_space<vmem_shared>> -> memref<160x64xbf16, #tpu.memory_space<vmem_shared>>
        %dma_wait3A_83 = arith.constant 0 : i32
        %dma_wait3A_84 = tpu.memref_slice %arg8[%add3A_16, %dma_wait3A_83] : memref<40960x64xbf16, #tpu.memory_space<vmem_shared>> -> memref<160x64xbf16, #tpu.memory_space<vmem_shared>>
        tpu.wait_dma2 semaphore(%run_scoped3A : memref<!tpu.dma_semaphore, #tpu.memory_space<semaphore_mem>>) src(%arg11 : memref<160x64xbf16, #tpu.memory_space<vmem>>) dst(%dma_wait3A_84 : memref<160x64xbf16, #tpu.memory_space<vmem_shared>>)
        tpu.yield
      }) : () -> ()
      %mul3A_17 = arith.constant 2560 : i32
      %mul3A_18 = arith.muli %arg1, %mul3A_17 : i32
      %add3A_19 = arith.constant 480 : i32
      %add3A_20 = arith.addi %mul3A_18, %add3A_19 : i32
      "tpu.region"() ({
        %run_scoped3A = tpu.sem_alloc : memref<!tpu.dma_semaphore, #tpu.memory_space<semaphore_mem>>
        %dma_start3A = arith.constant 0 : i32
        %dma_start3A_79 = tpu.memref_slice %arg8[%add3A_20, %dma_start3A] : memref<40960x64xbf16, #tpu.memory_space<vmem_shared>> -> memref<160x64xbf16, #tpu.memory_space<vmem_shared>>
        %dma_start3A_80 = arith.constant 0 : i32
        %dma_start3A_81 = tpu.memref_slice %arg8[%add3A_20, %dma_start3A_80] : memref<40960x64xbf16, #tpu.memory_space<vmem_shared>> -> memref<160x64xbf16, #tpu.memory_space<vmem_shared>>
        tpu.enqueue_dma source(%arg11 : memref<160x64xbf16, #tpu.memory_space<vmem>>) target(%dma_start3A_81 : memref<160x64xbf16, #tpu.memory_space<vmem_shared>>) target_semaphore(%run_scoped3A : memref<!tpu.dma_semaphore, #tpu.memory_space<semaphore_mem>>)
        %dma_wait3A = arith.constant 0 : i32
        %dma_wait3A_82 = tpu.memref_slice %arg8[%add3A_20, %dma_wait3A] : memref<40960x64xbf16, #tpu.memory_space<vmem_shared>> -> memref<160x64xbf16, #tpu.memory_space<vmem_shared>>
        %dma_wait3A_83 = arith.constant 0 : i32
        %dma_wait3A_84 = tpu.memref_slice %arg8[%add3A_20, %dma_wait3A_83] : memref<40960x64xbf16, #tpu.memory_space<vmem_shared>> -> memref<160x64xbf16, #tpu.memory_space<vmem_shared>>
        tpu.wait_dma2 semaphore(%run_scoped3A : memref<!tpu.dma_semaphore, #tpu.memory_space<semaphore_mem>>) src(%arg11 : memref<160x64xbf16, #tpu.memory_space<vmem>>) dst(%dma_wait3A_84 : memref<160x64xbf16, #tpu.memory_space<vmem_shared>>)
        tpu.yield
      }) : () -> ()
      %mul3A_21 = arith.constant 2560 : i32
      %mul3A_22 = arith.muli %arg1, %mul3A_21 : i32
      %add3A_23 = arith.constant 640 : i32
      %add3A_24 = arith.addi %mul3A_22, %add3A_23 : i32
      "tpu.region"() ({
        %run_scoped3A = tpu.sem_alloc : memref<!tpu.dma_semaphore, #tpu.memory_space<semaphore_mem>>
        %dma_start3A = arith.constant 0 : i32
        %dma_start3A_79 = tpu.memref_slice %arg8[%add3A_24, %dma_start3A] : memref<40960x64xbf16, #tpu.memory_space<vmem_shared>> -> memref<160x64xbf16, #tpu.memory_space<vmem_shared>>
        %dma_start3A_80 = arith.constant 0 : i32
        %dma_start3A_81 = tpu.memref_slice %arg8[%add3A_24, %dma_start3A_80] : memref<40960x64xbf16, #tpu.memory_space<vmem_shared>> -> memref<160x64xbf16, #tpu.memory_space<vmem_shared>>
        tpu.enqueue_dma source(%arg11 : memref<160x64xbf16, #tpu.memory_space<vmem>>) target(%dma_start3A_81 : memref<160x64xbf16, #tpu.memory_space<vmem_shared>>) target_semaphore(%run_scoped3A : memref<!tpu.dma_semaphore, #tpu.memory_space<semaphore_mem>>)
        %dma_wait3A = arith.constant 0 : i32
        %dma_wait3A_82 = tpu.memref_slice %arg8[%add3A_24, %dma_wait3A] : memref<40960x64xbf16, #tpu.memory_space<vmem_shared>> -> memref<160x64xbf16, #tpu.memory_space<vmem_shared>>
        %dma_wait3A_83 = arith.constant 0 : i32
        %dma_wait3A_84 = tpu.memref_slice %arg8[%add3A_24, %dma_wait3A_83] : memref<40960x64xbf16, #tpu.memory_space<vmem_shared>> -> memref<160x64xbf16, #tpu.memory_space<vmem_shared>>
        tpu.wait_dma2 semaphore(%run_scoped3A : memref<!tpu.dma_semaphore, #tpu.memory_space<semaphore_mem>>) src(%arg11 : memref<160x64xbf16, #tpu.memory_space<vmem>>) dst(%dma_wait3A_84 : memref<160x64xbf16, #tpu.memory_space<vmem_shared>>)
        tpu.yield
      }) : () -> ()
      %mul3A_25 = arith.constant 2560 : i32
      %mul3A_26 = arith.muli %arg1, %mul3A_25 : i32
      %add3A_27 = arith.constant 800 : i32
      %add3A_28 = arith.addi %mul3A_26, %add3A_27 : i32
      "tpu.region"() ({
        %run_scoped3A = tpu.sem_alloc : memref<!tpu.dma_semaphore, #tpu.memory_space<semaphore_mem>>
        %dma_start3A = arith.constant 0 : i32
        %dma_start3A_79 = tpu.memref_slice %arg8[%add3A_28, %dma_start3A] : memref<40960x64xbf16, #tpu.memory_space<vmem_shared>> -> memref<160x64xbf16, #tpu.memory_space<vmem_shared>>
        %dma_start3A_80 = arith.constant 0 : i32
        %dma_start3A_81 = tpu.memref_slice %arg8[%add3A_28, %dma_start3A_80] : memref<40960x64xbf16, #tpu.memory_space<vmem_shared>> -> memref<160x64xbf16, #tpu.memory_space<vmem_shared>>
        tpu.enqueue_dma source(%arg11 : memref<160x64xbf16, #tpu.memory_space<vmem>>) target(%dma_start3A_81 : memref<160x64xbf16, #tpu.memory_space<vmem_shared>>) target_semaphore(%run_scoped3A : memref<!tpu.dma_semaphore, #tpu.memory_space<semaphore_mem>>)
        %dma_wait3A = arith.constant 0 : i32
        %dma_wait3A_82 = tpu.memref_slice %arg8[%add3A_28, %dma_wait3A] : memref<40960x64xbf16, #tpu.memory_space<vmem_shared>> -> memref<160x64xbf16, #tpu.memory_space<vmem_shared>>
        %dma_wait3A_83 = arith.constant 0 : i32
        %dma_wait3A_84 = tpu.memref_slice %arg8[%add3A_28, %dma_wait3A_83] : memref<40960x64xbf16, #tpu.memory_space<vmem_shared>> -> memref<160x64xbf16, #tpu.memory_space<vmem_shared>>
        tpu.wait_dma2 semaphore(%run_scoped3A : memref<!tpu.dma_semaphore, #tpu.memory_space<semaphore_mem>>) src(%arg11 : memref<160x64xbf16, #tpu.memory_space<vmem>>) dst(%dma_wait3A_84 : memref<160x64xbf16, #tpu.memory_space<vmem_shared>>)
        tpu.yield
      }) : () -> ()
      %mul3A_29 = arith.constant 2560 : i32
      %mul3A_30 = arith.muli %arg1, %mul3A_29 : i32
      %add3A_31 = arith.constant 960 : i32
      %add3A_32 = arith.addi %mul3A_30, %add3A_31 : i32
      "tpu.region"() ({
        %run_scoped3A = tpu.sem_alloc : memref<!tpu.dma_semaphore, #tpu.memory_space<semaphore_mem>>
        %dma_start3A = arith.constant 0 : i32
        %dma_start3A_79 = tpu.memref_slice %arg8[%add3A_32, %dma_start3A] : memref<40960x64xbf16, #tpu.memory_space<vmem_shared>> -> memref<160x64xbf16, #tpu.memory_space<vmem_shared>>
        %dma_start3A_80 = arith.constant 0 : i32
        %dma_start3A_81 = tpu.memref_slice %arg8[%add3A_32, %dma_start3A_80] : memref<40960x64xbf16, #tpu.memory_space<vmem_shared>> -> memref<160x64xbf16, #tpu.memory_space<vmem_shared>>
        tpu.enqueue_dma source(%arg11 : memref<160x64xbf16, #tpu.memory_space<vmem>>) target(%dma_start3A_81 : memref<160x64xbf16, #tpu.memory_space<vmem_shared>>) target_semaphore(%run_scoped3A : memref<!tpu.dma_semaphore, #tpu.memory_space<semaphore_mem>>)
        %dma_wait3A = arith.constant 0 : i32
        %dma_wait3A_82 = tpu.memref_slice %arg8[%add3A_32, %dma_wait3A] : memref<40960x64xbf16, #tpu.memory_space<vmem_shared>> -> memref<160x64xbf16, #tpu.memory_space<vmem_shared>>
        %dma_wait3A_83 = arith.constant 0 : i32
        %dma_wait3A_84 = tpu.memref_slice %arg8[%add3A_32, %dma_wait3A_83] : memref<40960x64xbf16, #tpu.memory_space<vmem_shared>> -> memref<160x64xbf16, #tpu.memory_space<vmem_shared>>
        tpu.wait_dma2 semaphore(%run_scoped3A : memref<!tpu.dma_semaphore, #tpu.memory_space<semaphore_mem>>) src(%arg11 : memref<160x64xbf16, #tpu.memory_space<vmem>>) dst(%dma_wait3A_84 : memref<160x64xbf16, #tpu.memory_space<vmem_shared>>)
        tpu.yield
      }) : () -> ()
      %mul3A_33 = arith.constant 2560 : i32
      %mul3A_34 = arith.muli %arg1, %mul3A_33 : i32
      %add3A_35 = arith.constant 1120 : i32
      %add3A_36 = arith.addi %mul3A_34, %add3A_35 : i32
      "tpu.region"() ({
        %run_scoped3A = tpu.sem_alloc : memref<!tpu.dma_semaphore, #tpu.memory_space<semaphore_mem>>
        %dma_start3A = arith.constant 0 : i32
        %dma_start3A_79 = tpu.memref_slice %arg8[%add3A_36, %dma_start3A] : memref<40960x64xbf16, #tpu.memory_space<vmem_shared>> -> memref<160x64xbf16, #tpu.memory_space<vmem_shared>>
        %dma_start3A_80 = arith.constant 0 : i32
        %dma_start3A_81 = tpu.memref_slice %arg8[%add3A_36, %dma_start3A_80] : memref<40960x64xbf16, #tpu.memory_space<vmem_shared>> -> memref<160x64xbf16, #tpu.memory_space<vmem_shared>>
        tpu.enqueue_dma source(%arg11 : memref<160x64xbf16, #tpu.memory_space<vmem>>) target(%dma_start3A_81 : memref<160x64xbf16, #tpu.memory_space<vmem_shared>>) target_semaphore(%run_scoped3A : memref<!tpu.dma_semaphore, #tpu.memory_space<semaphore_mem>>)
        %dma_wait3A = arith.constant 0 : i32
        %dma_wait3A_82 = tpu.memref_slice %arg8[%add3A_36, %dma_wait3A] : memref<40960x64xbf16, #tpu.memory_space<vmem_shared>> -> memref<160x64xbf16, #tpu.memory_space<vmem_shared>>
        %dma_wait3A_83 = arith.constant 0 : i32
        %dma_wait3A_84 = tpu.memref_slice %arg8[%add3A_36, %dma_wait3A_83] : memref<40960x64xbf16, #tpu.memory_space<vmem_shared>> -> memref<160x64xbf16, #tpu.memory_space<vmem_shared>>
        tpu.wait_dma2 semaphore(%run_scoped3A : memref<!tpu.dma_semaphore, #tpu.memory_space<semaphore_mem>>) src(%arg11 : memref<160x64xbf16, #tpu.memory_space<vmem>>) dst(%dma_wait3A_84 : memref<160x64xbf16, #tpu.memory_space<vmem_shared>>)
        tpu.yield
      }) : () -> ()
      %mul3A_37 = arith.constant 2560 : i32
      %mul3A_38 = arith.muli %arg1, %mul3A_37 : i32
      %add3A_39 = arith.constant 1280 : i32
      %add3A_40 = arith.addi %mul3A_38, %add3A_39 : i32
      "tpu.region"() ({
        %run_scoped3A = tpu.sem_alloc : memref<!tpu.dma_semaphore, #tpu.memory_space<semaphore_mem>>
        %dma_start3A = arith.constant 0 : i32
        %dma_start3A_79 = tpu.memref_slice %arg8[%add3A_40, %dma_start3A] : memref<40960x64xbf16, #tpu.memory_space<vmem_shared>> -> memref<160x64xbf16, #tpu.memory_space<vmem_shared>>
        %dma_start3A_80 = arith.constant 0 : i32
        %dma_start3A_81 = tpu.memref_slice %arg8[%add3A_40, %dma_start3A_80] : memref<40960x64xbf16, #tpu.memory_space<vmem_shared>> -> memref<160x64xbf16, #tpu.memory_space<vmem_shared>>
        tpu.enqueue_dma source(%arg11 : memref<160x64xbf16, #tpu.memory_space<vmem>>) target(%dma_start3A_81 : memref<160x64xbf16, #tpu.memory_space<vmem_shared>>) target_semaphore(%run_scoped3A : memref<!tpu.dma_semaphore, #tpu.memory_space<semaphore_mem>>)
        %dma_wait3A = arith.constant 0 : i32
        %dma_wait3A_82 = tpu.memref_slice %arg8[%add3A_40, %dma_wait3A] : memref<40960x64xbf16, #tpu.memory_space<vmem_shared>> -> memref<160x64xbf16, #tpu.memory_space<vmem_shared>>
        %dma_wait3A_83 = arith.constant 0 : i32
        %dma_wait3A_84 = tpu.memref_slice %arg8[%add3A_40, %dma_wait3A_83] : memref<40960x64xbf16, #tpu.memory_space<vmem_shared>> -> memref<160x64xbf16, #tpu.memory_space<vmem_shared>>
        tpu.wait_dma2 semaphore(%run_scoped3A : memref<!tpu.dma_semaphore, #tpu.memory_space<semaphore_mem>>) src(%arg11 : memref<160x64xbf16, #tpu.memory_space<vmem>>) dst(%dma_wait3A_84 : memref<160x64xbf16, #tpu.memory_space<vmem_shared>>)
        tpu.yield
      }) : () -> ()
      %mul3A_41 = arith.constant 2560 : i32
      %mul3A_42 = arith.muli %arg1, %mul3A_41 : i32
      %add3A_43 = arith.constant 1440 : i32
      %add3A_44 = arith.addi %mul3A_42, %add3A_43 : i32
      "tpu.region"() ({
        %run_scoped3A = tpu.sem_alloc : memref<!tpu.dma_semaphore, #tpu.memory_space<semaphore_mem>>
        %dma_start3A = arith.constant 0 : i32
        %dma_start3A_79 = tpu.memref_slice %arg8[%add3A_44, %dma_start3A] : memref<40960x64xbf16, #tpu.memory_space<vmem_shared>> -> memref<160x64xbf16, #tpu.memory_space<vmem_shared>>
        %dma_start3A_80 = arith.constant 0 : i32
        %dma_start3A_81 = tpu.memref_slice %arg8[%add3A_44, %dma_start3A_80] : memref<40960x64xbf16, #tpu.memory_space<vmem_shared>> -> memref<160x64xbf16, #tpu.memory_space<vmem_shared>>
        tpu.enqueue_dma source(%arg11 : memref<160x64xbf16, #tpu.memory_space<vmem>>) target(%dma_start3A_81 : memref<160x64xbf16, #tpu.memory_space<vmem_shared>>) target_semaphore(%run_scoped3A : memref<!tpu.dma_semaphore, #tpu.memory_space<semaphore_mem>>)
        %dma_wait3A = arith.constant 0 : i32
        %dma_wait3A_82 = tpu.memref_slice %arg8[%add3A_44, %dma_wait3A] : memref<40960x64xbf16, #tpu.memory_space<vmem_shared>> -> memref<160x64xbf16, #tpu.memory_space<vmem_shared>>
        %dma_wait3A_83 = arith.constant 0 : i32
        %dma_wait3A_84 = tpu.memref_slice %arg8[%add3A_44, %dma_wait3A_83] : memref<40960x64xbf16, #tpu.memory_space<vmem_shared>> -> memref<160x64xbf16, #tpu.memory_space<vmem_shared>>
        tpu.wait_dma2 semaphore(%run_scoped3A : memref<!tpu.dma_semaphore, #tpu.memory_space<semaphore_mem>>) src(%arg11 : memref<160x64xbf16, #tpu.memory_space<vmem>>) dst(%dma_wait3A_84 : memref<160x64xbf16, #tpu.memory_space<vmem_shared>>)
        tpu.yield
      }) : () -> ()
      %mul3A_45 = arith.constant 2560 : i32
      %mul3A_46 = arith.muli %arg1, %mul3A_45 : i32
      %add3A_47 = arith.constant 1600 : i32
      %add3A_48 = arith.addi %mul3A_46, %add3A_47 : i32
      "tpu.region"() ({
        %run_scoped3A = tpu.sem_alloc : memref<!tpu.dma_semaphore, #tpu.memory_space<semaphore_mem>>
        %dma_start3A = arith.constant 0 : i32
        %dma_start3A_79 = tpu.memref_slice %arg8[%add3A_48, %dma_start3A] : memref<40960x64xbf16, #tpu.memory_space<vmem_shared>> -> memref<160x64xbf16, #tpu.memory_space<vmem_shared>>
        %dma_start3A_80 = arith.constant 0 : i32
        %dma_start3A_81 = tpu.memref_slice %arg8[%add3A_48, %dma_start3A_80] : memref<40960x64xbf16, #tpu.memory_space<vmem_shared>> -> memref<160x64xbf16, #tpu.memory_space<vmem_shared>>
        tpu.enqueue_dma source(%arg11 : memref<160x64xbf16, #tpu.memory_space<vmem>>) target(%dma_start3A_81 : memref<160x64xbf16, #tpu.memory_space<vmem_shared>>) target_semaphore(%run_scoped3A : memref<!tpu.dma_semaphore, #tpu.memory_space<semaphore_mem>>)
        %dma_wait3A = arith.constant 0 : i32
        %dma_wait3A_82 = tpu.memref_slice %arg8[%add3A_48, %dma_wait3A] : memref<40960x64xbf16, #tpu.memory_space<vmem_shared>> -> memref<160x64xbf16, #tpu.memory_space<vmem_shared>>
        %dma_wait3A_83 = arith.constant 0 : i32
        %dma_wait3A_84 = tpu.memref_slice %arg8[%add3A_48, %dma_wait3A_83] : memref<40960x64xbf16, #tpu.memory_space<vmem_shared>> -> memref<160x64xbf16, #tpu.memory_space<vmem_shared>>
        tpu.wait_dma2 semaphore(%run_scoped3A : memref<!tpu.dma_semaphore, #tpu.memory_space<semaphore_mem>>) src(%arg11 : memref<160x64xbf16, #tpu.memory_space<vmem>>) dst(%dma_wait3A_84 : memref<160x64xbf16, #tpu.memory_space<vmem_shared>>)
        tpu.yield
      }) : () -> ()
      %mul3A_49 = arith.constant 2560 : i32
      %mul3A_50 = arith.muli %arg1, %mul3A_49 : i32
      %add3A_51 = arith.constant 1760 : i32
      %add3A_52 = arith.addi %mul3A_50, %add3A_51 : i32
      "tpu.region"() ({
        %run_scoped3A = tpu.sem_alloc : memref<!tpu.dma_semaphore, #tpu.memory_space<semaphore_mem>>
        %dma_start3A = arith.constant 0 : i32
        %dma_start3A_79 = tpu.memref_slice %arg8[%add3A_52, %dma_start3A] : memref<40960x64xbf16, #tpu.memory_space<vmem_shared>> -> memref<160x64xbf16, #tpu.memory_space<vmem_shared>>
        %dma_start3A_80 = arith.constant 0 : i32
        %dma_start3A_81 = tpu.memref_slice %arg8[%add3A_52, %dma_start3A_80] : memref<40960x64xbf16, #tpu.memory_space<vmem_shared>> -> memref<160x64xbf16, #tpu.memory_space<vmem_shared>>
        tpu.enqueue_dma source(%arg11 : memref<160x64xbf16, #tpu.memory_space<vmem>>) target(%dma_start3A_81 : memref<160x64xbf16, #tpu.memory_space<vmem_shared>>) target_semaphore(%run_scoped3A : memref<!tpu.dma_semaphore, #tpu.memory_space<semaphore_mem>>)
        %dma_wait3A = arith.constant 0 : i32
        %dma_wait3A_82 = tpu.memref_slice %arg8[%add3A_52, %dma_wait3A] : memref<40960x64xbf16, #tpu.memory_space<vmem_shared>> -> memref<160x64xbf16, #tpu.memory_space<vmem_shared>>
        %dma_wait3A_83 = arith.constant 0 : i32
        %dma_wait3A_84 = tpu.memref_slice %arg8[%add3A_52, %dma_wait3A_83] : memref<40960x64xbf16, #tpu.memory_space<vmem_shared>> -> memref<160x64xbf16, #tpu.memory_space<vmem_shared>>
        tpu.wait_dma2 semaphore(%run_scoped3A : memref<!tpu.dma_semaphore, #tpu.memory_space<semaphore_mem>>) src(%arg11 : memref<160x64xbf16, #tpu.memory_space<vmem>>) dst(%dma_wait3A_84 : memref<160x64xbf16, #tpu.memory_space<vmem_shared>>)
        tpu.yield
      }) : () -> ()
      %mul3A_53 = arith.constant 2560 : i32
      %mul3A_54 = arith.muli %arg1, %mul3A_53 : i32
      %add3A_55 = arith.constant 1920 : i32
      %add3A_56 = arith.addi %mul3A_54, %add3A_55 : i32
      "tpu.region"() ({
        %run_scoped3A = tpu.sem_alloc : memref<!tpu.dma_semaphore, #tpu.memory_space<semaphore_mem>>
        %dma_start3A = arith.constant 0 : i32
        %dma_start3A_79 = tpu.memref_slice %arg8[%add3A_56, %dma_start3A] : memref<40960x64xbf16, #tpu.memory_space<vmem_shared>> -> memref<160x64xbf16, #tpu.memory_space<vmem_shared>>
        %dma_start3A_80 = arith.constant 0 : i32
        %dma_start3A_81 = tpu.memref_slice %arg8[%add3A_56, %dma_start3A_80] : memref<40960x64xbf16, #tpu.memory_space<vmem_shared>> -> memref<160x64xbf16, #tpu.memory_space<vmem_shared>>
        tpu.enqueue_dma source(%arg11 : memref<160x64xbf16, #tpu.memory_space<vmem>>) target(%dma_start3A_81 : memref<160x64xbf16, #tpu.memory_space<vmem_shared>>) target_semaphore(%run_scoped3A : memref<!tpu.dma_semaphore, #tpu.memory_space<semaphore_mem>>)
        %dma_wait3A = arith.constant 0 : i32
        %dma_wait3A_82 = tpu.memref_slice %arg8[%add3A_56, %dma_wait3A] : memref<40960x64xbf16, #tpu.memory_space<vmem_shared>> -> memref<160x64xbf16, #tpu.memory_space<vmem_shared>>
        %dma_wait3A_83 = arith.constant 0 : i32
        %dma_wait3A_84 = tpu.memref_slice %arg8[%add3A_56, %dma_wait3A_83] : memref<40960x64xbf16, #tpu.memory_space<vmem_shared>> -> memref<160x64xbf16, #tpu.memory_space<vmem_shared>>
        tpu.wait_dma2 semaphore(%run_scoped3A : memref<!tpu.dma_semaphore, #tpu.memory_space<semaphore_mem>>) src(%arg11 : memref<160x64xbf16, #tpu.memory_space<vmem>>) dst(%dma_wait3A_84 : memref<160x64xbf16, #tpu.memory_space<vmem_shared>>)
        tpu.yield
      }) : () -> ()
      %mul3A_57 = arith.constant 2560 : i32
      %mul3A_58 = arith.muli %arg1, %mul3A_57 : i32
      %add3A_59 = arith.constant 2080 : i32
      %add3A_60 = arith.addi %mul3A_58, %add3A_59 : i32
      "tpu.region"() ({
        %run_scoped3A = tpu.sem_alloc : memref<!tpu.dma_semaphore, #tpu.memory_space<semaphore_mem>>
        %dma_start3A = arith.constant 0 : i32
        %dma_start3A_79 = tpu.memref_slice %arg8[%add3A_60, %dma_start3A] : memref<40960x64xbf16, #tpu.memory_space<vmem_shared>> -> memref<160x64xbf16, #tpu.memory_space<vmem_shared>>
        %dma_start3A_80 = arith.constant 0 : i32
        %dma_start3A_81 = tpu.memref_slice %arg8[%add3A_60, %dma_start3A_80] : memref<40960x64xbf16, #tpu.memory_space<vmem_shared>> -> memref<160x64xbf16, #tpu.memory_space<vmem_shared>>
        tpu.enqueue_dma source(%arg11 : memref<160x64xbf16, #tpu.memory_space<vmem>>) target(%dma_start3A_81 : memref<160x64xbf16, #tpu.memory_space<vmem_shared>>) target_semaphore(%run_scoped3A : memref<!tpu.dma_semaphore, #tpu.memory_space<semaphore_mem>>)
        %dma_wait3A = arith.constant 0 : i32
        %dma_wait3A_82 = tpu.memref_slice %arg8[%add3A_60, %dma_wait3A] : memref<40960x64xbf16, #tpu.memory_space<vmem_shared>> -> memref<160x64xbf16, #tpu.memory_space<vmem_shared>>
        %dma_wait3A_83 = arith.constant 0 : i32
        %dma_wait3A_84 = tpu.memref_slice %arg8[%add3A_60, %dma_wait3A_83] : memref<40960x64xbf16, #tpu.memory_space<vmem_shared>> -> memref<160x64xbf16, #tpu.memory_space<vmem_shared>>
        tpu.wait_dma2 semaphore(%run_scoped3A : memref<!tpu.dma_semaphore, #tpu.memory_space<semaphore_mem>>) src(%arg11 : memref<160x64xbf16, #tpu.memory_space<vmem>>) dst(%dma_wait3A_84 : memref<160x64xbf16, #tpu.memory_space<vmem_shared>>)
        tpu.yield
      }) : () -> ()
      %mul3A_61 = arith.constant 2560 : i32
      %mul3A_62 = arith.muli %arg1, %mul3A_61 : i32
      %add3A_63 = arith.constant 2240 : i32
      %add3A_64 = arith.addi %mul3A_62, %add3A_63 : i32
      "tpu.region"() ({
        %run_scoped3A = tpu.sem_alloc : memref<!tpu.dma_semaphore, #tpu.memory_space<semaphore_mem>>
        %dma_start3A = arith.constant 0 : i32
        %dma_start3A_79 = tpu.memref_slice %arg8[%add3A_64, %dma_start3A] : memref<40960x64xbf16, #tpu.memory_space<vmem_shared>> -> memref<160x64xbf16, #tpu.memory_space<vmem_shared>>
        %dma_start3A_80 = arith.constant 0 : i32
        %dma_start3A_81 = tpu.memref_slice %arg8[%add3A_64, %dma_start3A_80] : memref<40960x64xbf16, #tpu.memory_space<vmem_shared>> -> memref<160x64xbf16, #tpu.memory_space<vmem_shared>>
        tpu.enqueue_dma source(%arg11 : memref<160x64xbf16, #tpu.memory_space<vmem>>) target(%dma_start3A_81 : memref<160x64xbf16, #tpu.memory_space<vmem_shared>>) target_semaphore(%run_scoped3A : memref<!tpu.dma_semaphore, #tpu.memory_space<semaphore_mem>>)
        %dma_wait3A = arith.constant 0 : i32
        %dma_wait3A_82 = tpu.memref_slice %arg8[%add3A_64, %dma_wait3A] : memref<40960x64xbf16, #tpu.memory_space<vmem_shared>> -> memref<160x64xbf16, #tpu.memory_space<vmem_shared>>
        %dma_wait3A_83 = arith.constant 0 : i32
        %dma_wait3A_84 = tpu.memref_slice %arg8[%add3A_64, %dma_wait3A_83] : memref<40960x64xbf16, #tpu.memory_space<vmem_shared>> -> memref<160x64xbf16, #tpu.memory_space<vmem_shared>>
        tpu.wait_dma2 semaphore(%run_scoped3A : memref<!tpu.dma_semaphore, #tpu.memory_space<semaphore_mem>>) src(%arg11 : memref<160x64xbf16, #tpu.memory_space<vmem>>) dst(%dma_wait3A_84 : memref<160x64xbf16, #tpu.memory_space<vmem_shared>>)
        tpu.yield
      }) : () -> ()
      %mul3A_65 = arith.constant 2560 : i32
      %mul3A_66 = arith.muli %arg1, %mul3A_65 : i32
      %add3A_67 = arith.constant 2400 : i32
      %add3A_68 = arith.addi %mul3A_66, %add3A_67 : i32
      "tpu.region"() ({
        %run_scoped3A = tpu.sem_alloc : memref<!tpu.dma_semaphore, #tpu.memory_space<semaphore_mem>>
        %dma_start3A = arith.constant 0 : i32
        %dma_start3A_79 = tpu.memref_slice %arg8[%add3A_68, %dma_start3A] : memref<40960x64xbf16, #tpu.memory_space<vmem_shared>> -> memref<160x64xbf16, #tpu.memory_space<vmem_shared>>
        %dma_start3A_80 = arith.constant 0 : i32
        %dma_start3A_81 = tpu.memref_slice %arg8[%add3A_68, %dma_start3A_80] : memref<40960x64xbf16, #tpu.memory_space<vmem_shared>> -> memref<160x64xbf16, #tpu.memory_space<vmem_shared>>
        tpu.enqueue_dma source(%arg11 : memref<160x64xbf16, #tpu.memory_space<vmem>>) target(%dma_start3A_81 : memref<160x64xbf16, #tpu.memory_space<vmem_shared>>) target_semaphore(%run_scoped3A : memref<!tpu.dma_semaphore, #tpu.memory_space<semaphore_mem>>)
        %dma_wait3A = arith.constant 0 : i32
        %dma_wait3A_82 = tpu.memref_slice %arg8[%add3A_68, %dma_wait3A] : memref<40960x64xbf16, #tpu.memory_space<vmem_shared>> -> memref<160x64xbf16, #tpu.memory_space<vmem_shared>>
        %dma_wait3A_83 = arith.constant 0 : i32
        %dma_wait3A_84 = tpu.memref_slice %arg8[%add3A_68, %dma_wait3A_83] : memref<40960x64xbf16, #tpu.memory_space<vmem_shared>> -> memref<160x64xbf16, #tpu.memory_space<vmem_shared>>
        tpu.wait_dma2 semaphore(%run_scoped3A : memref<!tpu.dma_semaphore, #tpu.memory_space<semaphore_mem>>) src(%arg11 : memref<160x64xbf16, #tpu.memory_space<vmem>>) dst(%dma_wait3A_84 : memref<160x64xbf16, #tpu.memory_space<vmem_shared>>)
        tpu.yield
      }) : () -> ()
      %barrier3A = arith.constant 0 : index
      tpu.barrier barrier_id(%barrier3A)
      %scan3A = arith.constant 0 : i32
      %scan3A_69 = arith.constant 0 : i32
      %scan3A_70 = arith.constant 20 : i32
      %scan3A_71 = arith.addi %scan3A_69, %scan3A_70 : i32
      %scan3A_72 = arith.constant 1 : i32
      scf.for %scan3A_79 = %scan3A_69 to %scan3A_71 step %scan3A_72  : i32 {
        %mul3A_80 = arith.constant 20 : i32
        %mul3A_81 = arith.muli %arg1, %mul3A_80 : i32
        %add3A_82 = arith.addi %mul3A_81, %scan3A_79 : i32
        %mul3A_83 = arith.constant 2 : i32
        %mul3A_84 = arith.muli %add3A_82, %mul3A_83 : i32
        %mul3A_85 = arith.constant 8 : i32
        %mul3A_86 = arith.muli %mul3A_84, %mul3A_85 : i32
        "tpu.region"() ({
          %run_scoped3A = tpu.sem_alloc : memref<!tpu.dma_semaphore, #tpu.memory_space<semaphore_mem>>
          %dma_start3A_405 = arith.constant 0 : i32
          %dma_start3A_406 = tpu.memref_slice %arg4[%mul3A_86, %dma_start3A_405] : memref<5120x128xi32, #tpu.memory_space<hbm>> -> memref<16x128xi32, #tpu.memory_space<hbm>>
          %dma_start3A_407 = arith.constant 0 : i32
          %dma_start3A_408 = tpu.memref_slice %arg4[%mul3A_86, %dma_start3A_407] : memref<5120x128xi32, #tpu.memory_space<hbm>> -> memref<16x128xi32, #tpu.memory_space<hbm>>
          tpu.enqueue_dma source(%dma_start3A_408 : memref<16x128xi32, #tpu.memory_space<hbm>>) target(%arg9 : memref<16x128xi32, #tpu.memory_space<vmem>>) target_semaphore(%run_scoped3A : memref<!tpu.dma_semaphore, #tpu.memory_space<semaphore_mem>>)
          %dma_wait3A_409 = arith.constant 0 : i32
          %dma_wait3A_410 = tpu.memref_slice %arg4[%mul3A_86, %dma_wait3A_409] : memref<5120x128xi32, #tpu.memory_space<hbm>> -> memref<16x128xi32, #tpu.memory_space<hbm>>
          %dma_wait3A_411 = arith.constant 0 : i32
          %dma_wait3A_412 = tpu.memref_slice %arg4[%mul3A_86, %dma_wait3A_411] : memref<5120x128xi32, #tpu.memory_space<hbm>> -> memref<16x128xi32, #tpu.memory_space<hbm>>
          tpu.wait_dma2 semaphore(%run_scoped3A : memref<!tpu.dma_semaphore, #tpu.memory_space<semaphore_mem>>) src(%dma_wait3A_412 : memref<16x128xi32, #tpu.memory_space<hbm>>) dst(%arg9 : memref<16x128xi32, #tpu.memory_space<vmem>>)
          tpu.yield
        }) : () -> ()
        %dma_start3A = arith.constant 0 : i32
        %dma_start3A_87 = arith.constant 0 : i32
        %dma_start3A_88 = arith.constant 0 : i32
        %dma_start3A_89 = tpu.memref_slice %arg10[%dma_start3A_87, %dma_start3A_88] : memref<1024x64xbf16, #tpu.memory_space<vmem>> -> memref<128x64xbf16, #tpu.memory_space<vmem>>
        %dma_start3A_90 = arith.constant 0 : i32
        %dma_start3A_91 = tpu.memref_slice %arg9[%dma_start3A, %dma_start3A_90] : memref<16x128xi32, #tpu.memory_space<vmem>> -> memref<1x128xi32, #tpu.memory_space<vmem>>
        %dma_start3A_92 = tpu.memref_squeeze %dma_start3A_91 : memref<1x128xi32, #tpu.memory_space<vmem>> -> memref<128xi32, #tpu.memory_space<vmem>>
        %dma_start3A_93 = arith.constant 0 : i32
        %dma_start3A_94 = arith.constant 0 : i32
        %dma_start3A_95 = tpu.memref_slice %arg3[%dma_start3A_93, %dma_start3A_94] : memref<10000x64xbf16, #tpu.memory_space<hbm>> -> memref<10000x64xbf16, #tpu.memory_space<hbm>>
        tpu.enqueue_indirect_dma source(%dma_start3A_95 : memref<10000x64xbf16, #tpu.memory_space<hbm>>) target(%dma_start3A_89 : memref<128x64xbf16, #tpu.memory_space<vmem>>) offsets(%dma_start3A_92 : memref<128xi32, #tpu.memory_space<vmem>>) semaphore(%arg12 : memref<!tpu.dma_semaphore, #tpu.memory_space<semaphore_mem>>)
        %dma_start3A_96 = arith.constant 1 : i32
        %dma_start3A_97 = arith.constant 128 : i32
        %dma_start3A_98 = arith.constant 0 : i32
        %dma_start3A_99 = tpu.memref_slice %arg10[%dma_start3A_97, %dma_start3A_98] : memref<1024x64xbf16, #tpu.memory_space<vmem>> -> memref<128x64xbf16, #tpu.memory_space<vmem>>
        %dma_start3A_100 = arith.constant 0 : i32
        %dma_start3A_101 = tpu.memref_slice %arg9[%dma_start3A_96, %dma_start3A_100] : memref<16x128xi32, #tpu.memory_space<vmem>> -> memref<1x128xi32, #tpu.memory_space<vmem>>
        %dma_start3A_102 = tpu.memref_squeeze %dma_start3A_101 : memref<1x128xi32, #tpu.memory_space<vmem>> -> memref<128xi32, #tpu.memory_space<vmem>>
        %dma_start3A_103 = arith.constant 0 : i32
        %dma_start3A_104 = arith.constant 0 : i32
        %dma_start3A_105 = tpu.memref_slice %arg3[%dma_start3A_103, %dma_start3A_104] : memref<10000x64xbf16, #tpu.memory_space<hbm>> -> memref<10000x64xbf16, #tpu.memory_space<hbm>>
        tpu.enqueue_indirect_dma source(%dma_start3A_105 : memref<10000x64xbf16, #tpu.memory_space<hbm>>) target(%dma_start3A_99 : memref<128x64xbf16, #tpu.memory_space<vmem>>) offsets(%dma_start3A_102 : memref<128xi32, #tpu.memory_space<vmem>>) semaphore(%arg12 : memref<!tpu.dma_semaphore, #tpu.memory_space<semaphore_mem>>)
        %dma_start3A_106 = arith.constant 2 : i32
        %dma_start3A_107 = arith.constant 256 : i32
        %dma_start3A_108 = arith.constant 0 : i32
        %dma_start3A_109 = tpu.memref_slice %arg10[%dma_start3A_107, %dma_start3A_108] : memref<1024x64xbf16, #tpu.memory_space<vmem>> -> memref<128x64xbf16, #tpu.memory_space<vmem>>
        %dma_start3A_110 = arith.constant 0 : i32
        %dma_start3A_111 = tpu.memref_slice %arg9[%dma_start3A_106, %dma_start3A_110] : memref<16x128xi32, #tpu.memory_space<vmem>> -> memref<1x128xi32, #tpu.memory_space<vmem>>
        %dma_start3A_112 = tpu.memref_squeeze %dma_start3A_111 : memref<1x128xi32, #tpu.memory_space<vmem>> -> memref<128xi32, #tpu.memory_space<vmem>>
        %dma_start3A_113 = arith.constant 0 : i32
        %dma_start3A_114 = arith.constant 0 : i32
        %dma_start3A_115 = tpu.memref_slice %arg3[%dma_start3A_113, %dma_start3A_114] : memref<10000x64xbf16, #tpu.memory_space<hbm>> -> memref<10000x64xbf16, #tpu.memory_space<hbm>>
        tpu.enqueue_indirect_dma source(%dma_start3A_115 : memref<10000x64xbf16, #tpu.memory_space<hbm>>) target(%dma_start3A_109 : memref<128x64xbf16, #tpu.memory_space<vmem>>) offsets(%dma_start3A_112 : memref<128xi32, #tpu.memory_space<vmem>>) semaphore(%arg12 : memref<!tpu.dma_semaphore, #tpu.memory_space<semaphore_mem>>)
        %dma_start3A_116 = arith.constant 3 : i32
        %dma_start3A_117 = arith.constant 384 : i32
        %dma_start3A_118 = arith.constant 0 : i32
        %dma_start3A_119 = tpu.memref_slice %arg10[%dma_start3A_117, %dma_start3A_118] : memref<1024x64xbf16, #tpu.memory_space<vmem>> -> memref<128x64xbf16, #tpu.memory_space<vmem>>
        %dma_start3A_120 = arith.constant 0 : i32
        %dma_start3A_121 = tpu.memref_slice %arg9[%dma_start3A_116, %dma_start3A_120] : memref<16x128xi32, #tpu.memory_space<vmem>> -> memref<1x128xi32, #tpu.memory_space<vmem>>
        %dma_start3A_122 = tpu.memref_squeeze %dma_start3A_121 : memref<1x128xi32, #tpu.memory_space<vmem>> -> memref<128xi32, #tpu.memory_space<vmem>>
        %dma_start3A_123 = arith.constant 0 : i32
        %dma_start3A_124 = arith.constant 0 : i32
        %dma_start3A_125 = tpu.memref_slice %arg3[%dma_start3A_123, %dma_start3A_124] : memref<10000x64xbf16, #tpu.memory_space<hbm>> -> memref<10000x64xbf16, #tpu.memory_space<hbm>>
        tpu.enqueue_indirect_dma source(%dma_start3A_125 : memref<10000x64xbf16, #tpu.memory_space<hbm>>) target(%dma_start3A_119 : memref<128x64xbf16, #tpu.memory_space<vmem>>) offsets(%dma_start3A_122 : memref<128xi32, #tpu.memory_space<vmem>>) semaphore(%arg12 : memref<!tpu.dma_semaphore, #tpu.memory_space<semaphore_mem>>)
        %dma_start3A_126 = arith.constant 4 : i32
        %dma_start3A_127 = arith.constant 512 : i32
        %dma_start3A_128 = arith.constant 0 : i32
        %dma_start3A_129 = tpu.memref_slice %arg10[%dma_start3A_127, %dma_start3A_128] : memref<1024x64xbf16, #tpu.memory_space<vmem>> -> memref<128x64xbf16, #tpu.memory_space<vmem>>
        %dma_start3A_130 = arith.constant 0 : i32
        %dma_start3A_131 = tpu.memref_slice %arg9[%dma_start3A_126, %dma_start3A_130] : memref<16x128xi32, #tpu.memory_space<vmem>> -> memref<1x128xi32, #tpu.memory_space<vmem>>
        %dma_start3A_132 = tpu.memref_squeeze %dma_start3A_131 : memref<1x128xi32, #tpu.memory_space<vmem>> -> memref<128xi32, #tpu.memory_space<vmem>>
        %dma_start3A_133 = arith.constant 0 : i32
        %dma_start3A_134 = arith.constant 0 : i32
        %dma_start3A_135 = tpu.memref_slice %arg3[%dma_start3A_133, %dma_start3A_134] : memref<10000x64xbf16, #tpu.memory_space<hbm>> -> memref<10000x64xbf16, #tpu.memory_space<hbm>>
        tpu.enqueue_indirect_dma source(%dma_start3A_135 : memref<10000x64xbf16, #tpu.memory_space<hbm>>) target(%dma_start3A_129 : memref<128x64xbf16, #tpu.memory_space<vmem>>) offsets(%dma_start3A_132 : memref<128xi32, #tpu.memory_space<vmem>>) semaphore(%arg12 : memref<!tpu.dma_semaphore, #tpu.memory_space<semaphore_mem>>)
        %dma_start3A_136 = arith.constant 5 : i32
        %dma_start3A_137 = arith.constant 640 : i32
        %dma_start3A_138 = arith.constant 0 : i32
        %dma_start3A_139 = tpu.memref_slice %arg10[%dma_start3A_137, %dma_start3A_138] : memref<1024x64xbf16, #tpu.memory_space<vmem>> -> memref<128x64xbf16, #tpu.memory_space<vmem>>
        %dma_start3A_140 = arith.constant 0 : i32
        %dma_start3A_141 = tpu.memref_slice %arg9[%dma_start3A_136, %dma_start3A_140] : memref<16x128xi32, #tpu.memory_space<vmem>> -> memref<1x128xi32, #tpu.memory_space<vmem>>
        %dma_start3A_142 = tpu.memref_squeeze %dma_start3A_141 : memref<1x128xi32, #tpu.memory_space<vmem>> -> memref<128xi32, #tpu.memory_space<vmem>>
        %dma_start3A_143 = arith.constant 0 : i32
        %dma_start3A_144 = arith.constant 0 : i32
        %dma_start3A_145 = tpu.memref_slice %arg3[%dma_start3A_143, %dma_start3A_144] : memref<10000x64xbf16, #tpu.memory_space<hbm>> -> memref<10000x64xbf16, #tpu.memory_space<hbm>>
        tpu.enqueue_indirect_dma source(%dma_start3A_145 : memref<10000x64xbf16, #tpu.memory_space<hbm>>) target(%dma_start3A_139 : memref<128x64xbf16, #tpu.memory_space<vmem>>) offsets(%dma_start3A_142 : memref<128xi32, #tpu.memory_space<vmem>>) semaphore(%arg12 : memref<!tpu.dma_semaphore, #tpu.memory_space<semaphore_mem>>)
        %dma_start3A_146 = arith.constant 6 : i32
        %dma_start3A_147 = arith.constant 768 : i32
        %dma_start3A_148 = arith.constant 0 : i32
        %dma_start3A_149 = tpu.memref_slice %arg10[%dma_start3A_147, %dma_start3A_148] : memref<1024x64xbf16, #tpu.memory_space<vmem>> -> memref<128x64xbf16, #tpu.memory_space<vmem>>
        %dma_start3A_150 = arith.constant 0 : i32
        %dma_start3A_151 = tpu.memref_slice %arg9[%dma_start3A_146, %dma_start3A_150] : memref<16x128xi32, #tpu.memory_space<vmem>> -> memref<1x128xi32, #tpu.memory_space<vmem>>
        %dma_start3A_152 = tpu.memref_squeeze %dma_start3A_151 : memref<1x128xi32, #tpu.memory_space<vmem>> -> memref<128xi32, #tpu.memory_space<vmem>>
        %dma_start3A_153 = arith.constant 0 : i32
        %dma_start3A_154 = arith.constant 0 : i32
        %dma_start3A_155 = tpu.memref_slice %arg3[%dma_start3A_153, %dma_start3A_154] : memref<10000x64xbf16, #tpu.memory_space<hbm>> -> memref<10000x64xbf16, #tpu.memory_space<hbm>>
        tpu.enqueue_indirect_dma source(%dma_start3A_155 : memref<10000x64xbf16, #tpu.memory_space<hbm>>) target(%dma_start3A_149 : memref<128x64xbf16, #tpu.memory_space<vmem>>) offsets(%dma_start3A_152 : memref<128xi32, #tpu.memory_space<vmem>>) semaphore(%arg12 : memref<!tpu.dma_semaphore, #tpu.memory_space<semaphore_mem>>)
        %dma_start3A_156 = arith.constant 7 : i32
        %dma_start3A_157 = arith.constant 896 : i32
        %dma_start3A_158 = arith.constant 0 : i32
        %dma_start3A_159 = tpu.memref_slice %arg10[%dma_start3A_157, %dma_start3A_158] : memref<1024x64xbf16, #tpu.memory_space<vmem>> -> memref<128x64xbf16, #tpu.memory_space<vmem>>
        %dma_start3A_160 = arith.constant 0 : i32
        %dma_start3A_161 = tpu.memref_slice %arg9[%dma_start3A_156, %dma_start3A_160] : memref<16x128xi32, #tpu.memory_space<vmem>> -> memref<1x128xi32, #tpu.memory_space<vmem>>
        %dma_start3A_162 = tpu.memref_squeeze %dma_start3A_161 : memref<1x128xi32, #tpu.memory_space<vmem>> -> memref<128xi32, #tpu.memory_space<vmem>>
        %dma_start3A_163 = arith.constant 0 : i32
        %dma_start3A_164 = arith.constant 0 : i32
        %dma_start3A_165 = tpu.memref_slice %arg3[%dma_start3A_163, %dma_start3A_164] : memref<10000x64xbf16, #tpu.memory_space<hbm>> -> memref<10000x64xbf16, #tpu.memory_space<hbm>>
        tpu.enqueue_indirect_dma source(%dma_start3A_165 : memref<10000x64xbf16, #tpu.memory_space<hbm>>) target(%dma_start3A_159 : memref<128x64xbf16, #tpu.memory_space<vmem>>) offsets(%dma_start3A_162 : memref<128xi32, #tpu.memory_space<vmem>>) semaphore(%arg12 : memref<!tpu.dma_semaphore, #tpu.memory_space<semaphore_mem>>)
        %dma_wait3A = arith.constant 0 : i32
        %dma_wait3A_166 = arith.constant 0 : i32
        %dma_wait3A_167 = arith.constant 0 : i32
        %dma_wait3A_168 = tpu.memref_slice %arg10[%dma_wait3A_166, %dma_wait3A_167] : memref<1024x64xbf16, #tpu.memory_space<vmem>> -> memref<128x64xbf16, #tpu.memory_space<vmem>>
        %dma_wait3A_169 = arith.constant 0 : i32
        %dma_wait3A_170 = tpu.memref_slice %arg9[%dma_wait3A, %dma_wait3A_169] : memref<16x128xi32, #tpu.memory_space<vmem>> -> memref<1x128xi32, #tpu.memory_space<vmem>>
        %dma_wait3A_171 = tpu.memref_squeeze %dma_wait3A_170 : memref<1x128xi32, #tpu.memory_space<vmem>> -> memref<128xi32, #tpu.memory_space<vmem>>
        %dma_wait3A_172 = arith.constant 0 : i32
        %dma_wait3A_173 = arith.constant 0 : i32
        %dma_wait3A_174 = tpu.memref_slice %arg3[%dma_wait3A_172, %dma_wait3A_173] : memref<10000x64xbf16, #tpu.memory_space<hbm>> -> memref<10000x64xbf16, #tpu.memory_space<hbm>>
        tpu.wait_indirect_dma semaphore(%arg12 : memref<!tpu.dma_semaphore, #tpu.memory_space<semaphore_mem>>) src(%dma_wait3A_174 : memref<10000x64xbf16, #tpu.memory_space<hbm>>) dst(%dma_wait3A_168 : memref<128x64xbf16, #tpu.memory_space<vmem>>)
        %dma_start3A_175 = arith.constant 8 : i32
        %dma_start3A_176 = arith.constant 0 : i32
        %dma_start3A_177 = arith.constant 0 : i32
        %dma_start3A_178 = tpu.memref_slice %arg10[%dma_start3A_176, %dma_start3A_177] : memref<1024x64xbf16, #tpu.memory_space<vmem>> -> memref<128x64xbf16, #tpu.memory_space<vmem>>
        %dma_start3A_179 = arith.constant 0 : i32
        %dma_start3A_180 = tpu.memref_slice %arg9[%dma_start3A_175, %dma_start3A_179] : memref<16x128xi32, #tpu.memory_space<vmem>> -> memref<1x128xi32, #tpu.memory_space<vmem>>
        %dma_start3A_181 = tpu.memref_squeeze %dma_start3A_180 : memref<1x128xi32, #tpu.memory_space<vmem>> -> memref<128xi32, #tpu.memory_space<vmem>>
        %dma_start3A_182 = arith.constant 0 : i32
        %dma_start3A_183 = arith.constant 0 : i32
        %dma_start3A_184 = tpu.memref_slice %arg8[%dma_start3A_182, %dma_start3A_183] : memref<40960x64xbf16, #tpu.memory_space<vmem_shared>> -> memref<40960x64xbf16, #tpu.memory_space<vmem_shared>>
        tpu.enqueue_indirect_dma source(%dma_start3A_178 : memref<128x64xbf16, #tpu.memory_space<vmem>>) target(%dma_start3A_184 : memref<40960x64xbf16, #tpu.memory_space<vmem_shared>>) offsets(%dma_start3A_181 : memref<128xi32, #tpu.memory_space<vmem>>) semaphore(%arg13 : memref<!tpu.dma_semaphore, #tpu.memory_space<semaphore_mem>>) {add = true}
        %dma_wait3A_185 = arith.constant 1 : i32
        %dma_wait3A_186 = arith.constant 128 : i32
        %dma_wait3A_187 = arith.constant 0 : i32
        %dma_wait3A_188 = tpu.memref_slice %arg10[%dma_wait3A_186, %dma_wait3A_187] : memref<1024x64xbf16, #tpu.memory_space<vmem>> -> memref<128x64xbf16, #tpu.memory_space<vmem>>
        %dma_wait3A_189 = arith.constant 0 : i32
        %dma_wait3A_190 = tpu.memref_slice %arg9[%dma_wait3A_185, %dma_wait3A_189] : memref<16x128xi32, #tpu.memory_space<vmem>> -> memref<1x128xi32, #tpu.memory_space<vmem>>
        %dma_wait3A_191 = tpu.memref_squeeze %dma_wait3A_190 : memref<1x128xi32, #tpu.memory_space<vmem>> -> memref<128xi32, #tpu.memory_space<vmem>>
        %dma_wait3A_192 = arith.constant 0 : i32
        %dma_wait3A_193 = arith.constant 0 : i32
        %dma_wait3A_194 = tpu.memref_slice %arg3[%dma_wait3A_192, %dma_wait3A_193] : memref<10000x64xbf16, #tpu.memory_space<hbm>> -> memref<10000x64xbf16, #tpu.memory_space<hbm>>
        tpu.wait_indirect_dma semaphore(%arg12 : memref<!tpu.dma_semaphore, #tpu.memory_space<semaphore_mem>>) src(%dma_wait3A_194 : memref<10000x64xbf16, #tpu.memory_space<hbm>>) dst(%dma_wait3A_188 : memref<128x64xbf16, #tpu.memory_space<vmem>>)
        %dma_start3A_195 = arith.constant 9 : i32
        %dma_start3A_196 = arith.constant 128 : i32
        %dma_start3A_197 = arith.constant 0 : i32
        %dma_start3A_198 = tpu.memref_slice %arg10[%dma_start3A_196, %dma_start3A_197] : memref<1024x64xbf16, #tpu.memory_space<vmem>> -> memref<128x64xbf16, #tpu.memory_space<vmem>>
        %dma_start3A_199 = arith.constant 0 : i32
        %dma_start3A_200 = tpu.memref_slice %arg9[%dma_start3A_195, %dma_start3A_199] : memref<16x128xi32, #tpu.memory_space<vmem>> -> memref<1x128xi32, #tpu.memory_space<vmem>>
        %dma_start3A_201 = tpu.memref_squeeze %dma_start3A_200 : memref<1x128xi32, #tpu.memory_space<vmem>> -> memref<128xi32, #tpu.memory_space<vmem>>
        %dma_start3A_202 = arith.constant 0 : i32
        %dma_start3A_203 = arith.constant 0 : i32
        %dma_start3A_204 = tpu.memref_slice %arg8[%dma_start3A_202, %dma_start3A_203] : memref<40960x64xbf16, #tpu.memory_space<vmem_shared>> -> memref<40960x64xbf16, #tpu.memory_space<vmem_shared>>
        tpu.enqueue_indirect_dma source(%dma_start3A_198 : memref<128x64xbf16, #tpu.memory_space<vmem>>) target(%dma_start3A_204 : memref<40960x64xbf16, #tpu.memory_space<vmem_shared>>) offsets(%dma_start3A_201 : memref<128xi32, #tpu.memory_space<vmem>>) semaphore(%arg13 : memref<!tpu.dma_semaphore, #tpu.memory_space<semaphore_mem>>) {add = true}
        %dma_wait3A_205 = arith.constant 2 : i32
        %dma_wait3A_206 = arith.constant 256 : i32
        %dma_wait3A_207 = arith.constant 0 : i32
        %dma_wait3A_208 = tpu.memref_slice %arg10[%dma_wait3A_206, %dma_wait3A_207] : memref<1024x64xbf16, #tpu.memory_space<vmem>> -> memref<128x64xbf16, #tpu.memory_space<vmem>>
        %dma_wait3A_209 = arith.constant 0 : i32
        %dma_wait3A_210 = tpu.memref_slice %arg9[%dma_wait3A_205, %dma_wait3A_209] : memref<16x128xi32, #tpu.memory_space<vmem>> -> memref<1x128xi32, #tpu.memory_space<vmem>>
        %dma_wait3A_211 = tpu.memref_squeeze %dma_wait3A_210 : memref<1x128xi32, #tpu.memory_space<vmem>> -> memref<128xi32, #tpu.memory_space<vmem>>
        %dma_wait3A_212 = arith.constant 0 : i32
        %dma_wait3A_213 = arith.constant 0 : i32
        %dma_wait3A_214 = tpu.memref_slice %arg3[%dma_wait3A_212, %dma_wait3A_213] : memref<10000x64xbf16, #tpu.memory_space<hbm>> -> memref<10000x64xbf16, #tpu.memory_space<hbm>>
        tpu.wait_indirect_dma semaphore(%arg12 : memref<!tpu.dma_semaphore, #tpu.memory_space<semaphore_mem>>) src(%dma_wait3A_214 : memref<10000x64xbf16, #tpu.memory_space<hbm>>) dst(%dma_wait3A_208 : memref<128x64xbf16, #tpu.memory_space<vmem>>)
        %dma_start3A_215 = arith.constant 10 : i32
        %dma_start3A_216 = arith.constant 256 : i32
        %dma_start3A_217 = arith.constant 0 : i32
        %dma_start3A_218 = tpu.memref_slice %arg10[%dma_start3A_216, %dma_start3A_217] : memref<1024x64xbf16, #tpu.memory_space<vmem>> -> memref<128x64xbf16, #tpu.memory_space<vmem>>
        %dma_start3A_219 = arith.constant 0 : i32
        %dma_start3A_220 = tpu.memref_slice %arg9[%dma_start3A_215, %dma_start3A_219] : memref<16x128xi32, #tpu.memory_space<vmem>> -> memref<1x128xi32, #tpu.memory_space<vmem>>
        %dma_start3A_221 = tpu.memref_squeeze %dma_start3A_220 : memref<1x128xi32, #tpu.memory_space<vmem>> -> memref<128xi32, #tpu.memory_space<vmem>>
        %dma_start3A_222 = arith.constant 0 : i32
        %dma_start3A_223 = arith.constant 0 : i32
        %dma_start3A_224 = tpu.memref_slice %arg8[%dma_start3A_222, %dma_start3A_223] : memref<40960x64xbf16, #tpu.memory_space<vmem_shared>> -> memref<40960x64xbf16, #tpu.memory_space<vmem_shared>>
        tpu.enqueue_indirect_dma source(%dma_start3A_218 : memref<128x64xbf16, #tpu.memory_space<vmem>>) target(%dma_start3A_224 : memref<40960x64xbf16, #tpu.memory_space<vmem_shared>>) offsets(%dma_start3A_221 : memref<128xi32, #tpu.memory_space<vmem>>) semaphore(%arg13 : memref<!tpu.dma_semaphore, #tpu.memory_space<semaphore_mem>>) {add = true}
        %dma_wait3A_225 = arith.constant 3 : i32
        %dma_wait3A_226 = arith.constant 384 : i32
        %dma_wait3A_227 = arith.constant 0 : i32
        %dma_wait3A_228 = tpu.memref_slice %arg10[%dma_wait3A_226, %dma_wait3A_227] : memref<1024x64xbf16, #tpu.memory_space<vmem>> -> memref<128x64xbf16, #tpu.memory_space<vmem>>
        %dma_wait3A_229 = arith.constant 0 : i32
        %dma_wait3A_230 = tpu.memref_slice %arg9[%dma_wait3A_225, %dma_wait3A_229] : memref<16x128xi32, #tpu.memory_space<vmem>> -> memref<1x128xi32, #tpu.memory_space<vmem>>
        %dma_wait3A_231 = tpu.memref_squeeze %dma_wait3A_230 : memref<1x128xi32, #tpu.memory_space<vmem>> -> memref<128xi32, #tpu.memory_space<vmem>>
        %dma_wait3A_232 = arith.constant 0 : i32
        %dma_wait3A_233 = arith.constant 0 : i32
        %dma_wait3A_234 = tpu.memref_slice %arg3[%dma_wait3A_232, %dma_wait3A_233] : memref<10000x64xbf16, #tpu.memory_space<hbm>> -> memref<10000x64xbf16, #tpu.memory_space<hbm>>
        tpu.wait_indirect_dma semaphore(%arg12 : memref<!tpu.dma_semaphore, #tpu.memory_space<semaphore_mem>>) src(%dma_wait3A_234 : memref<10000x64xbf16, #tpu.memory_space<hbm>>) dst(%dma_wait3A_228 : memref<128x64xbf16, #tpu.memory_space<vmem>>)
        %dma_start3A_235 = arith.constant 11 : i32
        %dma_start3A_236 = arith.constant 384 : i32
        %dma_start3A_237 = arith.constant 0 : i32
        %dma_start3A_238 = tpu.memref_slice %arg10[%dma_start3A_236, %dma_start3A_237] : memref<1024x64xbf16, #tpu.memory_space<vmem>> -> memref<128x64xbf16, #tpu.memory_space<vmem>>
        %dma_start3A_239 = arith.constant 0 : i32
        %dma_start3A_240 = tpu.memref_slice %arg9[%dma_start3A_235, %dma_start3A_239] : memref<16x128xi32, #tpu.memory_space<vmem>> -> memref<1x128xi32, #tpu.memory_space<vmem>>
        %dma_start3A_241 = tpu.memref_squeeze %dma_start3A_240 : memref<1x128xi32, #tpu.memory_space<vmem>> -> memref<128xi32, #tpu.memory_space<vmem>>
        %dma_start3A_242 = arith.constant 0 : i32
        %dma_start3A_243 = arith.constant 0 : i32
        %dma_start3A_244 = tpu.memref_slice %arg8[%dma_start3A_242, %dma_start3A_243] : memref<40960x64xbf16, #tpu.memory_space<vmem_shared>> -> memref<40960x64xbf16, #tpu.memory_space<vmem_shared>>
        tpu.enqueue_indirect_dma source(%dma_start3A_238 : memref<128x64xbf16, #tpu.memory_space<vmem>>) target(%dma_start3A_244 : memref<40960x64xbf16, #tpu.memory_space<vmem_shared>>) offsets(%dma_start3A_241 : memref<128xi32, #tpu.memory_space<vmem>>) semaphore(%arg13 : memref<!tpu.dma_semaphore, #tpu.memory_space<semaphore_mem>>) {add = true}
        %dma_wait3A_245 = arith.constant 4 : i32
        %dma_wait3A_246 = arith.constant 512 : i32
        %dma_wait3A_247 = arith.constant 0 : i32
        %dma_wait3A_248 = tpu.memref_slice %arg10[%dma_wait3A_246, %dma_wait3A_247] : memref<1024x64xbf16, #tpu.memory_space<vmem>> -> memref<128x64xbf16, #tpu.memory_space<vmem>>
        %dma_wait3A_249 = arith.constant 0 : i32
        %dma_wait3A_250 = tpu.memref_slice %arg9[%dma_wait3A_245, %dma_wait3A_249] : memref<16x128xi32, #tpu.memory_space<vmem>> -> memref<1x128xi32, #tpu.memory_space<vmem>>
        %dma_wait3A_251 = tpu.memref_squeeze %dma_wait3A_250 : memref<1x128xi32, #tpu.memory_space<vmem>> -> memref<128xi32, #tpu.memory_space<vmem>>
        %dma_wait3A_252 = arith.constant 0 : i32
        %dma_wait3A_253 = arith.constant 0 : i32
        %dma_wait3A_254 = tpu.memref_slice %arg3[%dma_wait3A_252, %dma_wait3A_253] : memref<10000x64xbf16, #tpu.memory_space<hbm>> -> memref<10000x64xbf16, #tpu.memory_space<hbm>>
        tpu.wait_indirect_dma semaphore(%arg12 : memref<!tpu.dma_semaphore, #tpu.memory_space<semaphore_mem>>) src(%dma_wait3A_254 : memref<10000x64xbf16, #tpu.memory_space<hbm>>) dst(%dma_wait3A_248 : memref<128x64xbf16, #tpu.memory_space<vmem>>)
        %dma_start3A_255 = arith.constant 12 : i32
        %dma_start3A_256 = arith.constant 512 : i32
        %dma_start3A_257 = arith.constant 0 : i32
        %dma_start3A_258 = tpu.memref_slice %arg10[%dma_start3A_256, %dma_start3A_257] : memref<1024x64xbf16, #tpu.memory_space<vmem>> -> memref<128x64xbf16, #tpu.memory_space<vmem>>
        %dma_start3A_259 = arith.constant 0 : i32
        %dma_start3A_260 = tpu.memref_slice %arg9[%dma_start3A_255, %dma_start3A_259] : memref<16x128xi32, #tpu.memory_space<vmem>> -> memref<1x128xi32, #tpu.memory_space<vmem>>
        %dma_start3A_261 = tpu.memref_squeeze %dma_start3A_260 : memref<1x128xi32, #tpu.memory_space<vmem>> -> memref<128xi32, #tpu.memory_space<vmem>>
        %dma_start3A_262 = arith.constant 0 : i32
        %dma_start3A_263 = arith.constant 0 : i32
        %dma_start3A_264 = tpu.memref_slice %arg8[%dma_start3A_262, %dma_start3A_263] : memref<40960x64xbf16, #tpu.memory_space<vmem_shared>> -> memref<40960x64xbf16, #tpu.memory_space<vmem_shared>>
        tpu.enqueue_indirect_dma source(%dma_start3A_258 : memref<128x64xbf16, #tpu.memory_space<vmem>>) target(%dma_start3A_264 : memref<40960x64xbf16, #tpu.memory_space<vmem_shared>>) offsets(%dma_start3A_261 : memref<128xi32, #tpu.memory_space<vmem>>) semaphore(%arg13 : memref<!tpu.dma_semaphore, #tpu.memory_space<semaphore_mem>>) {add = true}
        %dma_wait3A_265 = arith.constant 5 : i32
        %dma_wait3A_266 = arith.constant 640 : i32
        %dma_wait3A_267 = arith.constant 0 : i32
        %dma_wait3A_268 = tpu.memref_slice %arg10[%dma_wait3A_266, %dma_wait3A_267] : memref<1024x64xbf16, #tpu.memory_space<vmem>> -> memref<128x64xbf16, #tpu.memory_space<vmem>>
        %dma_wait3A_269 = arith.constant 0 : i32
        %dma_wait3A_270 = tpu.memref_slice %arg9[%dma_wait3A_265, %dma_wait3A_269] : memref<16x128xi32, #tpu.memory_space<vmem>> -> memref<1x128xi32, #tpu.memory_space<vmem>>
        %dma_wait3A_271 = tpu.memref_squeeze %dma_wait3A_270 : memref<1x128xi32, #tpu.memory_space<vmem>> -> memref<128xi32, #tpu.memory_space<vmem>>
        %dma_wait3A_272 = arith.constant 0 : i32
        %dma_wait3A_273 = arith.constant 0 : i32
        %dma_wait3A_274 = tpu.memref_slice %arg3[%dma_wait3A_272, %dma_wait3A_273] : memref<10000x64xbf16, #tpu.memory_space<hbm>> -> memref<10000x64xbf16, #tpu.memory_space<hbm>>
        tpu.wait_indirect_dma semaphore(%arg12 : memref<!tpu.dma_semaphore, #tpu.memory_space<semaphore_mem>>) src(%dma_wait3A_274 : memref<10000x64xbf16, #tpu.memory_space<hbm>>) dst(%dma_wait3A_268 : memref<128x64xbf16, #tpu.memory_space<vmem>>)
        %dma_start3A_275 = arith.constant 13 : i32
        %dma_start3A_276 = arith.constant 640 : i32
        %dma_start3A_277 = arith.constant 0 : i32
        %dma_start3A_278 = tpu.memref_slice %arg10[%dma_start3A_276, %dma_start3A_277] : memref<1024x64xbf16, #tpu.memory_space<vmem>> -> memref<128x64xbf16, #tpu.memory_space<vmem>>
        %dma_start3A_279 = arith.constant 0 : i32
        %dma_start3A_280 = tpu.memref_slice %arg9[%dma_start3A_275, %dma_start3A_279] : memref<16x128xi32, #tpu.memory_space<vmem>> -> memref<1x128xi32, #tpu.memory_space<vmem>>
        %dma_start3A_281 = tpu.memref_squeeze %dma_start3A_280 : memref<1x128xi32, #tpu.memory_space<vmem>> -> memref<128xi32, #tpu.memory_space<vmem>>
        %dma_start3A_282 = arith.constant 0 : i32
        %dma_start3A_283 = arith.constant 0 : i32
        %dma_start3A_284 = tpu.memref_slice %arg8[%dma_start3A_282, %dma_start3A_283] : memref<40960x64xbf16, #tpu.memory_space<vmem_shared>> -> memref<40960x64xbf16, #tpu.memory_space<vmem_shared>>
        tpu.enqueue_indirect_dma source(%dma_start3A_278 : memref<128x64xbf16, #tpu.memory_space<vmem>>) target(%dma_start3A_284 : memref<40960x64xbf16, #tpu.memory_space<vmem_shared>>) offsets(%dma_start3A_281 : memref<128xi32, #tpu.memory_space<vmem>>) semaphore(%arg13 : memref<!tpu.dma_semaphore, #tpu.memory_space<semaphore_mem>>) {add = true}
        %dma_wait3A_285 = arith.constant 6 : i32
        %dma_wait3A_286 = arith.constant 768 : i32
        %dma_wait3A_287 = arith.constant 0 : i32
        %dma_wait3A_288 = tpu.memref_slice %arg10[%dma_wait3A_286, %dma_wait3A_287] : memref<1024x64xbf16, #tpu.memory_space<vmem>> -> memref<128x64xbf16, #tpu.memory_space<vmem>>
        %dma_wait3A_289 = arith.constant 0 : i32
        %dma_wait3A_290 = tpu.memref_slice %arg9[%dma_wait3A_285, %dma_wait3A_289] : memref<16x128xi32, #tpu.memory_space<vmem>> -> memref<1x128xi32, #tpu.memory_space<vmem>>
        %dma_wait3A_291 = tpu.memref_squeeze %dma_wait3A_290 : memref<1x128xi32, #tpu.memory_space<vmem>> -> memref<128xi32, #tpu.memory_space<vmem>>
        %dma_wait3A_292 = arith.constant 0 : i32
        %dma_wait3A_293 = arith.constant 0 : i32
        %dma_wait3A_294 = tpu.memref_slice %arg3[%dma_wait3A_292, %dma_wait3A_293] : memref<10000x64xbf16, #tpu.memory_space<hbm>> -> memref<10000x64xbf16, #tpu.memory_space<hbm>>
        tpu.wait_indirect_dma semaphore(%arg12 : memref<!tpu.dma_semaphore, #tpu.memory_space<semaphore_mem>>) src(%dma_wait3A_294 : memref<10000x64xbf16, #tpu.memory_space<hbm>>) dst(%dma_wait3A_288 : memref<128x64xbf16, #tpu.memory_space<vmem>>)
        %dma_start3A_295 = arith.constant 14 : i32
        %dma_start3A_296 = arith.constant 768 : i32
        %dma_start3A_297 = arith.constant 0 : i32
        %dma_start3A_298 = tpu.memref_slice %arg10[%dma_start3A_296, %dma_start3A_297] : memref<1024x64xbf16, #tpu.memory_space<vmem>> -> memref<128x64xbf16, #tpu.memory_space<vmem>>
        %dma_start3A_299 = arith.constant 0 : i32
        %dma_start3A_300 = tpu.memref_slice %arg9[%dma_start3A_295, %dma_start3A_299] : memref<16x128xi32, #tpu.memory_space<vmem>> -> memref<1x128xi32, #tpu.memory_space<vmem>>
        %dma_start3A_301 = tpu.memref_squeeze %dma_start3A_300 : memref<1x128xi32, #tpu.memory_space<vmem>> -> memref<128xi32, #tpu.memory_space<vmem>>
        %dma_start3A_302 = arith.constant 0 : i32
        %dma_start3A_303 = arith.constant 0 : i32
        %dma_start3A_304 = tpu.memref_slice %arg8[%dma_start3A_302, %dma_start3A_303] : memref<40960x64xbf16, #tpu.memory_space<vmem_shared>> -> memref<40960x64xbf16, #tpu.memory_space<vmem_shared>>
        tpu.enqueue_indirect_dma source(%dma_start3A_298 : memref<128x64xbf16, #tpu.memory_space<vmem>>) target(%dma_start3A_304 : memref<40960x64xbf16, #tpu.memory_space<vmem_shared>>) offsets(%dma_start3A_301 : memref<128xi32, #tpu.memory_space<vmem>>) semaphore(%arg13 : memref<!tpu.dma_semaphore, #tpu.memory_space<semaphore_mem>>) {add = true}
        %dma_wait3A_305 = arith.constant 7 : i32
        %dma_wait3A_306 = arith.constant 896 : i32
        %dma_wait3A_307 = arith.constant 0 : i32
        %dma_wait3A_308 = tpu.memref_slice %arg10[%dma_wait3A_306, %dma_wait3A_307] : memref<1024x64xbf16, #tpu.memory_space<vmem>> -> memref<128x64xbf16, #tpu.memory_space<vmem>>
        %dma_wait3A_309 = arith.constant 0 : i32
        %dma_wait3A_310 = tpu.memref_slice %arg9[%dma_wait3A_305, %dma_wait3A_309] : memref<16x128xi32, #tpu.memory_space<vmem>> -> memref<1x128xi32, #tpu.memory_space<vmem>>
        %dma_wait3A_311 = tpu.memref_squeeze %dma_wait3A_310 : memref<1x128xi32, #tpu.memory_space<vmem>> -> memref<128xi32, #tpu.memory_space<vmem>>
        %dma_wait3A_312 = arith.constant 0 : i32
        %dma_wait3A_313 = arith.constant 0 : i32
        %dma_wait3A_314 = tpu.memref_slice %arg3[%dma_wait3A_312, %dma_wait3A_313] : memref<10000x64xbf16, #tpu.memory_space<hbm>> -> memref<10000x64xbf16, #tpu.memory_space<hbm>>
        tpu.wait_indirect_dma semaphore(%arg12 : memref<!tpu.dma_semaphore, #tpu.memory_space<semaphore_mem>>) src(%dma_wait3A_314 : memref<10000x64xbf16, #tpu.memory_space<hbm>>) dst(%dma_wait3A_308 : memref<128x64xbf16, #tpu.memory_space<vmem>>)
        %dma_start3A_315 = arith.constant 15 : i32
        %dma_start3A_316 = arith.constant 896 : i32
        %dma_start3A_317 = arith.constant 0 : i32
        %dma_start3A_318 = tpu.memref_slice %arg10[%dma_start3A_316, %dma_start3A_317] : memref<1024x64xbf16, #tpu.memory_space<vmem>> -> memref<128x64xbf16, #tpu.memory_space<vmem>>
        %dma_start3A_319 = arith.constant 0 : i32
        %dma_start3A_320 = tpu.memref_slice %arg9[%dma_start3A_315, %dma_start3A_319] : memref<16x128xi32, #tpu.memory_space<vmem>> -> memref<1x128xi32, #tpu.memory_space<vmem>>
        %dma_start3A_321 = tpu.memref_squeeze %dma_start3A_320 : memref<1x128xi32, #tpu.memory_space<vmem>> -> memref<128xi32, #tpu.memory_space<vmem>>
        %dma_start3A_322 = arith.constant 0 : i32
        %dma_start3A_323 = arith.constant 0 : i32
        %dma_start3A_324 = tpu.memref_slice %arg8[%dma_start3A_322, %dma_start3A_323] : memref<40960x64xbf16, #tpu.memory_space<vmem_shared>> -> memref<40960x64xbf16, #tpu.memory_space<vmem_shared>>
        tpu.enqueue_indirect_dma source(%dma_start3A_318 : memref<128x64xbf16, #tpu.memory_space<vmem>>) target(%dma_start3A_324 : memref<40960x64xbf16, #tpu.memory_space<vmem_shared>>) offsets(%dma_start3A_321 : memref<128xi32, #tpu.memory_space<vmem>>) semaphore(%arg13 : memref<!tpu.dma_semaphore, #tpu.memory_space<semaphore_mem>>) {add = true}
        %dma_wait3A_325 = arith.constant 8 : i32
        %dma_wait3A_326 = arith.constant 0 : i32
        %dma_wait3A_327 = arith.constant 0 : i32
        %dma_wait3A_328 = tpu.memref_slice %arg10[%dma_wait3A_326, %dma_wait3A_327] : memref<1024x64xbf16, #tpu.memory_space<vmem>> -> memref<128x64xbf16, #tpu.memory_space<vmem>>
        %dma_wait3A_329 = arith.constant 0 : i32
        %dma_wait3A_330 = tpu.memref_slice %arg9[%dma_wait3A_325, %dma_wait3A_329] : memref<16x128xi32, #tpu.memory_space<vmem>> -> memref<1x128xi32, #tpu.memory_space<vmem>>
        %dma_wait3A_331 = tpu.memref_squeeze %dma_wait3A_330 : memref<1x128xi32, #tpu.memory_space<vmem>> -> memref<128xi32, #tpu.memory_space<vmem>>
        %dma_wait3A_332 = arith.constant 0 : i32
        %dma_wait3A_333 = arith.constant 0 : i32
        %dma_wait3A_334 = tpu.memref_slice %arg8[%dma_wait3A_332, %dma_wait3A_333] : memref<40960x64xbf16, #tpu.memory_space<vmem_shared>> -> memref<40960x64xbf16, #tpu.memory_space<vmem_shared>>
        tpu.wait_indirect_dma semaphore(%arg13 : memref<!tpu.dma_semaphore, #tpu.memory_space<semaphore_mem>>) src(%dma_wait3A_328 : memref<128x64xbf16, #tpu.memory_space<vmem>>) dst(%dma_wait3A_334 : memref<40960x64xbf16, #tpu.memory_space<vmem_shared>>)
        %dma_wait3A_335 = arith.constant 9 : i32
        %dma_wait3A_336 = arith.constant 128 : i32
        %dma_wait3A_337 = arith.constant 0 : i32
        %dma_wait3A_338 = tpu.memref_slice %arg10[%dma_wait3A_336, %dma_wait3A_337] : memref<1024x64xbf16, #tpu.memory_space<vmem>> -> memref<128x64xbf16, #tpu.memory_space<vmem>>
        %dma_wait3A_339 = arith.constant 0 : i32
        %dma_wait3A_340 = tpu.memref_slice %arg9[%dma_wait3A_335, %dma_wait3A_339] : memref<16x128xi32, #tpu.memory_space<vmem>> -> memref<1x128xi32, #tpu.memory_space<vmem>>
        %dma_wait3A_341 = tpu.memref_squeeze %dma_wait3A_340 : memref<1x128xi32, #tpu.memory_space<vmem>> -> memref<128xi32, #tpu.memory_space<vmem>>
        %dma_wait3A_342 = arith.constant 0 : i32
        %dma_wait3A_343 = arith.constant 0 : i32
        %dma_wait3A_344 = tpu.memref_slice %arg8[%dma_wait3A_342, %dma_wait3A_343] : memref<40960x64xbf16, #tpu.memory_space<vmem_shared>> -> memref<40960x64xbf16, #tpu.memory_space<vmem_shared>>
        tpu.wait_indirect_dma semaphore(%arg13 : memref<!tpu.dma_semaphore, #tpu.memory_space<semaphore_mem>>) src(%dma_wait3A_338 : memref<128x64xbf16, #tpu.memory_space<vmem>>) dst(%dma_wait3A_344 : memref<40960x64xbf16, #tpu.memory_space<vmem_shared>>)
        %dma_wait3A_345 = arith.constant 10 : i32
        %dma_wait3A_346 = arith.constant 256 : i32
        %dma_wait3A_347 = arith.constant 0 : i32
        %dma_wait3A_348 = tpu.memref_slice %arg10[%dma_wait3A_346, %dma_wait3A_347] : memref<1024x64xbf16, #tpu.memory_space<vmem>> -> memref<128x64xbf16, #tpu.memory_space<vmem>>
        %dma_wait3A_349 = arith.constant 0 : i32
        %dma_wait3A_350 = tpu.memref_slice %arg9[%dma_wait3A_345, %dma_wait3A_349] : memref<16x128xi32, #tpu.memory_space<vmem>> -> memref<1x128xi32, #tpu.memory_space<vmem>>
        %dma_wait3A_351 = tpu.memref_squeeze %dma_wait3A_350 : memref<1x128xi32, #tpu.memory_space<vmem>> -> memref<128xi32, #tpu.memory_space<vmem>>
        %dma_wait3A_352 = arith.constant 0 : i32
        %dma_wait3A_353 = arith.constant 0 : i32
        %dma_wait3A_354 = tpu.memref_slice %arg8[%dma_wait3A_352, %dma_wait3A_353] : memref<40960x64xbf16, #tpu.memory_space<vmem_shared>> -> memref<40960x64xbf16, #tpu.memory_space<vmem_shared>>
        tpu.wait_indirect_dma semaphore(%arg13 : memref<!tpu.dma_semaphore, #tpu.memory_space<semaphore_mem>>) src(%dma_wait3A_348 : memref<128x64xbf16, #tpu.memory_space<vmem>>) dst(%dma_wait3A_354 : memref<40960x64xbf16, #tpu.memory_space<vmem_shared>>)
        %dma_wait3A_355 = arith.constant 11 : i32
        %dma_wait3A_356 = arith.constant 384 : i32
        %dma_wait3A_357 = arith.constant 0 : i32
        %dma_wait3A_358 = tpu.memref_slice %arg10[%dma_wait3A_356, %dma_wait3A_357] : memref<1024x64xbf16, #tpu.memory_space<vmem>> -> memref<128x64xbf16, #tpu.memory_space<vmem>>
        %dma_wait3A_359 = arith.constant 0 : i32
        %dma_wait3A_360 = tpu.memref_slice %arg9[%dma_wait3A_355, %dma_wait3A_359] : memref<16x128xi32, #tpu.memory_space<vmem>> -> memref<1x128xi32, #tpu.memory_space<vmem>>
        %dma_wait3A_361 = tpu.memref_squeeze %dma_wait3A_360 : memref<1x128xi32, #tpu.memory_space<vmem>> -> memref<128xi32, #tpu.memory_space<vmem>>
        %dma_wait3A_362 = arith.constant 0 : i32
        %dma_wait3A_363 = arith.constant 0 : i32
        %dma_wait3A_364 = tpu.memref_slice %arg8[%dma_wait3A_362, %dma_wait3A_363] : memref<40960x64xbf16, #tpu.memory_space<vmem_shared>> -> memref<40960x64xbf16, #tpu.memory_space<vmem_shared>>
        tpu.wait_indirect_dma semaphore(%arg13 : memref<!tpu.dma_semaphore, #tpu.memory_space<semaphore_mem>>) src(%dma_wait3A_358 : memref<128x64xbf16, #tpu.memory_space<vmem>>) dst(%dma_wait3A_364 : memref<40960x64xbf16, #tpu.memory_space<vmem_shared>>)
        %dma_wait3A_365 = arith.constant 12 : i32
        %dma_wait3A_366 = arith.constant 512 : i32
        %dma_wait3A_367 = arith.constant 0 : i32
        %dma_wait3A_368 = tpu.memref_slice %arg10[%dma_wait3A_366, %dma_wait3A_367] : memref<1024x64xbf16, #tpu.memory_space<vmem>> -> memref<128x64xbf16, #tpu.memory_space<vmem>>
        %dma_wait3A_369 = arith.constant 0 : i32
        %dma_wait3A_370 = tpu.memref_slice %arg9[%dma_wait3A_365, %dma_wait3A_369] : memref<16x128xi32, #tpu.memory_space<vmem>> -> memref<1x128xi32, #tpu.memory_space<vmem>>
        %dma_wait3A_371 = tpu.memref_squeeze %dma_wait3A_370 : memref<1x128xi32, #tpu.memory_space<vmem>> -> memref<128xi32, #tpu.memory_space<vmem>>
        %dma_wait3A_372 = arith.constant 0 : i32
        %dma_wait3A_373 = arith.constant 0 : i32
        %dma_wait3A_374 = tpu.memref_slice %arg8[%dma_wait3A_372, %dma_wait3A_373] : memref<40960x64xbf16, #tpu.memory_space<vmem_shared>> -> memref<40960x64xbf16, #tpu.memory_space<vmem_shared>>
        tpu.wait_indirect_dma semaphore(%arg13 : memref<!tpu.dma_semaphore, #tpu.memory_space<semaphore_mem>>) src(%dma_wait3A_368 : memref<128x64xbf16, #tpu.memory_space<vmem>>) dst(%dma_wait3A_374 : memref<40960x64xbf16, #tpu.memory_space<vmem_shared>>)
        %dma_wait3A_375 = arith.constant 13 : i32
        %dma_wait3A_376 = arith.constant 640 : i32
        %dma_wait3A_377 = arith.constant 0 : i32
        %dma_wait3A_378 = tpu.memref_slice %arg10[%dma_wait3A_376, %dma_wait3A_377] : memref<1024x64xbf16, #tpu.memory_space<vmem>> -> memref<128x64xbf16, #tpu.memory_space<vmem>>
        %dma_wait3A_379 = arith.constant 0 : i32
        %dma_wait3A_380 = tpu.memref_slice %arg9[%dma_wait3A_375, %dma_wait3A_379] : memref<16x128xi32, #tpu.memory_space<vmem>> -> memref<1x128xi32, #tpu.memory_space<vmem>>
        %dma_wait3A_381 = tpu.memref_squeeze %dma_wait3A_380 : memref<1x128xi32, #tpu.memory_space<vmem>> -> memref<128xi32, #tpu.memory_space<vmem>>
        %dma_wait3A_382 = arith.constant 0 : i32
        %dma_wait3A_383 = arith.constant 0 : i32
        %dma_wait3A_384 = tpu.memref_slice %arg8[%dma_wait3A_382, %dma_wait3A_383] : memref<40960x64xbf16, #tpu.memory_space<vmem_shared>> -> memref<40960x64xbf16, #tpu.memory_space<vmem_shared>>
        tpu.wait_indirect_dma semaphore(%arg13 : memref<!tpu.dma_semaphore, #tpu.memory_space<semaphore_mem>>) src(%dma_wait3A_378 : memref<128x64xbf16, #tpu.memory_space<vmem>>) dst(%dma_wait3A_384 : memref<40960x64xbf16, #tpu.memory_space<vmem_shared>>)
        %dma_wait3A_385 = arith.constant 14 : i32
        %dma_wait3A_386 = arith.constant 768 : i32
        %dma_wait3A_387 = arith.constant 0 : i32
        %dma_wait3A_388 = tpu.memref_slice %arg10[%dma_wait3A_386, %dma_wait3A_387] : memref<1024x64xbf16, #tpu.memory_space<vmem>> -> memref<128x64xbf16, #tpu.memory_space<vmem>>
        %dma_wait3A_389 = arith.constant 0 : i32
        %dma_wait3A_390 = tpu.memref_slice %arg9[%dma_wait3A_385, %dma_wait3A_389] : memref<16x128xi32, #tpu.memory_space<vmem>> -> memref<1x128xi32, #tpu.memory_space<vmem>>
        %dma_wait3A_391 = tpu.memref_squeeze %dma_wait3A_390 : memref<1x128xi32, #tpu.memory_space<vmem>> -> memref<128xi32, #tpu.memory_space<vmem>>
        %dma_wait3A_392 = arith.constant 0 : i32
        %dma_wait3A_393 = arith.constant 0 : i32
        %dma_wait3A_394 = tpu.memref_slice %arg8[%dma_wait3A_392, %dma_wait3A_393] : memref<40960x64xbf16, #tpu.memory_space<vmem_shared>> -> memref<40960x64xbf16, #tpu.memory_space<vmem_shared>>
        tpu.wait_indirect_dma semaphore(%arg13 : memref<!tpu.dma_semaphore, #tpu.memory_space<semaphore_mem>>) src(%dma_wait3A_388 : memref<128x64xbf16, #tpu.memory_space<vmem>>) dst(%dma_wait3A_394 : memref<40960x64xbf16, #tpu.memory_space<vmem_shared>>)
        %dma_wait3A_395 = arith.constant 15 : i32
        %dma_wait3A_396 = arith.constant 896 : i32
        %dma_wait3A_397 = arith.constant 0 : i32
        %dma_wait3A_398 = tpu.memref_slice %arg10[%dma_wait3A_396, %dma_wait3A_397] : memref<1024x64xbf16, #tpu.memory_space<vmem>> -> memref<128x64xbf16, #tpu.memory_space<vmem>>
        %dma_wait3A_399 = arith.constant 0 : i32
        %dma_wait3A_400 = tpu.memref_slice %arg9[%dma_wait3A_395, %dma_wait3A_399] : memref<16x128xi32, #tpu.memory_space<vmem>> -> memref<1x128xi32, #tpu.memory_space<vmem>>
        %dma_wait3A_401 = tpu.memref_squeeze %dma_wait3A_400 : memref<1x128xi32, #tpu.memory_space<vmem>> -> memref<128xi32, #tpu.memory_space<vmem>>
        %dma_wait3A_402 = arith.constant 0 : i32
        %dma_wait3A_403 = arith.constant 0 : i32
        %dma_wait3A_404 = tpu.memref_slice %arg8[%dma_wait3A_402, %dma_wait3A_403] : memref<40960x64xbf16, #tpu.memory_space<vmem_shared>> -> memref<40960x64xbf16, #tpu.memory_space<vmem_shared>>
        tpu.wait_indirect_dma semaphore(%arg13 : memref<!tpu.dma_semaphore, #tpu.memory_space<semaphore_mem>>) src(%dma_wait3A_398 : memref<128x64xbf16, #tpu.memory_space<vmem>>) dst(%dma_wait3A_404 : memref<40960x64xbf16, #tpu.memory_space<vmem_shared>>)
      }
      %scan3A_73 = arith.constant 20 : i32
      %barrier3A_74 = arith.constant 0 : index
      tpu.barrier barrier_id(%barrier3A_74)
      %mul3A_75 = arith.constant 2504 : i32
      %mul3A_76 = arith.muli %arg1, %mul3A_75 : i32
      %mul3A_77 = arith.constant 2504 : i32
      %mul3A_78 = arith.muli %arg1, %mul3A_77 : i32
      "tpu.region"() ({
        %run_scoped3A = tpu.sem_alloc : memref<!tpu.dma_semaphore, #tpu.memory_space<semaphore_mem>>
        %dma_start3A = arith.constant 0 : i32
        %dma_start3A_79 = tpu.memref_slice %arg7[%mul3A_78, %dma_start3A] : memref<40064x64xbf16, #tpu.memory_space<hbm>> -> memref<2504x64xbf16, #tpu.memory_space<hbm>>
        %dma_start3A_80 = arith.constant 0 : i32
        %dma_start3A_81 = tpu.memref_slice %arg8[%mul3A_76, %dma_start3A_80] : memref<40960x64xbf16, #tpu.memory_space<vmem_shared>> -> memref<2504x64xbf16, #tpu.memory_space<vmem_shared>>
        tpu.enqueue_dma source(%dma_start3A_81 : memref<2504x64xbf16, #tpu.memory_space<vmem_shared>>) target(%dma_start3A_79 : memref<2504x64xbf16, #tpu.memory_space<hbm>>) target_semaphore(%run_scoped3A : memref<!tpu.dma_semaphore, #tpu.memory_space<semaphore_mem>>)
        %dma_wait3A = arith.constant 0 : i32
        %dma_wait3A_82 = tpu.memref_slice %arg7[%mul3A_78, %dma_wait3A] : memref<40064x64xbf16, #tpu.memory_space<hbm>> -> memref<2504x64xbf16, #tpu.memory_space<hbm>>
        %dma_wait3A_83 = arith.constant 0 : i32
        %dma_wait3A_84 = tpu.memref_slice %arg8[%mul3A_76, %dma_wait3A_83] : memref<40960x64xbf16, #tpu.memory_space<vmem_shared>> -> memref<2504x64xbf16, #tpu.memory_space<vmem_shared>>
        tpu.wait_dma2 semaphore(%run_scoped3A : memref<!tpu.dma_semaphore, #tpu.memory_space<semaphore_mem>>) src(%dma_wait3A_84 : memref<2504x64xbf16, #tpu.memory_space<vmem_shared>>) dst(%dma_wait3A_82 : memref<2504x64xbf16, #tpu.memory_space<hbm>>)
        tpu.yield
      }) : () -> ()
    } else {
    }
    return
  }
}

module attributes {stable_mosaic.version = 14 : i64} {
  func.func @_proj_body(%arg0: i32, %arg1: memref<1000x128xf32, #tpu.memory_space<vmem>>, %arg2: memref<128x128xf32, #tpu.memory_space<vmem>>, %arg3: memref<128x128xf32, #tpu.memory_space<vmem>>, %arg4: memref<1x128xf32, #tpu.memory_space<vmem>>, %arg5: memref<1x128xf32, #tpu.memory_space<vmem>>, %arg6: memref<128x128xf32, #tpu.memory_space<vmem>>, %arg7: memref<1x128xf32, #tpu.memory_space<vmem>>, %arg8: memref<1000x64xbf16, #tpu.memory_space<vmem>>, %arg9: memref<1000x64xbf16, #tpu.memory_space<vmem>>, %arg10: memref<1000x128xf32, #tpu.memory_space<vmem>>) attributes {dimension_semantics = [#tpu.dimension_semantics<arbitrary>], iteration_bounds = array<i64: 10>, scalar_prefetch = 0 : i64, scratch_operands = 0 : i64, tpu.core_type = #tpu.core_type<tc>, window_params = [{transform_indices = @transform_0, window_bounds = array<i64: 1000, 128>}, {pipeline_mode = #tpu.pipeline_mode<synchronous>, transform_indices = @transform_1, window_bounds = array<i64: 128, 128>}, {pipeline_mode = #tpu.pipeline_mode<synchronous>, transform_indices = @transform_2, window_bounds = array<i64: 128, 128>}, {pipeline_mode = #tpu.pipeline_mode<synchronous>, transform_indices = @transform_3, window_bounds = array<i64: 1, 128>}, {pipeline_mode = #tpu.pipeline_mode<synchronous>, transform_indices = @transform_4, window_bounds = array<i64: 1, 128>}, {pipeline_mode = #tpu.pipeline_mode<synchronous>, transform_indices = @transform_5, window_bounds = array<i64: 128, 128>}, {pipeline_mode = #tpu.pipeline_mode<synchronous>, transform_indices = @transform_6, window_bounds = array<i64: 1, 128>}, {transform_indices = @transform_7, window_bounds = array<i64: 1000, 64>}, {transform_indices = @transform_8, window_bounds = array<i64: 1000, 64>}, {transform_indices = @transform_9, window_bounds = array<i64: 1000, 128>}]} {
    %lt3A = arith.constant 6 : i32
    %lt3A_0 = arith.cmpi slt, %arg0, %lt3A : i32
    %get3A = arith.constant 0 : index
    %get3A_1 = arith.constant 0 : index
    %get3A_2 = vector.load %arg2[%get3A, %get3A_1] : memref<128x128xf32, #tpu.memory_space<vmem>>, vector<128x128xf32>
    %get3A_3 = arith.constant 0 : index
    %get3A_4 = arith.constant 0 : index
    %get3A_5 = vector.load %arg3[%get3A_3, %get3A_4] : memref<128x128xf32, #tpu.memory_space<vmem>>, vector<128x128xf32>
    %select_n3A = arith.select %lt3A_0, %get3A_2, %get3A_5 : vector<128x128xf32>
    %get3A_6 = arith.constant 0 : index
    %get3A_7 = arith.constant 0 : index
    %get3A_8 = vector.load %arg4[%get3A_6, %get3A_7] : memref<1x128xf32, #tpu.memory_space<vmem>>, vector<1x128xf32>
    %get3A_9 = arith.constant 0 : index
    %get3A_10 = arith.constant 0 : index
    %get3A_11 = vector.load %arg5[%get3A_9, %get3A_10] : memref<1x128xf32, #tpu.memory_space<vmem>>, vector<1x128xf32>
    %select_n3A_12 = arith.select %lt3A_0, %get3A_8, %get3A_11 : vector<1x128xf32>
    %get3A_13 = arith.constant 0 : index
    %get3A_14 = arith.constant 0 : index
    %get3A_15 = vector.load %arg1[%get3A_13, %get3A_14] : memref<1000x128xf32, #tpu.memory_space<vmem>>, vector<1000x128xf32>
    %dot_general3A = arith.constant dense<0.000000e+00> : vector<1000x128xf32>
    %dot_general3A_16 = tpu.matmul %get3A_15, %select_n3A, %dot_general3A {dimension_numbers = #tpu.dot_dimension_numbers<[1], [0], [0], [1], [0, 0, 1, 1], [], []>, transpose_lhs_hint = false} : vector<1000x128xf32>, vector<128x128xf32>, vector<1000x128xf32> -> vector<1000x128xf32>
    %add3A = vector.broadcast %select_n3A_12 : vector<1x128xf32> to vector<1000x128xf32>
    %add3A_17 = arith.addf %dot_general3A_16, %add3A : vector<1000x128xf32>
    %convert_element_type3A = arith.truncf %add3A_17 : vector<1000x128xf32> to vector<1000x128xbf16>
    %slice3A = vector.extract_strided_slice %convert_element_type3A {offsets = [0, 0], sizes = [1000, 64], strides = [1, 1]} : vector<1000x128xbf16> to vector<1000x64xbf16>
    %swap3A = arith.constant 0 : index
    %swap3A_18 = arith.constant 0 : index
    %swap3A_19 = vector.load %arg8[%swap3A, %swap3A_18] : memref<1000x64xbf16, #tpu.memory_space<vmem>>, vector<1000x64xbf16>
    tpu.vector_store %arg8[%swap3A, %swap3A_18], %slice3A {strides = array<i32>} : memref<1000x64xbf16, #tpu.memory_space<vmem>>, vector<1000x64xbf16>,
    %slice3A_20 = vector.extract_strided_slice %convert_element_type3A {offsets = [0, 64], sizes = [1000, 64], strides = [1, 1]} : vector<1000x128xbf16> to vector<1000x64xbf16>
    %swap3A_21 = arith.constant 0 : index
    %swap3A_22 = arith.constant 0 : index
    %swap3A_23 = vector.load %arg9[%swap3A_21, %swap3A_22] : memref<1000x64xbf16, #tpu.memory_space<vmem>>, vector<1000x64xbf16>
    tpu.vector_store %arg9[%swap3A_21, %swap3A_22], %slice3A_20 {strides = array<i32>} : memref<1000x64xbf16, #tpu.memory_space<vmem>>, vector<1000x64xbf16>,
    %get3A_24 = arith.constant 0 : index
    %get3A_25 = arith.constant 0 : index
    %get3A_26 = vector.load %arg6[%get3A_24, %get3A_25] : memref<128x128xf32, #tpu.memory_space<vmem>>, vector<128x128xf32>
    %dot_general3A_27 = arith.constant dense<0.000000e+00> : vector<1000x128xf32>
    %dot_general3A_28 = tpu.matmul %add3A_17, %get3A_26, %dot_general3A_27 {dimension_numbers = #tpu.dot_dimension_numbers<[1], [0], [0], [1], [0, 0, 1, 1], [], []>, transpose_lhs_hint = false} : vector<1000x128xf32>, vector<128x128xf32>, vector<1000x128xf32> -> vector<1000x128xf32>
    %get3A_29 = arith.constant 0 : index
    %get3A_30 = arith.constant 0 : index
    %get3A_31 = vector.load %arg7[%get3A_29, %get3A_30] : memref<1x128xf32, #tpu.memory_space<vmem>>, vector<1x128xf32>
    %add3A_32 = vector.broadcast %get3A_31 : vector<1x128xf32> to vector<1000x128xf32>
    %add3A_33 = arith.addf %dot_general3A_28, %add3A_32 : vector<1000x128xf32>
    %swap3A_34 = arith.constant 0 : index
    %swap3A_35 = arith.constant 0 : index
    %swap3A_36 = vector.load %arg10[%swap3A_34, %swap3A_35] : memref<1000x128xf32, #tpu.memory_space<vmem>>, vector<1000x128xf32>
    tpu.vector_store %arg10[%swap3A_34, %swap3A_35], %add3A_33 {strides = array<i32>} : memref<1000x128xf32, #tpu.memory_space<vmem>>, vector<1000x128xf32>,
    return
  }
  func.func @transform_0(%arg0: i32) -> (i32, i32) {
    %c0_i32 = arith.constant 0 : i32
    %c0_i32_0 = arith.constant 0 : i32
    return %arg0, %c0_i32 : i32, i32
  }
  func.func @transform_1(%arg0: i32) -> (i32, i32) {
    %c0_i32 = arith.constant 0 : i32
    %c0_i32_0 = arith.constant 0 : i32
    %c0_i32_1 = arith.constant 0 : i32
    return %c0_i32, %c0_i32_0 : i32, i32
  }
  func.func @transform_2(%arg0: i32) -> (i32, i32) {
    %c0_i32 = arith.constant 0 : i32
    %c0_i32_0 = arith.constant 0 : i32
    %c0_i32_1 = arith.constant 0 : i32
    return %c0_i32, %c0_i32_0 : i32, i32
  }
  func.func @transform_3(%arg0: i32) -> (i32, i32) {
    %c0_i32 = arith.constant 0 : i32
    %c0_i32_0 = arith.constant 0 : i32
    %c0_i32_1 = arith.constant 0 : i32
    return %c0_i32, %c0_i32_0 : i32, i32
  }
  func.func @transform_4(%arg0: i32) -> (i32, i32) {
    %c0_i32 = arith.constant 0 : i32
    %c0_i32_0 = arith.constant 0 : i32
    %c0_i32_1 = arith.constant 0 : i32
    return %c0_i32, %c0_i32_0 : i32, i32
  }
  func.func @transform_5(%arg0: i32) -> (i32, i32) {
    %c0_i32 = arith.constant 0 : i32
    %c0_i32_0 = arith.constant 0 : i32
    %c0_i32_1 = arith.constant 0 : i32
    return %c0_i32, %c0_i32_0 : i32, i32
  }
  func.func @transform_6(%arg0: i32) -> (i32, i32) {
    %c0_i32 = arith.constant 0 : i32
    %c0_i32_0 = arith.constant 0 : i32
    %c0_i32_1 = arith.constant 0 : i32
    return %c0_i32, %c0_i32_0 : i32, i32
  }
  func.func @transform_7(%arg0: i32) -> (i32, i32) {
    %c0_i32 = arith.constant 0 : i32
    %c0_i32_0 = arith.constant 0 : i32
    return %arg0, %c0_i32 : i32, i32
  }
  func.func @transform_8(%arg0: i32) -> (i32, i32) {
    %c0_i32 = arith.constant 0 : i32
    %c0_i32_0 = arith.constant 0 : i32
    return %arg0, %c0_i32 : i32, i32
  }
  func.func @transform_9(%arg0: i32) -> (i32, i32) {
    %c0_i32 = arith.constant 0 : i32
    %c0_i32_0 = arith.constant 0 : i32
    return %arg0, %c0_i32 : i32, i32
  }
}

module attributes {stable_mosaic.version = 14 : i64} {
  func.func @_combine_body(%arg0: i32, %arg1: memref<1000x128xf32, #tpu.memory_space<vmem>>, %arg2: memref<1000x64xbf16, #tpu.memory_space<vmem>>, %arg3: memref<1000x64xbf16, #tpu.memory_space<vmem>>, %arg4: memref<1000x64xbf16, #tpu.memory_space<vmem>>, %arg5: memref<1000x64xbf16, #tpu.memory_space<vmem>>, %arg6: memref<1000x64xbf16, #tpu.memory_space<vmem>>, %arg7: memref<1000x64xbf16, #tpu.memory_space<vmem>>, %arg8: memref<1000x64xbf16, #tpu.memory_space<vmem>>, %arg9: memref<1000x64xbf16, #tpu.memory_space<vmem>>, %arg10: memref<2x4x1000x8xf32, #tpu.memory_space<vmem>>, %arg11: memref<4x128x128xf32, #tpu.memory_space<vmem>>, %arg12: memref<128x128xf32, #tpu.memory_space<vmem>>, %arg13: memref<1x128xf32, #tpu.memory_space<vmem>>, %arg14: memref<1000x64xbf16, #tpu.memory_space<vmem>>, %arg15: memref<1000x64xbf16, #tpu.memory_space<vmem>>, %arg16: memref<1000x128xf32, #tpu.memory_space<vmem>>) attributes {dimension_semantics = [#tpu.dimension_semantics<arbitrary>], iteration_bounds = array<i64: 10>, scalar_prefetch = 0 : i64, scratch_operands = 0 : i64, tpu.core_type = #tpu.core_type<tc>, window_params = [{transform_indices = @transform_0, window_bounds = array<i64: 1000, 128>}, {transform_indices = @transform_1, window_bounds = array<i64: 1000, 64>}, {transform_indices = @transform_2, window_bounds = array<i64: 1000, 64>}, {transform_indices = @transform_3, window_bounds = array<i64: 1000, 64>}, {transform_indices = @transform_4, window_bounds = array<i64: 1000, 64>}, {transform_indices = @transform_5, window_bounds = array<i64: 1000, 64>}, {transform_indices = @transform_6, window_bounds = array<i64: 1000, 64>}, {transform_indices = @transform_7, window_bounds = array<i64: 1000, 64>}, {transform_indices = @transform_8, window_bounds = array<i64: 1000, 64>}, {transform_indices = @transform_9, window_bounds = array<i64: 2, 4, 1000, 8>}, {pipeline_mode = #tpu.pipeline_mode<synchronous>, transform_indices = @transform_10, window_bounds = array<i64: 4, 128, 128>}, {pipeline_mode = #tpu.pipeline_mode<synchronous>, transform_indices = @transform_11, window_bounds = array<i64: 128, 128>}, {pipeline_mode = #tpu.pipeline_mode<synchronous>, transform_indices = @transform_12, window_bounds = array<i64: 1, 128>}, {transform_indices = @transform_13, window_bounds = array<i64: 1000, 64>}, {transform_indices = @transform_14, window_bounds = array<i64: 1000, 64>}, {transform_indices = @transform_15, window_bounds = array<i64: 1000, 128>}]} {
    %get3A = arith.constant 0 : index
    %get3A_0 = arith.constant 0 : index
    %get3A_1 = vector.load %arg1[%get3A, %get3A_0] : memref<1000x128xf32, #tpu.memory_space<vmem>>, vector<1000x128xf32>
    %get3A_2 = arith.constant 0 : index
    %get3A_3 = arith.constant 0 : index
    %get3A_4 = arith.constant 0 : index
    %get3A_5 = vector.load %arg11[%get3A_2, %get3A_3, %get3A_4] : memref<4x128x128xf32, #tpu.memory_space<vmem>>, vector<4x128x128xf32>
    %get3A_6 = arith.constant 0 : index
    %get3A_7 = arith.constant 0 : index
    %get3A_8 = arith.constant 0 : index
    %get3A_9 = arith.constant 0 : index
    %get3A_10 = vector.load %arg10[%get3A_6, %get3A_7, %get3A_8, %get3A_9] : memref<2x4x1000x8xf32, #tpu.memory_space<vmem>>, vector<2x4x1000x8xf32>
    %get3A_11 = arith.constant 0 : index
    %get3A_12 = arith.constant 0 : index
    %get3A_13 = vector.load %arg2[%get3A_11, %get3A_12] : memref<1000x64xbf16, #tpu.memory_space<vmem>>, vector<1000x64xbf16>
    %get3A_14 = arith.constant 0 : index
    %get3A_15 = arith.constant 0 : index
    %get3A_16 = vector.load %arg6[%get3A_14, %get3A_15] : memref<1000x64xbf16, #tpu.memory_space<vmem>>, vector<1000x64xbf16>
    %concatenate3A = tpu.concatenate %get3A_13, %get3A_16 in 1 : vector<1000x64xbf16>, vector<1000x64xbf16> -> vector<1000x128xbf16>
    %convert_element_type3A = arith.extf %concatenate3A : vector<1000x128xbf16> to vector<1000x128xf32>
    %slice3A = vector.extract_strided_slice %get3A_5 {offsets = [0, 0, 0], sizes = [1, 128, 128], strides = [1, 1, 1]} : vector<4x128x128xf32> to vector<1x128x128xf32>
    %squeeze3A = vector.shape_cast %slice3A : vector<1x128x128xf32> to vector<128x128xf32>
    %dot_general3A = arith.constant dense<0.000000e+00> : vector<1000x128xf32>
    %dot_general3A_17 = tpu.matmul %convert_element_type3A, %squeeze3A, %dot_general3A {dimension_numbers = #tpu.dot_dimension_numbers<[1], [0], [0], [1], [0, 0, 1, 1], [], []>, transpose_lhs_hint = false} : vector<1000x128xf32>, vector<128x128xf32>, vector<1000x128xf32> -> vector<1000x128xf32>
    %slice3A_18 = vector.extract_strided_slice %get3A_10 {offsets = [0, 0, 0, 0], sizes = [1, 1, 1000, 1], strides = [1, 1, 1, 1]} : vector<2x4x1000x8xf32> to vector<1x1x1000x1xf32>
    %squeeze3A_19 = vector.shape_cast %slice3A_18 : vector<1x1x1000x1xf32> to vector<1000x1xf32>
    %slice3A_20 = vector.extract_strided_slice %get3A_10 {offsets = [1, 0, 0, 0], sizes = [1, 1, 1000, 1], strides = [1, 1, 1, 1]} : vector<2x4x1000x8xf32> to vector<1x1x1000x1xf32>
    %squeeze3A_21 = vector.shape_cast %slice3A_20 : vector<1x1x1000x1xf32> to vector<1000x1xf32>
    %add3A = arith.addf %squeeze3A_19, %squeeze3A_21 : vector<1000x1xf32>
    %max3A = arith.constant 1.000000e+00 : f32
    %max3A_22 = vector.broadcast %max3A : f32 to vector<1000x1xf32>
    %max3A_23 = arith.maximumf %add3A, %max3A_22 : vector<1000x1xf32>
    %div3A = arith.constant 1.000000e+00 : f32
    %div3A_24 = vector.broadcast %div3A : f32 to vector<1000x1xf32>
    %div3A_25 = arith.divf %div3A_24, %max3A_23 : vector<1000x1xf32>
    %mul3A = vector.broadcast %div3A_25 : vector<1000x1xf32> to vector<1000x128xf32>
    %mul3A_26 = arith.mulf %dot_general3A_17, %mul3A : vector<1000x128xf32>
    %add3A_27 = arith.addf %get3A_1, %mul3A_26 : vector<1000x128xf32>
    %get3A_28 = arith.constant 0 : index
    %get3A_29 = arith.constant 0 : index
    %get3A_30 = vector.load %arg3[%get3A_28, %get3A_29] : memref<1000x64xbf16, #tpu.memory_space<vmem>>, vector<1000x64xbf16>
    %get3A_31 = arith.constant 0 : index
    %get3A_32 = arith.constant 0 : index
    %get3A_33 = vector.load %arg7[%get3A_31, %get3A_32] : memref<1000x64xbf16, #tpu.memory_space<vmem>>, vector<1000x64xbf16>
    %concatenate3A_34 = tpu.concatenate %get3A_30, %get3A_33 in 1 : vector<1000x64xbf16>, vector<1000x64xbf16> -> vector<1000x128xbf16>
    %convert_element_type3A_35 = arith.extf %concatenate3A_34 : vector<1000x128xbf16> to vector<1000x128xf32>
    %slice3A_36 = vector.extract_strided_slice %get3A_5 {offsets = [1, 0, 0], sizes = [1, 128, 128], strides = [1, 1, 1]} : vector<4x128x128xf32> to vector<1x128x128xf32>
    %squeeze3A_37 = vector.shape_cast %slice3A_36 : vector<1x128x128xf32> to vector<128x128xf32>
    %dot_general3A_38 = arith.constant dense<0.000000e+00> : vector<1000x128xf32>
    %dot_general3A_39 = tpu.matmul %convert_element_type3A_35, %squeeze3A_37, %dot_general3A_38 {dimension_numbers = #tpu.dot_dimension_numbers<[1], [0], [0], [1], [0, 0, 1, 1], [], []>, transpose_lhs_hint = false} : vector<1000x128xf32>, vector<128x128xf32>, vector<1000x128xf32> -> vector<1000x128xf32>
    %slice3A_40 = vector.extract_strided_slice %get3A_10 {offsets = [0, 1, 0, 0], sizes = [1, 1, 1000, 1], strides = [1, 1, 1, 1]} : vector<2x4x1000x8xf32> to vector<1x1x1000x1xf32>
    %squeeze3A_41 = vector.shape_cast %slice3A_40 : vector<1x1x1000x1xf32> to vector<1000x1xf32>
    %slice3A_42 = vector.extract_strided_slice %get3A_10 {offsets = [1, 1, 0, 0], sizes = [1, 1, 1000, 1], strides = [1, 1, 1, 1]} : vector<2x4x1000x8xf32> to vector<1x1x1000x1xf32>
    %squeeze3A_43 = vector.shape_cast %slice3A_42 : vector<1x1x1000x1xf32> to vector<1000x1xf32>
    %add3A_44 = arith.addf %squeeze3A_41, %squeeze3A_43 : vector<1000x1xf32>
    %max3A_45 = arith.constant 1.000000e+00 : f32
    %max3A_46 = vector.broadcast %max3A_45 : f32 to vector<1000x1xf32>
    %max3A_47 = arith.maximumf %add3A_44, %max3A_46 : vector<1000x1xf32>
    %div3A_48 = arith.constant 1.000000e+00 : f32
    %div3A_49 = vector.broadcast %div3A_48 : f32 to vector<1000x1xf32>
    %div3A_50 = arith.divf %div3A_49, %max3A_47 : vector<1000x1xf32>
    %mul3A_51 = vector.broadcast %div3A_50 : vector<1000x1xf32> to vector<1000x128xf32>
    %mul3A_52 = arith.mulf %dot_general3A_39, %mul3A_51 : vector<1000x128xf32>
    %add3A_53 = arith.addf %add3A_27, %mul3A_52 : vector<1000x128xf32>
    %get3A_54 = arith.constant 0 : index
    %get3A_55 = arith.constant 0 : index
    %get3A_56 = vector.load %arg4[%get3A_54, %get3A_55] : memref<1000x64xbf16, #tpu.memory_space<vmem>>, vector<1000x64xbf16>
    %get3A_57 = arith.constant 0 : index
    %get3A_58 = arith.constant 0 : index
    %get3A_59 = vector.load %arg8[%get3A_57, %get3A_58] : memref<1000x64xbf16, #tpu.memory_space<vmem>>, vector<1000x64xbf16>
    %concatenate3A_60 = tpu.concatenate %get3A_56, %get3A_59 in 1 : vector<1000x64xbf16>, vector<1000x64xbf16> -> vector<1000x128xbf16>
    %convert_element_type3A_61 = arith.extf %concatenate3A_60 : vector<1000x128xbf16> to vector<1000x128xf32>
    %slice3A_62 = vector.extract_strided_slice %get3A_5 {offsets = [2, 0, 0], sizes = [1, 128, 128], strides = [1, 1, 1]} : vector<4x128x128xf32> to vector<1x128x128xf32>
    %squeeze3A_63 = vector.shape_cast %slice3A_62 : vector<1x128x128xf32> to vector<128x128xf32>
    %dot_general3A_64 = arith.constant dense<0.000000e+00> : vector<1000x128xf32>
    %dot_general3A_65 = tpu.matmul %convert_element_type3A_61, %squeeze3A_63, %dot_general3A_64 {dimension_numbers = #tpu.dot_dimension_numbers<[1], [0], [0], [1], [0, 0, 1, 1], [], []>, transpose_lhs_hint = false} : vector<1000x128xf32>, vector<128x128xf32>, vector<1000x128xf32> -> vector<1000x128xf32>
    %slice3A_66 = vector.extract_strided_slice %get3A_10 {offsets = [0, 2, 0, 0], sizes = [1, 1, 1000, 1], strides = [1, 1, 1, 1]} : vector<2x4x1000x8xf32> to vector<1x1x1000x1xf32>
    %squeeze3A_67 = vector.shape_cast %slice3A_66 : vector<1x1x1000x1xf32> to vector<1000x1xf32>
    %slice3A_68 = vector.extract_strided_slice %get3A_10 {offsets = [1, 2, 0, 0], sizes = [1, 1, 1000, 1], strides = [1, 1, 1, 1]} : vector<2x4x1000x8xf32> to vector<1x1x1000x1xf32>
    %squeeze3A_69 = vector.shape_cast %slice3A_68 : vector<1x1x1000x1xf32> to vector<1000x1xf32>
    %add3A_70 = arith.addf %squeeze3A_67, %squeeze3A_69 : vector<1000x1xf32>
    %max3A_71 = arith.constant 1.000000e+00 : f32
    %max3A_72 = vector.broadcast %max3A_71 : f32 to vector<1000x1xf32>
    %max3A_73 = arith.maximumf %add3A_70, %max3A_72 : vector<1000x1xf32>
    %div3A_74 = arith.constant 1.000000e+00 : f32
    %div3A_75 = vector.broadcast %div3A_74 : f32 to vector<1000x1xf32>
    %div3A_76 = arith.divf %div3A_75, %max3A_73 : vector<1000x1xf32>
    %mul3A_77 = vector.broadcast %div3A_76 : vector<1000x1xf32> to vector<1000x128xf32>
    %mul3A_78 = arith.mulf %dot_general3A_65, %mul3A_77 : vector<1000x128xf32>
    %add3A_79 = arith.addf %add3A_53, %mul3A_78 : vector<1000x128xf32>
    %get3A_80 = arith.constant 0 : index
    %get3A_81 = arith.constant 0 : index
    %get3A_82 = vector.load %arg5[%get3A_80, %get3A_81] : memref<1000x64xbf16, #tpu.memory_space<vmem>>, vector<1000x64xbf16>
    %get3A_83 = arith.constant 0 : index
    %get3A_84 = arith.constant 0 : index
    %get3A_85 = vector.load %arg9[%get3A_83, %get3A_84] : memref<1000x64xbf16, #tpu.memory_space<vmem>>, vector<1000x64xbf16>
    %concatenate3A_86 = tpu.concatenate %get3A_82, %get3A_85 in 1 : vector<1000x64xbf16>, vector<1000x64xbf16> -> vector<1000x128xbf16>
    %convert_element_type3A_87 = arith.extf %concatenate3A_86 : vector<1000x128xbf16> to vector<1000x128xf32>
    %slice3A_88 = vector.extract_strided_slice %get3A_5 {offsets = [3, 0, 0], sizes = [1, 128, 128], strides = [1, 1, 1]} : vector<4x128x128xf32> to vector<1x128x128xf32>
    %squeeze3A_89 = vector.shape_cast %slice3A_88 : vector<1x128x128xf32> to vector<128x128xf32>
    %dot_general3A_90 = arith.constant dense<0.000000e+00> : vector<1000x128xf32>
    %dot_general3A_91 = tpu.matmul %convert_element_type3A_87, %squeeze3A_89, %dot_general3A_90 {dimension_numbers = #tpu.dot_dimension_numbers<[1], [0], [0], [1], [0, 0, 1, 1], [], []>, transpose_lhs_hint = false} : vector<1000x128xf32>, vector<128x128xf32>, vector<1000x128xf32> -> vector<1000x128xf32>
    %slice3A_92 = vector.extract_strided_slice %get3A_10 {offsets = [0, 3, 0, 0], sizes = [1, 1, 1000, 1], strides = [1, 1, 1, 1]} : vector<2x4x1000x8xf32> to vector<1x1x1000x1xf32>
    %squeeze3A_93 = vector.shape_cast %slice3A_92 : vector<1x1x1000x1xf32> to vector<1000x1xf32>
    %slice3A_94 = vector.extract_strided_slice %get3A_10 {offsets = [1, 3, 0, 0], sizes = [1, 1, 1000, 1], strides = [1, 1, 1, 1]} : vector<2x4x1000x8xf32> to vector<1x1x1000x1xf32>
    %squeeze3A_95 = vector.shape_cast %slice3A_94 : vector<1x1x1000x1xf32> to vector<1000x1xf32>
    %add3A_96 = arith.addf %squeeze3A_93, %squeeze3A_95 : vector<1000x1xf32>
    %max3A_97 = arith.constant 1.000000e+00 : f32
    %max3A_98 = vector.broadcast %max3A_97 : f32 to vector<1000x1xf32>
    %max3A_99 = arith.maximumf %add3A_96, %max3A_98 : vector<1000x1xf32>
    %div3A_100 = arith.constant 1.000000e+00 : f32
    %div3A_101 = vector.broadcast %div3A_100 : f32 to vector<1000x1xf32>
    %div3A_102 = arith.divf %div3A_101, %max3A_99 : vector<1000x1xf32>
    %mul3A_103 = vector.broadcast %div3A_102 : vector<1000x1xf32> to vector<1000x128xf32>
    %mul3A_104 = arith.mulf %dot_general3A_91, %mul3A_103 : vector<1000x128xf32>
    %add3A_105 = arith.addf %add3A_79, %mul3A_104 : vector<1000x128xf32>
    %max3A_106 = arith.constant 0.000000e+00 : f32
    %max3A_107 = vector.broadcast %max3A_106 : f32 to vector<1000x128xf32>
    %max3A_108 = arith.maximumf %add3A_105, %max3A_107 : vector<1000x128xf32>
    %convert_element_type3A_109 = arith.truncf %max3A_108 : vector<1000x128xf32> to vector<1000x128xbf16>
    %slice3A_110 = vector.extract_strided_slice %convert_element_type3A_109 {offsets = [0, 0], sizes = [1000, 64], strides = [1, 1]} : vector<1000x128xbf16> to vector<1000x64xbf16>
    %swap3A = arith.constant 0 : index
    %swap3A_111 = arith.constant 0 : index
    %swap3A_112 = vector.load %arg14[%swap3A, %swap3A_111] : memref<1000x64xbf16, #tpu.memory_space<vmem>>, vector<1000x64xbf16>
    tpu.vector_store %arg14[%swap3A, %swap3A_111], %slice3A_110 {strides = array<i32>} : memref<1000x64xbf16, #tpu.memory_space<vmem>>, vector<1000x64xbf16>,
    %slice3A_113 = vector.extract_strided_slice %convert_element_type3A_109 {offsets = [0, 64], sizes = [1000, 64], strides = [1, 1]} : vector<1000x128xbf16> to vector<1000x64xbf16>
    %swap3A_114 = arith.constant 0 : index
    %swap3A_115 = arith.constant 0 : index
    %swap3A_116 = vector.load %arg15[%swap3A_114, %swap3A_115] : memref<1000x64xbf16, #tpu.memory_space<vmem>>, vector<1000x64xbf16>
    tpu.vector_store %arg15[%swap3A_114, %swap3A_115], %slice3A_113 {strides = array<i32>} : memref<1000x64xbf16, #tpu.memory_space<vmem>>, vector<1000x64xbf16>,
    %get3A_117 = arith.constant 0 : index
    %get3A_118 = arith.constant 0 : index
    %get3A_119 = vector.load %arg12[%get3A_117, %get3A_118] : memref<128x128xf32, #tpu.memory_space<vmem>>, vector<128x128xf32>
    %dot_general3A_120 = arith.constant dense<0.000000e+00> : vector<1000x128xf32>
    %dot_general3A_121 = tpu.matmul %max3A_108, %get3A_119, %dot_general3A_120 {dimension_numbers = #tpu.dot_dimension_numbers<[1], [0], [0], [1], [0, 0, 1, 1], [], []>, transpose_lhs_hint = false} : vector<1000x128xf32>, vector<128x128xf32>, vector<1000x128xf32> -> vector<1000x128xf32>
    %get3A_122 = arith.constant 0 : index
    %get3A_123 = arith.constant 0 : index
    %get3A_124 = vector.load %arg13[%get3A_122, %get3A_123] : memref<1x128xf32, #tpu.memory_space<vmem>>, vector<1x128xf32>
    %add3A_125 = vector.broadcast %get3A_124 : vector<1x128xf32> to vector<1000x128xf32>
    %add3A_126 = arith.addf %dot_general3A_121, %add3A_125 : vector<1000x128xf32>
    %swap3A_127 = arith.constant 0 : index
    %swap3A_128 = arith.constant 0 : index
    %swap3A_129 = vector.load %arg16[%swap3A_127, %swap3A_128] : memref<1000x128xf32, #tpu.memory_space<vmem>>, vector<1000x128xf32>
    tpu.vector_store %arg16[%swap3A_127, %swap3A_128], %add3A_126 {strides = array<i32>} : memref<1000x128xf32, #tpu.memory_space<vmem>>, vector<1000x128xf32>,
    return
  }
  func.func @transform_0(%arg0: i32) -> (i32, i32) {
    %c0_i32 = arith.constant 0 : i32
    %c0_i32_0 = arith.constant 0 : i32
    return %arg0, %c0_i32 : i32, i32
  }
  func.func @transform_1(%arg0: i32) -> (i32, i32) {
    %add3A = arith.constant 0 : i32
    %add3A_0 = arith.addi %add3A, %arg0 : i32
    %c0_i32 = arith.constant 0 : i32
    %c0_i32_1 = arith.constant 0 : i32
    return %add3A_0, %c0_i32 : i32, i32
  }
  func.func @transform_2(%arg0: i32) -> (i32, i32) {
    %add3A = arith.constant 10 : i32
    %add3A_0 = arith.addi %add3A, %arg0 : i32
    %c0_i32 = arith.constant 0 : i32
    %c0_i32_1 = arith.constant 0 : i32
    return %add3A_0, %c0_i32 : i32, i32
  }
  func.func @transform_3(%arg0: i32) -> (i32, i32) {
    %add3A = arith.constant 20 : i32
    %add3A_0 = arith.addi %add3A, %arg0 : i32
    %c0_i32 = arith.constant 0 : i32
    %c0_i32_1 = arith.constant 0 : i32
    return %add3A_0, %c0_i32 : i32, i32
  }
  func.func @transform_4(%arg0: i32) -> (i32, i32) {
    %add3A = arith.constant 30 : i32
    %add3A_0 = arith.addi %add3A, %arg0 : i32
    %c0_i32 = arith.constant 0 : i32
    %c0_i32_1 = arith.constant 0 : i32
    return %add3A_0, %c0_i32 : i32, i32
  }
  func.func @transform_5(%arg0: i32) -> (i32, i32) {
    %add3A = arith.constant 0 : i32
    %add3A_0 = arith.addi %add3A, %arg0 : i32
    %c0_i32 = arith.constant 0 : i32
    %c0_i32_1 = arith.constant 0 : i32
    return %add3A_0, %c0_i32 : i32, i32
  }
  func.func @transform_6(%arg0: i32) -> (i32, i32) {
    %add3A = arith.constant 10 : i32
    %add3A_0 = arith.addi %add3A, %arg0 : i32
    %c0_i32 = arith.constant 0 : i32
    %c0_i32_1 = arith.constant 0 : i32
    return %add3A_0, %c0_i32 : i32, i32
  }
  func.func @transform_7(%arg0: i32) -> (i32, i32) {
    %add3A = arith.constant 20 : i32
    %add3A_0 = arith.addi %add3A, %arg0 : i32
    %c0_i32 = arith.constant 0 : i32
    %c0_i32_1 = arith.constant 0 : i32
    return %add3A_0, %c0_i32 : i32, i32
  }
  func.func @transform_8(%arg0: i32) -> (i32, i32) {
    %add3A = arith.constant 30 : i32
    %add3A_0 = arith.addi %add3A, %arg0 : i32
    %c0_i32 = arith.constant 0 : i32
    %c0_i32_1 = arith.constant 0 : i32
    return %add3A_0, %c0_i32 : i32, i32
  }
  func.func @transform_9(%arg0: i32) -> (i32, i32, i32, i32) {
    %c0_i32 = arith.constant 0 : i32
    %c0_i32_0 = arith.constant 0 : i32
    %c0_i32_1 = arith.constant 0 : i32
    %c0_i32_2 = arith.constant 0 : i32
    return %c0_i32, %c0_i32_0, %arg0, %c0_i32_1 : i32, i32, i32, i32
  }
  func.func @transform_10(%arg0: i32) -> (i32, i32, i32) {
    %c0_i32 = arith.constant 0 : i32
    %c0_i32_0 = arith.constant 0 : i32
    %c0_i32_1 = arith.constant 0 : i32
    %c0_i32_2 = arith.constant 0 : i32
    return %c0_i32, %c0_i32_0, %c0_i32_1 : i32, i32, i32
  }
  func.func @transform_11(%arg0: i32) -> (i32, i32) {
    %c0_i32 = arith.constant 0 : i32
    %c0_i32_0 = arith.constant 0 : i32
    %c0_i32_1 = arith.constant 0 : i32
    return %c0_i32, %c0_i32_0 : i32, i32
  }
  func.func @transform_12(%arg0: i32) -> (i32, i32) {
    %c0_i32 = arith.constant 0 : i32
    %c0_i32_0 = arith.constant 0 : i32
    %c0_i32_1 = arith.constant 0 : i32
    return %c0_i32, %c0_i32_0 : i32, i32
  }
  func.func @transform_13(%arg0: i32) -> (i32, i32) {
    %c0_i32 = arith.constant 0 : i32
    %c0_i32_0 = arith.constant 0 : i32
    return %arg0, %c0_i32 : i32, i32
  }
  func.func @transform_14(%arg0: i32) -> (i32, i32) {
    %c0_i32 = arith.constant 0 : i32
    %c0_i32_0 = arith.constant 0 : i32
    return %arg0, %c0_i32 : i32, i32
  }
  func.func @transform_15(%arg0: i32) -> (i32, i32) {
    %c0_i32 = arith.constant 0 : i32
    %c0_i32_0 = arith.constant 0 : i32
    return %arg0, %c0_i32 : i32, i32
  }
}

module attributes {stable_mosaic.version = 14 : i64} {
  func.func @_combine_body(%arg0: i32, %arg1: memref<1000x128xf32, #tpu.memory_space<vmem>>, %arg2: memref<1000x64xbf16, #tpu.memory_space<vmem>>, %arg3: memref<1000x64xbf16, #tpu.memory_space<vmem>>, %arg4: memref<1000x64xbf16, #tpu.memory_space<vmem>>, %arg5: memref<1000x64xbf16, #tpu.memory_space<vmem>>, %arg6: memref<1000x64xbf16, #tpu.memory_space<vmem>>, %arg7: memref<1000x64xbf16, #tpu.memory_space<vmem>>, %arg8: memref<1000x64xbf16, #tpu.memory_space<vmem>>, %arg9: memref<1000x64xbf16, #tpu.memory_space<vmem>>, %arg10: memref<2x4x1000x8xf32, #tpu.memory_space<vmem>>, %arg11: memref<4x128x128xf32, #tpu.memory_space<vmem>>, %arg12: memref<1000x8xf32, #tpu.memory_space<vmem>>, %arg13: memref<128x128xf32, #tpu.memory_space<vmem>>, %arg14: memref<1x128xf32, #tpu.memory_space<vmem>>, %arg15: memref<1000x64xbf16, #tpu.memory_space<vmem>>, %arg16: memref<1000x64xbf16, #tpu.memory_space<vmem>>, %arg17: memref<1000x128xf32, #tpu.memory_space<vmem>>) attributes {dimension_semantics = [#tpu.dimension_semantics<arbitrary>], iteration_bounds = array<i64: 10>, scalar_prefetch = 0 : i64, scratch_operands = 0 : i64, tpu.core_type = #tpu.core_type<tc>, window_params = [{transform_indices = @transform_0, window_bounds = array<i64: 1000, 128>}, {transform_indices = @transform_1, window_bounds = array<i64: 1000, 64>}, {transform_indices = @transform_2, window_bounds = array<i64: 1000, 64>}, {transform_indices = @transform_3, window_bounds = array<i64: 1000, 64>}, {transform_indices = @transform_4, window_bounds = array<i64: 1000, 64>}, {transform_indices = @transform_5, window_bounds = array<i64: 1000, 64>}, {transform_indices = @transform_6, window_bounds = array<i64: 1000, 64>}, {transform_indices = @transform_7, window_bounds = array<i64: 1000, 64>}, {transform_indices = @transform_8, window_bounds = array<i64: 1000, 64>}, {transform_indices = @transform_9, window_bounds = array<i64: 2, 4, 1000, 8>}, {pipeline_mode = #tpu.pipeline_mode<synchronous>, transform_indices = @transform_10, window_bounds = array<i64: 4, 128, 128>}, {transform_indices = @transform_11, window_bounds = array<i64: 1000, 8>}, {pipeline_mode = #tpu.pipeline_mode<synchronous>, transform_indices = @transform_12, window_bounds = array<i64: 128, 128>}, {pipeline_mode = #tpu.pipeline_mode<synchronous>, transform_indices = @transform_13, window_bounds = array<i64: 1, 128>}, {transform_indices = @transform_14, window_bounds = array<i64: 1000, 64>}, {transform_indices = @transform_15, window_bounds = array<i64: 1000, 64>}, {transform_indices = @transform_16, window_bounds = array<i64: 1000, 128>}]} {
    %get3A = arith.constant 0 : index
    %get3A_0 = arith.constant 0 : index
    %get3A_1 = vector.load %arg1[%get3A, %get3A_0] : memref<1000x128xf32, #tpu.memory_space<vmem>>, vector<1000x128xf32>
    %get3A_2 = arith.constant 0 : index
    %get3A_3 = arith.constant 0 : index
    %get3A_4 = arith.constant 0 : index
    %get3A_5 = vector.load %arg11[%get3A_2, %get3A_3, %get3A_4] : memref<4x128x128xf32, #tpu.memory_space<vmem>>, vector<4x128x128xf32>
    %get3A_6 = arith.constant 0 : index
    %get3A_7 = arith.constant 0 : index
    %get3A_8 = arith.constant 0 : index
    %get3A_9 = arith.constant 0 : index
    %get3A_10 = vector.load %arg10[%get3A_6, %get3A_7, %get3A_8, %get3A_9] : memref<2x4x1000x8xf32, #tpu.memory_space<vmem>>, vector<2x4x1000x8xf32>
    %get3A_11 = arith.constant 0 : index
    %get3A_12 = arith.constant 0 : index
    %get3A_13 = vector.load %arg2[%get3A_11, %get3A_12] : memref<1000x64xbf16, #tpu.memory_space<vmem>>, vector<1000x64xbf16>
    %get3A_14 = arith.constant 0 : index
    %get3A_15 = arith.constant 0 : index
    %get3A_16 = vector.load %arg6[%get3A_14, %get3A_15] : memref<1000x64xbf16, #tpu.memory_space<vmem>>, vector<1000x64xbf16>
    %concatenate3A = tpu.concatenate %get3A_13, %get3A_16 in 1 : vector<1000x64xbf16>, vector<1000x64xbf16> -> vector<1000x128xbf16>
    %convert_element_type3A = arith.extf %concatenate3A : vector<1000x128xbf16> to vector<1000x128xf32>
    %slice3A = vector.extract_strided_slice %get3A_5 {offsets = [0, 0, 0], sizes = [1, 128, 128], strides = [1, 1, 1]} : vector<4x128x128xf32> to vector<1x128x128xf32>
    %squeeze3A = vector.shape_cast %slice3A : vector<1x128x128xf32> to vector<128x128xf32>
    %dot_general3A = arith.constant dense<0.000000e+00> : vector<1000x128xf32>
    %dot_general3A_17 = tpu.matmul %convert_element_type3A, %squeeze3A, %dot_general3A {dimension_numbers = #tpu.dot_dimension_numbers<[1], [0], [0], [1], [0, 0, 1, 1], [], []>, transpose_lhs_hint = false} : vector<1000x128xf32>, vector<128x128xf32>, vector<1000x128xf32> -> vector<1000x128xf32>
    %slice3A_18 = vector.extract_strided_slice %get3A_10 {offsets = [0, 0, 0, 0], sizes = [1, 1, 1000, 1], strides = [1, 1, 1, 1]} : vector<2x4x1000x8xf32> to vector<1x1x1000x1xf32>
    %squeeze3A_19 = vector.shape_cast %slice3A_18 : vector<1x1x1000x1xf32> to vector<1000x1xf32>
    %slice3A_20 = vector.extract_strided_slice %get3A_10 {offsets = [1, 0, 0, 0], sizes = [1, 1, 1000, 1], strides = [1, 1, 1, 1]} : vector<2x4x1000x8xf32> to vector<1x1x1000x1xf32>
    %squeeze3A_21 = vector.shape_cast %slice3A_20 : vector<1x1x1000x1xf32> to vector<1000x1xf32>
    %add3A = arith.addf %squeeze3A_19, %squeeze3A_21 : vector<1000x1xf32>
    %max3A = arith.constant 1.000000e+00 : f32
    %max3A_22 = vector.broadcast %max3A : f32 to vector<1000x1xf32>
    %max3A_23 = arith.maximumf %add3A, %max3A_22 : vector<1000x1xf32>
    %div3A = arith.constant 1.000000e+00 : f32
    %div3A_24 = vector.broadcast %div3A : f32 to vector<1000x1xf32>
    %div3A_25 = arith.divf %div3A_24, %max3A_23 : vector<1000x1xf32>
    %mul3A = vector.broadcast %div3A_25 : vector<1000x1xf32> to vector<1000x128xf32>
    %mul3A_26 = arith.mulf %dot_general3A_17, %mul3A : vector<1000x128xf32>
    %add3A_27 = arith.addf %get3A_1, %mul3A_26 : vector<1000x128xf32>
    %get3A_28 = arith.constant 0 : index
    %get3A_29 = arith.constant 0 : index
    %get3A_30 = vector.load %arg3[%get3A_28, %get3A_29] : memref<1000x64xbf16, #tpu.memory_space<vmem>>, vector<1000x64xbf16>
    %get3A_31 = arith.constant 0 : index
    %get3A_32 = arith.constant 0 : index
    %get3A_33 = vector.load %arg7[%get3A_31, %get3A_32] : memref<1000x64xbf16, #tpu.memory_space<vmem>>, vector<1000x64xbf16>
    %concatenate3A_34 = tpu.concatenate %get3A_30, %get3A_33 in 1 : vector<1000x64xbf16>, vector<1000x64xbf16> -> vector<1000x128xbf16>
    %convert_element_type3A_35 = arith.extf %concatenate3A_34 : vector<1000x128xbf16> to vector<1000x128xf32>
    %slice3A_36 = vector.extract_strided_slice %get3A_5 {offsets = [1, 0, 0], sizes = [1, 128, 128], strides = [1, 1, 1]} : vector<4x128x128xf32> to vector<1x128x128xf32>
    %squeeze3A_37 = vector.shape_cast %slice3A_36 : vector<1x128x128xf32> to vector<128x128xf32>
    %dot_general3A_38 = arith.constant dense<0.000000e+00> : vector<1000x128xf32>
    %dot_general3A_39 = tpu.matmul %convert_element_type3A_35, %squeeze3A_37, %dot_general3A_38 {dimension_numbers = #tpu.dot_dimension_numbers<[1], [0], [0], [1], [0, 0, 1, 1], [], []>, transpose_lhs_hint = false} : vector<1000x128xf32>, vector<128x128xf32>, vector<1000x128xf32> -> vector<1000x128xf32>
    %slice3A_40 = vector.extract_strided_slice %get3A_10 {offsets = [0, 1, 0, 0], sizes = [1, 1, 1000, 1], strides = [1, 1, 1, 1]} : vector<2x4x1000x8xf32> to vector<1x1x1000x1xf32>
    %squeeze3A_41 = vector.shape_cast %slice3A_40 : vector<1x1x1000x1xf32> to vector<1000x1xf32>
    %slice3A_42 = vector.extract_strided_slice %get3A_10 {offsets = [1, 1, 0, 0], sizes = [1, 1, 1000, 1], strides = [1, 1, 1, 1]} : vector<2x4x1000x8xf32> to vector<1x1x1000x1xf32>
    %squeeze3A_43 = vector.shape_cast %slice3A_42 : vector<1x1x1000x1xf32> to vector<1000x1xf32>
    %add3A_44 = arith.addf %squeeze3A_41, %squeeze3A_43 : vector<1000x1xf32>
    %max3A_45 = arith.constant 1.000000e+00 : f32
    %max3A_46 = vector.broadcast %max3A_45 : f32 to vector<1000x1xf32>
    %max3A_47 = arith.maximumf %add3A_44, %max3A_46 : vector<1000x1xf32>
    %div3A_48 = arith.constant 1.000000e+00 : f32
    %div3A_49 = vector.broadcast %div3A_48 : f32 to vector<1000x1xf32>
    %div3A_50 = arith.divf %div3A_49, %max3A_47 : vector<1000x1xf32>
    %mul3A_51 = vector.broadcast %div3A_50 : vector<1000x1xf32> to vector<1000x128xf32>
    %mul3A_52 = arith.mulf %dot_general3A_39, %mul3A_51 : vector<1000x128xf32>
    %add3A_53 = arith.addf %add3A_27, %mul3A_52 : vector<1000x128xf32>
    %get3A_54 = arith.constant 0 : index
    %get3A_55 = arith.constant 0 : index
    %get3A_56 = vector.load %arg4[%get3A_54, %get3A_55] : memref<1000x64xbf16, #tpu.memory_space<vmem>>, vector<1000x64xbf16>
    %get3A_57 = arith.constant 0 : index
    %get3A_58 = arith.constant 0 : index
    %get3A_59 = vector.load %arg8[%get3A_57, %get3A_58] : memref<1000x64xbf16, #tpu.memory_space<vmem>>, vector<1000x64xbf16>
    %concatenate3A_60 = tpu.concatenate %get3A_56, %get3A_59 in 1 : vector<1000x64xbf16>, vector<1000x64xbf16> -> vector<1000x128xbf16>
    %convert_element_type3A_61 = arith.extf %concatenate3A_60 : vector<1000x128xbf16> to vector<1000x128xf32>
    %slice3A_62 = vector.extract_strided_slice %get3A_5 {offsets = [2, 0, 0], sizes = [1, 128, 128], strides = [1, 1, 1]} : vector<4x128x128xf32> to vector<1x128x128xf32>
    %squeeze3A_63 = vector.shape_cast %slice3A_62 : vector<1x128x128xf32> to vector<128x128xf32>
    %dot_general3A_64 = arith.constant dense<0.000000e+00> : vector<1000x128xf32>
    %dot_general3A_65 = tpu.matmul %convert_element_type3A_61, %squeeze3A_63, %dot_general3A_64 {dimension_numbers = #tpu.dot_dimension_numbers<[1], [0], [0], [1], [0, 0, 1, 1], [], []>, transpose_lhs_hint = false} : vector<1000x128xf32>, vector<128x128xf32>, vector<1000x128xf32> -> vector<1000x128xf32>
    %slice3A_66 = vector.extract_strided_slice %get3A_10 {offsets = [0, 2, 0, 0], sizes = [1, 1, 1000, 1], strides = [1, 1, 1, 1]} : vector<2x4x1000x8xf32> to vector<1x1x1000x1xf32>
    %squeeze3A_67 = vector.shape_cast %slice3A_66 : vector<1x1x1000x1xf32> to vector<1000x1xf32>
    %slice3A_68 = vector.extract_strided_slice %get3A_10 {offsets = [1, 2, 0, 0], sizes = [1, 1, 1000, 1], strides = [1, 1, 1, 1]} : vector<2x4x1000x8xf32> to vector<1x1x1000x1xf32>
    %squeeze3A_69 = vector.shape_cast %slice3A_68 : vector<1x1x1000x1xf32> to vector<1000x1xf32>
    %add3A_70 = arith.addf %squeeze3A_67, %squeeze3A_69 : vector<1000x1xf32>
    %max3A_71 = arith.constant 1.000000e+00 : f32
    %max3A_72 = vector.broadcast %max3A_71 : f32 to vector<1000x1xf32>
    %max3A_73 = arith.maximumf %add3A_70, %max3A_72 : vector<1000x1xf32>
    %div3A_74 = arith.constant 1.000000e+00 : f32
    %div3A_75 = vector.broadcast %div3A_74 : f32 to vector<1000x1xf32>
    %div3A_76 = arith.divf %div3A_75, %max3A_73 : vector<1000x1xf32>
    %mul3A_77 = vector.broadcast %div3A_76 : vector<1000x1xf32> to vector<1000x128xf32>
    %mul3A_78 = arith.mulf %dot_general3A_65, %mul3A_77 : vector<1000x128xf32>
    %add3A_79 = arith.addf %add3A_53, %mul3A_78 : vector<1000x128xf32>
    %get3A_80 = arith.constant 0 : index
    %get3A_81 = arith.constant 0 : index
    %get3A_82 = vector.load %arg5[%get3A_80, %get3A_81] : memref<1000x64xbf16, #tpu.memory_space<vmem>>, vector<1000x64xbf16>
    %get3A_83 = arith.constant 0 : index
    %get3A_84 = arith.constant 0 : index
    %get3A_85 = vector.load %arg9[%get3A_83, %get3A_84] : memref<1000x64xbf16, #tpu.memory_space<vmem>>, vector<1000x64xbf16>
    %concatenate3A_86 = tpu.concatenate %get3A_82, %get3A_85 in 1 : vector<1000x64xbf16>, vector<1000x64xbf16> -> vector<1000x128xbf16>
    %convert_element_type3A_87 = arith.extf %concatenate3A_86 : vector<1000x128xbf16> to vector<1000x128xf32>
    %slice3A_88 = vector.extract_strided_slice %get3A_5 {offsets = [3, 0, 0], sizes = [1, 128, 128], strides = [1, 1, 1]} : vector<4x128x128xf32> to vector<1x128x128xf32>
    %squeeze3A_89 = vector.shape_cast %slice3A_88 : vector<1x128x128xf32> to vector<128x128xf32>
    %dot_general3A_90 = arith.constant dense<0.000000e+00> : vector<1000x128xf32>
    %dot_general3A_91 = tpu.matmul %convert_element_type3A_87, %squeeze3A_89, %dot_general3A_90 {dimension_numbers = #tpu.dot_dimension_numbers<[1], [0], [0], [1], [0, 0, 1, 1], [], []>, transpose_lhs_hint = false} : vector<1000x128xf32>, vector<128x128xf32>, vector<1000x128xf32> -> vector<1000x128xf32>
    %slice3A_92 = vector.extract_strided_slice %get3A_10 {offsets = [0, 3, 0, 0], sizes = [1, 1, 1000, 1], strides = [1, 1, 1, 1]} : vector<2x4x1000x8xf32> to vector<1x1x1000x1xf32>
    %squeeze3A_93 = vector.shape_cast %slice3A_92 : vector<1x1x1000x1xf32> to vector<1000x1xf32>
    %slice3A_94 = vector.extract_strided_slice %get3A_10 {offsets = [1, 3, 0, 0], sizes = [1, 1, 1000, 1], strides = [1, 1, 1, 1]} : vector<2x4x1000x8xf32> to vector<1x1x1000x1xf32>
    %squeeze3A_95 = vector.shape_cast %slice3A_94 : vector<1x1x1000x1xf32> to vector<1000x1xf32>
    %add3A_96 = arith.addf %squeeze3A_93, %squeeze3A_95 : vector<1000x1xf32>
    %max3A_97 = arith.constant 1.000000e+00 : f32
    %max3A_98 = vector.broadcast %max3A_97 : f32 to vector<1000x1xf32>
    %max3A_99 = arith.maximumf %add3A_96, %max3A_98 : vector<1000x1xf32>
    %div3A_100 = arith.constant 1.000000e+00 : f32
    %div3A_101 = vector.broadcast %div3A_100 : f32 to vector<1000x1xf32>
    %div3A_102 = arith.divf %div3A_101, %max3A_99 : vector<1000x1xf32>
    %mul3A_103 = vector.broadcast %div3A_102 : vector<1000x1xf32> to vector<1000x128xf32>
    %mul3A_104 = arith.mulf %dot_general3A_91, %mul3A_103 : vector<1000x128xf32>
    %add3A_105 = arith.addf %add3A_79, %mul3A_104 : vector<1000x128xf32>
    %max3A_106 = arith.constant 0.000000e+00 : f32
    %max3A_107 = vector.broadcast %max3A_106 : f32 to vector<1000x128xf32>
    %max3A_108 = arith.maximumf %add3A_105, %max3A_107 : vector<1000x128xf32>
    %convert_element_type3A_109 = arith.truncf %max3A_108 : vector<1000x128xf32> to vector<1000x128xbf16>
    %slice3A_110 = vector.extract_strided_slice %convert_element_type3A_109 {offsets = [0, 0], sizes = [1000, 64], strides = [1, 1]} : vector<1000x128xbf16> to vector<1000x64xbf16>
    %swap3A = arith.constant 0 : index
    %swap3A_111 = arith.constant 0 : index
    %swap3A_112 = vector.load %arg15[%swap3A, %swap3A_111] : memref<1000x64xbf16, #tpu.memory_space<vmem>>, vector<1000x64xbf16>
    tpu.vector_store %arg15[%swap3A, %swap3A_111], %slice3A_110 {strides = array<i32>} : memref<1000x64xbf16, #tpu.memory_space<vmem>>, vector<1000x64xbf16>,
    %slice3A_113 = vector.extract_strided_slice %convert_element_type3A_109 {offsets = [0, 64], sizes = [1000, 64], strides = [1, 1]} : vector<1000x128xbf16> to vector<1000x64xbf16>
    %swap3A_114 = arith.constant 0 : index
    %swap3A_115 = arith.constant 0 : index
    %swap3A_116 = vector.load %arg16[%swap3A_114, %swap3A_115] : memref<1000x64xbf16, #tpu.memory_space<vmem>>, vector<1000x64xbf16>
    tpu.vector_store %arg16[%swap3A_114, %swap3A_115], %slice3A_113 {strides = array<i32>} : memref<1000x64xbf16, #tpu.memory_space<vmem>>, vector<1000x64xbf16>,
    %get3A_117 = arith.constant 0 : index
    %get3A_118 = arith.constant 0 : index
    %get3A_119 = vector.load %arg12[%get3A_117, %get3A_118] : memref<1000x8xf32, #tpu.memory_space<vmem>>, vector<1000x1xf32>
    %mul3A_120 = vector.broadcast %get3A_119 : vector<1000x1xf32> to vector<1000x128xf32>
    %mul3A_121 = arith.mulf %max3A_108, %mul3A_120 : vector<1000x128xf32>
    %get3A_122 = arith.constant 0 : index
    %get3A_123 = arith.constant 0 : index
    %get3A_124 = vector.load %arg13[%get3A_122, %get3A_123] : memref<128x128xf32, #tpu.memory_space<vmem>>, vector<128x128xf32>
    %dot_general3A_125 = arith.constant dense<0.000000e+00> : vector<1000x128xf32>
    %dot_general3A_126 = tpu.matmul %mul3A_121, %get3A_124, %dot_general3A_125 {dimension_numbers = #tpu.dot_dimension_numbers<[1], [0], [0], [1], [0, 0, 1, 1], [], []>, transpose_lhs_hint = false} : vector<1000x128xf32>, vector<128x128xf32>, vector<1000x128xf32> -> vector<1000x128xf32>
    %get3A_127 = arith.constant 0 : index
    %get3A_128 = arith.constant 0 : index
    %get3A_129 = vector.load %arg14[%get3A_127, %get3A_128] : memref<1x128xf32, #tpu.memory_space<vmem>>, vector<1x128xf32>
    %add3A_130 = vector.broadcast %get3A_129 : vector<1x128xf32> to vector<1000x128xf32>
    %add3A_131 = arith.addf %dot_general3A_126, %add3A_130 : vector<1000x128xf32>
    %swap3A_132 = arith.constant 0 : index
    %swap3A_133 = arith.constant 0 : index
    %swap3A_134 = vector.load %arg17[%swap3A_132, %swap3A_133] : memref<1000x128xf32, #tpu.memory_space<vmem>>, vector<1000x128xf32>
    tpu.vector_store %arg17[%swap3A_132, %swap3A_133], %add3A_131 {strides = array<i32>} : memref<1000x128xf32, #tpu.memory_space<vmem>>, vector<1000x128xf32>,
    return
  }
  func.func @transform_0(%arg0: i32) -> (i32, i32) {
    %c0_i32 = arith.constant 0 : i32
    %c0_i32_0 = arith.constant 0 : i32
    return %arg0, %c0_i32 : i32, i32
  }
  func.func @transform_1(%arg0: i32) -> (i32, i32) {
    %add3A = arith.constant 0 : i32
    %add3A_0 = arith.addi %add3A, %arg0 : i32
    %c0_i32 = arith.constant 0 : i32
    %c0_i32_1 = arith.constant 0 : i32
    return %add3A_0, %c0_i32 : i32, i32
  }
  func.func @transform_2(%arg0: i32) -> (i32, i32) {
    %add3A = arith.constant 10 : i32
    %add3A_0 = arith.addi %add3A, %arg0 : i32
    %c0_i32 = arith.constant 0 : i32
    %c0_i32_1 = arith.constant 0 : i32
    return %add3A_0, %c0_i32 : i32, i32
  }
  func.func @transform_3(%arg0: i32) -> (i32, i32) {
    %add3A = arith.constant 20 : i32
    %add3A_0 = arith.addi %add3A, %arg0 : i32
    %c0_i32 = arith.constant 0 : i32
    %c0_i32_1 = arith.constant 0 : i32
    return %add3A_0, %c0_i32 : i32, i32
  }
  func.func @transform_4(%arg0: i32) -> (i32, i32) {
    %add3A = arith.constant 30 : i32
    %add3A_0 = arith.addi %add3A, %arg0 : i32
    %c0_i32 = arith.constant 0 : i32
    %c0_i32_1 = arith.constant 0 : i32
    return %add3A_0, %c0_i32 : i32, i32
  }
  func.func @transform_5(%arg0: i32) -> (i32, i32) {
    %add3A = arith.constant 0 : i32
    %add3A_0 = arith.addi %add3A, %arg0 : i32
    %c0_i32 = arith.constant 0 : i32
    %c0_i32_1 = arith.constant 0 : i32
    return %add3A_0, %c0_i32 : i32, i32
  }
  func.func @transform_6(%arg0: i32) -> (i32, i32) {
    %add3A = arith.constant 10 : i32
    %add3A_0 = arith.addi %add3A, %arg0 : i32
    %c0_i32 = arith.constant 0 : i32
    %c0_i32_1 = arith.constant 0 : i32
    return %add3A_0, %c0_i32 : i32, i32
  }
  func.func @transform_7(%arg0: i32) -> (i32, i32) {
    %add3A = arith.constant 20 : i32
    %add3A_0 = arith.addi %add3A, %arg0 : i32
    %c0_i32 = arith.constant 0 : i32
    %c0_i32_1 = arith.constant 0 : i32
    return %add3A_0, %c0_i32 : i32, i32
  }
  func.func @transform_8(%arg0: i32) -> (i32, i32) {
    %add3A = arith.constant 30 : i32
    %add3A_0 = arith.addi %add3A, %arg0 : i32
    %c0_i32 = arith.constant 0 : i32
    %c0_i32_1 = arith.constant 0 : i32
    return %add3A_0, %c0_i32 : i32, i32
  }
  func.func @transform_9(%arg0: i32) -> (i32, i32, i32, i32) {
    %c0_i32 = arith.constant 0 : i32
    %c0_i32_0 = arith.constant 0 : i32
    %c0_i32_1 = arith.constant 0 : i32
    %c0_i32_2 = arith.constant 0 : i32
    return %c0_i32, %c0_i32_0, %arg0, %c0_i32_1 : i32, i32, i32, i32
  }
  func.func @transform_10(%arg0: i32) -> (i32, i32, i32) {
    %c0_i32 = arith.constant 0 : i32
    %c0_i32_0 = arith.constant 0 : i32
    %c0_i32_1 = arith.constant 0 : i32
    %c0_i32_2 = arith.constant 0 : i32
    return %c0_i32, %c0_i32_0, %c0_i32_1 : i32, i32, i32
  }
  func.func @transform_11(%arg0: i32) -> (i32, i32) {
    %c0_i32 = arith.constant 0 : i32
    %c0_i32_0 = arith.constant 0 : i32
    return %arg0, %c0_i32 : i32, i32
  }
  func.func @transform_12(%arg0: i32) -> (i32, i32) {
    %c0_i32 = arith.constant 0 : i32
    %c0_i32_0 = arith.constant 0 : i32
    %c0_i32_1 = arith.constant 0 : i32
    return %c0_i32, %c0_i32_0 : i32, i32
  }
  func.func @transform_13(%arg0: i32) -> (i32, i32) {
    %c0_i32 = arith.constant 0 : i32
    %c0_i32_0 = arith.constant 0 : i32
    %c0_i32_1 = arith.constant 0 : i32
    return %c0_i32, %c0_i32_0 : i32, i32
  }
  func.func @transform_14(%arg0: i32) -> (i32, i32) {
    %c0_i32 = arith.constant 0 : i32
    %c0_i32_0 = arith.constant 0 : i32
    return %arg0, %c0_i32 : i32, i32
  }
  func.func @transform_15(%arg0: i32) -> (i32, i32) {
    %c0_i32 = arith.constant 0 : i32
    %c0_i32_0 = arith.constant 0 : i32
    return %arg0, %c0_i32 : i32, i32
  }
  func.func @transform_16(%arg0: i32) -> (i32, i32) {
    %c0_i32 = arith.constant 0 : i32
    %c0_i32_0 = arith.constant 0 : i32
    return %arg0, %c0_i32 : i32, i32
  }
}

</mosaic_0001>

<sc_bundles>
// kernel: kernel.11.cloned.1.call-start
scs
__scs_entry_jumppad:
0x0: {  	(pc) =	sbr.rel $0x88, $3  }
0x1: {  	(tag) =	ssettag $0x0;
	lr =	simm.s32 $0x1  }
0x2: {  	[smem:$0x3F93] =	sst lr;
	_ =	strace $0xD0000000  }
0x3: {  	_ = 	snop  }
0x4: {  	_ = 	snop  }
0x5: {  	_ = 	snop  }
0x6: {  	_ = 	snop  }
0x7: {  	_ = 	snop  }
__scs_overlays_trampoline_lowered:
0x8: {  	[smem:$0x3FA2] =	sst s0  }
0x9: {  	[smem:$0x3FA3] =	sst s1  }
0xa: {  	[smem:$0x3FA4] =	sst s2  }
0xb: {  	[smem:$0x3FA5] =	sst s3  }
0xc: {  	[smem:$0x3FA6] =	sst s4  }
0xd: {  	[smem:$0x3FA7] =	sst s5  }
0xe: {  	[smem:$0x3FA8] =	sst s6  }
0xf: {  	[smem:$0x3FA9] =	sst s7  }
0x10: {  	[smem:$0x3FAA] =	sst s8  }
0x11: {  	[smem:$0x3FAB] =	sst s9;
	s0 =	simm.s32 @!p0 $0x0  }
0x12: {  	s1 =	sld [smem:$0x3F91];
	s0 =	simm.s32 @p0 $0x1  }
0x13: {  	[smem:$0x3FAC] =	sst s0;
	s0 =	simm.s32 @!p1 $0x0  }
0x14: {  	s2 =	sld [smem:$0x3F90];
	s0 =	simm.s32 @p1 $0x1  }
0x15: {  	[smem:$0x3FAD] =	sst s0;
	s0 =	simm.s32 @!p2 $0x0  }
0x16: {  	s3 =	sld [smem:$0x3FDB];
	s0 =	simm.s32 @p2 $0x1  }
0x17: {  	s4 =	simm.s32 $0x1BF5;
	[smem:$0x3FAF] =	sst s0  }
0x18: {  	s0 =	sld [smem:$0x3F92];
	_ =	swait.ge [sflag:s4], $0x0  }
0x19: {  	s7 =	sld [smem:$0x3F93]  }
0x1a: {  	s8 =	sadd.s32 $0xFFFFE003, lr  }
0x1b: {  	s9 =	sadd.s32 $0xFFFFFEF7, lr;
	s5 =	simm.s32 $0xFFFFFFFF;
	p2 =	slt.u32 s8, $0xFFFFF086  }
0x1c: {  	p1 =	slt.u32 s9, $0xF7A;
	s5 =	simm.s32 @!p2 $0x0  }
0x1d: {  	s5 =	simm.s32 @p1 $0x1;
	p0 =	seq.s32 s7, s2  }
0x1e: {  	s7 =	smul.u32 @!p0 $0xF7A, s2;
	p2 =	seq.s32 @!p0 s5, $0x0  }
0x1f: {  	s9 =	smul.u32 $0xF7A, s1;
	s8 =	simm.s32 @!p0 $0x1BF5;
	p2 =	por !p2, p0  }
0x20: {  	[sflag:s8] =	ssyncset.s32 @!p0 $0xFFFFF086;
	s6 =	sadd.s32 @!p0 s3, s7;
	s7 =	simm.s32 @!p0 $0x108  }
0x21: {  	s3 =	sadd.s32 s3, s9;
	s6 =	sadd.s32 @!p0 $0x88, s6;
	s7 =	simm.s32 @p2 $0x1082  }
0x22: {  	[simem:s7], [sflag:s8] =	dma.local @!p0 [hbm:s6], $0xF7A  }
0x23: {  	s9 =	sor.u32 $0xD0000000, s2;
	s6 =	simm.s32 $0x108;
	_ =	swait.ge @!p0 [sflag:s8], $0x0  }
0x24: {  	s3 =	sadd.s32 $0x88, s3;
	s6 =	simm.s32 @!p1 $0x1082;
	[sflag:s4] =	ssyncset.s32 $0xFFFFF086  }
0x25: {  	[simem:s6], [sflag:s4] =	dma.local [hbm:s3], $0xF7A  }
0x26: {  	[smem:$0x3F93] =	sst s1;
	(tag) =	ssettag s2;
	_ =	strace s9  }
0x27: {  	s1 =	sld [smem:$0x3FA3]  }
0x28: {  	s2 =	sld [smem:$0x3FA4]  }
0x29: {  	s4 =	sld [smem:$0x3FA6]  }
0x2a: {  	p0 =	seq.s32 s5, $0x0;
	s5 =	sld [smem:$0x3FA7]  }
0x2b: {  	s6 =	sld [smem:$0x3FA8]  }
0x2c: {  	s7 =	sld [smem:$0x3FA9]  }
0x2d: {  	s3 =	simm.s32 $0x108;
	s8 =	sld [smem:$0x3FAA]  }
0x2e: {  	s3 =	simm.s32 @!p0 $0x1082;
	s9 =	sld [smem:$0x3FAB]  }
0x2f: {  	lr =	sadd.s32 s0, s3;
	s0 =	sld [smem:$0x3FA2]  }
0x30: {  	s3 =	sld [smem:$0x3FA5]  }
0x31: {  	[smem:$0x3FAE] =	sst s10  }
0x32: {  	s10 =	sld [smem:$0x3FAC];
	_ =	sdelay $0x3  }
0x33: {  	p0 =	seq.s32 s10, $0x1;
	s10 =	sld [smem:$0x3FAE];
	_ =	sdelay $0x3  }
0x34: {  	[smem:$0x3FAE] =	sst s10  }
0x35: {  	s10 =	sld [smem:$0x3FAD];
	_ =	sdelay $0x3  }
0x36: {  	p1 =	seq.s32 s10, $0x1;
	s10 =	sld [smem:$0x3FAE];
	_ =	sdelay $0x3  }
0x37: {  	[smem:$0x3FAE] =	sst s10  }
0x38: {  	s10 =	sld [smem:$0x3FAF]  }
0x39: {  	_ = 	snop;
	(pc) =	sbr.ind lr, $3  }
0x3a: {  	_ = 	snop  }
0x3b: {  	_ = 	snop  }
0x3c: {  	p2 =	seq.s32 s10, $0x1;
	s10 =	sld [smem:$0x3FAE]  }
0x3d: {  	_ =	shalt  }
0x3e: {  	_ =	shalt  }
0x3f: {  	_ =	shalt  }
0x40: {  	_ =	shalt  }
0x41: {  	_ =	shalt  }
0x42: {  	_ =	shalt  }
0x43: {  	_ =	shalt  }
0x44: {  	_ =	shalt  }
0x45: {  	_ =	shalt  }
0x46: {  	_ =	shalt  }
0x47: {  	_ =	shalt  }
0x48: {  	_ =	shalt  }
0x49: {  	_ =	shalt  }
0x4a: {  	_ =	shalt  }
0x4b: {  	_ =	shalt  }
0x4c: {  	_ =	shalt  }
0x4d: {  	_ =	shalt  }
0x4e: {  	_ =	shalt  }
0x4f: {  	_ =	shalt  }
0x50: {  	_ =	shalt  }
0x51: {  	_ =	shalt  }
0x52: {  	_ =	shalt  }
0x53: {  	_ =	shalt  }
0x54: {  	_ =	shalt  }
0x55: {  	_ =	shalt  }
0x56: {  	_ =	shalt  }
0x57: {  	_ =	shalt  }
0x58: {  	_ =	shalt  }
0x59: {  	_ =	shalt  }
0x5a: {  	_ =	shalt  }
0x5b: {  	_ =	shalt  }
0x5c: {  	_ =	shalt  }
0x5d: {  	_ =	shalt  }
0x5e: {  	_ =	shalt  }
0x5f: {  	_ =	shalt  }
0x60: {  	_ =	shalt  }
0x61: {  	_ =	shalt  }
0x62: {  	_ =	shalt  }
0x63: {  	_ =	shalt  }
0x64: {  	_ =	shalt  }
0x65: {  	_ =	shalt  }
0x66: {  	_ =	shalt  }
0x67: {  	_ =	shalt  }
0x68: {  	_ =	shalt  }
0x69: {  	_ =	shalt  }
0x6a: {  	_ =	shalt  }
0x6b: {  	_ =	shalt  }
0x6c: {  	_ =	shalt  }
0x6d: {  	_ =	shalt  }
0x6e: {  	_ =	shalt  }
0x6f: {  	_ =	shalt  }
0x70: {  	_ =	shalt  }
0x71: {  	_ =	shalt  }
0x72: {  	_ =	shalt  }
0x73: {  	_ =	shalt  }
0x74: {  	_ =	shalt  }
0x75: {  	_ =	shalt  }
0x76: {  	_ =	shalt  }
0x77: {  	_ =	shalt  }
0x78: {  	_ =	shalt  }
0x79: {  	_ =	shalt  }
0x7a: {  	_ =	shalt  }
0x7b: {  	_ =	shalt  }
0x7c: {  	_ =	shalt  }
0x7d: {  	_ =	shalt  }
0x7e: {  	_ =	shalt  }
0x7f: {  	_ =	shalt  }
0x80: {  	_ =	shalt  }
0x81: {  	_ =	shalt  }
0x82: {  	_ =	shalt  }
0x83: {  	_ =	shalt  }
0x84: {  	_ =	shalt  }
0x85: {  	_ =	shalt  }
0x86: {  	_ =	shalt  }
0x87: {  	_ =	shalt  }
.Lfunc_end0:
.L_simem_size_0:
called_computation.1_lowered:
.L_overlay_start_0:
0x88: {  	s2 =	sld [smem:$0x3FD9]  }
0x89: {  	s3 =	sld [smem:$0x3FFE];
	_ =	sdelay $0x1  }
0x8a: {  	s1 =	srdreg.scid  }
0x8b: {  	s0 =	sand.u32 $0x1, s1  }
0x8c: {  	s17 =	sshll.u32 s0, $0xA;
	s2 =	sadd.s32 s3, s2  }
0x8d: {  	s2 =	sadd.s32 s2, s17  }
0x8e: {  	[smem:$0x3FBA] =	sst s2  }
0x8f: {  	_ = 	snop  }
0x90: {  	s2 =	sld [smem:$0x3FD0];
	(tm) =	ssettm $0x1  }
0x91: {  	s18 =	sld [smem:$0x3FFB];
	_ =	sdelay $0x3  }
0x92: {  	_ =	strace s18  }
0x93: {  	s3 =	sld [smem:$0x3FFC];
	_ =	sdelay $0x3  }
0x94: {  	_ =	strace s3  }
0x95: {  	s3 =	sld [smem:$0x3FFD];
	_ =	sdelay $0x3  }
0x96: {  	_ =	strace s3  }
0x97: {  	_ =	strace $0x8FFFFFFF  }
0x98: {  	s19 =	sld [smem:$0x3FDB];
	_ =	sdelay $0x1  }
0x99: {  	s4 =	simm.s32 $_scs_section_size  }
0x9a: {  	s5 =	simm.s32 $_size__tile_overlayer_lowered;
	s6 =	simm.s32 $_tile_overlayer_lowered  }
0x9b: {  	s22 =	simm.s32 $0x1BFF;
	s21 =	sshll.u32 s6, $0x1;
	s3 =	sadd.s32 s4, s19  }
0x9c: {  	s7 =	simm.s32 $0x0;
	s20 =	sshll.u32 s5, $0x1;
	s5 =	sadd.s32 s21, s3  }
0x9d: {  	[timem:s7], [sflag:s22] =	dma.local [hbm:s5], s20  }
0x9e: {  	_ =	swait.ge [sflag:s22], s20  }
0x9f: {  	s4 =	ssub.s32 $0x0, s20;
	[sflag:s22] =	ssyncset.done $0x0  }
0xa0: {  	[sflag:s22] =	ssyncadd.s32 s4;
	_ =	sdelay $0x1  }
0xa1: {  	s23 =	simm.s32 $0x1B8B  }
0xa2: {  	_ =	swait.ge [sflag:s23], $0x1  }
0xa3: {  	[sflag:s23] =	ssyncset.done $0x0  }
0xa4: {  	s25 =	simm.s32 $0x1B8E;
	s24 =	sld [smem:$0x3FFE];
	[sflag:s23] =	ssyncadd.s32 $0xFFFFFFFF  }
0xa5: {  	s26 =	simm.s32 $execute0_lowered;
	[smem:$0x3FD2] =	sst s25  }
0xa6: {  	s5 =	sshll.u32 s26, $0x1;
	_ =	strace $0x80000046;
	[dreg:$0x1] =	wrdreg $0xFFFFFFFF  }
0xa7: {  	s28 =	simm.s32 $_size_execute0_lowered;
	s3 =	sadd.s32 s3, s5;
	[dreg:$0x0] =	wrdreg $0x0  }
0xa8: {  	s5 =	sshll.u32 s28, $0x1;
	[dreg:$0x2] =	wrdreg s3  }
0xa9: {  	[dreg:$0x3] =	wrdreg s5  }
0xaa: {  	[dreg:$0x4] =	wrdreg $0xC0  }
0xab: {  	_ =	task [dreg:s7], $0x5FFFF  }
0xac: {  	[dreg:$0x1] =	wrdreg $0xFFFFFFFF  }
0xad: {  	[dreg:$0x0] =	wrdreg $0x60  }
0xae: {  	[dreg:$0x2] =	wrdreg s24  }
0xaf: {  	[dreg:$0x3] =	wrdreg s2  }
0xb0: {  	[dreg:$0x4] =	wrdreg $0x0  }
0xb1: {  	[dreg:$0x5] =	wrdreg $0xA  }
0xb2: {  	_ =	task.clear_ibuf [dreg:s7], $0x6FFFF;
	_ =	strace $0x90000046  }
0xb3: {  	s29 =	simm.s32 $0xA;
	_ =	strace $0x80000048  }
0xb4: {  	_ =	swait.ge [sflag:s29], $0x1  }
0xb5: {  	[sflag:s29] =	ssyncadd.s32 $0xFFFFFFFF  }
0xb6: {  	_ =	strace $0x90000048  }
0xb7: {  	_ =	sfence  }
0xb8: {  	s30 =	sld [smem:$0x0];
	_ =	sdelay $0x2  }
0xb9: {  	s31 =	sshll.u32 s1, $0xD;
	s1 =	sshrl.u32 s1, $0x2  }
0xba: {  	s3 =	sand.u32 $0x4000, s31;
	s1 =	sadd.s32 s1, s30  }
0xbb: {  	s0 =	sor.u32 s3, s0;
	s1 =	sshll.u32 s1, $0x11  }
0xbc: {  	s0 =	sor.u32 s1, s0  }
0xbd: {  	s0 =	sadd.s32 $0x8F2B, s0  }
0xbe: {  	[sflag:s0] =	ssyncadd.remote.s32 $0x1  }
0xbf: {  	_ =	sfence.sel $0xFFFF  }
0xc0: {  	[dreg:$0x0] =	wrdreg $0xFFFFFFFF;
	(pc) =	sbr.abs _section_cstart, $3  }
0xc1: {  	[dreg:$0x1] =	wrdreg $0xFFFFFFFF  }
0xc2: {  	_ =	task.clear_ibuf [dreg:s7], $0x2FFFF;
	_ =	strace $0x9FFFFFFF  }
0xc3: {  	(tm) =	ssettm $0x7FFFFFFF  }
tec
execute0_lowered:
.L_overlay_start_1:
0x0: {  	(tag) =	ssettag $0x1  }
0x1: {  	s0 =	rddreg [dreg:$0x0]  }
0x2: {  	s3 =	rddreg [dreg:$0x2]  }
0x3: {  	s16 =	simm.s32 $0x0;
	s8 =	stileid.u32;
	s2 =	srdreg.scid  }
0x4: {  	[smem:$0x7FF] =	sst s16;
	s1 =	smul.u32 $0x1400, s8  }
0x5: {  	s5 =	sadd.s32 $0x3600, s0;
	s4 =	smul.u32 $0x50000, s8;
	s6 =	sadd.s32 $0xD400, s0  }
0x6: {  	s2 =	sand.u32 $0x1, s2;
	s7 =	sadd.s32 $0x35200, s0;
	s13 =	smul.u32 $0x27200, s8  }
0x7: {  	_ =	strace $0x80000047;
	[dreg:$0x4] =	wrdreg s7;
	s24 =	ssub.s32 $0x2, s2  }
0x8: {  	p0 =	seq.s32 s2, $0x1;
	s1 =	sadd.s32 s1, s0;
	s0 =	sadd.s32 $0x5C400, s0  }
0x9: {  	s4 =	sshrl.u32 s4, $0x2;
	s2 =	sshrl.u32 s13, $0x4;
	[dreg:$0x5] =	wrdreg s0  }
0xa: {  	s9 =	sadd.s32 s4, s3;
	[dreg:$0x13] =	wrdreg s2  }
0xb: {  	s26 =	sadd.s32 $0x1400, s9;
	[dreg:$0x6] =	wrdreg s9  }
0xc: {  	s31 =	simm.s32 $0x3;
	s4 =	sadd.s32 $0x2800, s9;
	[dreg:$0x7] =	wrdreg s26  }
0xd: {  	s28 =	simm.s32 $0x14380;
	s7 =	sadd.s32 $0x3C00, s9;
	[dreg:$0x8] =	wrdreg s4  }
0xe: {  	s29 =	simm.s32 $0x14480;
	s10 =	sadd.s32 $0x5000, s9;
	[dreg:$0x9] =	wrdreg s7  }
0xf: {  	s30 =	simm.s32 $0x0;
	s11 =	sadd.s32 $0x6400, s9;
	[dreg:$0xa] =	wrdreg s10  }
0x10: {  	s8 =	simm.s32 $0x2;
	s12 =	sadd.s32 $0x7800, s9;
	[dreg:$0xb] =	wrdreg s11  }
0x11: {  	s25 =	sshrl.u32 s24, $0x1;
	s14 =	sadd.s32 $0xA000, s9;
	[dreg:$0xc] =	wrdreg s12  }
0x12: {  	s19 =	sshrl.u32 s13, $0x1;
	s15 =	sadd.s32 $0xB400, s9;
	[dreg:$0xe] =	wrdreg s14  }
0x13: {  	s13 =	simm.s32 $0x17800;
	s17 =	sadd.s32 $0xC800, s9;
	[dreg:$0xf] =	wrdreg s15  }
0x14: {  	s0 =	ssub.s32 s24, s25;
	s18 =	sadd.s32 $0xDC00, s9;
	[dreg:$0x10] =	wrdreg s17  }
0x15: {  	s21 =	sadd.s32 s19, s3;
	s20 =	sadd.s32 $0xF000, s9;
	[dreg:$0x11] =	wrdreg s18  }
0x16: {  	s24 =	sadd.s32 $0x21200, s1;
	s0 =	smax.u32 s0, $0x1;
	[dreg:$0x12] =	wrdreg s20  }
0x17: {  	s1 =	simm.s32 $0x80;
	s22 =	sshrl.u32 s21, $0x3;
	[dreg:$0x14] =	wrdreg s0  }
0x18: {  	s2 =	simm.s32 $0x15800;
	s23 =	sadd.s32 $0x10400, s9;
	[dreg:$0x15] =	wrdreg s22  }
0x19: {  	s19 =	simm.s32 $0x1A800;
	s25 =	sadd.s32 $0x11800, s9;
	[dreg:$0x16] =	wrdreg s23  }
0x1a: {  	s21 =	simm.s32 $0x1B800;
	s4 =	sadd.s32 $0x8C00, s9;
	[dreg:$0x17] =	wrdreg s25  }
0x1b: {  	s26 =	sadd.s32 $0x12C00, s9;
	s0 =	simm.s32 $0x14000;
	s7 =	simm.s32 $0x14800  }
.Ltmp0:
0x1c: {  	s18 =	simm.s32 $0x14080;
	s14 =	simm.s32 $0x14100;
	(pc) =	sbr.rel .LBB2_1-.Ltmp0, $4  }
0x1d: {  	s11 =	simm.s32 $0x16800;
	s20 =	simm.s32 $0x14180;
	s23 =	simm.s32 $0x14200  }
0x1e: {  	s15 =	simm.s32 $0x18800;
	s25 =	simm.s32 $0x14280;
	s17 =	simm.s32 $0x19800  }
0x1f: {  	s22 =	simm.s32 $0x1;
	s9 =	simm.s32 $0x14400;
	[dreg:$0xd] =	wrdreg s4  }
0x20: {  	[dreg:$0x18] =	wrdreg s26;
	s26 =	simm.s32 $0x14300;
	s4 =	simm.s32 $0x14500  }
.LBB2_7:
0x21: {  	s10 =	sadd.s32 s10, s24;
	[sflag:s8] =	ssyncadd.s32 $0xFFFFF000  }
0x22: {  	[tilespmem:s0], [sflag:$0x3] =	stream.linear.gather [hbm4b:s10+s16], $0x800, $0x38;
	[tilespmem:$0x1DC00] =	vst v63  }
0x23: {  	_ =	swait.ge [sflag:s31], $0x800  }
0x24: {  	[sflag:s31] =	ssyncset.done $0x0  }
0x25: {  	[sflag:s31] =	ssyncadd.s32 $0xFFFFF800  }
0x26: {  	[tilespmem:s7], [sflag:$0x1] =	stream.indirect.gather [hbm4b:s6+s1], $0x20, s0, s1, $0xb8;
	[tilespmem:$0x1DC00] =	vst v63  }
0x27: {  	_ = 	snop  }
0x28: {  	[tilespmem:s2], [sflag:$0x1] =	stream.indirect.gather [hbm4b:s6+s1], $0x20, s18, s1, $0xb8;
	[tilespmem:$0x1DC00] =	vst v63  }
0x29: {  	_ = 	snop  }
0x2a: {  	[tilespmem:s11], [sflag:$0x1] =	stream.indirect.gather [hbm4b:s6+s1], $0x20, s20, s1, $0xb8;
	[tilespmem:$0x1DC00] =	vst v63  }
0x2b: {  	_ = 	snop  }
0x2c: {  	[tilespmem:s13], [sflag:$0x1] =	stream.indirect.gather [hbm4b:s6+s1], $0x20, s23, s1, $0xb8;
	[tilespmem:$0x1DC00] =	vst v63  }
0x2d: {  	_ = 	snop  }
0x2e: {  	[tilespmem:s15], [sflag:$0x1] =	stream.indirect.gather [hbm4b:s6+s1], $0x20, s25, s1, $0xb8;
	[tilespmem:$0x1DC00] =	vst v63  }
0x2f: {  	_ = 	snop  }
0x30: {  	[tilespmem:s17], [sflag:$0x1] =	stream.indirect.gather [hbm4b:s6+s1], $0x20, s26, s1, $0xb8;
	[tilespmem:$0x1DC00] =	vst v63  }
0x31: {  	_ = 	snop  }
0x32: {  	[tilespmem:s19], [sflag:$0x1] =	stream.indirect.gather [hbm4b:s6+s1], $0x20, s28, s1, $0xb8;
	[tilespmem:$0x1DC00] =	vst v63  }
0x33: {  	_ = 	snop  }
0x34: {  	[tilespmem:s21], [sflag:$0x1] =	stream.indirect.gather [hbm4b:s6+s1], $0x20, s29, s1, $0xb8;
	[tilespmem:$0x1DC00] =	vst v63  }
0x35: {  	_ =	swait.ge [sflag:s22], $0x1000  }
0x36: {  	[sflag:s22] =	ssyncset.done $0x0  }
0x37: {  	[sflag:s22] =	ssyncadd.s32 $0xFFFFF000  }
0x38: {  	[spmem:s3] =	stream.indirect.scatter.add.bf16 [tilespmem:s7], [sflag:$0x2], $0x20, s9, s1, $0xb8;
	[tilespmem:$0x1DC00] =	vst v63  }
0x39: {  	_ =	swait.ge [sflag:s22], $0x1000  }
0x3a: {  	[sflag:s22] =	ssyncset.done $0x0  }
0x3b: {  	[sflag:s22] =	ssyncadd.s32 $0xFFFFF000  }
0x3c: {  	[spmem:s3] =	stream.indirect.scatter.add.bf16 [tilespmem:s2], [sflag:$0x2], $0x20, s30, s1, $0xb8;
	[tilespmem:$0x1DC00] =	vst v63  }
0x3d: {  	_ =	swait.ge [sflag:s22], $0x1000  }
0x3e: {  	[sflag:s22] =	ssyncset.done $0x0  }
0x3f: {  	[sflag:s22] =	ssyncadd.s32 $0xFFFFF000  }
0x40: {  	[spmem:s3] =	stream.indirect.scatter.add.bf16 [tilespmem:s11], [sflag:$0x2], $0x20, s4, s1, $0xb8;
	[tilespmem:$0x1DC00] =	vst v63  }
0x41: {  	_ =	swait.ge [sflag:s22], $0x1000  }
0x42: {  	[sflag:s22] =	ssyncset.done $0x0  }
0x43: {  	s14 =	simm.s32 $0x14580;
	[sflag:s22] =	ssyncadd.s32 $0xFFFFF000  }
0x44: {  	[spmem:s3] =	stream.indirect.scatter.add.bf16 [tilespmem:s13], [sflag:$0x2], $0x20, s14, s1, $0xb8;
	[tilespmem:$0x1DC00] =	vst v63  }
0x45: {  	_ =	swait.ge [sflag:s22], $0x1000  }
0x46: {  	[sflag:s22] =	ssyncset.done $0x0  }
0x47: {  	s20 =	simm.s32 $0x14600;
	[sflag:s22] =	ssyncadd.s32 $0xFFFFF000  }
0x48: {  	[spmem:s3] =	stream.indirect.scatter.add.bf16 [tilespmem:s15], [sflag:$0x2], $0x20, s20, s1, $0xb8;
	[tilespmem:$0x1DC00] =	vst v63  }
0x49: {  	_ =	swait.ge [sflag:s22], $0x1000  }
0x4a: {  	[sflag:s22] =	ssyncset.done $0x0  }
0x4b: {  	s23 =	simm.s32 $0x14680;
	[sflag:s22] =	ssyncadd.s32 $0xFFFFF000  }
0x4c: {  	[spmem:s3] =	stream.indirect.scatter.add.bf16 [tilespmem:s17], [sflag:$0x2], $0x20, s23, s1, $0xb8;
	[tilespmem:$0x1DC00] =	vst v63  }
0x4d: {  	_ =	swait.ge [sflag:s22], $0x1000  }
0x4e: {  	[sflag:s22] =	ssyncset.done $0x0  }
0x4f: {  	s25 =	simm.s32 $0x14700;
	[sflag:s22] =	ssyncadd.s32 $0xFFFFF000  }
0x50: {  	[spmem:s3] =	stream.indirect.scatter.add.bf16 [tilespmem:s19], [sflag:$0x2], $0x20, s25, s1, $0xb8;
	[tilespmem:$0x1DC00] =	vst v63  }
0x51: {  	_ =	swait.ge [sflag:s22], $0x1000  }
0x52: {  	[sflag:s22] =	ssyncset.done $0x0  }
0x53: {  	s26 =	simm.s32 $0x14780;
	[sflag:s22] =	ssyncadd.s32 $0xFFFFF000  }
0x54: {  	[spmem:s3] =	stream.indirect.scatter.add.bf16 [tilespmem:s21], [sflag:$0x2], $0x20, s26, s1, $0xb8;
	[tilespmem:$0x1DC00] =	vst v63  }
0x55: {  	_ =	swait.ge [sflag:s8], $0x1000  }
0x56: {  	[sflag:s8] =	ssyncset.done $0x0  }
0x57: {  	[sflag:s8] =	ssyncadd.s32 $0xFFFFF000  }
0x58: {  	_ =	swait.ge [sflag:s8], $0x1000  }
0x59: {  	[sflag:s8] =	ssyncset.done $0x0  }
0x5a: {  	[sflag:s8] =	ssyncadd.s32 $0xFFFFF000  }
0x5b: {  	_ =	swait.ge [sflag:s8], $0x1000  }
0x5c: {  	[sflag:s8] =	ssyncset.done $0x0  }
0x5d: {  	[sflag:s8] =	ssyncadd.s32 $0xFFFFF000  }
0x5e: {  	_ =	swait.ge [sflag:s8], $0x1000  }
0x5f: {  	[sflag:s8] =	ssyncset.done $0x0  }
0x60: {  	[sflag:s8] =	ssyncadd.s32 $0xFFFFF000  }
0x61: {  	_ =	swait.ge [sflag:s8], $0x1000  }
0x62: {  	[sflag:s8] =	ssyncset.done $0x0  }
0x63: {  	[sflag:s8] =	ssyncadd.s32 $0xFFFFF000  }
0x64: {  	_ =	swait.ge [sflag:s8], $0x1000  }
0x65: {  	[sflag:s8] =	ssyncset.done $0x0  }
0x66: {  	[sflag:s8] =	ssyncadd.s32 $0xFFFFF000  }
0x67: {  	_ =	swait.ge [sflag:s8], $0x1000  }
0x68: {  	s28 =	simm.s32 $0x14380;
	s29 =	simm.s32 $0x14480;
	[sflag:s8] =	ssyncset.done $0x0  }
0x69: {  	s9 =	simm.s32 $0x14400;
	s4 =	simm.s32 $0x14500;
	[sflag:s8] =	ssyncadd.s32 $0xFFFFF000  }
0x6a: {  	s20 =	simm.s32 $0x14180;
	s23 =	simm.s32 $0x14200;
	_ =	swait.ge [sflag:s8], $0x1000  }
0x6b: {  	s25 =	simm.s32 $0x14280;
	[sflag:s8] =	ssyncset.done $0x0;
	s10 =	rddreg [dreg:$0x5]  }
0x6c: {  	s26 =	simm.s32 $0x14300;
	s30 =	rddreg [dreg:$0x19];
	[sflag:s8] =	ssyncadd.s32 $0xFFFFF000  }
.LBB2_8:
0x6d: {  	s12 =	stileid.u32  }
0x6e: {  	s14 =	rddreg [dreg:$0x13];
	[bflag:$0x0] =	sbarrier.arrive $0xFFFF;
	s12 =	sshll.u32 s12, $0x6  }
0x6f: {  	s10 =	sadd.s32 s10, s14;
	s14 =	rddreg [dreg:$0x15];
	s12 =	sor.u32 $0x1C03, s12  }
0x70: {  	[hbm:s10], [sflag:s12] =	dma.local [spmem:s14], $0x2720  }
0x71: {  	_ =	swait.ge [sflag:s31], $0x2720  }
0x72: {  	s30 =	sadd.s32 $0x1, s30;
	s14 =	rddreg [dreg:$0x14]  }
0x73: {  	p1 =	sne.s32 s30, s14  }
.Ltmp1:
0x74: {  	_ = 	snop;
	(pc) =	sbr.rel @!p1 .LBB2_9-.Ltmp1, $3  }
0x75: {  	_ =	sdelay $0x1  }
0x76: {  	[sflag:s31] =	ssyncset.done $0x0  }
0x77: {  	[sflag:s31] =	ssyncadd.s32 $0xFFFFD8E0;
	s14 =	simm.s32 $0x14100  }
.LBB2_1:
0x78: {  	[dreg:$0x19] =	wrdreg s30  }
0x79: {  	s10 =	rddreg [dreg:$0x1];
	s12 =	simm.s32 $0x1C800  }
0x7a: {  	[tilespmem:s12], [sflag:$0x3] =	stream.linear.gather [hbm4b:s10+s16], $0x1400, $0x38;
	[tilespmem:$0x1DC00] =	vst v63  }
0x7b: {  	_ =	swait.ge [sflag:s31], $0x1400  }
0x7c: {  	[sflag:s31] =	ssyncset.done $0x0  }
0x7d: {  	s30 =	rddreg [dreg:$0x6];
	[sflag:s31] =	ssyncadd.s32 $0xFFFFEC00  }
0x7e: {  	[spmem:s30] =	stream.linear.scatter [tilespmem:s12], [sflag:$0x3], $0x1400, $0x38;
	[tilespmem:$0x1DC00] =	vst v63  }
0x7f: {  	_ =	swait.ge [sflag:s31], $0x1400  }
0x80: {  	[sflag:s31] =	ssyncset.done $0x0  }
0x81: {  	s30 =	rddreg [dreg:$0x7];
	[sflag:s31] =	ssyncadd.s32 $0xFFFFEC00  }
0x82: {  	[spmem:s30] =	stream.linear.scatter [tilespmem:s12], [sflag:$0x3], $0x1400, $0x38;
	[tilespmem:$0x1DC00] =	vst v63  }
0x83: {  	_ =	swait.ge [sflag:s31], $0x1400  }
0x84: {  	[sflag:s31] =	ssyncset.done $0x0  }
0x85: {  	s30 =	rddreg [dreg:$0x8];
	[sflag:s31] =	ssyncadd.s32 $0xFFFFEC00  }
0x86: {  	[spmem:s30] =	stream.linear.scatter [tilespmem:s12], [sflag:$0x3], $0x1400, $0x38;
	[tilespmem:$0x1DC00] =	vst v63  }
0x87: {  	_ =	swait.ge [sflag:s31], $0x1400  }
0x88: {  	[sflag:s31] =	ssyncset.done $0x0  }
0x89: {  	s30 =	rddreg [dreg:$0x9];
	[sflag:s31] =	ssyncadd.s32 $0xFFFFEC00  }
0x8a: {  	[spmem:s30] =	stream.linear.scatter [tilespmem:s12], [sflag:$0x3], $0x1400, $0x38;
	[tilespmem:$0x1DC00] =	vst v63  }
0x8b: {  	_ =	swait.ge [sflag:s31], $0x1400  }
0x8c: {  	[sflag:s31] =	ssyncset.done $0x0  }
0x8d: {  	s30 =	rddreg [dreg:$0xa];
	[sflag:s31] =	ssyncadd.s32 $0xFFFFEC00  }
0x8e: {  	[spmem:s30] =	stream.linear.scatter [tilespmem:s12], [sflag:$0x3], $0x1400, $0x38;
	[tilespmem:$0x1DC00] =	vst v63  }
0x8f: {  	_ =	swait.ge [sflag:s31], $0x1400  }
0x90: {  	[sflag:s31] =	ssyncset.done $0x0  }
0x91: {  	s30 =	rddreg [dreg:$0xb];
	[sflag:s31] =	ssyncadd.s32 $0xFFFFEC00  }
0x92: {  	[spmem:s30] =	stream.linear.scatter [tilespmem:s12], [sflag:$0x3], $0x1400, $0x38;
	[tilespmem:$0x1DC00] =	vst v63  }
0x93: {  	_ =	swait.ge [sflag:s31], $0x1400  }
0x94: {  	[sflag:s31] =	ssyncset.done $0x0  }
0x95: {  	s30 =	rddreg [dreg:$0xc];
	[sflag:s31] =	ssyncadd.s32 $0xFFFFEC00  }
0x96: {  	[spmem:s30] =	stream.linear.scatter [tilespmem:s12], [sflag:$0x3], $0x1400, $0x38;
	[tilespmem:$0x1DC00] =	vst v63  }
0x97: {  	_ =	swait.ge [sflag:s31], $0x1400  }
0x98: {  	[sflag:s31] =	ssyncset.done $0x0  }
0x99: {  	s30 =	rddreg [dreg:$0xd];
	[sflag:s31] =	ssyncadd.s32 $0xFFFFEC00  }
0x9a: {  	[spmem:s30] =	stream.linear.scatter [tilespmem:s12], [sflag:$0x3], $0x1400, $0x38;
	[tilespmem:$0x1DC00] =	vst v63  }
0x9b: {  	_ =	swait.ge [sflag:s31], $0x1400  }
0x9c: {  	[sflag:s31] =	ssyncset.done $0x0  }
0x9d: {  	s30 =	rddreg [dreg:$0xe];
	[sflag:s31] =	ssyncadd.s32 $0xFFFFEC00  }
0x9e: {  	[spmem:s30] =	stream.linear.scatter [tilespmem:s12], [sflag:$0x3], $0x1400, $0x38;
	[tilespmem:$0x1DC00] =	vst v63  }
0x9f: {  	_ =	swait.ge [sflag:s31], $0x1400  }
0xa0: {  	[sflag:s31] =	ssyncset.done $0x0  }
0xa1: {  	s30 =	rddreg [dreg:$0xf];
	[sflag:s31] =	ssyncadd.s32 $0xFFFFEC00  }
0xa2: {  	[spmem:s30] =	stream.linear.scatter [tilespmem:s12], [sflag:$0x3], $0x1400, $0x38;
	[tilespmem:$0x1DC00] =	vst v63  }
0xa3: {  	_ =	swait.ge [sflag:s31], $0x1400  }
0xa4: {  	[sflag:s31] =	ssyncset.done $0x0  }
0xa5: {  	s30 =	rddreg [dreg:$0x10];
	[sflag:s31] =	ssyncadd.s32 $0xFFFFEC00  }
0xa6: {  	[spmem:s30] =	stream.linear.scatter [tilespmem:s12], [sflag:$0x3], $0x1400, $0x38;
	[tilespmem:$0x1DC00] =	vst v63  }
0xa7: {  	_ =	swait.ge [sflag:s31], $0x1400  }
0xa8: {  	[sflag:s31] =	ssyncset.done $0x0  }
0xa9: {  	s30 =	rddreg [dreg:$0x11];
	[sflag:s31] =	ssyncadd.s32 $0xFFFFEC00  }
0xaa: {  	[spmem:s30] =	stream.linear.scatter [tilespmem:s12], [sflag:$0x3], $0x1400, $0x38;
	[tilespmem:$0x1DC00] =	vst v63  }
0xab: {  	_ =	swait.ge [sflag:s31], $0x1400  }
0xac: {  	[sflag:s31] =	ssyncset.done $0x0  }
0xad: {  	s30 =	rddreg [dreg:$0x12];
	[sflag:s31] =	ssyncadd.s32 $0xFFFFEC00  }
0xae: {  	[spmem:s30] =	stream.linear.scatter [tilespmem:s12], [sflag:$0x3], $0x1400, $0x38;
	[tilespmem:$0x1DC00] =	vst v63  }
0xaf: {  	_ =	swait.ge [sflag:s31], $0x1400  }
0xb0: {  	[sflag:s31] =	ssyncset.done $0x0  }
0xb1: {  	s30 =	rddreg [dreg:$0x16];
	[sflag:s31] =	ssyncadd.s32 $0xFFFFEC00  }
0xb2: {  	[spmem:s30] =	stream.linear.scatter [tilespmem:s12], [sflag:$0x3], $0x1400, $0x38;
	[tilespmem:$0x1DC00] =	vst v63  }
0xb3: {  	_ =	swait.ge [sflag:s31], $0x1400  }
0xb4: {  	[sflag:s31] =	ssyncset.done $0x0  }
0xb5: {  	s30 =	rddreg [dreg:$0x17];
	[sflag:s31] =	ssyncadd.s32 $0xFFFFEC00  }
0xb6: {  	[spmem:s30] =	stream.linear.scatter [tilespmem:s12], [sflag:$0x3], $0x1400, $0x38;
	[tilespmem:$0x1DC00] =	vst v63  }
0xb7: {  	_ =	swait.ge [sflag:s31], $0x1400  }
0xb8: {  	[sflag:s31] =	ssyncset.done $0x0  }
0xb9: {  	s30 =	rddreg [dreg:$0x18];
	[sflag:s31] =	ssyncadd.s32 $0xFFFFEC00  }
0xba: {  	[spmem:s30] =	stream.linear.scatter [tilespmem:s12], [sflag:$0x3], $0x1400, $0x38;
	[tilespmem:$0x1DC00] =	vst v63  }
.Ltmp2:
0xbb: {  	_ =	swait.ge [sflag:s31], $0x1400;
	(pc) =	sbr.rel @!p0 .LBB2_2-.Ltmp2, $4  }
0xbc: {  	[sflag:s31] =	ssyncset.done $0x0  }
0xbd: {  	[sflag:s31] =	ssyncadd.s32 $0xFFFFEC00  }
0xbe: {  	[bflag:$0x0] =	sbarrier.arrive $0xFFFF  }
0xbf: {  	s10 =	sadd.s32 $0x0, s24  }
0xc0: {  	[tilespmem:s0], [sflag:$0x3] =	stream.linear.gather [hbm4b:s10+s16], $0x800, $0x38;
	[tilespmem:$0x1DC00] =	vst v63  }
0xc1: {  	_ =	swait.ge [sflag:s31], $0x800  }
0xc2: {  	[sflag:s31] =	ssyncset.done $0x0  }
0xc3: {  	[sflag:s31] =	ssyncadd.s32 $0xFFFFF800  }
0xc4: {  	[tilespmem:s7], [sflag:$0x1] =	stream.indirect.gather [hbm4b:s6+s1], $0x20, s0, s1, $0xb8;
	[tilespmem:$0x1DC00] =	vst v63  }
0xc5: {  	_ = 	snop  }
0xc6: {  	[tilespmem:s2], [sflag:$0x1] =	stream.indirect.gather [hbm4b:s6+s1], $0x20, s18, s1, $0xb8;
	[tilespmem:$0x1DC00] =	vst v63  }
0xc7: {  	_ = 	snop  }
0xc8: {  	[tilespmem:s11], [sflag:$0x1] =	stream.indirect.gather [hbm4b:s6+s1], $0x20, s14, s1, $0xb8;
	[tilespmem:$0x1DC00] =	vst v63  }
0xc9: {  	_ = 	snop  }
0xca: {  	[tilespmem:s13], [sflag:$0x1] =	stream.indirect.gather [hbm4b:s6+s1], $0x20, s20, s1, $0xb8;
	[tilespmem:$0x1DC00] =	vst v63  }
0xcb: {  	_ = 	snop  }
0xcc: {  	[tilespmem:s15], [sflag:$0x1] =	stream.indirect.gather [hbm4b:s6+s1], $0x20, s23, s1, $0xb8;
	[tilespmem:$0x1DC00] =	vst v63  }
0xcd: {  	_ = 	snop  }
0xce: {  	[tilespmem:s17], [sflag:$0x1] =	stream.indirect.gather [hbm4b:s6+s1], $0x20, s25, s1, $0xb8;
	[tilespmem:$0x1DC00] =	vst v63  }
0xcf: {  	_ = 	snop  }
0xd0: {  	[tilespmem:s19], [sflag:$0x1] =	stream.indirect.gather [hbm4b:s6+s1], $0x20, s26, s1, $0xb8;
	[tilespmem:$0x1DC00] =	vst v63  }
0xd1: {  	_ = 	snop  }
0xd2: {  	[tilespmem:s21], [sflag:$0x1] =	stream.indirect.gather [hbm4b:s6+s1], $0x20, s28, s1, $0xb8;
	[tilespmem:$0x1DC00] =	vst v63  }
0xd3: {  	_ =	swait.ge [sflag:s22], $0x1000  }
0xd4: {  	[sflag:s22] =	ssyncset.done $0x0  }
0xd5: {  	[sflag:s22] =	ssyncadd.s32 $0xFFFFF000  }
0xd6: {  	[spmem:s3] =	stream.indirect.scatter.add.bf16 [tilespmem:s7], [sflag:$0x2], $0x20, s9, s1, $0xb8;
	[tilespmem:$0x1DC00] =	vst v63  }
0xd7: {  	_ =	swait.ge [sflag:s22], $0x1000  }
0xd8: {  	[sflag:s22] =	ssyncset.done $0x0  }
0xd9: {  	[sflag:s22] =	ssyncadd.s32 $0xFFFFF000  }
0xda: {  	[spmem:s3] =	stream.indirect.scatter.add.bf16 [tilespmem:s2], [sflag:$0x2], $0x20, s29, s1, $0xb8;
	[tilespmem:$0x1DC00] =	vst v63  }
0xdb: {  	_ =	swait.ge [sflag:s22], $0x1000  }
0xdc: {  	[sflag:s22] =	ssyncset.done $0x0  }
0xdd: {  	[sflag:s22] =	ssyncadd.s32 $0xFFFFF000  }
0xde: {  	[spmem:s3] =	stream.indirect.scatter.add.bf16 [tilespmem:s11], [sflag:$0x2], $0x20, s4, s1, $0xb8;
	[tilespmem:$0x1DC00] =	vst v63  }
0xdf: {  	_ =	swait.ge [sflag:s22], $0x1000  }
0xe0: {  	[sflag:s22] =	ssyncset.done $0x0  }
0xe1: {  	s18 =	simm.s32 $0x14580;
	[sflag:s22] =	ssyncadd.s32 $0xFFFFF000  }
0xe2: {  	[spmem:s3] =	stream.indirect.scatter.add.bf16 [tilespmem:s13], [sflag:$0x2], $0x20, s18, s1, $0xb8;
	[tilespmem:$0x1DC00] =	vst v63  }
0xe3: {  	_ =	swait.ge [sflag:s22], $0x1000  }
0xe4: {  	[sflag:s22] =	ssyncset.done $0x0  }
0xe5: {  	s20 =	simm.s32 $0x14600;
	[sflag:s22] =	ssyncadd.s32 $0xFFFFF000  }
0xe6: {  	[spmem:s3] =	stream.indirect.scatter.add.bf16 [tilespmem:s15], [sflag:$0x2], $0x20, s20, s1, $0xb8;
	[tilespmem:$0x1DC00] =	vst v63  }
0xe7: {  	_ =	swait.ge [sflag:s22], $0x1000  }
0xe8: {  	[sflag:s22] =	ssyncset.done $0x0  }
0xe9: {  	s23 =	simm.s32 $0x14680;
	[sflag:s22] =	ssyncadd.s32 $0xFFFFF000  }
0xea: {  	[spmem:s3] =	stream.indirect.scatter.add.bf16 [tilespmem:s17], [sflag:$0x2], $0x20, s23, s1, $0xb8;
	[tilespmem:$0x1DC00] =	vst v63  }
0xeb: {  	_ =	swait.ge [sflag:s22], $0x1000  }
0xec: {  	[sflag:s22] =	ssyncset.done $0x0  }
0xed: {  	s25 =	simm.s32 $0x14700;
	[sflag:s22] =	ssyncadd.s32 $0xFFFFF000  }
0xee: {  	[spmem:s3] =	stream.indirect.scatter.add.bf16 [tilespmem:s19], [sflag:$0x2], $0x20, s25, s1, $0xb8;
	[tilespmem:$0x1DC00] =	vst v63  }
0xef: {  	_ =	swait.ge [sflag:s22], $0x1000  }
0xf0: {  	[sflag:s22] =	ssyncset.done $0x0  }
0xf1: {  	s26 =	simm.s32 $0x14780;
	[sflag:s22] =	ssyncadd.s32 $0xFFFFF000  }
0xf2: {  	[spmem:s3] =	stream.indirect.scatter.add.bf16 [tilespmem:s21], [sflag:$0x2], $0x20, s26, s1, $0xb8;
	[tilespmem:$0x1DC00] =	vst v63  }
0xf3: {  	_ =	swait.ge [sflag:s8], $0x1000  }
0xf4: {  	[sflag:s8] =	ssyncset.done $0x0  }
0xf5: {  	[sflag:s8] =	ssyncadd.s32 $0xFFFFF000  }
0xf6: {  	_ =	swait.ge [sflag:s8], $0x1000  }
0xf7: {  	[sflag:s8] =	ssyncset.done $0x0  }
0xf8: {  	[sflag:s8] =	ssyncadd.s32 $0xFFFFF000  }
0xf9: {  	_ =	swait.ge [sflag:s8], $0x1000  }
0xfa: {  	[sflag:s8] =	ssyncset.done $0x0  }
0xfb: {  	[sflag:s8] =	ssyncadd.s32 $0xFFFFF000  }
0xfc: {  	_ =	swait.ge [sflag:s8], $0x1000  }
0xfd: {  	[sflag:s8] =	ssyncset.done $0x0  }
0xfe: {  	[sflag:s8] =	ssyncadd.s32 $0xFFFFF000  }
0xff: {  	_ =	swait.ge [sflag:s8], $0x1000  }
0x100: {  	[sflag:s8] =	ssyncset.done $0x0  }
0x101: {  	[sflag:s8] =	ssyncadd.s32 $0xFFFFF000  }
0x102: {  	_ =	swait.ge [sflag:s8], $0x1000  }
0x103: {  	[sflag:s8] =	ssyncset.done $0x0  }
0x104: {  	s10 =	simm.s32 $0x100;
	[sflag:s8] =	ssyncadd.s32 $0xFFFFF000  }
0x105: {  	s30 =	simm.s32 $0x14480;
	s14 =	simm.s32 $0x200;
	_ =	swait.ge [sflag:s8], $0x1000  }
0x106: {  	s28 =	simm.s32 $0x14300;
	s9 =	simm.s32 $0x14400;
	[sflag:s8] =	ssyncset.done $0x0  }
0x107: {  	s29 =	simm.s32 $0x14380;
	s4 =	simm.s32 $0x14500;
	[sflag:s8] =	ssyncadd.s32 $0xFFFFF000  }
0x108: {  	s20 =	simm.s32 $0x14100;
	s23 =	simm.s32 $0x14180;
	_ =	swait.ge [sflag:s8], $0x1000  }
0x109: {  	s25 =	simm.s32 $0x14200;
	s26 =	simm.s32 $0x14280;
	[sflag:s8] =	ssyncset.done $0x0  }
.LBB2_6:
0x10a: {  	s18 =	simm.s32 $0x0;
	s16 =	sadd.s32 s10, s24  }
0x10b: {  	[sflag:s8] =	ssyncadd.s32 $0xFFFFF000;
	s10 =	smov.u32 s14;
	s12 =	sadd.s32 $0x100, s14  }
0x10c: {  	[tilespmem:s0], [sflag:$0x3] =	stream.linear.gather [hbm4b:s16+s18], $0x800, $0x38;
	[tilespmem:$0x1DC00] =	vst v63  }
0x10d: {  	s18 =	simm.s32 $0x14080;
	s16 =	simm.s32 $0x0  }
0x10e: {  	p1 =	sne.s32 s14, $0x1300;
	_ =	swait.ge [sflag:s31], $0x800  }
0x10f: {  	[sflag:s31] =	ssyncset.done $0x0  }
0x110: {  	[sflag:s31] =	ssyncadd.s32 $0xFFFFF800  }
0x111: {  	[tilespmem:s7], [sflag:$0x1] =	stream.indirect.gather [hbm4b:s6+s1], $0x20, s0, s1, $0xb8;
	[tilespmem:$0x1DC00] =	vst v63  }
0x112: {  	_ = 	snop  }
0x113: {  	[tilespmem:s2], [sflag:$0x1] =	stream.indirect.gather [hbm4b:s6+s1], $0x20, s18, s1, $0xb8;
	[tilespmem:$0x1DC00] =	vst v63  }
0x114: {  	_ = 	snop  }
0x115: {  	[tilespmem:s11], [sflag:$0x1] =	stream.indirect.gather [hbm4b:s6+s1], $0x20, s20, s1, $0xb8;
	[tilespmem:$0x1DC00] =	vst v63  }
0x116: {  	_ = 	snop  }
0x117: {  	[tilespmem:s13], [sflag:$0x1] =	stream.indirect.gather [hbm4b:s6+s1], $0x20, s23, s1, $0xb8;
	[tilespmem:$0x1DC00] =	vst v63  }
0x118: {  	_ = 	snop  }
0x119: {  	[tilespmem:s15], [sflag:$0x1] =	stream.indirect.gather [hbm4b:s6+s1], $0x20, s25, s1, $0xb8;
	[tilespmem:$0x1DC00] =	vst v63  }
0x11a: {  	_ = 	snop  }
0x11b: {  	[tilespmem:s17], [sflag:$0x1] =	stream.indirect.gather [hbm4b:s6+s1], $0x20, s26, s1, $0xb8;
	[tilespmem:$0x1DC00] =	vst v63  }
0x11c: {  	_ = 	snop  }
0x11d: {  	[tilespmem:s19], [sflag:$0x1] =	stream.indirect.gather [hbm4b:s6+s1], $0x20, s28, s1, $0xb8;
	[tilespmem:$0x1DC00] =	vst v63  }
0x11e: {  	_ = 	snop  }
0x11f: {  	[tilespmem:s21], [sflag:$0x1] =	stream.indirect.gather [hbm4b:s6+s1], $0x20, s29, s1, $0xb8;
	[tilespmem:$0x1DC00] =	vst v63  }
0x120: {  	_ =	swait.ge [sflag:s22], $0x1000  }
0x121: {  	[sflag:s22] =	ssyncset.done $0x0  }
0x122: {  	[sflag:s22] =	ssyncadd.s32 $0xFFFFF000  }
0x123: {  	[spmem:s3] =	stream.indirect.scatter.add.bf16 [tilespmem:s7], [sflag:$0x2], $0x20, s9, s1, $0xb8;
	[tilespmem:$0x1DC00] =	vst v63  }
0x124: {  	_ =	swait.ge [sflag:s22], $0x1000  }
0x125: {  	[sflag:s22] =	ssyncset.done $0x0  }
0x126: {  	[sflag:s22] =	ssyncadd.s32 $0xFFFFF000  }
0x127: {  	[spmem:s3] =	stream.indirect.scatter.add.bf16 [tilespmem:s2], [sflag:$0x2], $0x20, s30, s1, $0xb8;
	[tilespmem:$0x1DC00] =	vst v63  }
0x128: {  	_ =	swait.ge [sflag:s22], $0x1000  }
0x129: {  	[sflag:s22] =	ssyncset.done $0x0  }
0x12a: {  	[sflag:s22] =	ssyncadd.s32 $0xFFFFF000  }
0x12b: {  	[spmem:s3] =	stream.indirect.scatter.add.bf16 [tilespmem:s11], [sflag:$0x2], $0x20, s4, s1, $0xb8;
	[tilespmem:$0x1DC00] =	vst v63  }
0x12c: {  	_ =	swait.ge [sflag:s22], $0x1000  }
0x12d: {  	[sflag:s22] =	ssyncset.done $0x0  }
0x12e: {  	s14 =	simm.s32 $0x14580;
	[sflag:s22] =	ssyncadd.s32 $0xFFFFF000  }
0x12f: {  	[spmem:s3] =	stream.indirect.scatter.add.bf16 [tilespmem:s13], [sflag:$0x2], $0x20, s14, s1, $0xb8;
	[tilespmem:$0x1DC00] =	vst v63  }
0x130: {  	_ =	swait.ge [sflag:s22], $0x1000  }
0x131: {  	[sflag:s22] =	ssyncset.done $0x0  }
0x132: {  	s14 =	simm.s32 $0x14600;
	[sflag:s22] =	ssyncadd.s32 $0xFFFFF000  }
0x133: {  	[spmem:s3] =	stream.indirect.scatter.add.bf16 [tilespmem:s15], [sflag:$0x2], $0x20, s14, s1, $0xb8;
	[tilespmem:$0x1DC00] =	vst v63  }
0x134: {  	_ =	swait.ge [sflag:s22], $0x1000  }
0x135: {  	[sflag:s22] =	ssyncset.done $0x0  }
0x136: {  	s14 =	simm.s32 $0x14680;
	[sflag:s22] =	ssyncadd.s32 $0xFFFFF000  }
0x137: {  	[spmem:s3] =	stream.indirect.scatter.add.bf16 [tilespmem:s17], [sflag:$0x2], $0x20, s14, s1, $0xb8;
	[tilespmem:$0x1DC00] =	vst v63  }
0x138: {  	_ =	swait.ge [sflag:s22], $0x1000  }
0x139: {  	[sflag:s22] =	ssyncset.done $0x0  }
0x13a: {  	s14 =	simm.s32 $0x14700;
	[sflag:s22] =	ssyncadd.s32 $0xFFFFF000  }
0x13b: {  	[spmem:s3] =	stream.indirect.scatter.add.bf16 [tilespmem:s19], [sflag:$0x2], $0x20, s14, s1, $0xb8;
	[tilespmem:$0x1DC00] =	vst v63  }
0x13c: {  	_ =	swait.ge [sflag:s22], $0x1000  }
0x13d: {  	[sflag:s22] =	ssyncset.done $0x0  }
0x13e: {  	s14 =	simm.s32 $0x14780;
	[sflag:s22] =	ssyncadd.s32 $0xFFFFF000  }
0x13f: {  	[spmem:s3] =	stream.indirect.scatter.add.bf16 [tilespmem:s21], [sflag:$0x2], $0x20, s14, s1, $0xb8;
	[tilespmem:$0x1DC00] =	vst v63  }
0x140: {  	_ =	swait.ge [sflag:s8], $0x1000  }
0x141: {  	[sflag:s8] =	ssyncset.done $0x0  }
0x142: {  	[sflag:s8] =	ssyncadd.s32 $0xFFFFF000  }
0x143: {  	_ =	swait.ge [sflag:s8], $0x1000  }
0x144: {  	[sflag:s8] =	ssyncset.done $0x0  }
0x145: {  	[sflag:s8] =	ssyncadd.s32 $0xFFFFF000  }
0x146: {  	_ =	swait.ge [sflag:s8], $0x1000  }
0x147: {  	[sflag:s8] =	ssyncset.done $0x0  }
0x148: {  	[sflag:s8] =	ssyncadd.s32 $0xFFFFF000  }
0x149: {  	_ =	swait.ge [sflag:s8], $0x1000  }
0x14a: {  	[sflag:s8] =	ssyncset.done $0x0  }
0x14b: {  	[sflag:s8] =	ssyncadd.s32 $0xFFFFF000  }
0x14c: {  	_ =	swait.ge [sflag:s8], $0x1000  }
0x14d: {  	[sflag:s8] =	ssyncset.done $0x0  }
0x14e: {  	[sflag:s8] =	ssyncadd.s32 $0xFFFFF000  }
0x14f: {  	_ =	swait.ge [sflag:s8], $0x1000  }
0x150: {  	[sflag:s8] =	ssyncset.done $0x0  }
0x151: {  	[sflag:s8] =	ssyncadd.s32 $0xFFFFF000  }
.Ltmp3:
0x152: {  	_ =	swait.ge [sflag:s8], $0x1000;
	(pc) =	sbr.rel @p1 .LBB2_6-.Ltmp3, $4  }
0x153: {  	[sflag:s8] =	ssyncset.done $0x0  }
0x154: {  	[sflag:s8] =	ssyncadd.s32 $0xFFFFF000  }
0x155: {  	_ =	swait.ge [sflag:s8], $0x1000  }
0x156: {  	s14 =	smov.u32 s12;
	[sflag:s8] =	ssyncset.done $0x0  }
.Ltmp4:
0x157: {  	_ = 	snop;
	(pc) =	sbr.rel .LBB2_7-.Ltmp4, $1  }
0x158: {  	_ =	sdelay $0x3  }
.LBB2_2:
0x159: {  	[tilespmem:s0], [sflag:$0x3] =	stream.linear.gather [hbm4b:s10+s16], $0x800, $0x38;
	[tilespmem:$0x1DC00] =	vst v63  }
0x15a: {  	_ =	swait.ge [sflag:s31], $0x800  }
0x15b: {  	[sflag:s31] =	ssyncset.done $0x0  }
0x15c: {  	[sflag:s31] =	ssyncadd.s32 $0xFFFFF800  }
0x15d: {  	[tilespmem:s7], [sflag:$0x1] =	stream.indirect.gather [hbm4b:s5+s1], $0x20, s0, s1, $0xb8;
	[tilespmem:$0x1DC00] =	vst v63  }
0x15e: {  	_ = 	snop  }
0x15f: {  	[tilespmem:s2], [sflag:$0x1] =	stream.indirect.gather [hbm4b:s5+s1], $0x20, s18, s1, $0xb8;
	[tilespmem:$0x1DC00] =	vst v63  }
0x160: {  	_ = 	snop  }
0x161: {  	[tilespmem:s11], [sflag:$0x1] =	stream.indirect.gather [hbm4b:s5+s1], $0x20, s14, s1, $0xb8;
	[tilespmem:$0x1DC00] =	vst v63  }
0x162: {  	_ = 	snop  }
0x163: {  	[tilespmem:s13], [sflag:$0x1] =	stream.indirect.gather [hbm4b:s5+s1], $0x20, s20, s1, $0xb8;
	[tilespmem:$0x1DC00] =	vst v63  }
0x164: {  	_ = 	snop  }
0x165: {  	[tilespmem:s15], [sflag:$0x1] =	stream.indirect.gather [hbm4b:s5+s1], $0x20, s23, s1, $0xb8;
	[tilespmem:$0x1DC00] =	vst v63  }
0x166: {  	_ = 	snop  }
0x167: {  	[tilespmem:s17], [sflag:$0x1] =	stream.indirect.gather [hbm4b:s5+s1], $0x20, s25, s1, $0xb8;
	[tilespmem:$0x1DC00] =	vst v63  }
0x168: {  	_ = 	snop  }
0x169: {  	[tilespmem:s19], [sflag:$0x1] =	stream.indirect.gather [hbm4b:s5+s1], $0x20, s26, s1, $0xb8;
	[tilespmem:$0x1DC00] =	vst v63  }
0x16a: {  	_ = 	snop  }
0x16b: {  	[tilespmem:s21], [sflag:$0x1] =	stream.indirect.gather [hbm4b:s5+s1], $0x20, s28, s1, $0xb8;
	[tilespmem:$0x1DC00] =	vst v63  }
0x16c: {  	_ =	swait.ge [sflag:s22], $0x1000  }
0x16d: {  	[sflag:s22] =	ssyncset.done $0x0  }
0x16e: {  	[sflag:s22] =	ssyncadd.s32 $0xFFFFF000  }
0x16f: {  	[spmem:s3] =	stream.indirect.scatter.add.bf16 [tilespmem:s7], [sflag:$0x2], $0x20, s9, s1, $0xb8;
	[tilespmem:$0x1DC00] =	vst v63  }
0x170: {  	_ =	swait.ge [sflag:s22], $0x1000  }
0x171: {  	[sflag:s22] =	ssyncset.done $0x0  }
0x172: {  	[sflag:s22] =	ssyncadd.s32 $0xFFFFF000  }
0x173: {  	[spmem:s3] =	stream.indirect.scatter.add.bf16 [tilespmem:s2], [sflag:$0x2], $0x20, s29, s1, $0xb8;
	[tilespmem:$0x1DC00] =	vst v63  }
0x174: {  	_ =	swait.ge [sflag:s22], $0x1000  }
0x175: {  	[sflag:s22] =	ssyncset.done $0x0  }
0x176: {  	[sflag:s22] =	ssyncadd.s32 $0xFFFFF000  }
0x177: {  	[spmem:s3] =	stream.indirect.scatter.add.bf16 [tilespmem:s11], [sflag:$0x2], $0x20, s4, s1, $0xb8;
	[tilespmem:$0x1DC00] =	vst v63  }
0x178: {  	_ =	swait.ge [sflag:s22], $0x1000  }
0x179: {  	[sflag:s22] =	ssyncset.done $0x0  }
0x17a: {  	s18 =	simm.s32 $0x14580;
	[sflag:s22] =	ssyncadd.s32 $0xFFFFF000  }
0x17b: {  	[spmem:s3] =	stream.indirect.scatter.add.bf16 [tilespmem:s13], [sflag:$0x2], $0x20, s18, s1, $0xb8;
	[tilespmem:$0x1DC00] =	vst v63  }
0x17c: {  	_ =	swait.ge [sflag:s22], $0x1000  }
0x17d: {  	[sflag:s22] =	ssyncset.done $0x0  }
0x17e: {  	s20 =	simm.s32 $0x14600;
	[sflag:s22] =	ssyncadd.s32 $0xFFFFF000  }
0x17f: {  	[spmem:s3] =	stream.indirect.scatter.add.bf16 [tilespmem:s15], [sflag:$0x2], $0x20, s20, s1, $0xb8;
	[tilespmem:$0x1DC00] =	vst v63  }
0x180: {  	_ =	swait.ge [sflag:s22], $0x1000  }
0x181: {  	[sflag:s22] =	ssyncset.done $0x0  }
0x182: {  	s23 =	simm.s32 $0x14680;
	[sflag:s22] =	ssyncadd.s32 $0xFFFFF000  }
0x183: {  	[spmem:s3] =	stream.indirect.scatter.add.bf16 [tilespmem:s17], [sflag:$0x2], $0x20, s23, s1, $0xb8;
	[tilespmem:$0x1DC00] =	vst v63  }
0x184: {  	_ =	swait.ge [sflag:s22], $0x1000  }
0x185: {  	[sflag:s22] =	ssyncset.done $0x0  }
0x186: {  	s25 =	simm.s32 $0x14700;
	[sflag:s22] =	ssyncadd.s32 $0xFFFFF000  }
0x187: {  	[spmem:s3] =	stream.indirect.scatter.add.bf16 [tilespmem:s19], [sflag:$0x2], $0x20, s25, s1, $0xb8;
	[tilespmem:$0x1DC00] =	vst v63  }
0x188: {  	_ =	swait.ge [sflag:s22], $0x1000  }
0x189: {  	[sflag:s22] =	ssyncset.done $0x0  }
0x18a: {  	s26 =	simm.s32 $0x14780;
	[sflag:s22] =	ssyncadd.s32 $0xFFFFF000  }
0x18b: {  	[spmem:s3] =	stream.indirect.scatter.add.bf16 [tilespmem:s21], [sflag:$0x2], $0x20, s26, s1, $0xb8;
	[tilespmem:$0x1DC00] =	vst v63  }
0x18c: {  	_ =	swait.ge [sflag:s8], $0x1000  }
0x18d: {  	[sflag:s8] =	ssyncset.done $0x0  }
0x18e: {  	[sflag:s8] =	ssyncadd.s32 $0xFFFFF000  }
0x18f: {  	_ =	swait.ge [sflag:s8], $0x1000  }
0x190: {  	[sflag:s8] =	ssyncset.done $0x0  }
0x191: {  	[sflag:s8] =	ssyncadd.s32 $0xFFFFF000  }
0x192: {  	_ =	swait.ge [sflag:s8], $0x1000  }
0x193: {  	[sflag:s8] =	ssyncset.done $0x0  }
0x194: {  	[sflag:s8] =	ssyncadd.s32 $0xFFFFF000  }
0x195: {  	_ =	swait.ge [sflag:s8], $0x1000  }
0x196: {  	[sflag:s8] =	ssyncset.done $0x0  }
0x197: {  	[sflag:s8] =	ssyncadd.s32 $0xFFFFF000  }
0x198: {  	_ =	swait.ge [sflag:s8], $0x1000  }
0x199: {  	[sflag:s8] =	ssyncset.done $0x0  }
0x19a: {  	[sflag:s8] =	ssyncadd.s32 $0xFFFFF000  }
0x19b: {  	_ =	swait.ge [sflag:s8], $0x1000  }
0x19c: {  	[sflag:s8] =	ssyncset.done $0x0  }
0x19d: {  	s10 =	simm.s32 $0x100;
	[sflag:s8] =	ssyncadd.s32 $0xFFFFF000  }
0x19e: {  	s12 =	simm.s32 $0x200;
	s30 =	simm.s32 $0x14480;
	_ =	swait.ge [sflag:s8], $0x1000  }
0x19f: {  	s28 =	simm.s32 $0x14300;
	s9 =	simm.s32 $0x14400;
	[sflag:s8] =	ssyncset.done $0x0  }
0x1a0: {  	s29 =	simm.s32 $0x14380;
	s4 =	simm.s32 $0x14500;
	[sflag:s8] =	ssyncadd.s32 $0xFFFFF000  }
0x1a1: {  	s20 =	simm.s32 $0x14100;
	s23 =	simm.s32 $0x14180;
	_ =	swait.ge [sflag:s8], $0x1000  }
0x1a2: {  	s25 =	simm.s32 $0x14200;
	s26 =	simm.s32 $0x14280;
	[sflag:s8] =	ssyncset.done $0x0  }
.LBB2_3:
0x1a3: {  	s18 =	simm.s32 $0x0;
	s16 =	sadd.s32 s10, s24  }
0x1a4: {  	[sflag:s8] =	ssyncadd.s32 $0xFFFFF000;
	s10 =	smov.u32 s12;
	s14 =	sadd.s32 $0x100, s12  }
0x1a5: {  	[tilespmem:s0], [sflag:$0x3] =	stream.linear.gather [hbm4b:s16+s18], $0x800, $0x38;
	[tilespmem:$0x1DC00] =	vst v63  }
0x1a6: {  	s18 =	simm.s32 $0x14080;
	s16 =	simm.s32 $0x0  }
0x1a7: {  	p1 =	seq.s32 s12, $0x1300;
	_ =	swait.ge [sflag:s31], $0x800  }
0x1a8: {  	[sflag:s31] =	ssyncset.done $0x0  }
0x1a9: {  	[sflag:s31] =	ssyncadd.s32 $0xFFFFF800  }
0x1aa: {  	[tilespmem:s7], [sflag:$0x1] =	stream.indirect.gather [hbm4b:s5+s1], $0x20, s0, s1, $0xb8;
	[tilespmem:$0x1DC00] =	vst v63  }
0x1ab: {  	_ = 	snop  }
0x1ac: {  	[tilespmem:s2], [sflag:$0x1] =	stream.indirect.gather [hbm4b:s5+s1], $0x20, s18, s1, $0xb8;
	[tilespmem:$0x1DC00] =	vst v63  }
0x1ad: {  	_ = 	snop  }
0x1ae: {  	[tilespmem:s11], [sflag:$0x1] =	stream.indirect.gather [hbm4b:s5+s1], $0x20, s20, s1, $0xb8;
	[tilespmem:$0x1DC00] =	vst v63  }
0x1af: {  	_ = 	snop  }
0x1b0: {  	[tilespmem:s13], [sflag:$0x1] =	stream.indirect.gather [hbm4b:s5+s1], $0x20, s23, s1, $0xb8;
	[tilespmem:$0x1DC00] =	vst v63  }
0x1b1: {  	_ = 	snop  }
0x1b2: {  	[tilespmem:s15], [sflag:$0x1] =	stream.indirect.gather [hbm4b:s5+s1], $0x20, s25, s1, $0xb8;
	[tilespmem:$0x1DC00] =	vst v63  }
0x1b3: {  	_ = 	snop  }
0x1b4: {  	[tilespmem:s17], [sflag:$0x1] =	stream.indirect.gather [hbm4b:s5+s1], $0x20, s26, s1, $0xb8;
	[tilespmem:$0x1DC00] =	vst v63  }
0x1b5: {  	_ = 	snop  }
0x1b6: {  	[tilespmem:s19], [sflag:$0x1] =	stream.indirect.gather [hbm4b:s5+s1], $0x20, s28, s1, $0xb8;
	[tilespmem:$0x1DC00] =	vst v63  }
0x1b7: {  	_ = 	snop  }
0x1b8: {  	[tilespmem:s21], [sflag:$0x1] =	stream.indirect.gather [hbm4b:s5+s1], $0x20, s29, s1, $0xb8;
	[tilespmem:$0x1DC00] =	vst v63  }
0x1b9: {  	_ =	swait.ge [sflag:s22], $0x1000  }
0x1ba: {  	[sflag:s22] =	ssyncset.done $0x0  }
0x1bb: {  	[sflag:s22] =	ssyncadd.s32 $0xFFFFF000  }
0x1bc: {  	[spmem:s3] =	stream.indirect.scatter.add.bf16 [tilespmem:s7], [sflag:$0x2], $0x20, s9, s1, $0xb8;
	[tilespmem:$0x1DC00] =	vst v63  }
0x1bd: {  	_ =	swait.ge [sflag:s22], $0x1000  }
0x1be: {  	[sflag:s22] =	ssyncset.done $0x0  }
0x1bf: {  	[sflag:s22] =	ssyncadd.s32 $0xFFFFF000  }
0x1c0: {  	[spmem:s3] =	stream.indirect.scatter.add.bf16 [tilespmem:s2], [sflag:$0x2], $0x20, s30, s1, $0xb8;
	[tilespmem:$0x1DC00] =	vst v63  }
0x1c1: {  	_ =	swait.ge [sflag:s22], $0x1000  }
0x1c2: {  	[sflag:s22] =	ssyncset.done $0x0  }
0x1c3: {  	[sflag:s22] =	ssyncadd.s32 $0xFFFFF000  }
0x1c4: {  	[spmem:s3] =	stream.indirect.scatter.add.bf16 [tilespmem:s11], [sflag:$0x2], $0x20, s4, s1, $0xb8;
	[tilespmem:$0x1DC00] =	vst v63  }
0x1c5: {  	_ =	swait.ge [sflag:s22], $0x1000  }
0x1c6: {  	[sflag:s22] =	ssyncset.done $0x0  }
0x1c7: {  	s12 =	simm.s32 $0x14580;
	[sflag:s22] =	ssyncadd.s32 $0xFFFFF000  }
0x1c8: {  	[spmem:s3] =	stream.indirect.scatter.add.bf16 [tilespmem:s13], [sflag:$0x2], $0x20, s12, s1, $0xb8;
	[tilespmem:$0x1DC00] =	vst v63  }
0x1c9: {  	_ =	swait.ge [sflag:s22], $0x1000  }
0x1ca: {  	[sflag:s22] =	ssyncset.done $0x0  }
0x1cb: {  	s12 =	simm.s32 $0x14600;
	[sflag:s22] =	ssyncadd.s32 $0xFFFFF000  }
0x1cc: {  	[spmem:s3] =	stream.indirect.scatter.add.bf16 [tilespmem:s15], [sflag:$0x2], $0x20, s12, s1, $0xb8;
	[tilespmem:$0x1DC00] =	vst v63  }
0x1cd: {  	_ =	swait.ge [sflag:s22], $0x1000  }
0x1ce: {  	[sflag:s22] =	ssyncset.done $0x0  }
0x1cf: {  	s12 =	simm.s32 $0x14680;
	[sflag:s22] =	ssyncadd.s32 $0xFFFFF000  }
0x1d0: {  	[spmem:s3] =	stream.indirect.scatter.add.bf16 [tilespmem:s17], [sflag:$0x2], $0x20, s12, s1, $0xb8;
	[tilespmem:$0x1DC00] =	vst v63  }
0x1d1: {  	_ =	swait.ge [sflag:s22], $0x1000  }
0x1d2: {  	[sflag:s22] =	ssyncset.done $0x0  }
0x1d3: {  	s12 =	simm.s32 $0x14700;
	[sflag:s22] =	ssyncadd.s32 $0xFFFFF000  }
0x1d4: {  	[spmem:s3] =	stream.indirect.scatter.add.bf16 [tilespmem:s19], [sflag:$0x2], $0x20, s12, s1, $0xb8;
	[tilespmem:$0x1DC00] =	vst v63  }
0x1d5: {  	_ =	swait.ge [sflag:s22], $0x1000  }
0x1d6: {  	[sflag:s22] =	ssyncset.done $0x0  }
0x1d7: {  	s12 =	simm.s32 $0x14780;
	[sflag:s22] =	ssyncadd.s32 $0xFFFFF000  }
0x1d8: {  	[spmem:s3] =	stream.indirect.scatter.add.bf16 [tilespmem:s21], [sflag:$0x2], $0x20, s12, s1, $0xb8;
	[tilespmem:$0x1DC00] =	vst v63  }
0x1d9: {  	_ =	swait.ge [sflag:s8], $0x1000  }
0x1da: {  	[sflag:s8] =	ssyncset.done $0x0  }
0x1db: {  	[sflag:s8] =	ssyncadd.s32 $0xFFFFF000  }
0x1dc: {  	_ =	swait.ge [sflag:s8], $0x1000  }
0x1dd: {  	[sflag:s8] =	ssyncset.done $0x0  }
0x1de: {  	[sflag:s8] =	ssyncadd.s32 $0xFFFFF000  }
0x1df: {  	_ =	swait.ge [sflag:s8], $0x1000  }
0x1e0: {  	[sflag:s8] =	ssyncset.done $0x0  }
0x1e1: {  	[sflag:s8] =	ssyncadd.s32 $0xFFFFF000  }
0x1e2: {  	_ =	swait.ge [sflag:s8], $0x1000  }
0x1e3: {  	[sflag:s8] =	ssyncset.done $0x0  }
0x1e4: {  	[sflag:s8] =	ssyncadd.s32 $0xFFFFF000  }
0x1e5: {  	_ =	swait.ge [sflag:s8], $0x1000  }
0x1e6: {  	[sflag:s8] =	ssyncset.done $0x0  }
0x1e7: {  	[sflag:s8] =	ssyncadd.s32 $0xFFFFF000  }
0x1e8: {  	_ =	swait.ge [sflag:s8], $0x1000  }
0x1e9: {  	[sflag:s8] =	ssyncset.done $0x0  }
0x1ea: {  	[sflag:s8] =	ssyncadd.s32 $0xFFFFF000  }
.Ltmp5:
0x1eb: {  	_ =	swait.ge [sflag:s8], $0x1000;
	(pc) =	sbr.rel @!p1 .LBB2_3-.Ltmp5, $4  }
0x1ec: {  	[sflag:s8] =	ssyncset.done $0x0  }
0x1ed: {  	[sflag:s8] =	ssyncadd.s32 $0xFFFFF000  }
0x1ee: {  	_ =	swait.ge [sflag:s8], $0x1000  }
0x1ef: {  	s12 =	smov.u32 s14;
	[sflag:s8] =	ssyncset.done $0x0  }
0x1f0: {  	s10 =	sadd.s32 s10, s24;
	[sflag:s8] =	ssyncadd.s32 $0xFFFFF000  }
0x1f1: {  	[tilespmem:s0], [sflag:$0x3] =	stream.linear.gather [hbm4b:s10+s16], $0x800, $0x38;
	[tilespmem:$0x1DC00] =	vst v63  }
0x1f2: {  	_ =	swait.ge [sflag:s31], $0x800  }
0x1f3: {  	[sflag:s31] =	ssyncset.done $0x0  }
0x1f4: {  	[sflag:s31] =	ssyncadd.s32 $0xFFFFF800  }
0x1f5: {  	[tilespmem:s7], [sflag:$0x1] =	stream.indirect.gather [hbm4b:s5+s1], $0x20, s0, s1, $0xb8;
	[tilespmem:$0x1DC00] =	vst v63  }
0x1f6: {  	_ = 	snop  }
0x1f7: {  	[tilespmem:s2], [sflag:$0x1] =	stream.indirect.gather [hbm4b:s5+s1], $0x20, s18, s1, $0xb8;
	[tilespmem:$0x1DC00] =	vst v63  }
0x1f8: {  	_ = 	snop  }
0x1f9: {  	[tilespmem:s11], [sflag:$0x1] =	stream.indirect.gather [hbm4b:s5+s1], $0x20, s20, s1, $0xb8;
	[tilespmem:$0x1DC00] =	vst v63  }
0x1fa: {  	_ = 	snop  }
0x1fb: {  	[tilespmem:s13], [sflag:$0x1] =	stream.indirect.gather [hbm4b:s5+s1], $0x20, s23, s1, $0xb8;
	[tilespmem:$0x1DC00] =	vst v63  }
0x1fc: {  	_ = 	snop  }
0x1fd: {  	[tilespmem:s15], [sflag:$0x1] =	stream.indirect.gather [hbm4b:s5+s1], $0x20, s25, s1, $0xb8;
	[tilespmem:$0x1DC00] =	vst v63  }
0x1fe: {  	_ = 	snop  }
0x1ff: {  	[tilespmem:s17], [sflag:$0x1] =	stream.indirect.gather [hbm4b:s5+s1], $0x20, s26, s1, $0xb8;
	[tilespmem:$0x1DC00] =	vst v63  }
0x200: {  	_ = 	snop  }
0x201: {  	[tilespmem:s19], [sflag:$0x1] =	stream.indirect.gather [hbm4b:s5+s1], $0x20, s28, s1, $0xb8;
	[tilespmem:$0x1DC00] =	vst v63  }
0x202: {  	_ = 	snop  }
0x203: {  	[tilespmem:s21], [sflag:$0x1] =	stream.indirect.gather [hbm4b:s5+s1], $0x20, s29, s1, $0xb8;
	[tilespmem:$0x1DC00] =	vst v63  }
0x204: {  	_ =	swait.ge [sflag:s22], $0x1000  }
0x205: {  	[sflag:s22] =	ssyncset.done $0x0  }
0x206: {  	[sflag:s22] =	ssyncadd.s32 $0xFFFFF000  }
0x207: {  	[spmem:s3] =	stream.indirect.scatter.add.bf16 [tilespmem:s7], [sflag:$0x2], $0x20, s9, s1, $0xb8;
	[tilespmem:$0x1DC00] =	vst v63  }
0x208: {  	_ =	swait.ge [sflag:s22], $0x1000  }
0x209: {  	[sflag:s22] =	ssyncset.done $0x0  }
0x20a: {  	[sflag:s22] =	ssyncadd.s32 $0xFFFFF000  }
0x20b: {  	[spmem:s3] =	stream.indirect.scatter.add.bf16 [tilespmem:s2], [sflag:$0x2], $0x20, s30, s1, $0xb8;
	[tilespmem:$0x1DC00] =	vst v63  }
0x20c: {  	_ =	swait.ge [sflag:s22], $0x1000  }
0x20d: {  	[sflag:s22] =	ssyncset.done $0x0  }
0x20e: {  	[sflag:s22] =	ssyncadd.s32 $0xFFFFF000  }
0x20f: {  	[spmem:s3] =	stream.indirect.scatter.add.bf16 [tilespmem:s11], [sflag:$0x2], $0x20, s4, s1, $0xb8;
	[tilespmem:$0x1DC00] =	vst v63  }
0x210: {  	_ =	swait.ge [sflag:s22], $0x1000  }
0x211: {  	[sflag:s22] =	ssyncset.done $0x0  }
0x212: {  	s14 =	simm.s32 $0x14580;
	[sflag:s22] =	ssyncadd.s32 $0xFFFFF000  }
0x213: {  	[spmem:s3] =	stream.indirect.scatter.add.bf16 [tilespmem:s13], [sflag:$0x2], $0x20, s14, s1, $0xb8;
	[tilespmem:$0x1DC00] =	vst v63  }
0x214: {  	_ =	swait.ge [sflag:s22], $0x1000  }
0x215: {  	[sflag:s22] =	ssyncset.done $0x0  }
0x216: {  	s20 =	simm.s32 $0x14600;
	[sflag:s22] =	ssyncadd.s32 $0xFFFFF000  }
0x217: {  	[spmem:s3] =	stream.indirect.scatter.add.bf16 [tilespmem:s15], [sflag:$0x2], $0x20, s20, s1, $0xb8;
	[tilespmem:$0x1DC00] =	vst v63  }
0x218: {  	_ =	swait.ge [sflag:s22], $0x1000  }
0x219: {  	[sflag:s22] =	ssyncset.done $0x0  }
0x21a: {  	s23 =	simm.s32 $0x14680;
	[sflag:s22] =	ssyncadd.s32 $0xFFFFF000  }
0x21b: {  	[spmem:s3] =	stream.indirect.scatter.add.bf16 [tilespmem:s17], [sflag:$0x2], $0x20, s23, s1, $0xb8;
	[tilespmem:$0x1DC00] =	vst v63  }
0x21c: {  	_ =	swait.ge [sflag:s22], $0x1000  }
0x21d: {  	[sflag:s22] =	ssyncset.done $0x0  }
0x21e: {  	s25 =	simm.s32 $0x14700;
	[sflag:s22] =	ssyncadd.s32 $0xFFFFF000  }
0x21f: {  	[spmem:s3] =	stream.indirect.scatter.add.bf16 [tilespmem:s19], [sflag:$0x2], $0x20, s25, s1, $0xb8;
	[tilespmem:$0x1DC00] =	vst v63  }
0x220: {  	_ =	swait.ge [sflag:s22], $0x1000  }
0x221: {  	[sflag:s22] =	ssyncset.done $0x0  }
0x222: {  	s26 =	simm.s32 $0x14780;
	[sflag:s22] =	ssyncadd.s32 $0xFFFFF000  }
0x223: {  	[spmem:s3] =	stream.indirect.scatter.add.bf16 [tilespmem:s21], [sflag:$0x2], $0x20, s26, s1, $0xb8;
	[tilespmem:$0x1DC00] =	vst v63  }
0x224: {  	_ =	swait.ge [sflag:s8], $0x1000  }
0x225: {  	[sflag:s8] =	ssyncset.done $0x0  }
0x226: {  	[sflag:s8] =	ssyncadd.s32 $0xFFFFF000  }
0x227: {  	_ =	swait.ge [sflag:s8], $0x1000  }
0x228: {  	[sflag:s8] =	ssyncset.done $0x0  }
0x229: {  	[sflag:s8] =	ssyncadd.s32 $0xFFFFF000  }
0x22a: {  	_ =	swait.ge [sflag:s8], $0x1000  }
0x22b: {  	[sflag:s8] =	ssyncset.done $0x0  }
0x22c: {  	[sflag:s8] =	ssyncadd.s32 $0xFFFFF000  }
0x22d: {  	_ =	swait.ge [sflag:s8], $0x1000  }
0x22e: {  	[sflag:s8] =	ssyncset.done $0x0  }
0x22f: {  	[sflag:s8] =	ssyncadd.s32 $0xFFFFF000  }
0x230: {  	_ =	swait.ge [sflag:s8], $0x1000  }
0x231: {  	[sflag:s8] =	ssyncset.done $0x0  }
0x232: {  	[sflag:s8] =	ssyncadd.s32 $0xFFFFF000  }
0x233: {  	_ =	swait.ge [sflag:s8], $0x1000  }
0x234: {  	[sflag:s8] =	ssyncset.done $0x0  }
0x235: {  	[sflag:s8] =	ssyncadd.s32 $0xFFFFF000  }
0x236: {  	s28 =	simm.s32 $0x14380;
	_ =	swait.ge [sflag:s8], $0x1000  }
.Ltmp6:
0x237: {  	s29 =	simm.s32 $0x14480;
	[sflag:s8] =	ssyncset.done $0x0;
	(pc) =	sbr.rel .LBB2_8-.Ltmp6, $4  }
0x238: {  	s9 =	simm.s32 $0x14400;
	s4 =	simm.s32 $0x14500;
	[sflag:s8] =	ssyncadd.s32 $0xFFFFF000  }
0x239: {  	s20 =	simm.s32 $0x14180;
	s23 =	simm.s32 $0x14200;
	_ =	swait.ge [sflag:s8], $0x1000  }
0x23a: {  	s25 =	simm.s32 $0x14280;
	[sflag:s8] =	ssyncset.done $0x0;
	s10 =	rddreg [dreg:$0x4]  }
0x23b: {  	s26 =	simm.s32 $0x14300;
	s30 =	rddreg [dreg:$0x19];
	[sflag:s8] =	ssyncadd.s32 $0xFFFFF000  }
.LBB2_9:
0x23c: {  	_ =	sfence.sel $0x180000  }
0x23d: {  	[bflag:$0x0] =	sbarrier.arrive $0xFFFF  }
0x23e: {  	_ =	strace $0x90000047  }
0x23f: {  	s0 =	stileid.u32;
	[bflag:$0x2] =	sbarrier.arrive $0xFFFF  }
0x240: {  	p0 =	sne.s32 s0, $0x0;
	s0 =	rddreg [dreg:$0x3]  }
0x241: {  	s0 =	sadd.s32 @!p0 $0x100000, s0  }
0x242: {  	[sflag:s0] =	ssyncadd.tile.s32 @!p0 $0x1;
	_ =	shalt  }
.Lfunc_end2:
_tile_overlayer_lowered:
.L_overlay_start_2:
0x243: {  	(tag) =	ssettag $0x2  }
0x244: {  	s0 =	rddreg [dreg:$0x0];
	s2 =	stileid.u32  }
0x245: {  	s1 =	rddreg [dreg:$0x1];
	p0 =	sne.s32 s2, $0x0  }
0x246: {  	s3 =	rddreg [dreg:$0x2];
	[bflag:$0x3] =	sbarrier.arrive $0xFFFF;
	s2 =	simm.s32 @!p0 $0x1C03  }
0x247: {  	[timem:s3], [sflag:s2] =	dma.local @!p0 [hbm:s0], s1  }
0x248: {  	s0 =	simm.s32 @!p0 $0x3  }
0x249: {  	_ =	swait.ge @!p0 [sflag:s0], s1  }
0x24a: {  	s1 =	ssub.s32 @!p0 $0x0, s1;
	[sflag:s0] =	ssyncset.done @!p0 $0x0  }
0x24b: {  	[sflag:s0] =	ssyncadd.s32 @!p0 s1  }
0x24c: {  	[bflag:$0x3] =	sbarrier.arrive $0xFFFF  }
0x24d: {  	_ =	shalt  }

// kernel: kernel.14.cloned.1.call-start
scs
__scs_entry_jumppad:
0x0: {  	(pc) =	sbr.rel $0x88, $3  }
0x1: {  	(tag) =	ssettag $0x0;
	lr =	simm.s32 $0x1  }
0x2: {  	[smem:$0x3F93] =	sst lr;
	_ =	strace $0xD0000000  }
0x3: {  	_ = 	snop  }
0x4: {  	_ = 	snop  }
0x5: {  	_ = 	snop  }
0x6: {  	_ = 	snop  }
0x7: {  	_ = 	snop  }
__scs_overlays_trampoline_lowered:
0x8: {  	[smem:$0x3FA2] =	sst s0  }
0x9: {  	[smem:$0x3FA3] =	sst s1  }
0xa: {  	[smem:$0x3FA4] =	sst s2  }
0xb: {  	[smem:$0x3FA5] =	sst s3  }
0xc: {  	[smem:$0x3FA6] =	sst s4  }
0xd: {  	[smem:$0x3FA7] =	sst s5  }
0xe: {  	[smem:$0x3FA8] =	sst s6  }
0xf: {  	[smem:$0x3FA9] =	sst s7  }
0x10: {  	[smem:$0x3FAA] =	sst s8  }
0x11: {  	[smem:$0x3FAB] =	sst s9;
	s0 =	simm.s32 @!p0 $0x0  }
0x12: {  	s1 =	sld [smem:$0x3F91];
	s0 =	simm.s32 @p0 $0x1  }
0x13: {  	[smem:$0x3FAC] =	sst s0;
	s0 =	simm.s32 @!p1 $0x0  }
0x14: {  	s2 =	sld [smem:$0x3F90];
	s0 =	simm.s32 @p1 $0x1  }
0x15: {  	[smem:$0x3FAD] =	sst s0;
	s0 =	simm.s32 @!p2 $0x0  }
0x16: {  	s3 =	sld [smem:$0x3FDB];
	s0 =	simm.s32 @p2 $0x1  }
0x17: {  	s4 =	simm.s32 $0x1BF5;
	[smem:$0x3FAF] =	sst s0  }
0x18: {  	s0 =	sld [smem:$0x3F92];
	_ =	swait.ge [sflag:s4], $0x0  }
0x19: {  	s7 =	sld [smem:$0x3F93]  }
0x1a: {  	s8 =	sadd.s32 $0xFFFFE003, lr  }
0x1b: {  	s9 =	sadd.s32 $0xFFFFFEF7, lr;
	s5 =	simm.s32 $0xFFFFFFFF;
	p2 =	slt.u32 s8, $0xFFFFF086  }
0x1c: {  	p1 =	slt.u32 s9, $0xF7A;
	s5 =	simm.s32 @!p2 $0x0  }
0x1d: {  	s5 =	simm.s32 @p1 $0x1;
	p0 =	seq.s32 s7, s2  }
0x1e: {  	s7 =	smul.u32 @!p0 $0xF7A, s2;
	p2 =	seq.s32 @!p0 s5, $0x0  }
0x1f: {  	s9 =	smul.u32 $0xF7A, s1;
	s8 =	simm.s32 @!p0 $0x1BF5;
	p2 =	por !p2, p0  }
0x20: {  	[sflag:s8] =	ssyncset.s32 @!p0 $0xFFFFF086;
	s6 =	sadd.s32 @!p0 s3, s7;
	s7 =	simm.s32 @!p0 $0x108  }
0x21: {  	s3 =	sadd.s32 s3, s9;
	s6 =	sadd.s32 @!p0 $0x88, s6;
	s7 =	simm.s32 @p2 $0x1082  }
0x22: {  	[simem:s7], [sflag:s8] =	dma.local @!p0 [hbm:s6], $0xF7A  }
0x23: {  	s9 =	sor.u32 $0xD0000000, s2;
	s6 =	simm.s32 $0x108;
	_ =	swait.ge @!p0 [sflag:s8], $0x0  }
0x24: {  	s3 =	sadd.s32 $0x88, s3;
	s6 =	simm.s32 @!p1 $0x1082;
	[sflag:s4] =	ssyncset.s32 $0xFFFFF086  }
0x25: {  	[simem:s6], [sflag:s4] =	dma.local [hbm:s3], $0xF7A  }
0x26: {  	[smem:$0x3F93] =	sst s1;
	(tag) =	ssettag s2;
	_ =	strace s9  }
0x27: {  	s1 =	sld [smem:$0x3FA3]  }
0x28: {  	s2 =	sld [smem:$0x3FA4]  }
0x29: {  	s4 =	sld [smem:$0x3FA6]  }
0x2a: {  	p0 =	seq.s32 s5, $0x0;
	s5 =	sld [smem:$0x3FA7]  }
0x2b: {  	s6 =	sld [smem:$0x3FA8]  }
0x2c: {  	s7 =	sld [smem:$0x3FA9]  }
0x2d: {  	s3 =	simm.s32 $0x108;
	s8 =	sld [smem:$0x3FAA]  }
0x2e: {  	s3 =	simm.s32 @!p0 $0x1082;
	s9 =	sld [smem:$0x3FAB]  }
0x2f: {  	lr =	sadd.s32 s0, s3;
	s0 =	sld [smem:$0x3FA2]  }
0x30: {  	s3 =	sld [smem:$0x3FA5]  }
0x31: {  	[smem:$0x3FAE] =	sst s10  }
0x32: {  	s10 =	sld [smem:$0x3FAC];
	_ =	sdelay $0x3  }
0x33: {  	p0 =	seq.s32 s10, $0x1;
	s10 =	sld [smem:$0x3FAE];
	_ =	sdelay $0x3  }
0x34: {  	[smem:$0x3FAE] =	sst s10  }
0x35: {  	s10 =	sld [smem:$0x3FAD];
	_ =	sdelay $0x3  }
0x36: {  	p1 =	seq.s32 s10, $0x1;
	s10 =	sld [smem:$0x3FAE];
	_ =	sdelay $0x3  }
0x37: {  	[smem:$0x3FAE] =	sst s10  }
0x38: {  	s10 =	sld [smem:$0x3FAF]  }
0x39: {  	_ = 	snop;
	(pc) =	sbr.ind lr, $3  }
0x3a: {  	_ = 	snop  }
0x3b: {  	_ = 	snop  }
0x3c: {  	p2 =	seq.s32 s10, $0x1;
	s10 =	sld [smem:$0x3FAE]  }
0x3d: {  	_ =	shalt  }
0x3e: {  	_ =	shalt  }
0x3f: {  	_ =	shalt  }
0x40: {  	_ =	shalt  }
0x41: {  	_ =	shalt  }
0x42: {  	_ =	shalt  }
0x43: {  	_ =	shalt  }
0x44: {  	_ =	shalt  }
0x45: {  	_ =	shalt  }
0x46: {  	_ =	shalt  }
0x47: {  	_ =	shalt  }
0x48: {  	_ =	shalt  }
0x49: {  	_ =	shalt  }
0x4a: {  	_ =	shalt  }
0x4b: {  	_ =	shalt  }
0x4c: {  	_ =	shalt  }
0x4d: {  	_ =	shalt  }
0x4e: {  	_ =	shalt  }
0x4f: {  	_ =	shalt  }
0x50: {  	_ =	shalt  }
0x51: {  	_ =	shalt  }
0x52: {  	_ =	shalt  }
0x53: {  	_ =	shalt  }
0x54: {  	_ =	shalt  }
0x55: {  	_ =	shalt  }
0x56: {  	_ =	shalt  }
0x57: {  	_ =	shalt  }
0x58: {  	_ =	shalt  }
0x59: {  	_ =	shalt  }
0x5a: {  	_ =	shalt  }
0x5b: {  	_ =	shalt  }
0x5c: {  	_ =	shalt  }
0x5d: {  	_ =	shalt  }
0x5e: {  	_ =	shalt  }
0x5f: {  	_ =	shalt  }
0x60: {  	_ =	shalt  }
0x61: {  	_ =	shalt  }
0x62: {  	_ =	shalt  }
0x63: {  	_ =	shalt  }
0x64: {  	_ =	shalt  }
0x65: {  	_ =	shalt  }
0x66: {  	_ =	shalt  }
0x67: {  	_ =	shalt  }
0x68: {  	_ =	shalt  }
0x69: {  	_ =	shalt  }
0x6a: {  	_ =	shalt  }
0x6b: {  	_ =	shalt  }
0x6c: {  	_ =	shalt  }
0x6d: {  	_ =	shalt  }
0x6e: {  	_ =	shalt  }
0x6f: {  	_ =	shalt  }
0x70: {  	_ =	shalt  }
0x71: {  	_ =	shalt  }
0x72: {  	_ =	shalt  }
0x73: {  	_ =	shalt  }
0x74: {  	_ =	shalt  }
0x75: {  	_ =	shalt  }
0x76: {  	_ =	shalt  }
0x77: {  	_ =	shalt  }
0x78: {  	_ =	shalt  }
0x79: {  	_ =	shalt  }
0x7a: {  	_ =	shalt  }
0x7b: {  	_ =	shalt  }
0x7c: {  	_ =	shalt  }
0x7d: {  	_ =	shalt  }
0x7e: {  	_ =	shalt  }
0x7f: {  	_ =	shalt  }
0x80: {  	_ =	shalt  }
0x81: {  	_ =	shalt  }
0x82: {  	_ =	shalt  }
0x83: {  	_ =	shalt  }
0x84: {  	_ =	shalt  }
0x85: {  	_ =	shalt  }
0x86: {  	_ =	shalt  }
0x87: {  	_ =	shalt  }
.Lfunc_end0:
.L_simem_size_0:
called_computation.2_lowered:
.L_overlay_start_0:
0x88: {  	s2 =	sld [smem:$0x3FD9]  }
0x89: {  	s3 =	sld [smem:$0x3FFE];
	_ =	sdelay $0x1  }
0x8a: {  	s1 =	srdreg.scid  }
0x8b: {  	s0 =	sand.u32 $0x1, s1  }
0x8c: {  	s17 =	sshll.u32 s0, $0xA;
	s2 =	sadd.s32 s3, s2  }
0x8d: {  	s2 =	sadd.s32 s2, s17  }
0x8e: {  	[smem:$0x3FBA] =	sst s2  }
0x8f: {  	_ = 	snop  }
0x90: {  	s2 =	sld [smem:$0x3FD0];
	(tm) =	ssettm $0x1  }
0x91: {  	s18 =	sld [smem:$0x3FFB];
	_ =	sdelay $0x3  }
0x92: {  	_ =	strace s18  }
0x93: {  	s3 =	sld [smem:$0x3FFC];
	_ =	sdelay $0x3  }
0x94: {  	_ =	strace s3  }
0x95: {  	s3 =	sld [smem:$0x3FFD];
	_ =	sdelay $0x3  }
0x96: {  	_ =	strace s3  }
0x97: {  	_ =	strace $0x8FFFFFFF  }
0x98: {  	s19 =	sld [smem:$0x3FDB];
	_ =	sdelay $0x1  }
0x99: {  	s4 =	simm.s32 $_scs_section_size  }
0x9a: {  	s5 =	simm.s32 $_size__tile_overlayer_lowered;
	s6 =	simm.s32 $_tile_overlayer_lowered  }
0x9b: {  	s22 =	simm.s32 $0x1BFF;
	s21 =	sshll.u32 s6, $0x1;
	s3 =	sadd.s32 s4, s19  }
0x9c: {  	s7 =	simm.s32 $0x0;
	s20 =	sshll.u32 s5, $0x1;
	s5 =	sadd.s32 s21, s3  }
0x9d: {  	[timem:s7], [sflag:s22] =	dma.local [hbm:s5], s20  }
0x9e: {  	_ =	swait.ge [sflag:s22], s20  }
0x9f: {  	s4 =	ssub.s32 $0x0, s20;
	[sflag:s22] =	ssyncset.done $0x0  }
0xa0: {  	[sflag:s22] =	ssyncadd.s32 s4;
	_ =	sdelay $0x1  }
0xa1: {  	s23 =	simm.s32 $0x1B8B  }
0xa2: {  	_ =	swait.ge [sflag:s23], $0x1  }
0xa3: {  	[sflag:s23] =	ssyncset.done $0x0  }
0xa4: {  	s25 =	simm.s32 $0x1B8E;
	s24 =	sld [smem:$0x3FFE];
	[sflag:s23] =	ssyncadd.s32 $0xFFFFFFFF  }
0xa5: {  	s26 =	simm.s32 $execute0_lowered;
	[smem:$0x3FD2] =	sst s25  }
0xa6: {  	s5 =	sshll.u32 s26, $0x1;
	_ =	strace $0x8000004C;
	[dreg:$0x1] =	wrdreg $0xFFFFFFFF  }
0xa7: {  	s28 =	simm.s32 $_size_execute0_lowered;
	s3 =	sadd.s32 s3, s5;
	[dreg:$0x0] =	wrdreg $0x0  }
0xa8: {  	s5 =	sshll.u32 s28, $0x1;
	[dreg:$0x2] =	wrdreg s3  }
0xa9: {  	[dreg:$0x3] =	wrdreg s5  }
0xaa: {  	[dreg:$0x4] =	wrdreg $0xC0  }
0xab: {  	_ =	task [dreg:s7], $0x5FFFF  }
0xac: {  	[dreg:$0x1] =	wrdreg $0xFFFFFFFF  }
0xad: {  	[dreg:$0x0] =	wrdreg $0x60  }
0xae: {  	[dreg:$0x2] =	wrdreg s24  }
0xaf: {  	[dreg:$0x3] =	wrdreg s2  }
0xb0: {  	[dreg:$0x4] =	wrdreg $0x0  }
0xb1: {  	[dreg:$0x5] =	wrdreg $0x9  }
0xb2: {  	_ =	task.clear_ibuf [dreg:s7], $0x6FFFF;
	_ =	strace $0x9000004C  }
0xb3: {  	s29 =	simm.s32 $0x9;
	_ =	strace $0x8000004E  }
0xb4: {  	_ =	swait.ge [sflag:s29], $0x1  }
0xb5: {  	[sflag:s29] =	ssyncadd.s32 $0xFFFFFFFF  }
0xb6: {  	_ =	strace $0x9000004E  }
0xb7: {  	_ =	sfence  }
0xb8: {  	s30 =	sld [smem:$0x0];
	_ =	sdelay $0x2  }
0xb9: {  	s31 =	sshll.u32 s1, $0xD;
	s1 =	sshrl.u32 s1, $0x2  }
0xba: {  	s3 =	sand.u32 $0x4000, s31;
	s1 =	sadd.s32 s1, s30  }
0xbb: {  	s0 =	sor.u32 s3, s0;
	s1 =	sshll.u32 s1, $0x11  }
0xbc: {  	s0 =	sor.u32 s1, s0  }
0xbd: {  	s0 =	sadd.s32 $0x8F2B, s0  }
0xbe: {  	[sflag:s0] =	ssyncadd.remote.s32 $0x1  }
0xbf: {  	_ =	sfence.sel $0xFFFF  }
0xc0: {  	[dreg:$0x0] =	wrdreg $0xFFFFFFFF;
	(pc) =	sbr.abs _section_cstart, $3  }
0xc1: {  	[dreg:$0x1] =	wrdreg $0xFFFFFFFF  }
0xc2: {  	_ =	task.clear_ibuf [dreg:s7], $0x2FFFF;
	_ =	strace $0x9FFFFFFF  }
0xc3: {  	(tm) =	ssettm $0x7FFFFFFF  }
tec
execute0_lowered:
.L_overlay_start_1:
0x0: {  	(tag) =	ssettag $0x1  }
0x1: {  	s0 =	rddreg [dreg:$0x0]  }
0x2: {  	s3 =	rddreg [dreg:$0x2]  }
0x3: {  	s16 =	simm.s32 $0x0;
	s8 =	stileid.u32;
	s2 =	srdreg.scid  }
0x4: {  	[smem:$0x7FF] =	sst s16;
	s1 =	smul.u32 $0x1400, s8  }
0x5: {  	s5 =	sadd.s32 $0x3600, s0;
	s4 =	smul.u32 $0x50000, s8;
	s6 =	sadd.s32 $0xD400, s0  }
0x6: {  	s2 =	sand.u32 $0x1, s2;
	s7 =	sadd.s32 $0x35200, s0;
	s13 =	smul.u32 $0x27200, s8  }
0x7: {  	_ =	strace $0x8000004D;
	[dreg:$0x4] =	wrdreg s7;
	s24 =	ssub.s32 $0x2, s2  }
0x8: {  	p0 =	seq.s32 s2, $0x1;
	s1 =	sadd.s32 s1, s0;
	s0 =	sadd.s32 $0x5C400, s0  }
0x9: {  	s4 =	sshrl.u32 s4, $0x2;
	s2 =	sshrl.u32 s13, $0x4;
	[dreg:$0x5] =	wrdreg s0  }
0xa: {  	s9 =	sadd.s32 s4, s3;
	[dreg:$0x13] =	wrdreg s2  }
0xb: {  	s26 =	sadd.s32 $0x1400, s9;
	[dreg:$0x6] =	wrdreg s9  }
0xc: {  	s31 =	simm.s32 $0x3;
	s4 =	sadd.s32 $0x2800, s9;
	[dreg:$0x7] =	wrdreg s26  }
0xd: {  	s28 =	simm.s32 $0x14380;
	s7 =	sadd.s32 $0x3C00, s9;
	[dreg:$0x8] =	wrdreg s4  }
0xe: {  	s29 =	simm.s32 $0x14480;
	s10 =	sadd.s32 $0x5000, s9;
	[dreg:$0x9] =	wrdreg s7  }
0xf: {  	s30 =	simm.s32 $0x0;
	s11 =	sadd.s32 $0x6400, s9;
	[dreg:$0xa] =	wrdreg s10  }
0x10: {  	s8 =	simm.s32 $0x2;
	s12 =	sadd.s32 $0x7800, s9;
	[dreg:$0xb] =	wrdreg s11  }
0x11: {  	s25 =	sshrl.u32 s24, $0x1;
	s14 =	sadd.s32 $0xA000, s9;
	[dreg:$0xc] =	wrdreg s12  }
0x12: {  	s19 =	sshrl.u32 s13, $0x1;
	s15 =	sadd.s32 $0xB400, s9;
	[dreg:$0xe] =	wrdreg s14  }
0x13: {  	s13 =	simm.s32 $0x17800;
	s17 =	sadd.s32 $0xC800, s9;
	[dreg:$0xf] =	wrdreg s15  }
0x14: {  	s0 =	ssub.s32 s24, s25;
	s18 =	sadd.s32 $0xDC00, s9;
	[dreg:$0x10] =	wrdreg s17  }
0x15: {  	s21 =	sadd.s32 s19, s3;
	s20 =	sadd.s32 $0xF000, s9;
	[dreg:$0x11] =	wrdreg s18  }
0x16: {  	s24 =	sadd.s32 $0x21200, s1;
	s0 =	smax.u32 s0, $0x1;
	[dreg:$0x12] =	wrdreg s20  }
0x17: {  	s1 =	simm.s32 $0x80;
	s22 =	sshrl.u32 s21, $0x3;
	[dreg:$0x14] =	wrdreg s0  }
0x18: {  	s2 =	simm.s32 $0x15800;
	s23 =	sadd.s32 $0x10400, s9;
	[dreg:$0x15] =	wrdreg s22  }
0x19: {  	s19 =	simm.s32 $0x1A800;
	s25 =	sadd.s32 $0x11800, s9;
	[dreg:$0x16] =	wrdreg s23  }
0x1a: {  	s21 =	simm.s32 $0x1B800;
	s4 =	sadd.s32 $0x8C00, s9;
	[dreg:$0x17] =	wrdreg s25  }
0x1b: {  	s26 =	sadd.s32 $0x12C00, s9;
	s0 =	simm.s32 $0x14000;
	s7 =	simm.s32 $0x14800  }
.Ltmp0:
0x1c: {  	s18 =	simm.s32 $0x14080;
	s14 =	simm.s32 $0x14100;
	(pc) =	sbr.rel .LBB2_1-.Ltmp0, $4  }
0x1d: {  	s11 =	simm.s32 $0x16800;
	s20 =	simm.s32 $0x14180;
	s23 =	simm.s32 $0x14200  }
0x1e: {  	s15 =	simm.s32 $0x18800;
	s25 =	simm.s32 $0x14280;
	s17 =	simm.s32 $0x19800  }
0x1f: {  	s22 =	simm.s32 $0x1;
	s9 =	simm.s32 $0x14400;
	[dreg:$0xd] =	wrdreg s4  }
0x20: {  	[dreg:$0x18] =	wrdreg s26;
	s26 =	simm.s32 $0x14300;
	s4 =	simm.s32 $0x14500  }
.LBB2_7:
0x21: {  	s10 =	sadd.s32 s10, s24;
	[sflag:s8] =	ssyncadd.s32 $0xFFFFF000  }
0x22: {  	[tilespmem:s0], [sflag:$0x3] =	stream.linear.gather [hbm4b:s10+s16], $0x800, $0x38;
	[tilespmem:$0x1DC00] =	vst v63  }
0x23: {  	_ =	swait.ge [sflag:s31], $0x800  }
0x24: {  	[sflag:s31] =	ssyncset.done $0x0  }
0x25: {  	[sflag:s31] =	ssyncadd.s32 $0xFFFFF800  }
0x26: {  	[tilespmem:s7], [sflag:$0x1] =	stream.indirect.gather [hbm4b:s6+s1], $0x20, s0, s1, $0xb8;
	[tilespmem:$0x1DC00] =	vst v63  }
0x27: {  	_ = 	snop  }
0x28: {  	[tilespmem:s2], [sflag:$0x1] =	stream.indirect.gather [hbm4b:s6+s1], $0x20, s18, s1, $0xb8;
	[tilespmem:$0x1DC00] =	vst v63  }
0x29: {  	_ = 	snop  }
0x2a: {  	[tilespmem:s11], [sflag:$0x1] =	stream.indirect.gather [hbm4b:s6+s1], $0x20, s20, s1, $0xb8;
	[tilespmem:$0x1DC00] =	vst v63  }
0x2b: {  	_ = 	snop  }
0x2c: {  	[tilespmem:s13], [sflag:$0x1] =	stream.indirect.gather [hbm4b:s6+s1], $0x20, s23, s1, $0xb8;
	[tilespmem:$0x1DC00] =	vst v63  }
0x2d: {  	_ = 	snop  }
0x2e: {  	[tilespmem:s15], [sflag:$0x1] =	stream.indirect.gather [hbm4b:s6+s1], $0x20, s25, s1, $0xb8;
	[tilespmem:$0x1DC00] =	vst v63  }
0x2f: {  	_ = 	snop  }
0x30: {  	[tilespmem:s17], [sflag:$0x1] =	stream.indirect.gather [hbm4b:s6+s1], $0x20, s26, s1, $0xb8;
	[tilespmem:$0x1DC00] =	vst v63  }
0x31: {  	_ = 	snop  }
0x32: {  	[tilespmem:s19], [sflag:$0x1] =	stream.indirect.gather [hbm4b:s6+s1], $0x20, s28, s1, $0xb8;
	[tilespmem:$0x1DC00] =	vst v63  }
0x33: {  	_ = 	snop  }
0x34: {  	[tilespmem:s21], [sflag:$0x1] =	stream.indirect.gather [hbm4b:s6+s1], $0x20, s29, s1, $0xb8;
	[tilespmem:$0x1DC00] =	vst v63  }
0x35: {  	_ =	swait.ge [sflag:s22], $0x1000  }
0x36: {  	[sflag:s22] =	ssyncset.done $0x0  }
0x37: {  	[sflag:s22] =	ssyncadd.s32 $0xFFFFF000  }
0x38: {  	[spmem:s3] =	stream.indirect.scatter.add.bf16 [tilespmem:s7], [sflag:$0x2], $0x20, s9, s1, $0xb8;
	[tilespmem:$0x1DC00] =	vst v63  }
0x39: {  	_ =	swait.ge [sflag:s22], $0x1000  }
0x3a: {  	[sflag:s22] =	ssyncset.done $0x0  }
0x3b: {  	[sflag:s22] =	ssyncadd.s32 $0xFFFFF000  }
0x3c: {  	[spmem:s3] =	stream.indirect.scatter.add.bf16 [tilespmem:s2], [sflag:$0x2], $0x20, s30, s1, $0xb8;
	[tilespmem:$0x1DC00] =	vst v63  }
0x3d: {  	_ =	swait.ge [sflag:s22], $0x1000  }
0x3e: {  	[sflag:s22] =	ssyncset.done $0x0  }
0x3f: {  	[sflag:s22] =	ssyncadd.s32 $0xFFFFF000  }
0x40: {  	[spmem:s3] =	stream.indirect.scatter.add.bf16 [tilespmem:s11], [sflag:$0x2], $0x20, s4, s1, $0xb8;
	[tilespmem:$0x1DC00] =	vst v63  }
0x41: {  	_ =	swait.ge [sflag:s22], $0x1000  }
0x42: {  	[sflag:s22] =	ssyncset.done $0x0  }
0x43: {  	s14 =	simm.s32 $0x14580;
	[sflag:s22] =	ssyncadd.s32 $0xFFFFF000  }
0x44: {  	[spmem:s3] =	stream.indirect.scatter.add.bf16 [tilespmem:s13], [sflag:$0x2], $0x20, s14, s1, $0xb8;
	[tilespmem:$0x1DC00] =	vst v63  }
0x45: {  	_ =	swait.ge [sflag:s22], $0x1000  }
0x46: {  	[sflag:s22] =	ssyncset.done $0x0  }
0x47: {  	s20 =	simm.s32 $0x14600;
	[sflag:s22] =	ssyncadd.s32 $0xFFFFF000  }
0x48: {  	[spmem:s3] =	stream.indirect.scatter.add.bf16 [tilespmem:s15], [sflag:$0x2], $0x20, s20, s1, $0xb8;
	[tilespmem:$0x1DC00] =	vst v63  }
0x49: {  	_ =	swait.ge [sflag:s22], $0x1000  }
0x4a: {  	[sflag:s22] =	ssyncset.done $0x0  }
0x4b: {  	s23 =	simm.s32 $0x14680;
	[sflag:s22] =	ssyncadd.s32 $0xFFFFF000  }
0x4c: {  	[spmem:s3] =	stream.indirect.scatter.add.bf16 [tilespmem:s17], [sflag:$0x2], $0x20, s23, s1, $0xb8;
	[tilespmem:$0x1DC00] =	vst v63  }
0x4d: {  	_ =	swait.ge [sflag:s22], $0x1000  }
0x4e: {  	[sflag:s22] =	ssyncset.done $0x0  }
0x4f: {  	s25 =	simm.s32 $0x14700;
	[sflag:s22] =	ssyncadd.s32 $0xFFFFF000  }
0x50: {  	[spmem:s3] =	stream.indirect.scatter.add.bf16 [tilespmem:s19], [sflag:$0x2], $0x20, s25, s1, $0xb8;
	[tilespmem:$0x1DC00] =	vst v63  }
0x51: {  	_ =	swait.ge [sflag:s22], $0x1000  }
0x52: {  	[sflag:s22] =	ssyncset.done $0x0  }
0x53: {  	s26 =	simm.s32 $0x14780;
	[sflag:s22] =	ssyncadd.s32 $0xFFFFF000  }
0x54: {  	[spmem:s3] =	stream.indirect.scatter.add.bf16 [tilespmem:s21], [sflag:$0x2], $0x20, s26, s1, $0xb8;
	[tilespmem:$0x1DC00] =	vst v63  }
0x55: {  	_ =	swait.ge [sflag:s8], $0x1000  }
0x56: {  	[sflag:s8] =	ssyncset.done $0x0  }
0x57: {  	[sflag:s8] =	ssyncadd.s32 $0xFFFFF000  }
0x58: {  	_ =	swait.ge [sflag:s8], $0x1000  }
0x59: {  	[sflag:s8] =	ssyncset.done $0x0  }
0x5a: {  	[sflag:s8] =	ssyncadd.s32 $0xFFFFF000  }
0x5b: {  	_ =	swait.ge [sflag:s8], $0x1000  }
0x5c: {  	[sflag:s8] =	ssyncset.done $0x0  }
0x5d: {  	[sflag:s8] =	ssyncadd.s32 $0xFFFFF000  }
0x5e: {  	_ =	swait.ge [sflag:s8], $0x1000  }
0x5f: {  	[sflag:s8] =	ssyncset.done $0x0  }
0x60: {  	[sflag:s8] =	ssyncadd.s32 $0xFFFFF000  }
0x61: {  	_ =	swait.ge [sflag:s8], $0x1000  }
0x62: {  	[sflag:s8] =	ssyncset.done $0x0  }
0x63: {  	[sflag:s8] =	ssyncadd.s32 $0xFFFFF000  }
0x64: {  	_ =	swait.ge [sflag:s8], $0x1000  }
0x65: {  	[sflag:s8] =	ssyncset.done $0x0  }
0x66: {  	[sflag:s8] =	ssyncadd.s32 $0xFFFFF000  }
0x67: {  	_ =	swait.ge [sflag:s8], $0x1000  }
0x68: {  	s28 =	simm.s32 $0x14380;
	s29 =	simm.s32 $0x14480;
	[sflag:s8] =	ssyncset.done $0x0  }
0x69: {  	s9 =	simm.s32 $0x14400;
	s4 =	simm.s32 $0x14500;
	[sflag:s8] =	ssyncadd.s32 $0xFFFFF000  }
0x6a: {  	s20 =	simm.s32 $0x14180;
	s23 =	simm.s32 $0x14200;
	_ =	swait.ge [sflag:s8], $0x1000  }
0x6b: {  	s25 =	simm.s32 $0x14280;
	[sflag:s8] =	ssyncset.done $0x0;
	s10 =	rddreg [dreg:$0x5]  }
0x6c: {  	s26 =	simm.s32 $0x14300;
	s30 =	rddreg [dreg:$0x19];
	[sflag:s8] =	ssyncadd.s32 $0xFFFFF000  }
.LBB2_8:
0x6d: {  	s12 =	stileid.u32  }
0x6e: {  	s14 =	rddreg [dreg:$0x13];
	[bflag:$0x0] =	sbarrier.arrive $0xFFFF;
	s12 =	sshll.u32 s12, $0x6  }
0x6f: {  	s10 =	sadd.s32 s10, s14;
	s14 =	rddreg [dreg:$0x15];
	s12 =	sor.u32 $0x1C03, s12  }
0x70: {  	[hbm:s10], [sflag:s12] =	dma.local [spmem:s14], $0x2720  }
0x71: {  	_ =	swait.ge [sflag:s31], $0x2720  }
0x72: {  	s30 =	sadd.s32 $0x1, s30;
	s14 =	rddreg [dreg:$0x14]  }
0x73: {  	p1 =	sne.s32 s30, s14  }
.Ltmp1:
0x74: {  	_ = 	snop;
	(pc) =	sbr.rel @!p1 .LBB2_9-.Ltmp1, $3  }
0x75: {  	_ =	sdelay $0x1  }
0x76: {  	[sflag:s31] =	ssyncset.done $0x0  }
0x77: {  	[sflag:s31] =	ssyncadd.s32 $0xFFFFD8E0;
	s14 =	simm.s32 $0x14100  }
.LBB2_1:
0x78: {  	[dreg:$0x19] =	wrdreg s30  }
0x79: {  	s10 =	rddreg [dreg:$0x1];
	s12 =	simm.s32 $0x1C800  }
0x7a: {  	[tilespmem:s12], [sflag:$0x3] =	stream.linear.gather [hbm4b:s10+s16], $0x1400, $0x38;
	[tilespmem:$0x1DC00] =	vst v63  }
0x7b: {  	_ =	swait.ge [sflag:s31], $0x1400  }
0x7c: {  	[sflag:s31] =	ssyncset.done $0x0  }
0x7d: {  	s30 =	rddreg [dreg:$0x6];
	[sflag:s31] =	ssyncadd.s32 $0xFFFFEC00  }
0x7e: {  	[spmem:s30] =	stream.linear.scatter [tilespmem:s12], [sflag:$0x3], $0x1400, $0x38;
	[tilespmem:$0x1DC00] =	vst v63  }
0x7f: {  	_ =	swait.ge [sflag:s31], $0x1400  }
0x80: {  	[sflag:s31] =	ssyncset.done $0x0  }
0x81: {  	s30 =	rddreg [dreg:$0x7];
	[sflag:s31] =	ssyncadd.s32 $0xFFFFEC00  }
0x82: {  	[spmem:s30] =	stream.linear.scatter [tilespmem:s12], [sflag:$0x3], $0x1400, $0x38;
	[tilespmem:$0x1DC00] =	vst v63  }
0x83: {  	_ =	swait.ge [sflag:s31], $0x1400  }
0x84: {  	[sflag:s31] =	ssyncset.done $0x0  }
0x85: {  	s30 =	rddreg [dreg:$0x8];
	[sflag:s31] =	ssyncadd.s32 $0xFFFFEC00  }
0x86: {  	[spmem:s30] =	stream.linear.scatter [tilespmem:s12], [sflag:$0x3], $0x1400, $0x38;
	[tilespmem:$0x1DC00] =	vst v63  }
0x87: {  	_ =	swait.ge [sflag:s31], $0x1400  }
0x88: {  	[sflag:s31] =	ssyncset.done $0x0  }
0x89: {  	s30 =	rddreg [dreg:$0x9];
	[sflag:s31] =	ssyncadd.s32 $0xFFFFEC00  }
0x8a: {  	[spmem:s30] =	stream.linear.scatter [tilespmem:s12], [sflag:$0x3], $0x1400, $0x38;
	[tilespmem:$0x1DC00] =	vst v63  }
0x8b: {  	_ =	swait.ge [sflag:s31], $0x1400  }
0x8c: {  	[sflag:s31] =	ssyncset.done $0x0  }
0x8d: {  	s30 =	rddreg [dreg:$0xa];
	[sflag:s31] =	ssyncadd.s32 $0xFFFFEC00  }
0x8e: {  	[spmem:s30] =	stream.linear.scatter [tilespmem:s12], [sflag:$0x3], $0x1400, $0x38;
	[tilespmem:$0x1DC00] =	vst v63  }
0x8f: {  	_ =	swait.ge [sflag:s31], $0x1400  }
0x90: {  	[sflag:s31] =	ssyncset.done $0x0  }
0x91: {  	s30 =	rddreg [dreg:$0xb];
	[sflag:s31] =	ssyncadd.s32 $0xFFFFEC00  }
0x92: {  	[spmem:s30] =	stream.linear.scatter [tilespmem:s12], [sflag:$0x3], $0x1400, $0x38;
	[tilespmem:$0x1DC00] =	vst v63  }
0x93: {  	_ =	swait.ge [sflag:s31], $0x1400  }
0x94: {  	[sflag:s31] =	ssyncset.done $0x0  }
0x95: {  	s30 =	rddreg [dreg:$0xc];
	[sflag:s31] =	ssyncadd.s32 $0xFFFFEC00  }
0x96: {  	[spmem:s30] =	stream.linear.scatter [tilespmem:s12], [sflag:$0x3], $0x1400, $0x38;
	[tilespmem:$0x1DC00] =	vst v63  }
0x97: {  	_ =	swait.ge [sflag:s31], $0x1400  }
0x98: {  	[sflag:s31] =	ssyncset.done $0x0  }
0x99: {  	s30 =	rddreg [dreg:$0xd];
	[sflag:s31] =	ssyncadd.s32 $0xFFFFEC00  }
0x9a: {  	[spmem:s30] =	stream.linear.scatter [tilespmem:s12], [sflag:$0x3], $0x1400, $0x38;
	[tilespmem:$0x1DC00] =	vst v63  }
0x9b: {  	_ =	swait.ge [sflag:s31], $0x1400  }
0x9c: {  	[sflag:s31] =	ssyncset.done $0x0  }
0x9d: {  	s30 =	rddreg [dreg:$0xe];
	[sflag:s31] =	ssyncadd.s32 $0xFFFFEC00  }
0x9e: {  	[spmem:s30] =	stream.linear.scatter [tilespmem:s12], [sflag:$0x3], $0x1400, $0x38;
	[tilespmem:$0x1DC00] =	vst v63  }
0x9f: {  	_ =	swait.ge [sflag:s31], $0x1400  }
0xa0: {  	[sflag:s31] =	ssyncset.done $0x0  }
0xa1: {  	s30 =	rddreg [dreg:$0xf];
	[sflag:s31] =	ssyncadd.s32 $0xFFFFEC00  }
0xa2: {  	[spmem:s30] =	stream.linear.scatter [tilespmem:s12], [sflag:$0x3], $0x1400, $0x38;
	[tilespmem:$0x1DC00] =	vst v63  }
0xa3: {  	_ =	swait.ge [sflag:s31], $0x1400  }
0xa4: {  	[sflag:s31] =	ssyncset.done $0x0  }
0xa5: {  	s30 =	rddreg [dreg:$0x10];
	[sflag:s31] =	ssyncadd.s32 $0xFFFFEC00  }
0xa6: {  	[spmem:s30] =	stream.linear.scatter [tilespmem:s12], [sflag:$0x3], $0x1400, $0x38;
	[tilespmem:$0x1DC00] =	vst v63  }
0xa7: {  	_ =	swait.ge [sflag:s31], $0x1400  }
0xa8: {  	[sflag:s31] =	ssyncset.done $0x0  }
0xa9: {  	s30 =	rddreg [dreg:$0x11];
	[sflag:s31] =	ssyncadd.s32 $0xFFFFEC00  }
0xaa: {  	[spmem:s30] =	stream.linear.scatter [tilespmem:s12], [sflag:$0x3], $0x1400, $0x38;
	[tilespmem:$0x1DC00] =	vst v63  }
0xab: {  	_ =	swait.ge [sflag:s31], $0x1400  }
0xac: {  	[sflag:s31] =	ssyncset.done $0x0  }
0xad: {  	s30 =	rddreg [dreg:$0x12];
	[sflag:s31] =	ssyncadd.s32 $0xFFFFEC00  }
0xae: {  	[spmem:s30] =	stream.linear.scatter [tilespmem:s12], [sflag:$0x3], $0x1400, $0x38;
	[tilespmem:$0x1DC00] =	vst v63  }
0xaf: {  	_ =	swait.ge [sflag:s31], $0x1400  }
0xb0: {  	[sflag:s31] =	ssyncset.done $0x0  }
0xb1: {  	s30 =	rddreg [dreg:$0x16];
	[sflag:s31] =	ssyncadd.s32 $0xFFFFEC00  }
0xb2: {  	[spmem:s30] =	stream.linear.scatter [tilespmem:s12], [sflag:$0x3], $0x1400, $0x38;
	[tilespmem:$0x1DC00] =	vst v63  }
0xb3: {  	_ =	swait.ge [sflag:s31], $0x1400  }
0xb4: {  	[sflag:s31] =	ssyncset.done $0x0  }
0xb5: {  	s30 =	rddreg [dreg:$0x17];
	[sflag:s31] =	ssyncadd.s32 $0xFFFFEC00  }
0xb6: {  	[spmem:s30] =	stream.linear.scatter [tilespmem:s12], [sflag:$0x3], $0x1400, $0x38;
	[tilespmem:$0x1DC00] =	vst v63  }
0xb7: {  	_ =	swait.ge [sflag:s31], $0x1400  }
0xb8: {  	[sflag:s31] =	ssyncset.done $0x0  }
0xb9: {  	s30 =	rddreg [dreg:$0x18];
	[sflag:s31] =	ssyncadd.s32 $0xFFFFEC00  }
0xba: {  	[spmem:s30] =	stream.linear.scatter [tilespmem:s12], [sflag:$0x3], $0x1400, $0x38;
	[tilespmem:$0x1DC00] =	vst v63  }
.Ltmp2:
0xbb: {  	_ =	swait.ge [sflag:s31], $0x1400;
	(pc) =	sbr.rel @!p0 .LBB2_2-.Ltmp2, $4  }
0xbc: {  	[sflag:s31] =	ssyncset.done $0x0  }
0xbd: {  	[sflag:s31] =	ssyncadd.s32 $0xFFFFEC00  }
0xbe: {  	[bflag:$0x0] =	sbarrier.arrive $0xFFFF  }
0xbf: {  	s10 =	sadd.s32 $0x0, s24  }
0xc0: {  	[tilespmem:s0], [sflag:$0x3] =	stream.linear.gather [hbm4b:s10+s16], $0x800, $0x38;
	[tilespmem:$0x1DC00] =	vst v63  }
0xc1: {  	_ =	swait.ge [sflag:s31], $0x800  }
0xc2: {  	[sflag:s31] =	ssyncset.done $0x0  }
0xc3: {  	[sflag:s31] =	ssyncadd.s32 $0xFFFFF800  }
0xc4: {  	[tilespmem:s7], [sflag:$0x1] =	stream.indirect.gather [hbm4b:s6+s1], $0x20, s0, s1, $0xb8;
	[tilespmem:$0x1DC00] =	vst v63  }
0xc5: {  	_ = 	snop  }
0xc6: {  	[tilespmem:s2], [sflag:$0x1] =	stream.indirect.gather [hbm4b:s6+s1], $0x20, s18, s1, $0xb8;
	[tilespmem:$0x1DC00] =	vst v63  }
0xc7: {  	_ = 	snop  }
0xc8: {  	[tilespmem:s11], [sflag:$0x1] =	stream.indirect.gather [hbm4b:s6+s1], $0x20, s14, s1, $0xb8;
	[tilespmem:$0x1DC00] =	vst v63  }
0xc9: {  	_ = 	snop  }
0xca: {  	[tilespmem:s13], [sflag:$0x1] =	stream.indirect.gather [hbm4b:s6+s1], $0x20, s20, s1, $0xb8;
	[tilespmem:$0x1DC00] =	vst v63  }
0xcb: {  	_ = 	snop  }
0xcc: {  	[tilespmem:s15], [sflag:$0x1] =	stream.indirect.gather [hbm4b:s6+s1], $0x20, s23, s1, $0xb8;
	[tilespmem:$0x1DC00] =	vst v63  }
0xcd: {  	_ = 	snop  }
0xce: {  	[tilespmem:s17], [sflag:$0x1] =	stream.indirect.gather [hbm4b:s6+s1], $0x20, s25, s1, $0xb8;
	[tilespmem:$0x1DC00] =	vst v63  }
0xcf: {  	_ = 	snop  }
0xd0: {  	[tilespmem:s19], [sflag:$0x1] =	stream.indirect.gather [hbm4b:s6+s1], $0x20, s26, s1, $0xb8;
	[tilespmem:$0x1DC00] =	vst v63  }
0xd1: {  	_ = 	snop  }
0xd2: {  	[tilespmem:s21], [sflag:$0x1] =	stream.indirect.gather [hbm4b:s6+s1], $0x20, s28, s1, $0xb8;
	[tilespmem:$0x1DC00] =	vst v63  }
0xd3: {  	_ =	swait.ge [sflag:s22], $0x1000  }
0xd4: {  	[sflag:s22] =	ssyncset.done $0x0  }
0xd5: {  	[sflag:s22] =	ssyncadd.s32 $0xFFFFF000  }
0xd6: {  	[spmem:s3] =	stream.indirect.scatter.add.bf16 [tilespmem:s7], [sflag:$0x2], $0x20, s9, s1, $0xb8;
	[tilespmem:$0x1DC00] =	vst v63  }
0xd7: {  	_ =	swait.ge [sflag:s22], $0x1000  }
0xd8: {  	[sflag:s22] =	ssyncset.done $0x0  }
0xd9: {  	[sflag:s22] =	ssyncadd.s32 $0xFFFFF000  }
0xda: {  	[spmem:s3] =	stream.indirect.scatter.add.bf16 [tilespmem:s2], [sflag:$0x2], $0x20, s29, s1, $0xb8;
	[tilespmem:$0x1DC00] =	vst v63  }
0xdb: {  	_ =	swait.ge [sflag:s22], $0x1000  }
0xdc: {  	[sflag:s22] =	ssyncset.done $0x0  }
0xdd: {  	[sflag:s22] =	ssyncadd.s32 $0xFFFFF000  }
0xde: {  	[spmem:s3] =	stream.indirect.scatter.add.bf16 [tilespmem:s11], [sflag:$0x2], $0x20, s4, s1, $0xb8;
	[tilespmem:$0x1DC00] =	vst v63  }
0xdf: {  	_ =	swait.ge [sflag:s22], $0x1000  }
0xe0: {  	[sflag:s22] =	ssyncset.done $0x0  }
0xe1: {  	s18 =	simm.s32 $0x14580;
	[sflag:s22] =	ssyncadd.s32 $0xFFFFF000  }
0xe2: {  	[spmem:s3] =	stream.indirect.scatter.add.bf16 [tilespmem:s13], [sflag:$0x2], $0x20, s18, s1, $0xb8;
	[tilespmem:$0x1DC00] =	vst v63  }
0xe3: {  	_ =	swait.ge [sflag:s22], $0x1000  }
0xe4: {  	[sflag:s22] =	ssyncset.done $0x0  }
0xe5: {  	s20 =	simm.s32 $0x14600;
	[sflag:s22] =	ssyncadd.s32 $0xFFFFF000  }
0xe6: {  	[spmem:s3] =	stream.indirect.scatter.add.bf16 [tilespmem:s15], [sflag:$0x2], $0x20, s20, s1, $0xb8;
	[tilespmem:$0x1DC00] =	vst v63  }
0xe7: {  	_ =	swait.ge [sflag:s22], $0x1000  }
0xe8: {  	[sflag:s22] =	ssyncset.done $0x0  }
0xe9: {  	s23 =	simm.s32 $0x14680;
	[sflag:s22] =	ssyncadd.s32 $0xFFFFF000  }
0xea: {  	[spmem:s3] =	stream.indirect.scatter.add.bf16 [tilespmem:s17], [sflag:$0x2], $0x20, s23, s1, $0xb8;
	[tilespmem:$0x1DC00] =	vst v63  }
0xeb: {  	_ =	swait.ge [sflag:s22], $0x1000  }
0xec: {  	[sflag:s22] =	ssyncset.done $0x0  }
0xed: {  	s25 =	simm.s32 $0x14700;
	[sflag:s22] =	ssyncadd.s32 $0xFFFFF000  }
0xee: {  	[spmem:s3] =	stream.indirect.scatter.add.bf16 [tilespmem:s19], [sflag:$0x2], $0x20, s25, s1, $0xb8;
	[tilespmem:$0x1DC00] =	vst v63  }
0xef: {  	_ =	swait.ge [sflag:s22], $0x1000  }
0xf0: {  	[sflag:s22] =	ssyncset.done $0x0  }
0xf1: {  	s26 =	simm.s32 $0x14780;
	[sflag:s22] =	ssyncadd.s32 $0xFFFFF000  }
0xf2: {  	[spmem:s3] =	stream.indirect.scatter.add.bf16 [tilespmem:s21], [sflag:$0x2], $0x20, s26, s1, $0xb8;
	[tilespmem:$0x1DC00] =	vst v63  }
0xf3: {  	_ =	swait.ge [sflag:s8], $0x1000  }
0xf4: {  	[sflag:s8] =	ssyncset.done $0x0  }
0xf5: {  	[sflag:s8] =	ssyncadd.s32 $0xFFFFF000  }
0xf6: {  	_ =	swait.ge [sflag:s8], $0x1000  }
0xf7: {  	[sflag:s8] =	ssyncset.done $0x0  }
0xf8: {  	[sflag:s8] =	ssyncadd.s32 $0xFFFFF000  }
0xf9: {  	_ =	swait.ge [sflag:s8], $0x1000  }
0xfa: {  	[sflag:s8] =	ssyncset.done $0x0  }
0xfb: {  	[sflag:s8] =	ssyncadd.s32 $0xFFFFF000  }
0xfc: {  	_ =	swait.ge [sflag:s8], $0x1000  }
0xfd: {  	[sflag:s8] =	ssyncset.done $0x0  }
0xfe: {  	[sflag:s8] =	ssyncadd.s32 $0xFFFFF000  }
0xff: {  	_ =	swait.ge [sflag:s8], $0x1000  }
0x100: {  	[sflag:s8] =	ssyncset.done $0x0  }
0x101: {  	[sflag:s8] =	ssyncadd.s32 $0xFFFFF000  }
0x102: {  	_ =	swait.ge [sflag:s8], $0x1000  }
0x103: {  	[sflag:s8] =	ssyncset.done $0x0  }
0x104: {  	s10 =	simm.s32 $0x100;
	[sflag:s8] =	ssyncadd.s32 $0xFFFFF000  }
0x105: {  	s30 =	simm.s32 $0x14480;
	s14 =	simm.s32 $0x200;
	_ =	swait.ge [sflag:s8], $0x1000  }
0x106: {  	s28 =	simm.s32 $0x14300;
	s9 =	simm.s32 $0x14400;
	[sflag:s8] =	ssyncset.done $0x0  }
0x107: {  	s29 =	simm.s32 $0x14380;
	s4 =	simm.s32 $0x14500;
	[sflag:s8] =	ssyncadd.s32 $0xFFFFF000  }
0x108: {  	s20 =	simm.s32 $0x14100;
	s23 =	simm.s32 $0x14180;
	_ =	swait.ge [sflag:s8], $0x1000  }
0x109: {  	s25 =	simm.s32 $0x14200;
	s26 =	simm.s32 $0x14280;
	[sflag:s8] =	ssyncset.done $0x0  }
.LBB2_6:
0x10a: {  	s18 =	simm.s32 $0x0;
	s16 =	sadd.s32 s10, s24  }
0x10b: {  	[sflag:s8] =	ssyncadd.s32 $0xFFFFF000;
	s10 =	smov.u32 s14;
	s12 =	sadd.s32 $0x100, s14  }
0x10c: {  	[tilespmem:s0], [sflag:$0x3] =	stream.linear.gather [hbm4b:s16+s18], $0x800, $0x38;
	[tilespmem:$0x1DC00] =	vst v63  }
0x10d: {  	s18 =	simm.s32 $0x14080;
	s16 =	simm.s32 $0x0  }
0x10e: {  	p1 =	sne.s32 s14, $0x1300;
	_ =	swait.ge [sflag:s31], $0x800  }
0x10f: {  	[sflag:s31] =	ssyncset.done $0x0  }
0x110: {  	[sflag:s31] =	ssyncadd.s32 $0xFFFFF800  }
0x111: {  	[tilespmem:s7], [sflag:$0x1] =	stream.indirect.gather [hbm4b:s6+s1], $0x20, s0, s1, $0xb8;
	[tilespmem:$0x1DC00] =	vst v63  }
0x112: {  	_ = 	snop  }
0x113: {  	[tilespmem:s2], [sflag:$0x1] =	stream.indirect.gather [hbm4b:s6+s1], $0x20, s18, s1, $0xb8;
	[tilespmem:$0x1DC00] =	vst v63  }
0x114: {  	_ = 	snop  }
0x115: {  	[tilespmem:s11], [sflag:$0x1] =	stream.indirect.gather [hbm4b:s6+s1], $0x20, s20, s1, $0xb8;
	[tilespmem:$0x1DC00] =	vst v63  }
0x116: {  	_ = 	snop  }
0x117: {  	[tilespmem:s13], [sflag:$0x1] =	stream.indirect.gather [hbm4b:s6+s1], $0x20, s23, s1, $0xb8;
	[tilespmem:$0x1DC00] =	vst v63  }
0x118: {  	_ = 	snop  }
0x119: {  	[tilespmem:s15], [sflag:$0x1] =	stream.indirect.gather [hbm4b:s6+s1], $0x20, s25, s1, $0xb8;
	[tilespmem:$0x1DC00] =	vst v63  }
0x11a: {  	_ = 	snop  }
0x11b: {  	[tilespmem:s17], [sflag:$0x1] =	stream.indirect.gather [hbm4b:s6+s1], $0x20, s26, s1, $0xb8;
	[tilespmem:$0x1DC00] =	vst v63  }
0x11c: {  	_ = 	snop  }
0x11d: {  	[tilespmem:s19], [sflag:$0x1] =	stream.indirect.gather [hbm4b:s6+s1], $0x20, s28, s1, $0xb8;
	[tilespmem:$0x1DC00] =	vst v63  }
0x11e: {  	_ = 	snop  }
0x11f: {  	[tilespmem:s21], [sflag:$0x1] =	stream.indirect.gather [hbm4b:s6+s1], $0x20, s29, s1, $0xb8;
	[tilespmem:$0x1DC00] =	vst v63  }
0x120: {  	_ =	swait.ge [sflag:s22], $0x1000  }
0x121: {  	[sflag:s22] =	ssyncset.done $0x0  }
0x122: {  	[sflag:s22] =	ssyncadd.s32 $0xFFFFF000  }
0x123: {  	[spmem:s3] =	stream.indirect.scatter.add.bf16 [tilespmem:s7], [sflag:$0x2], $0x20, s9, s1, $0xb8;
	[tilespmem:$0x1DC00] =	vst v63  }
0x124: {  	_ =	swait.ge [sflag:s22], $0x1000  }
0x125: {  	[sflag:s22] =	ssyncset.done $0x0  }
0x126: {  	[sflag:s22] =	ssyncadd.s32 $0xFFFFF000  }
0x127: {  	[spmem:s3] =	stream.indirect.scatter.add.bf16 [tilespmem:s2], [sflag:$0x2], $0x20, s30, s1, $0xb8;
	[tilespmem:$0x1DC00] =	vst v63  }
0x128: {  	_ =	swait.ge [sflag:s22], $0x1000  }
0x129: {  	[sflag:s22] =	ssyncset.done $0x0  }
0x12a: {  	[sflag:s22] =	ssyncadd.s32 $0xFFFFF000  }
0x12b: {  	[spmem:s3] =	stream.indirect.scatter.add.bf16 [tilespmem:s11], [sflag:$0x2], $0x20, s4, s1, $0xb8;
	[tilespmem:$0x1DC00] =	vst v63  }
0x12c: {  	_ =	swait.ge [sflag:s22], $0x1000  }
0x12d: {  	[sflag:s22] =	ssyncset.done $0x0  }
0x12e: {  	s14 =	simm.s32 $0x14580;
	[sflag:s22] =	ssyncadd.s32 $0xFFFFF000  }
0x12f: {  	[spmem:s3] =	stream.indirect.scatter.add.bf16 [tilespmem:s13], [sflag:$0x2], $0x20, s14, s1, $0xb8;
	[tilespmem:$0x1DC00] =	vst v63  }
0x130: {  	_ =	swait.ge [sflag:s22], $0x1000  }
0x131: {  	[sflag:s22] =	ssyncset.done $0x0  }
0x132: {  	s14 =	simm.s32 $0x14600;
	[sflag:s22] =	ssyncadd.s32 $0xFFFFF000  }
0x133: {  	[spmem:s3] =	stream.indirect.scatter.add.bf16 [tilespmem:s15], [sflag:$0x2], $0x20, s14, s1, $0xb8;
	[tilespmem:$0x1DC00] =	vst v63  }
0x134: {  	_ =	swait.ge [sflag:s22], $0x1000  }
0x135: {  	[sflag:s22] =	ssyncset.done $0x0  }
0x136: {  	s14 =	simm.s32 $0x14680;
	[sflag:s22] =	ssyncadd.s32 $0xFFFFF000  }
0x137: {  	[spmem:s3] =	stream.indirect.scatter.add.bf16 [tilespmem:s17], [sflag:$0x2], $0x20, s14, s1, $0xb8;
	[tilespmem:$0x1DC00] =	vst v63  }
0x138: {  	_ =	swait.ge [sflag:s22], $0x1000  }
0x139: {  	[sflag:s22] =	ssyncset.done $0x0  }
0x13a: {  	s14 =	simm.s32 $0x14700;
	[sflag:s22] =	ssyncadd.s32 $0xFFFFF000  }
0x13b: {  	[spmem:s3] =	stream.indirect.scatter.add.bf16 [tilespmem:s19], [sflag:$0x2], $0x20, s14, s1, $0xb8;
	[tilespmem:$0x1DC00] =	vst v63  }
0x13c: {  	_ =	swait.ge [sflag:s22], $0x1000  }
0x13d: {  	[sflag:s22] =	ssyncset.done $0x0  }
0x13e: {  	s14 =	simm.s32 $0x14780;
	[sflag:s22] =	ssyncadd.s32 $0xFFFFF000  }
0x13f: {  	[spmem:s3] =	stream.indirect.scatter.add.bf16 [tilespmem:s21], [sflag:$0x2], $0x20, s14, s1, $0xb8;
	[tilespmem:$0x1DC00] =	vst v63  }
0x140: {  	_ =	swait.ge [sflag:s8], $0x1000  }
0x141: {  	[sflag:s8] =	ssyncset.done $0x0  }
0x142: {  	[sflag:s8] =	ssyncadd.s32 $0xFFFFF000  }
0x143: {  	_ =	swait.ge [sflag:s8], $0x1000  }
0x144: {  	[sflag:s8] =	ssyncset.done $0x0  }
0x145: {  	[sflag:s8] =	ssyncadd.s32 $0xFFFFF000  }
0x146: {  	_ =	swait.ge [sflag:s8], $0x1000  }
0x147: {  	[sflag:s8] =	ssyncset.done $0x0  }
0x148: {  	[sflag:s8] =	ssyncadd.s32 $0xFFFFF000  }
0x149: {  	_ =	swait.ge [sflag:s8], $0x1000  }
0x14a: {  	[sflag:s8] =	ssyncset.done $0x0  }
0x14b: {  	[sflag:s8] =	ssyncadd.s32 $0xFFFFF000  }
0x14c: {  	_ =	swait.ge [sflag:s8], $0x1000  }
0x14d: {  	[sflag:s8] =	ssyncset.done $0x0  }
0x14e: {  	[sflag:s8] =	ssyncadd.s32 $0xFFFFF000  }
0x14f: {  	_ =	swait.ge [sflag:s8], $0x1000  }
0x150: {  	[sflag:s8] =	ssyncset.done $0x0  }
0x151: {  	[sflag:s8] =	ssyncadd.s32 $0xFFFFF000  }
.Ltmp3:
0x152: {  	_ =	swait.ge [sflag:s8], $0x1000;
	(pc) =	sbr.rel @p1 .LBB2_6-.Ltmp3, $4  }
0x153: {  	[sflag:s8] =	ssyncset.done $0x0  }
0x154: {  	[sflag:s8] =	ssyncadd.s32 $0xFFFFF000  }
0x155: {  	_ =	swait.ge [sflag:s8], $0x1000  }
0x156: {  	s14 =	smov.u32 s12;
	[sflag:s8] =	ssyncset.done $0x0  }
.Ltmp4:
0x157: {  	_ = 	snop;
	(pc) =	sbr.rel .LBB2_7-.Ltmp4, $1  }
0x158: {  	_ =	sdelay $0x3  }
.LBB2_2:
0x159: {  	[tilespmem:s0], [sflag:$0x3] =	stream.linear.gather [hbm4b:s10+s16], $0x800, $0x38;
	[tilespmem:$0x1DC00] =	vst v63  }
0x15a: {  	_ =	swait.ge [sflag:s31], $0x800  }
0x15b: {  	[sflag:s31] =	ssyncset.done $0x0  }
0x15c: {  	[sflag:s31] =	ssyncadd.s32 $0xFFFFF800  }
0x15d: {  	[tilespmem:s7], [sflag:$0x1] =	stream.indirect.gather [hbm4b:s5+s1], $0x20, s0, s1, $0xb8;
	[tilespmem:$0x1DC00] =	vst v63  }
0x15e: {  	_ = 	snop  }
0x15f: {  	[tilespmem:s2], [sflag:$0x1] =	stream.indirect.gather [hbm4b:s5+s1], $0x20, s18, s1, $0xb8;
	[tilespmem:$0x1DC00] =	vst v63  }
0x160: {  	_ = 	snop  }
0x161: {  	[tilespmem:s11], [sflag:$0x1] =	stream.indirect.gather [hbm4b:s5+s1], $0x20, s14, s1, $0xb8;
	[tilespmem:$0x1DC00] =	vst v63  }
0x162: {  	_ = 	snop  }
0x163: {  	[tilespmem:s13], [sflag:$0x1] =	stream.indirect.gather [hbm4b:s5+s1], $0x20, s20, s1, $0xb8;
	[tilespmem:$0x1DC00] =	vst v63  }
0x164: {  	_ = 	snop  }
0x165: {  	[tilespmem:s15], [sflag:$0x1] =	stream.indirect.gather [hbm4b:s5+s1], $0x20, s23, s1, $0xb8;
	[tilespmem:$0x1DC00] =	vst v63  }
0x166: {  	_ = 	snop  }
0x167: {  	[tilespmem:s17], [sflag:$0x1] =	stream.indirect.gather [hbm4b:s5+s1], $0x20, s25, s1, $0xb8;
	[tilespmem:$0x1DC00] =	vst v63  }
0x168: {  	_ = 	snop  }
0x169: {  	[tilespmem:s19], [sflag:$0x1] =	stream.indirect.gather [hbm4b:s5+s1], $0x20, s26, s1, $0xb8;
	[tilespmem:$0x1DC00] =	vst v63  }
0x16a: {  	_ = 	snop  }
0x16b: {  	[tilespmem:s21], [sflag:$0x1] =	stream.indirect.gather [hbm4b:s5+s1], $0x20, s28, s1, $0xb8;
	[tilespmem:$0x1DC00] =	vst v63  }
0x16c: {  	_ =	swait.ge [sflag:s22], $0x1000  }
0x16d: {  	[sflag:s22] =	ssyncset.done $0x0  }
0x16e: {  	[sflag:s22] =	ssyncadd.s32 $0xFFFFF000  }
0x16f: {  	[spmem:s3] =	stream.indirect.scatter.add.bf16 [tilespmem:s7], [sflag:$0x2], $0x20, s9, s1, $0xb8;
	[tilespmem:$0x1DC00] =	vst v63  }
0x170: {  	_ =	swait.ge [sflag:s22], $0x1000  }
0x171: {  	[sflag:s22] =	ssyncset.done $0x0  }
0x172: {  	[sflag:s22] =	ssyncadd.s32 $0xFFFFF000  }
0x173: {  	[spmem:s3] =	stream.indirect.scatter.add.bf16 [tilespmem:s2], [sflag:$0x2], $0x20, s29, s1, $0xb8;
	[tilespmem:$0x1DC00] =	vst v63  }
0x174: {  	_ =	swait.ge [sflag:s22], $0x1000  }
0x175: {  	[sflag:s22] =	ssyncset.done $0x0  }
0x176: {  	[sflag:s22] =	ssyncadd.s32 $0xFFFFF000  }
0x177: {  	[spmem:s3] =	stream.indirect.scatter.add.bf16 [tilespmem:s11], [sflag:$0x2], $0x20, s4, s1, $0xb8;
	[tilespmem:$0x1DC00] =	vst v63  }
0x178: {  	_ =	swait.ge [sflag:s22], $0x1000  }
0x179: {  	[sflag:s22] =	ssyncset.done $0x0  }
0x17a: {  	s18 =	simm.s32 $0x14580;
	[sflag:s22] =	ssyncadd.s32 $0xFFFFF000  }
0x17b: {  	[spmem:s3] =	stream.indirect.scatter.add.bf16 [tilespmem:s13], [sflag:$0x2], $0x20, s18, s1, $0xb8;
	[tilespmem:$0x1DC00] =	vst v63  }
0x17c: {  	_ =	swait.ge [sflag:s22], $0x1000  }
0x17d: {  	[sflag:s22] =	ssyncset.done $0x0  }
0x17e: {  	s20 =	simm.s32 $0x14600;
	[sflag:s22] =	ssyncadd.s32 $0xFFFFF000  }
0x17f: {  	[spmem:s3] =	stream.indirect.scatter.add.bf16 [tilespmem:s15], [sflag:$0x2], $0x20, s20, s1, $0xb8;
	[tilespmem:$0x1DC00] =	vst v63  }
0x180: {  	_ =	swait.ge [sflag:s22], $0x1000  }
0x181: {  	[sflag:s22] =	ssyncset.done $0x0  }
0x182: {  	s23 =	simm.s32 $0x14680;
	[sflag:s22] =	ssyncadd.s32 $0xFFFFF000  }
0x183: {  	[spmem:s3] =	stream.indirect.scatter.add.bf16 [tilespmem:s17], [sflag:$0x2], $0x20, s23, s1, $0xb8;
	[tilespmem:$0x1DC00] =	vst v63  }
0x184: {  	_ =	swait.ge [sflag:s22], $0x1000  }
0x185: {  	[sflag:s22] =	ssyncset.done $0x0  }
0x186: {  	s25 =	simm.s32 $0x14700;
	[sflag:s22] =	ssyncadd.s32 $0xFFFFF000  }
0x187: {  	[spmem:s3] =	stream.indirect.scatter.add.bf16 [tilespmem:s19], [sflag:$0x2], $0x20, s25, s1, $0xb8;
	[tilespmem:$0x1DC00] =	vst v63  }
0x188: {  	_ =	swait.ge [sflag:s22], $0x1000  }
0x189: {  	[sflag:s22] =	ssyncset.done $0x0  }
0x18a: {  	s26 =	simm.s32 $0x14780;
	[sflag:s22] =	ssyncadd.s32 $0xFFFFF000  }
0x18b: {  	[spmem:s3] =	stream.indirect.scatter.add.bf16 [tilespmem:s21], [sflag:$0x2], $0x20, s26, s1, $0xb8;
	[tilespmem:$0x1DC00] =	vst v63  }
0x18c: {  	_ =	swait.ge [sflag:s8], $0x1000  }
0x18d: {  	[sflag:s8] =	ssyncset.done $0x0  }
0x18e: {  	[sflag:s8] =	ssyncadd.s32 $0xFFFFF000  }
0x18f: {  	_ =	swait.ge [sflag:s8], $0x1000  }
0x190: {  	[sflag:s8] =	ssyncset.done $0x0  }
0x191: {  	[sflag:s8] =	ssyncadd.s32 $0xFFFFF000  }
0x192: {  	_ =	swait.ge [sflag:s8], $0x1000  }
0x193: {  	[sflag:s8] =	ssyncset.done $0x0  }
0x194: {  	[sflag:s8] =	ssyncadd.s32 $0xFFFFF000  }
0x195: {  	_ =	swait.ge [sflag:s8], $0x1000  }
0x196: {  	[sflag:s8] =	ssyncset.done $0x0  }
0x197: {  	[sflag:s8] =	ssyncadd.s32 $0xFFFFF000  }
0x198: {  	_ =	swait.ge [sflag:s8], $0x1000  }
0x199: {  	[sflag:s8] =	ssyncset.done $0x0  }
0x19a: {  	[sflag:s8] =	ssyncadd.s32 $0xFFFFF000  }
0x19b: {  	_ =	swait.ge [sflag:s8], $0x1000  }
0x19c: {  	[sflag:s8] =	ssyncset.done $0x0  }
0x19d: {  	s10 =	simm.s32 $0x100;
	[sflag:s8] =	ssyncadd.s32 $0xFFFFF000  }
0x19e: {  	s12 =	simm.s32 $0x200;
	s30 =	simm.s32 $0x14480;
	_ =	swait.ge [sflag:s8], $0x1000  }
0x19f: {  	s28 =	simm.s32 $0x14300;
	s9 =	simm.s32 $0x14400;
	[sflag:s8] =	ssyncset.done $0x0  }
0x1a0: {  	s29 =	simm.s32 $0x14380;
	s4 =	simm.s32 $0x14500;
	[sflag:s8] =	ssyncadd.s32 $0xFFFFF000  }
0x1a1: {  	s20 =	simm.s32 $0x14100;
	s23 =	simm.s32 $0x14180;
	_ =	swait.ge [sflag:s8], $0x1000  }
0x1a2: {  	s25 =	simm.s32 $0x14200;
	s26 =	simm.s32 $0x14280;
	[sflag:s8] =	ssyncset.done $0x0  }
.LBB2_3:
0x1a3: {  	s18 =	simm.s32 $0x0;
	s16 =	sadd.s32 s10, s24  }
0x1a4: {  	[sflag:s8] =	ssyncadd.s32 $0xFFFFF000;
	s10 =	smov.u32 s12;
	s14 =	sadd.s32 $0x100, s12  }
0x1a5: {  	[tilespmem:s0], [sflag:$0x3] =	stream.linear.gather [hbm4b:s16+s18], $0x800, $0x38;
	[tilespmem:$0x1DC00] =	vst v63  }
0x1a6: {  	s18 =	simm.s32 $0x14080;
	s16 =	simm.s32 $0x0  }
0x1a7: {  	p1 =	seq.s32 s12, $0x1300;
	_ =	swait.ge [sflag:s31], $0x800  }
0x1a8: {  	[sflag:s31] =	ssyncset.done $0x0  }
0x1a9: {  	[sflag:s31] =	ssyncadd.s32 $0xFFFFF800  }
0x1aa: {  	[tilespmem:s7], [sflag:$0x1] =	stream.indirect.gather [hbm4b:s5+s1], $0x20, s0, s1, $0xb8;
	[tilespmem:$0x1DC00] =	vst v63  }
0x1ab: {  	_ = 	snop  }
0x1ac: {  	[tilespmem:s2], [sflag:$0x1] =	stream.indirect.gather [hbm4b:s5+s1], $0x20, s18, s1, $0xb8;
	[tilespmem:$0x1DC00] =	vst v63  }
0x1ad: {  	_ = 	snop  }
0x1ae: {  	[tilespmem:s11], [sflag:$0x1] =	stream.indirect.gather [hbm4b:s5+s1], $0x20, s20, s1, $0xb8;
	[tilespmem:$0x1DC00] =	vst v63  }
0x1af: {  	_ = 	snop  }
0x1b0: {  	[tilespmem:s13], [sflag:$0x1] =	stream.indirect.gather [hbm4b:s5+s1], $0x20, s23, s1, $0xb8;
	[tilespmem:$0x1DC00] =	vst v63  }
0x1b1: {  	_ = 	snop  }
0x1b2: {  	[tilespmem:s15], [sflag:$0x1] =	stream.indirect.gather [hbm4b:s5+s1], $0x20, s25, s1, $0xb8;
	[tilespmem:$0x1DC00] =	vst v63  }
0x1b3: {  	_ = 	snop  }
0x1b4: {  	[tilespmem:s17], [sflag:$0x1] =	stream.indirect.gather [hbm4b:s5+s1], $0x20, s26, s1, $0xb8;
	[tilespmem:$0x1DC00] =	vst v63  }
0x1b5: {  	_ = 	snop  }
0x1b6: {  	[tilespmem:s19], [sflag:$0x1] =	stream.indirect.gather [hbm4b:s5+s1], $0x20, s28, s1, $0xb8;
	[tilespmem:$0x1DC00] =	vst v63  }
0x1b7: {  	_ = 	snop  }
0x1b8: {  	[tilespmem:s21], [sflag:$0x1] =	stream.indirect.gather [hbm4b:s5+s1], $0x20, s29, s1, $0xb8;
	[tilespmem:$0x1DC00] =	vst v63  }
0x1b9: {  	_ =	swait.ge [sflag:s22], $0x1000  }
0x1ba: {  	[sflag:s22] =	ssyncset.done $0x0  }
0x1bb: {  	[sflag:s22] =	ssyncadd.s32 $0xFFFFF000  }
0x1bc: {  	[spmem:s3] =	stream.indirect.scatter.add.bf16 [tilespmem:s7], [sflag:$0x2], $0x20, s9, s1, $0xb8;
	[tilespmem:$0x1DC00] =	vst v63  }
0x1bd: {  	_ =	swait.ge [sflag:s22], $0x1000  }
0x1be: {  	[sflag:s22] =	ssyncset.done $0x0  }
0x1bf: {  	[sflag:s22] =	ssyncadd.s32 $0xFFFFF000  }
0x1c0: {  	[spmem:s3] =	stream.indirect.scatter.add.bf16 [tilespmem:s2], [sflag:$0x2], $0x20, s30, s1, $0xb8;
	[tilespmem:$0x1DC00] =	vst v63  }
0x1c1: {  	_ =	swait.ge [sflag:s22], $0x1000  }
0x1c2: {  	[sflag:s22] =	ssyncset.done $0x0  }
0x1c3: {  	[sflag:s22] =	ssyncadd.s32 $0xFFFFF000  }
0x1c4: {  	[spmem:s3] =	stream.indirect.scatter.add.bf16 [tilespmem:s11], [sflag:$0x2], $0x20, s4, s1, $0xb8;
	[tilespmem:$0x1DC00] =	vst v63  }
0x1c5: {  	_ =	swait.ge [sflag:s22], $0x1000  }
0x1c6: {  	[sflag:s22] =	ssyncset.done $0x0  }
0x1c7: {  	s12 =	simm.s32 $0x14580;
	[sflag:s22] =	ssyncadd.s32 $0xFFFFF000  }
0x1c8: {  	[spmem:s3] =	stream.indirect.scatter.add.bf16 [tilespmem:s13], [sflag:$0x2], $0x20, s12, s1, $0xb8;
	[tilespmem:$0x1DC00] =	vst v63  }
0x1c9: {  	_ =	swait.ge [sflag:s22], $0x1000  }
0x1ca: {  	[sflag:s22] =	ssyncset.done $0x0  }
0x1cb: {  	s12 =	simm.s32 $0x14600;
	[sflag:s22] =	ssyncadd.s32 $0xFFFFF000  }
0x1cc: {  	[spmem:s3] =	stream.indirect.scatter.add.bf16 [tilespmem:s15], [sflag:$0x2], $0x20, s12, s1, $0xb8;
	[tilespmem:$0x1DC00] =	vst v63  }
0x1cd: {  	_ =	swait.ge [sflag:s22], $0x1000  }
0x1ce: {  	[sflag:s22] =	ssyncset.done $0x0  }
0x1cf: {  	s12 =	simm.s32 $0x14680;
	[sflag:s22] =	ssyncadd.s32 $0xFFFFF000  }
0x1d0: {  	[spmem:s3] =	stream.indirect.scatter.add.bf16 [tilespmem:s17], [sflag:$0x2], $0x20, s12, s1, $0xb8;
	[tilespmem:$0x1DC00] =	vst v63  }
0x1d1: {  	_ =	swait.ge [sflag:s22], $0x1000  }
0x1d2: {  	[sflag:s22] =	ssyncset.done $0x0  }
0x1d3: {  	s12 =	simm.s32 $0x14700;
	[sflag:s22] =	ssyncadd.s32 $0xFFFFF000  }
0x1d4: {  	[spmem:s3] =	stream.indirect.scatter.add.bf16 [tilespmem:s19], [sflag:$0x2], $0x20, s12, s1, $0xb8;
	[tilespmem:$0x1DC00] =	vst v63  }
0x1d5: {  	_ =	swait.ge [sflag:s22], $0x1000  }
0x1d6: {  	[sflag:s22] =	ssyncset.done $0x0  }
0x1d7: {  	s12 =	simm.s32 $0x14780;
	[sflag:s22] =	ssyncadd.s32 $0xFFFFF000  }
0x1d8: {  	[spmem:s3] =	stream.indirect.scatter.add.bf16 [tilespmem:s21], [sflag:$0x2], $0x20, s12, s1, $0xb8;
	[tilespmem:$0x1DC00] =	vst v63  }
0x1d9: {  	_ =	swait.ge [sflag:s8], $0x1000  }
0x1da: {  	[sflag:s8] =	ssyncset.done $0x0  }
0x1db: {  	[sflag:s8] =	ssyncadd.s32 $0xFFFFF000  }
0x1dc: {  	_ =	swait.ge [sflag:s8], $0x1000  }
0x1dd: {  	[sflag:s8] =	ssyncset.done $0x0  }
0x1de: {  	[sflag:s8] =	ssyncadd.s32 $0xFFFFF000  }
0x1df: {  	_ =	swait.ge [sflag:s8], $0x1000  }
0x1e0: {  	[sflag:s8] =	ssyncset.done $0x0  }
0x1e1: {  	[sflag:s8] =	ssyncadd.s32 $0xFFFFF000  }
0x1e2: {  	_ =	swait.ge [sflag:s8], $0x1000  }
0x1e3: {  	[sflag:s8] =	ssyncset.done $0x0  }
0x1e4: {  	[sflag:s8] =	ssyncadd.s32 $0xFFFFF000  }
0x1e5: {  	_ =	swait.ge [sflag:s8], $0x1000  }
0x1e6: {  	[sflag:s8] =	ssyncset.done $0x0  }
0x1e7: {  	[sflag:s8] =	ssyncadd.s32 $0xFFFFF000  }
0x1e8: {  	_ =	swait.ge [sflag:s8], $0x1000  }
0x1e9: {  	[sflag:s8] =	ssyncset.done $0x0  }
0x1ea: {  	[sflag:s8] =	ssyncadd.s32 $0xFFFFF000  }
.Ltmp5:
0x1eb: {  	_ =	swait.ge [sflag:s8], $0x1000;
	(pc) =	sbr.rel @!p1 .LBB2_3-.Ltmp5, $4  }
0x1ec: {  	[sflag:s8] =	ssyncset.done $0x0  }
0x1ed: {  	[sflag:s8] =	ssyncadd.s32 $0xFFFFF000  }
0x1ee: {  	_ =	swait.ge [sflag:s8], $0x1000  }
0x1ef: {  	s12 =	smov.u32 s14;
	[sflag:s8] =	ssyncset.done $0x0  }
0x1f0: {  	s10 =	sadd.s32 s10, s24;
	[sflag:s8] =	ssyncadd.s32 $0xFFFFF000  }
0x1f1: {  	[tilespmem:s0], [sflag:$0x3] =	stream.linear.gather [hbm4b:s10+s16], $0x800, $0x38;
	[tilespmem:$0x1DC00] =	vst v63  }
0x1f2: {  	_ =	swait.ge [sflag:s31], $0x800  }
0x1f3: {  	[sflag:s31] =	ssyncset.done $0x0  }
0x1f4: {  	[sflag:s31] =	ssyncadd.s32 $0xFFFFF800  }
0x1f5: {  	[tilespmem:s7], [sflag:$0x1] =	stream.indirect.gather [hbm4b:s5+s1], $0x20, s0, s1, $0xb8;
	[tilespmem:$0x1DC00] =	vst v63  }
0x1f6: {  	_ = 	snop  }
0x1f7: {  	[tilespmem:s2], [sflag:$0x1] =	stream.indirect.gather [hbm4b:s5+s1], $0x20, s18, s1, $0xb8;
	[tilespmem:$0x1DC00] =	vst v63  }
0x1f8: {  	_ = 	snop  }
0x1f9: {  	[tilespmem:s11], [sflag:$0x1] =	stream.indirect.gather [hbm4b:s5+s1], $0x20, s20, s1, $0xb8;
	[tilespmem:$0x1DC00] =	vst v63  }
0x1fa: {  	_ = 	snop  }
0x1fb: {  	[tilespmem:s13], [sflag:$0x1] =	stream.indirect.gather [hbm4b:s5+s1], $0x20, s23, s1, $0xb8;
	[tilespmem:$0x1DC00] =	vst v63  }
0x1fc: {  	_ = 	snop  }
0x1fd: {  	[tilespmem:s15], [sflag:$0x1] =	stream.indirect.gather [hbm4b:s5+s1], $0x20, s25, s1, $0xb8;
	[tilespmem:$0x1DC00] =	vst v63  }
0x1fe: {  	_ = 	snop  }
0x1ff: {  	[tilespmem:s17], [sflag:$0x1] =	stream.indirect.gather [hbm4b:s5+s1], $0x20, s26, s1, $0xb8;
	[tilespmem:$0x1DC00] =	vst v63  }
0x200: {  	_ = 	snop  }
0x201: {  	[tilespmem:s19], [sflag:$0x1] =	stream.indirect.gather [hbm4b:s5+s1], $0x20, s28, s1, $0xb8;
	[tilespmem:$0x1DC00] =	vst v63  }
0x202: {  	_ = 	snop  }
0x203: {  	[tilespmem:s21], [sflag:$0x1] =	stream.indirect.gather [hbm4b:s5+s1], $0x20, s29, s1, $0xb8;
	[tilespmem:$0x1DC00] =	vst v63  }
0x204: {  	_ =	swait.ge [sflag:s22], $0x1000  }
0x205: {  	[sflag:s22] =	ssyncset.done $0x0  }
0x206: {  	[sflag:s22] =	ssyncadd.s32 $0xFFFFF000  }
0x207: {  	[spmem:s3] =	stream.indirect.scatter.add.bf16 [tilespmem:s7], [sflag:$0x2], $0x20, s9, s1, $0xb8;
	[tilespmem:$0x1DC00] =	vst v63  }
0x208: {  	_ =	swait.ge [sflag:s22], $0x1000  }
0x209: {  	[sflag:s22] =	ssyncset.done $0x0  }
0x20a: {  	[sflag:s22] =	ssyncadd.s32 $0xFFFFF000  }
0x20b: {  	[spmem:s3] =	stream.indirect.scatter.add.bf16 [tilespmem:s2], [sflag:$0x2], $0x20, s30, s1, $0xb8;
	[tilespmem:$0x1DC00] =	vst v63  }
0x20c: {  	_ =	swait.ge [sflag:s22], $0x1000  }
0x20d: {  	[sflag:s22] =	ssyncset.done $0x0  }
0x20e: {  	[sflag:s22] =	ssyncadd.s32 $0xFFFFF000  }
0x20f: {  	[spmem:s3] =	stream.indirect.scatter.add.bf16 [tilespmem:s11], [sflag:$0x2], $0x20, s4, s1, $0xb8;
	[tilespmem:$0x1DC00] =	vst v63  }
0x210: {  	_ =	swait.ge [sflag:s22], $0x1000  }
0x211: {  	[sflag:s22] =	ssyncset.done $0x0  }
0x212: {  	s14 =	simm.s32 $0x14580;
	[sflag:s22] =	ssyncadd.s32 $0xFFFFF000  }
0x213: {  	[spmem:s3] =	stream.indirect.scatter.add.bf16 [tilespmem:s13], [sflag:$0x2], $0x20, s14, s1, $0xb8;
	[tilespmem:$0x1DC00] =	vst v63  }
0x214: {  	_ =	swait.ge [sflag:s22], $0x1000  }
0x215: {  	[sflag:s22] =	ssyncset.done $0x0  }
0x216: {  	s20 =	simm.s32 $0x14600;
	[sflag:s22] =	ssyncadd.s32 $0xFFFFF000  }
0x217: {  	[spmem:s3] =	stream.indirect.scatter.add.bf16 [tilespmem:s15], [sflag:$0x2], $0x20, s20, s1, $0xb8;
	[tilespmem:$0x1DC00] =	vst v63  }
0x218: {  	_ =	swait.ge [sflag:s22], $0x1000  }
0x219: {  	[sflag:s22] =	ssyncset.done $0x0  }
0x21a: {  	s23 =	simm.s32 $0x14680;
	[sflag:s22] =	ssyncadd.s32 $0xFFFFF000  }
0x21b: {  	[spmem:s3] =	stream.indirect.scatter.add.bf16 [tilespmem:s17], [sflag:$0x2], $0x20, s23, s1, $0xb8;
	[tilespmem:$0x1DC00] =	vst v63  }
0x21c: {  	_ =	swait.ge [sflag:s22], $0x1000  }
0x21d: {  	[sflag:s22] =	ssyncset.done $0x0  }
0x21e: {  	s25 =	simm.s32 $0x14700;
	[sflag:s22] =	ssyncadd.s32 $0xFFFFF000  }
0x21f: {  	[spmem:s3] =	stream.indirect.scatter.add.bf16 [tilespmem:s19], [sflag:$0x2], $0x20, s25, s1, $0xb8;
	[tilespmem:$0x1DC00] =	vst v63  }
0x220: {  	_ =	swait.ge [sflag:s22], $0x1000  }
0x221: {  	[sflag:s22] =	ssyncset.done $0x0  }
0x222: {  	s26 =	simm.s32 $0x14780;
	[sflag:s22] =	ssyncadd.s32 $0xFFFFF000  }
0x223: {  	[spmem:s3] =	stream.indirect.scatter.add.bf16 [tilespmem:s21], [sflag:$0x2], $0x20, s26, s1, $0xb8;
	[tilespmem:$0x1DC00] =	vst v63  }
0x224: {  	_ =	swait.ge [sflag:s8], $0x1000  }
0x225: {  	[sflag:s8] =	ssyncset.done $0x0  }
0x226: {  	[sflag:s8] =	ssyncadd.s32 $0xFFFFF000  }
0x227: {  	_ =	swait.ge [sflag:s8], $0x1000  }
0x228: {  	[sflag:s8] =	ssyncset.done $0x0  }
0x229: {  	[sflag:s8] =	ssyncadd.s32 $0xFFFFF000  }
0x22a: {  	_ =	swait.ge [sflag:s8], $0x1000  }
0x22b: {  	[sflag:s8] =	ssyncset.done $0x0  }
0x22c: {  	[sflag:s8] =	ssyncadd.s32 $0xFFFFF000  }
0x22d: {  	_ =	swait.ge [sflag:s8], $0x1000  }
0x22e: {  	[sflag:s8] =	ssyncset.done $0x0  }
0x22f: {  	[sflag:s8] =	ssyncadd.s32 $0xFFFFF000  }
0x230: {  	_ =	swait.ge [sflag:s8], $0x1000  }
0x231: {  	[sflag:s8] =	ssyncset.done $0x0  }
0x232: {  	[sflag:s8] =	ssyncadd.s32 $0xFFFFF000  }
0x233: {  	_ =	swait.ge [sflag:s8], $0x1000  }
0x234: {  	[sflag:s8] =	ssyncset.done $0x0  }
0x235: {  	[sflag:s8] =	ssyncadd.s32 $0xFFFFF000  }
0x236: {  	s28 =	simm.s32 $0x14380;
	_ =	swait.ge [sflag:s8], $0x1000  }
.Ltmp6:
0x237: {  	s29 =	simm.s32 $0x14480;
	[sflag:s8] =	ssyncset.done $0x0;
	(pc) =	sbr.rel .LBB2_8-.Ltmp6, $4  }
0x238: {  	s9 =	simm.s32 $0x14400;
	s4 =	simm.s32 $0x14500;
	[sflag:s8] =	ssyncadd.s32 $0xFFFFF000  }
0x239: {  	s20 =	simm.s32 $0x14180;
	s23 =	simm.s32 $0x14200;
	_ =	swait.ge [sflag:s8], $0x1000  }
0x23a: {  	s25 =	simm.s32 $0x14280;
	[sflag:s8] =	ssyncset.done $0x0;
	s10 =	rddreg [dreg:$0x4]  }
0x23b: {  	s26 =	simm.s32 $0x14300;
	s30 =	rddreg [dreg:$0x19];
	[sflag:s8] =	ssyncadd.s32 $0xFFFFF000  }
.LBB2_9:
0x23c: {  	_ =	sfence.sel $0x180000  }
0x23d: {  	[bflag:$0x0] =	sbarrier.arrive $0xFFFF  }
0x23e: {  	_ =	strace $0x9000004D  }
0x23f: {  	s0 =	stileid.u32;
	[bflag:$0x2] =	sbarrier.arrive $0xFFFF  }
0x240: {  	p0 =	sne.s32 s0, $0x0;
	s0 =	rddreg [dreg:$0x3]  }
0x241: {  	s0 =	sadd.s32 @!p0 $0x100000, s0  }
0x242: {  	[sflag:s0] =	ssyncadd.tile.s32 @!p0 $0x1;
	_ =	shalt  }
.Lfunc_end2:
_tile_overlayer_lowered:
.L_overlay_start_2:
0x243: {  	(tag) =	ssettag $0x2  }
0x244: {  	s0 =	rddreg [dreg:$0x0];
	s2 =	stileid.u32  }
0x245: {  	s1 =	rddreg [dreg:$0x1];
	p0 =	sne.s32 s2, $0x0  }
0x246: {  	s3 =	rddreg [dreg:$0x2];
	[bflag:$0x3] =	sbarrier.arrive $0xFFFF;
	s2 =	simm.s32 @!p0 $0x1C03  }
0x247: {  	[timem:s3], [sflag:s2] =	dma.local @!p0 [hbm:s0], s1  }
0x248: {  	s0 =	simm.s32 @!p0 $0x3  }
0x249: {  	_ =	swait.ge @!p0 [sflag:s0], s1  }
0x24a: {  	s1 =	ssub.s32 @!p0 $0x0, s1;
	[sflag:s0] =	ssyncset.done @!p0 $0x0  }
0x24b: {  	[sflag:s0] =	ssyncadd.s32 @!p0 s1  }
0x24c: {  	[bflag:$0x3] =	sbarrier.arrive $0xFFFF  }
0x24d: {  	_ =	shalt  }

// kernel: kernel.8.cloned.1.call-start
scs
__scs_entry_jumppad:
0x0: {  	(pc) =	sbr.rel $0x88, $3  }
0x1: {  	(tag) =	ssettag $0x0;
	lr =	simm.s32 $0x1  }
0x2: {  	[smem:$0x3F93] =	sst lr;
	_ =	strace $0xD0000000  }
0x3: {  	_ = 	snop  }
0x4: {  	_ = 	snop  }
0x5: {  	_ = 	snop  }
0x6: {  	_ = 	snop  }
0x7: {  	_ = 	snop  }
__scs_overlays_trampoline_lowered:
0x8: {  	[smem:$0x3FA2] =	sst s0  }
0x9: {  	[smem:$0x3FA3] =	sst s1  }
0xa: {  	[smem:$0x3FA4] =	sst s2  }
0xb: {  	[smem:$0x3FA5] =	sst s3  }
0xc: {  	[smem:$0x3FA6] =	sst s4  }
0xd: {  	[smem:$0x3FA7] =	sst s5  }
0xe: {  	[smem:$0x3FA8] =	sst s6  }
0xf: {  	[smem:$0x3FA9] =	sst s7  }
0x10: {  	[smem:$0x3FAA] =	sst s8  }
0x11: {  	[smem:$0x3FAB] =	sst s9;
	s0 =	simm.s32 @!p0 $0x0  }
0x12: {  	s1 =	sld [smem:$0x3F91];
	s0 =	simm.s32 @p0 $0x1  }
0x13: {  	[smem:$0x3FAC] =	sst s0;
	s0 =	simm.s32 @!p1 $0x0  }
0x14: {  	s2 =	sld [smem:$0x3F90];
	s0 =	simm.s32 @p1 $0x1  }
0x15: {  	[smem:$0x3FAD] =	sst s0;
	s0 =	simm.s32 @!p2 $0x0  }
0x16: {  	s3 =	sld [smem:$0x3FDB];
	s0 =	simm.s32 @p2 $0x1  }
0x17: {  	s4 =	simm.s32 $0x1BF5;
	[smem:$0x3FAF] =	sst s0  }
0x18: {  	s0 =	sld [smem:$0x3F92];
	_ =	swait.ge [sflag:s4], $0x0  }
0x19: {  	s7 =	sld [smem:$0x3F93]  }
0x1a: {  	s8 =	sadd.s32 $0xFFFFE003, lr  }
0x1b: {  	s9 =	sadd.s32 $0xFFFFFEF7, lr;
	s5 =	simm.s32 $0xFFFFFFFF;
	p2 =	slt.u32 s8, $0xFFFFF086  }
0x1c: {  	p1 =	slt.u32 s9, $0xF7A;
	s5 =	simm.s32 @!p2 $0x0  }
0x1d: {  	s5 =	simm.s32 @p1 $0x1;
	p0 =	seq.s32 s7, s2  }
0x1e: {  	s7 =	smul.u32 @!p0 $0xF7A, s2;
	p2 =	seq.s32 @!p0 s5, $0x0  }
0x1f: {  	s9 =	smul.u32 $0xF7A, s1;
	s8 =	simm.s32 @!p0 $0x1BF5;
	p2 =	por !p2, p0  }
0x20: {  	[sflag:s8] =	ssyncset.s32 @!p0 $0xFFFFF086;
	s6 =	sadd.s32 @!p0 s3, s7;
	s7 =	simm.s32 @!p0 $0x108  }
0x21: {  	s3 =	sadd.s32 s3, s9;
	s6 =	sadd.s32 @!p0 $0x88, s6;
	s7 =	simm.s32 @p2 $0x1082  }
0x22: {  	[simem:s7], [sflag:s8] =	dma.local @!p0 [hbm:s6], $0xF7A  }
0x23: {  	s9 =	sor.u32 $0xD0000000, s2;
	s6 =	simm.s32 $0x108;
	_ =	swait.ge @!p0 [sflag:s8], $0x0  }
0x24: {  	s3 =	sadd.s32 $0x88, s3;
	s6 =	simm.s32 @!p1 $0x1082;
	[sflag:s4] =	ssyncset.s32 $0xFFFFF086  }
0x25: {  	[simem:s6], [sflag:s4] =	dma.local [hbm:s3], $0xF7A  }
0x26: {  	[smem:$0x3F93] =	sst s1;
	(tag) =	ssettag s2;
	_ =	strace s9  }
0x27: {  	s1 =	sld [smem:$0x3FA3]  }
0x28: {  	s2 =	sld [smem:$0x3FA4]  }
0x29: {  	s4 =	sld [smem:$0x3FA6]  }
0x2a: {  	p0 =	seq.s32 s5, $0x0;
	s5 =	sld [smem:$0x3FA7]  }
0x2b: {  	s6 =	sld [smem:$0x3FA8]  }
0x2c: {  	s7 =	sld [smem:$0x3FA9]  }
0x2d: {  	s3 =	simm.s32 $0x108;
	s8 =	sld [smem:$0x3FAA]  }
0x2e: {  	s3 =	simm.s32 @!p0 $0x1082;
	s9 =	sld [smem:$0x3FAB]  }
0x2f: {  	lr =	sadd.s32 s0, s3;
	s0 =	sld [smem:$0x3FA2]  }
0x30: {  	s3 =	sld [smem:$0x3FA5]  }
0x31: {  	[smem:$0x3FAE] =	sst s10  }
0x32: {  	s10 =	sld [smem:$0x3FAC];
	_ =	sdelay $0x3  }
0x33: {  	p0 =	seq.s32 s10, $0x1;
	s10 =	sld [smem:$0x3FAE];
	_ =	sdelay $0x3  }
0x34: {  	[smem:$0x3FAE] =	sst s10  }
0x35: {  	s10 =	sld [smem:$0x3FAD];
	_ =	sdelay $0x3  }
0x36: {  	p1 =	seq.s32 s10, $0x1;
	s10 =	sld [smem:$0x3FAE];
	_ =	sdelay $0x3  }
0x37: {  	[smem:$0x3FAE] =	sst s10  }
0x38: {  	s10 =	sld [smem:$0x3FAF]  }
0x39: {  	_ = 	snop;
	(pc) =	sbr.ind lr, $3  }
0x3a: {  	_ = 	snop  }
0x3b: {  	_ = 	snop  }
0x3c: {  	p2 =	seq.s32 s10, $0x1;
	s10 =	sld [smem:$0x3FAE]  }
0x3d: {  	_ =	shalt  }
0x3e: {  	_ =	shalt  }
0x3f: {  	_ =	shalt  }
0x40: {  	_ =	shalt  }
0x41: {  	_ =	shalt  }
0x42: {  	_ =	shalt  }
0x43: {  	_ =	shalt  }
0x44: {  	_ =	shalt  }
0x45: {  	_ =	shalt  }
0x46: {  	_ =	shalt  }
0x47: {  	_ =	shalt  }
0x48: {  	_ =	shalt  }
0x49: {  	_ =	shalt  }
0x4a: {  	_ =	shalt  }
0x4b: {  	_ =	shalt  }
0x4c: {  	_ =	shalt  }
0x4d: {  	_ =	shalt  }
0x4e: {  	_ =	shalt  }
0x4f: {  	_ =	shalt  }
0x50: {  	_ =	shalt  }
0x51: {  	_ =	shalt  }
0x52: {  	_ =	shalt  }
0x53: {  	_ =	shalt  }
0x54: {  	_ =	shalt  }
0x55: {  	_ =	shalt  }
0x56: {  	_ =	shalt  }
0x57: {  	_ =	shalt  }
0x58: {  	_ =	shalt  }
0x59: {  	_ =	shalt  }
0x5a: {  	_ =	shalt  }
0x5b: {  	_ =	shalt  }
0x5c: {  	_ =	shalt  }
0x5d: {  	_ =	shalt  }
0x5e: {  	_ =	shalt  }
0x5f: {  	_ =	shalt  }
0x60: {  	_ =	shalt  }
0x61: {  	_ =	shalt  }
0x62: {  	_ =	shalt  }
0x63: {  	_ =	shalt  }
0x64: {  	_ =	shalt  }
0x65: {  	_ =	shalt  }
0x66: {  	_ =	shalt  }
0x67: {  	_ =	shalt  }
0x68: {  	_ =	shalt  }
0x69: {  	_ =	shalt  }
0x6a: {  	_ =	shalt  }
0x6b: {  	_ =	shalt  }
0x6c: {  	_ =	shalt  }
0x6d: {  	_ =	shalt  }
0x6e: {  	_ =	shalt  }
0x6f: {  	_ =	shalt  }
0x70: {  	_ =	shalt  }
0x71: {  	_ =	shalt  }
0x72: {  	_ =	shalt  }
0x73: {  	_ =	shalt  }
0x74: {  	_ =	shalt  }
0x75: {  	_ =	shalt  }
0x76: {  	_ =	shalt  }
0x77: {  	_ =	shalt  }
0x78: {  	_ =	shalt  }
0x79: {  	_ =	shalt  }
0x7a: {  	_ =	shalt  }
0x7b: {  	_ =	shalt  }
0x7c: {  	_ =	shalt  }
0x7d: {  	_ =	shalt  }
0x7e: {  	_ =	shalt  }
0x7f: {  	_ =	shalt  }
0x80: {  	_ =	shalt  }
0x81: {  	_ =	shalt  }
0x82: {  	_ =	shalt  }
0x83: {  	_ =	shalt  }
0x84: {  	_ =	shalt  }
0x85: {  	_ =	shalt  }
0x86: {  	_ =	shalt  }
0x87: {  	_ =	shalt  }
.Lfunc_end0:
.L_simem_size_0:
called_computation_lowered:
.L_overlay_start_0:
0x88: {  	s2 =	sld [smem:$0x3FD9]  }
0x89: {  	s3 =	sld [smem:$0x3FFE];
	_ =	sdelay $0x1  }
0x8a: {  	s1 =	srdreg.scid  }
0x8b: {  	s0 =	sand.u32 $0x1, s1  }
0x8c: {  	s17 =	sshll.u32 s0, $0xA;
	s2 =	sadd.s32 s3, s2  }
0x8d: {  	s2 =	sadd.s32 s2, s17  }
0x8e: {  	[smem:$0x3FBA] =	sst s2  }
0x8f: {  	_ = 	snop  }
0x90: {  	(tm) =	ssettm $0x1  }
0x91: {  	s18 =	sld [smem:$0x3FFB];
	_ =	sdelay $0x3  }
0x92: {  	_ =	strace s18  }
0x93: {  	s2 =	sld [smem:$0x3FFC];
	_ =	sdelay $0x3  }
0x94: {  	_ =	strace s2  }
0x95: {  	s2 =	sld [smem:$0x3FFD];
	_ =	sdelay $0x3  }
0x96: {  	_ =	strace s2  }
0x97: {  	_ =	strace $0x8FFFFFFF  }
0x98: {  	s19 =	sld [smem:$0x3FDB];
	_ =	sdelay $0x1  }
0x99: {  	s20 =	simm.s32 $_scs_section_size  }
0x9a: {  	s4 =	simm.s32 $_size__tile_overlayer_lowered;
	s5 =	simm.s32 $_tile_overlayer_lowered  }
0x9b: {  	s6 =	simm.s32 $0x1BFF;
	s21 =	sshll.u32 s5, $0x1;
	s3 =	sadd.s32 s20, s19  }
0x9c: {  	s22 =	simm.s32 $0x0;
	s4 =	sshll.u32 s4, $0x1;
	s5 =	sadd.s32 s21, s3  }
0x9d: {  	[timem:s22], [sflag:s6] =	dma.local [hbm:s5], s4  }
0x9e: {  	_ =	swait.ge [sflag:s6], s4  }
0x9f: {  	s4 =	ssub.s32 $0x0, s4;
	[sflag:s6] =	ssyncset.done $0x0  }
0xa0: {  	[sflag:s6] =	ssyncadd.s32 s4;
	_ =	sdelay $0x1  }
0xa1: {  	s23 =	simm.s32 $0x1B8B  }
0xa2: {  	_ =	swait.ge [sflag:s23], $0x1  }
0xa3: {  	[sflag:s23] =	ssyncset.done $0x0  }
0xa4: {  	[sflag:s23] =	ssyncadd.s32 $0xFFFFFFFF  }
0xa5: {  	s4 =	sld [smem:$0x0]  }
0xa6: {  	s5 =	sand.u32 $0xFFFFFFFE, s1  }
0xa7: {  	p0 =	sne.s32 s1, s5  }
0xa8: {  	s5 =	sshll.u32 @p0 s5, $0xE  }
0xa9: {  	s5 =	sadd.s32 @p0 $0x11B8D, s5;
	s6 =	sshll.u32 @p0 s4, $0x11  }
0xaa: {  	s5 =	sor.u32 @p0 s6, s5  }
0xab: {  	[sflag:s5] =	ssyncadd.remote.s32 @p0 $0x1;
	_ =	sdelay $0x1  }
0xac: {  	s5 =	simm.s32 @p0 $0x1B8D  }
0xad: {  	_ =	swait.eq @p0 [sflag:s5], $0x1  }
0xae: {  	[sflag:s5] =	ssyncadd.s32 @p0 $0xFFFFFFFF  }
0xaf: {  	s6 =	sshll.u32 @!p0 s1, $0xE  }
0xb0: {  	s6 =	sor.u32 @!p0 $0x4000, s6;
	s5 =	simm.s32 @!p0 $0x1B8D  }
0xb1: {  	s4 =	sshll.u32 @!p0 s4, $0x11;
	s6 =	sadd.s32 @!p0 $0x11B8D, s6;
	_ =	swait.eq @!p0 [sflag:s5], $0x1  }
0xb2: {  	s4 =	sor.u32 @!p0 s4, s6;
	[sflag:s5] =	ssyncadd.s32 @!p0 $0xFFFFFFFF  }
0xb3: {  	s25 =	simm.s32 $0x1B8E;
	s24 =	sld [smem:$0x3FFE];
	[sflag:s4] =	ssyncadd.remote.s32 @!p0 $0x1  }
0xb4: {  	s26 =	simm.s32 $execute0_lowered;
	[smem:$0x3FD2] =	sst s25  }
0xb5: {  	s5 =	sshll.u32 s26, $0x1;
	_ =	strace $0x80000049;
	[dreg:$0x1] =	wrdreg $0xFFFFFFFF  }
0xb6: {  	s28 =	simm.s32 $_size_execute0_lowered;
	s3 =	sadd.s32 s3, s5;
	[dreg:$0x0] =	wrdreg $0x0  }
0xb7: {  	s5 =	sshll.u32 s28, $0x1;
	[dreg:$0x2] =	wrdreg s3  }
0xb8: {  	[dreg:$0x3] =	wrdreg s5  }
0xb9: {  	[dreg:$0x4] =	wrdreg $0xC0  }
0xba: {  	_ =	task [dreg:s22], $0x5FFFF  }
0xbb: {  	[dreg:$0x1] =	wrdreg $0xFFFFFFFF  }
0xbc: {  	[dreg:$0x0] =	wrdreg $0x60  }
0xbd: {  	[dreg:$0x2] =	wrdreg s24  }
0xbe: {  	[dreg:$0x3] =	wrdreg $0x0  }
0xbf: {  	[dreg:$0x4] =	wrdreg $0x9  }
0xc0: {  	_ =	task.clear_ibuf [dreg:s22], $0x5FFFF;
	_ =	strace $0x90000049  }
0xc1: {  	s29 =	simm.s32 $0x9;
	_ =	strace $0x8000004B  }
0xc2: {  	_ =	swait.ge [sflag:s29], $0x1  }
0xc3: {  	[sflag:s29] =	ssyncadd.s32 $0xFFFFFFFF  }
0xc4: {  	_ =	strace $0x9000004B  }
0xc5: {  	_ =	sfence  }
0xc6: {  	s30 =	sld [smem:$0x0];
	_ =	sdelay $0x2  }
0xc7: {  	s31 =	sshll.u32 s1, $0xD;
	s1 =	sshrl.u32 s1, $0x2  }
0xc8: {  	s4 =	sand.u32 $0x4000, s31;
	s1 =	sadd.s32 s1, s30  }
0xc9: {  	s0 =	sor.u32 s4, s0;
	s1 =	sshll.u32 s1, $0x11  }
0xca: {  	s0 =	sor.u32 s1, s0  }
0xcb: {  	s0 =	sadd.s32 $0x8F2B, s0  }
0xcc: {  	[sflag:s0] =	ssyncadd.remote.s32 $0x1  }
0xcd: {  	_ =	sfence.sel $0xFFFF  }
0xce: {  	[dreg:$0x0] =	wrdreg $0xFFFFFFFF;
	(pc) =	sbr.abs _section_cstart, $3  }
0xcf: {  	[dreg:$0x1] =	wrdreg $0xFFFFFFFF  }
0xd0: {  	_ =	task.clear_ibuf [dreg:s22], $0x2FFFF;
	_ =	strace $0x9FFFFFFF  }
0xd1: {  	(tm) =	ssettm $0x7FFFFFFF  }
tec
execute0_lowered:
.L_overlay_start_1:
0x0: {  	(tag) =	ssettag $0x1  }
0x1: {  	s2 =	srdreg.scid  }
0x2: {  	s6 =	rddreg [dreg:$0x0];
	s7 =	sand.u32 $0x1, s2  }
0x3: {  	s2 =	stileid.u32;
	s4 =	smul.u32 $0x5000, s7  }
0x4: {  	s1 =	rddreg [dreg:$0x1];
	s8 =	smul.u32 $0x9C8, s2  }
0x5: {  	s0 =	rddreg [dreg:$0x2];
	s3 =	simm.s32 $0x0;
	s10 =	smul.u32 $0x14000, s2  }
0x6: {  	s17 =	simm.s32 $0x0;
	[smem:$0x7FF] =	sst s3;
	s11 =	smul.u32 $0x9C80, s7  }
0x7: {  	s5 =	sadd.s32 $0x83800, s6;
	_ =	strace $0x8000004A;
	s12 =	smul.u32 $0x13900, s2  }
0x8: {  	s29 =	ssub.s32 $0x2, s7;
	s13 =	smul.u32 $0x500, s2;
	s15 =	sshll.u32 s2, $0x6  }
0x9: {  	s7 =	sshrl.u32 s29, $0x1;
	s15 =	sor.u32 $0x1C01, s15;
	s9 =	sadd.s32 s4, s6  }
0xa: {  	s4 =	sadd.s32 $0x83600, s6;
	s8 =	sadd.s32 s8, s6;
	s10 =	sshrl.u32 s10, $0x2  }
0xb: {  	s14 =	ssub.s32 s29, s7;
	s31 =	sshrl.u32 s12, $0x2;
	s12 =	simm.s32 $0x5480  }
0xc: {  	s6 =	sadd.s32 s10, s1;
	s30 =	sadd.s32 s11, s8;
	s9 =	sadd.s32 s13, s9  }
0xd: {  	s16 =	sadd.s32 s31, s1;
	s8 =	smax.u32 s14, $0x1;
	s10 =	simm.s32 $0x5080  }
0xe: {  	s11 =	simm.s32 $0x1;
	s13 =	simm.s32 $0x5000;
	s14 =	simm.s32 $0x80  }
0xf: {  	s7 =	sadd.s32 $0x84200, s30;
	s9 =	sadd.s32 $0x17200, s9;
	s16 =	sshrl.u32 s16, $0x3  }
.LBB2_1:
0x10: {  	[tilespmem:s10], [sflag:$0x1] =	stream.linear.gather [hbm4b:s4+s3], $0x400, $0x38;
	[tilespmem:$0xA480] =	vst v63  }
0x11: {  	_ =	swait.ge [sflag:s11], $0x400  }
0x12: {  	[sflag:s11] =	ssyncset.done $0x0  }
0x13: {  	[sflag:s11] =	ssyncadd.s32 $0xFFFFFC00  }
0x14: {  	[tilespmem:s12], [sflag:$0x1] =	stream.linear.gather [hbm4b:s5+s3], $0x5000, $0x38;
	[tilespmem:$0xA480] =	vst v63  }
0x15: {  	_ =	swait.ge [sflag:s11], $0x5000  }
0x16: {  	[sflag:s11] =	ssyncset.done $0x0  }
0x17: {  	[sflag:s11] =	ssyncadd.s32 $0xFFFFB000  }
0x18: {  	[spmem:s6] =	stream.linear.scatter [tilespmem:s12], [sflag:$0x1], $0x5000, $0x38;
	[tilespmem:$0xA480] =	vst v63  }
0x19: {  	_ =	swait.ge [sflag:s11], $0x5000  }
0x1a: {  	[sflag:s11] =	ssyncset.done $0x0  }
0x1b: {  	[sflag:s11] =	ssyncadd.s32 $0xFFFFB000  }
0x1c: {  	s18 =	sadd.s32 $0x0, s9;
	[bflag:$0x0] =	sbarrier.arrive $0xFFFF  }
0x1d: {  	[tilespmem:s13], [sflag:$0x1] =	stream.linear.gather [hbm4b:s18+s3], $0x80, $0x38;
	[tilespmem:$0xA480] =	vst v63  }
0x1e: {  	_ =	swait.ge [sflag:s11], $0x80  }
0x1f: {  	[sflag:s11] =	ssyncset.done $0x0  }
0x20: {  	[sflag:s11] =	ssyncadd.s32 $0xFFFFFF80  }
0x21: {  	[spmem:s1] =	stream.indirect.scatter.add.f32 [tilespmem:s10], [sflag:$0x1], $0x8, s13, s14, $0xb8;
	[tilespmem:$0xA480] =	vst v63  }
0x22: {  	_ =	swait.ge [sflag:s11], $0x400  }
0x23: {  	s19 =	simm.s32 $0x20;
	s18 =	simm.s32 $0x10;
	[sflag:s11] =	ssyncset.done $0x0  }
.LBB2_2:
0x24: {  	s20 =	sadd.s32 s18, s9  }
0x25: {  	[sflag:s11] =	ssyncadd.s32 $0xFFFFFC00;
	s18 =	smov.u32 s19;
	s21 =	sadd.s32 $0x10, s19  }
0x26: {  	[tilespmem:s13], [sflag:$0x1] =	stream.linear.gather [hbm4b:s20+s3], $0x80, $0x38;
	[tilespmem:$0xA480] =	vst v63  }
0x27: {  	p0 =	sne.s32 s19, $0x4F0;
	_ =	swait.ge [sflag:s11], $0x80  }
.Ltmp0:
0x28: {  	[sflag:s11] =	ssyncset.done $0x0;
	(pc) =	sbr.rel @p0 .LBB2_2-.Ltmp0, $4  }
0x29: {  	[sflag:s11] =	ssyncadd.s32 $0xFFFFFF80  }
0x2a: {  	[spmem:s1] =	stream.indirect.scatter.add.f32 [tilespmem:s10], [sflag:$0x1], $0x8, s13, s14, $0xb8;
	[tilespmem:$0xA480] =	vst v63  }
0x2b: {  	_ =	swait.ge [sflag:s11], $0x400  }
0x2c: {  	s19 =	smov.u32 s21;
	[sflag:s11] =	ssyncset.done $0x0  }
0x2d: {  	s18 =	sadd.s32 s18, s9;
	[sflag:s11] =	ssyncadd.s32 $0xFFFFFC00  }
0x2e: {  	[tilespmem:s13], [sflag:$0x1] =	stream.linear.gather [hbm4b:s18+s3], $0x80, $0x38;
	[tilespmem:$0xA480] =	vst v63  }
0x2f: {  	_ =	swait.ge [sflag:s11], $0x80  }
0x30: {  	[sflag:s11] =	ssyncset.done $0x0  }
0x31: {  	[sflag:s11] =	ssyncadd.s32 $0xFFFFFF80  }
0x32: {  	[spmem:s1] =	stream.indirect.scatter.add.f32 [tilespmem:s10], [sflag:$0x1], $0x8, s13, s14, $0xb8;
	[tilespmem:$0xA480] =	vst v63  }
0x33: {  	_ =	swait.ge [sflag:s11], $0x400  }
0x34: {  	s17 =	sadd.s32 $0x1, s17;
	[sflag:s11] =	ssyncset.done $0x0  }
0x35: {  	p0 =	sne.s32 s17, s8;
	[sflag:s11] =	ssyncadd.s32 $0xFFFFFC00  }
.Ltmp1:
0x36: {  	[bflag:$0x0] =	sbarrier.arrive $0xFFFF;
	(pc) =	sbr.rel @p0 .LBB2_1-.Ltmp1, $4  }
0x37: {  	[hbm:s7], [sflag:s15] =	dma.local [spmem:s16], $0x9C8  }
0x38: {  	_ =	swait.ge [sflag:s11], $0x9C8  }
0x39: {  	[sflag:s11] =	ssyncset.done $0x0  }
0x3a: {  	[sflag:s11] =	ssyncadd.s32 $0xFFFFF638  }
0x3b: {  	_ =	sfence.sel $0x180000  }
0x3c: {  	[bflag:$0x0] =	sbarrier.arrive $0xFFFF  }
0x3d: {  	p0 =	sne.s32 s2, $0x0;
	_ =	strace $0x9000004A  }
0x3e: {  	s0 =	sadd.s32 @!p0 $0x100000, s0;
	[bflag:$0x2] =	sbarrier.arrive $0xFFFF  }
0x3f: {  	[sflag:s0] =	ssyncadd.tile.s32 @!p0 $0x1;
	_ =	shalt  }
.Lfunc_end2:
_tile_overlayer_lowered:
.L_overlay_start_2:
0x40: {  	(tag) =	ssettag $0x2  }
0x41: {  	s0 =	rddreg [dreg:$0x0];
	s2 =	stileid.u32  }
0x42: {  	s1 =	rddreg [dreg:$0x1];
	p0 =	sne.s32 s2, $0x0  }
0x43: {  	s3 =	rddreg [dreg:$0x2];
	[bflag:$0x3] =	sbarrier.arrive $0xFFFF;
	s2 =	simm.s32 @!p0 $0x1C01  }
0x44: {  	[timem:s3], [sflag:s2] =	dma.local @!p0 [hbm:s0], s1  }
0x45: {  	s0 =	simm.s32 @!p0 $0x1  }
0x46: {  	_ =	swait.ge @!p0 [sflag:s0], s1  }
0x47: {  	s1 =	ssub.s32 @!p0 $0x0, s1;
	[sflag:s0] =	ssyncset.done @!p0 $0x0  }
0x48: {  	[sflag:s0] =	ssyncadd.s32 @!p0 s1  }
0x49: {  	[bflag:$0x3] =	sbarrier.arrive $0xFFFF  }
0x4a: {  	_ =	shalt  }

</sc_bundles>
